<compile_context>
chip_gen: v7x
topology: tpu7x:2x2x1
jax: 0.10.2.dev20260603
libtpu: 0.0.44.dev20260713+nightly
codegen_flags: <defaults>
</compile_context>

<pallas_src>
import jax
import jax.numpy as jnp
from jax import lax
from jax.experimental import pallas as pl
from jax.experimental.pallas import tpu as pltpu
from jax.experimental.pallas import tpu_sc as plsc

N = 100000
M = 128
C = 20
NGEN = 8
NGRAPHS = 128

NC = 2
NS = 16
NW = NC * NS
CHUNK = 3200
BINS = NGRAPHS * M
ZSLICE = BINS // NS


TAIL = N - (NW - 1) * CHUNK


def _sc_body(x_hbm, b_hbm, out_hbm, x_v, b_v, xh_v, idx_v, z_v, sem,
             hist_s):
    c = lax.axis_index("c")
    s = lax.axis_index("s")
    wid = s * NC + c
    base = wid * CHUNK
    last = wid == NW - 1
    zero = jnp.zeros((16,), jnp.int32)
    one = jnp.ones((16,), jnp.int32)

    @pl.when(jnp.logical_not(last))
    def _():
        descs = [pltpu.async_copy(x_hbm.at[pl.ds(base, CHUNK)], x_v, sem),
                 pltpu.async_copy(b_hbm.at[pl.ds(base, CHUNK)], b_v, sem)]
        for i in range(ZSLICE // 16):
            z_v[pl.ds(i * 16, 16)] = zero
        pltpu.sync_copy(z_v, hist_s.at[pl.ds(s * ZSLICE, ZSLICE)])
        for d in descs:
            d.wait()

    @pl.when(last)
    def _():
        descs = [
            pltpu.async_copy(x_hbm.at[pl.ds(base, TAIL)], x_v.at[pl.ds(0, TAIL)], sem),
            pltpu.async_copy(b_hbm.at[pl.ds(base, TAIL)], b_v.at[pl.ds(0, TAIL)], sem)]
        for i in range(ZSLICE // 16):
            z_v[pl.ds(i * 16, 16)] = zero
        pltpu.sync_copy(z_v, hist_s.at[pl.ds(s * ZSLICE, ZSLICE)])
        for d in descs:
            d.wait()

    gmin = b_v[pl.ds(0, 16)][0]
    gmax = jnp.where(last,
                     b_v[pl.ds(TAIL - 16, 16)][15],
                     b_v[pl.ds(CHUNK - 16, 16)][15])

    def zero_row(r, carry):
        for k in range(8):
            xh_v[pl.ds(r * 128 + k * 16, 16)] = zero
        return carry

    lax.fori_loop(gmin, gmax + 1, zero_row, 0)

    for i in range(TAIL // 16):
        key = b_v[pl.ds(i * 16, 16)] * M + x_v[pl.ds(i * 16, 16)]
        plsc.addupdate_scatter(xh_v, [key], one)

    @pl.when(jnp.logical_not(last))
    def _():
        for i in range(TAIL // 16, CHUNK // 16):
            key = b_v[pl.ds(i * 16, 16)] * M + x_v[pl.ds(i * 16, 16)]
            plsc.addupdate_scatter(xh_v, [key], one)

    plsc.subcore_barrier()

    lanes = lax.iota(jnp.int32, 16)
    kvecs = [lanes + k * 16 for k in range(8)]

    def merge_row(r, carry):
        for k in range(8):
            idx_v[pl.ds(k * 16, 16)] = r * 128 + kvecs[k]
        pltpu.sync_copy(xh_v.at[pl.ds(r * 128, 128)], hist_s.at[idx_v],
                        add=True)
        return carry

    lax.fori_loop(gmin, gmax + 1, merge_row, 0)

    plsc.subcore_barrier()
    pltpu.sync_copy(hist_s.at[pl.ds(s * ZSLICE, ZSLICE)], z_v)
    pltpu.sync_copy(z_v, out_hbm.at[pl.ds(c * BINS + s * ZSLICE, ZSLICE)])


@jax.jit
def _sc_call(x_p, b_p):
    mesh = plsc.VectorSubcoreMesh(core_axis_name="c", subcore_axis_name="s")
    return pl.kernel(
        _sc_body,
        out_type=jax.ShapeDtypeStruct((NC * BINS,), jnp.int32),
        mesh=mesh,
        compiler_params=pltpu.CompilerParams(needs_layout_passes=False),
        scratch_types=[
            pltpu.VMEM((CHUNK,), jnp.int32),
            pltpu.VMEM((CHUNK,), jnp.int32),
            pltpu.VMEM((NGRAPHS * M,), jnp.int32),
            pltpu.VMEM((128,), jnp.int32),
            pltpu.VMEM((ZSLICE,), jnp.int32),
            pltpu.SemaphoreType.DMA,
            pltpu.VMEM_SHARED((BINS,), jnp.int32),
        ],
    )(x_p, b_p)


def _tc_table_body(b3_ref, pi_ref, tt_ref):
    B3 = b3_ref[...]
    Pi = pi_ref[...]
    mB = jnp.max(B3, axis=2, keepdims=True)
    lseB = mB + jnp.log(jnp.sum(jnp.exp(B3 - mB), axis=2, keepdims=True))
    mP = jnp.max(Pi, axis=0, keepdims=True)
    lsePi = mP + jnp.log(jnp.sum(jnp.exp(Pi - mP), axis=0, keepdims=True))
    A = (B3 - lseB) + (Pi - lsePi)[:, :, None]
    numv = jnp.exp(A)
    denom = jnp.sum(numv, axis=0)
    score = jnp.sum(numv * A, axis=0)
    tt_ref[...] = score / denom


def _tc_table(b3, pi):
    return pl.pallas_call(
        _tc_table_body,
        out_shape=jax.ShapeDtypeStruct((NGEN, M), jnp.float32),
    )(b3, pi)


def _tc_finish_body(tt_ref, h2_ref, out_ref):
    tt = tt_ref[...]
    h2 = h2_ref[...]
    h0 = lax.slice(h2, (0,), (BINS,)).reshape(NGRAPHS, M)
    h1 = lax.slice(h2, (BINS,), (2 * BINS,)).reshape(NGRAPHS, M)
    h = (h0 + h1).astype(jnp.float32)
    res = -lax.dot_general(
        h, tt, (((1,), (1,)), ((), ())),
        preferred_element_type=jnp.float32)
    out_ref[...] = res[:, None, :]


def _tc_finish(tt, h2):
    return pl.pallas_call(
        _tc_finish_body,
        out_shape=jax.ShapeDtypeStruct((NGRAPHS, 1, NGEN), jnp.float32),
    )(tt, h2)


def kernel(x, edge_index, batch, B, Pi):
    del edge_index
    h2 = _sc_call(x, batch)
    b3 = jnp.transpose(B, (0, 2, 1))
    tt = _tc_table(b3, Pi)
    return _tc_finish(tt, h2)

# --- scband reference (transcript-rebuilt; emitter-appended) ---
"""Pipeline reference for scband-cgmm-39015482917006 (READ-ONLY COPY).

The authoritative reference and input builder live on the scoring server;
editing this copy changes nothing except your own understanding.
"""

import jax, jax.numpy as jnp
import numpy as np

N = 100000
E = 3200000
C = 20
M = 128
NGEN = 8
NGRAPHS = 128

def setup_inputs(seed: int = 0) -> dict:
    key = jax.random.key(seed)
    k1, k2, k3, k4, k5 = jax.random.split(key, 5)
    x = jax.random.randint(k1, (N,), 0, M)
    edge_index = jax.random.randint(k2, (2, E), 0, N)
    batch = jnp.sort(jax.random.randint(k3, (N,), 0, NGRAPHS))
    B = jax.random.uniform(k4, (C, M, NGEN), dtype=jnp.float32, minval=-5.0, maxval=5.0)
    Pi = jax.random.uniform(k5, (C, NGEN), dtype=jnp.float32, minval=-5.0, maxval=5.0)
    return {"x": x, "edge_index": edge_index, "batch": batch, "B": B, "Pi": Pi}

def reference(x, edge_index, batch, B, Pi):
    # CGMM with a single CGMMLayer_0: edge_index is unused by layer 0.
    # softmax reparameterization (per-generator softmaxes are independent slices,
    # so a vectorized softmax over the proper axis is mathematically identical)
    sm_B = jax.nn.softmax(B, axis=1)      # [C, M, NGEN], softmax over emission symbols
    sm_Pi = jax.nn.softmax(Pi, axis=0)    # [C, NGEN], softmax over states
    # sm_B[:, x] -> [C, N, NGEN]; permute(1,0,2) -> [N, C, NGEN]
    emissions = jnp.transpose(jnp.take(sm_B, x, axis=1), (1, 0, 2))
    numerator = sm_Pi[None, :, :] * emissions                      # [N, C, NGEN]
    posterior = numerator / numerator.sum(axis=1, keepdims=True)   # [N, C, NGEN]
    likelihood = (posterior * jnp.log(numerator)).sum(axis=1)      # [N, NGEN]
    likelihood = jax.ops.segment_sum(likelihood, batch, num_segments=NGRAPHS)  # [NGRAPHS, NGEN]
    return -jnp.stack([likelihood], axis=1)                        # [NGRAPHS, 1, NGEN]

if __name__ == "__main__":
    import jax
    _d = setup_inputs()
    print(jax.jit(kernel)(*tuple(_d.values())))

</pallas_src>

<mosaic_0001>
#map = affine_map<(d0, d1) -> (0)>
module attributes {stable_mosaic.version = 14 : i64} {
  func.func @_sc_body(%arg0: i32, %arg1: i32, %arg2: memref<100000xi32, #tpu.memory_space<hbm>>, %arg3: memref<100000xi32, #tpu.memory_space<hbm>>, %arg4: memref<32768xi32, #tpu.memory_space<hbm>>, %arg5: memref<3200xi32, #tpu.memory_space<vmem>>, %arg6: memref<3200xi32, #tpu.memory_space<vmem>>, %arg7: memref<16384xi32, #tpu.memory_space<vmem>>, %arg8: memref<128xi32, #tpu.memory_space<vmem>>, %arg9: memref<1024xi32, #tpu.memory_space<vmem>>, %arg10: memref<!tpu.dma_semaphore, #tpu.memory_space<semaphore_mem>>, %arg11: memref<16384xi32, #tpu.memory_space<vmem_shared>>) attributes {dimension_semantics = [#tpu.dimension_semantics<core_parallel>, #tpu.dimension_semantics<subcore_parallel>], iteration_bounds = array<i64: 2, 16>, scalar_prefetch = 0 : i64, scratch_operands = 7 : i64, tpu.core_type = #tpu.core_type<sc_vector_subcore>, window_params = [{transform_indices = #map}, {transform_indices = #map}, {transform_indices = #map}]} {
    %mul3A = arith.constant 2 : i32
    %mul3A_0 = arith.muli %arg1, %mul3A : i32
    %add3A = arith.addi %mul3A_0, %arg0 : i32
    %mul3A_1 = arith.constant 3200 : i32
    %mul3A_2 = arith.muli %add3A, %mul3A_1 : i32
    %eq3A = arith.constant 31 : i32
    %eq3A_3 = arith.cmpi eq, %add3A, %eq3A : i32
    %broadcast_in_dim3A = arith.constant 0 : i32
    %broadcast_in_dim3A_4 = vector.broadcast %broadcast_in_dim3A : i32 to vector<16xi32>
    %broadcast_in_dim3A_5 = arith.constant 1 : i32
    %broadcast_in_dim3A_6 = vector.broadcast %broadcast_in_dim3A_5 : i32 to vector<16xi32>
    %not3A = arith.constant true
    %not3A_7 = arith.xori %eq3A_3, %not3A : i1
    %convert_element_type3A = arith.extui %not3A_7 : i1 to i32
    %cond3A = arith.constant 0 : i32
    %cond3A_8 = arith.cmpi ne, %convert_element_type3A, %cond3A : i32
    scf.if %cond3A_8 {
      %dma_start3A = tpu.memref_slice %arg2[%mul3A_2] : memref<100000xi32, #tpu.memory_space<hbm>> -> memref<3200xi32, #tpu.memory_space<hbm>>
      %dma_start3A_479 = tpu.memref_slice %arg2[%mul3A_2] : memref<100000xi32, #tpu.memory_space<hbm>> -> memref<3200xi32, #tpu.memory_space<hbm>>
      tpu.enqueue_dma source(%dma_start3A_479 : memref<3200xi32, #tpu.memory_space<hbm>>) target(%arg5 : memref<3200xi32, #tpu.memory_space<vmem>>) target_semaphore(%arg10 : memref<!tpu.dma_semaphore, #tpu.memory_space<semaphore_mem>>)
      %dma_start3A_480 = tpu.memref_slice %arg3[%mul3A_2] : memref<100000xi32, #tpu.memory_space<hbm>> -> memref<3200xi32, #tpu.memory_space<hbm>>
      %dma_start3A_481 = tpu.memref_slice %arg3[%mul3A_2] : memref<100000xi32, #tpu.memory_space<hbm>> -> memref<3200xi32, #tpu.memory_space<hbm>>
      tpu.enqueue_dma source(%dma_start3A_481 : memref<3200xi32, #tpu.memory_space<hbm>>) target(%arg6 : memref<3200xi32, #tpu.memory_space<vmem>>) target_semaphore(%arg10 : memref<!tpu.dma_semaphore, #tpu.memory_space<semaphore_mem>>)
      %swap3A = arith.constant 0 : index
      %swap3A_482 = tpu.vector_load %arg9[%swap3A] {strides = array<i32>} : memref<1024xi32, #tpu.memory_space<vmem>>, vector<16xi32>,
      tpu.vector_store %arg9[%swap3A], %broadcast_in_dim3A_4 {strides = array<i32>} : memref<1024xi32, #tpu.memory_space<vmem>>, vector<16xi32>,
      %swap3A_483 = arith.constant 16 : index
      %swap3A_484 = tpu.vector_load %arg9[%swap3A_483] {strides = array<i32>} : memref<1024xi32, #tpu.memory_space<vmem>>, vector<16xi32>,
      tpu.vector_store %arg9[%swap3A_483], %broadcast_in_dim3A_4 {strides = array<i32>} : memref<1024xi32, #tpu.memory_space<vmem>>, vector<16xi32>,
      %swap3A_485 = arith.constant 32 : index
      %swap3A_486 = tpu.vector_load %arg9[%swap3A_485] {strides = array<i32>} : memref<1024xi32, #tpu.memory_space<vmem>>, vector<16xi32>,
      tpu.vector_store %arg9[%swap3A_485], %broadcast_in_dim3A_4 {strides = array<i32>} : memref<1024xi32, #tpu.memory_space<vmem>>, vector<16xi32>,
      %swap3A_487 = arith.constant 48 : index
      %swap3A_488 = tpu.vector_load %arg9[%swap3A_487] {strides = array<i32>} : memref<1024xi32, #tpu.memory_space<vmem>>, vector<16xi32>,
      tpu.vector_store %arg9[%swap3A_487], %broadcast_in_dim3A_4 {strides = array<i32>} : memref<1024xi32, #tpu.memory_space<vmem>>, vector<16xi32>,
      %swap3A_489 = arith.constant 64 : index
      %swap3A_490 = tpu.vector_load %arg9[%swap3A_489] {strides = array<i32>} : memref<1024xi32, #tpu.memory_space<vmem>>, vector<16xi32>,
      tpu.vector_store %arg9[%swap3A_489], %broadcast_in_dim3A_4 {strides = array<i32>} : memref<1024xi32, #tpu.memory_space<vmem>>, vector<16xi32>,
      %swap3A_491 = arith.constant 80 : index
      %swap3A_492 = tpu.vector_load %arg9[%swap3A_491] {strides = array<i32>} : memref<1024xi32, #tpu.memory_space<vmem>>, vector<16xi32>,
      tpu.vector_store %arg9[%swap3A_491], %broadcast_in_dim3A_4 {strides = array<i32>} : memref<1024xi32, #tpu.memory_space<vmem>>, vector<16xi32>,
      %swap3A_493 = arith.constant 96 : index
      %swap3A_494 = tpu.vector_load %arg9[%swap3A_493] {strides = array<i32>} : memref<1024xi32, #tpu.memory_space<vmem>>, vector<16xi32>,
      tpu.vector_store %arg9[%swap3A_493], %broadcast_in_dim3A_4 {strides = array<i32>} : memref<1024xi32, #tpu.memory_space<vmem>>, vector<16xi32>,
      %swap3A_495 = arith.constant 112 : index
      %swap3A_496 = tpu.vector_load %arg9[%swap3A_495] {strides = array<i32>} : memref<1024xi32, #tpu.memory_space<vmem>>, vector<16xi32>,
      tpu.vector_store %arg9[%swap3A_495], %broadcast_in_dim3A_4 {strides = array<i32>} : memref<1024xi32, #tpu.memory_space<vmem>>, vector<16xi32>,
      %swap3A_497 = arith.constant 128 : index
      %swap3A_498 = tpu.vector_load %arg9[%swap3A_497] {strides = array<i32>} : memref<1024xi32, #tpu.memory_space<vmem>>, vector<16xi32>,
      tpu.vector_store %arg9[%swap3A_497], %broadcast_in_dim3A_4 {strides = array<i32>} : memref<1024xi32, #tpu.memory_space<vmem>>, vector<16xi32>,
      %swap3A_499 = arith.constant 144 : index
      %swap3A_500 = tpu.vector_load %arg9[%swap3A_499] {strides = array<i32>} : memref<1024xi32, #tpu.memory_space<vmem>>, vector<16xi32>,
      tpu.vector_store %arg9[%swap3A_499], %broadcast_in_dim3A_4 {strides = array<i32>} : memref<1024xi32, #tpu.memory_space<vmem>>, vector<16xi32>,
      %swap3A_501 = arith.constant 160 : index
      %swap3A_502 = tpu.vector_load %arg9[%swap3A_501] {strides = array<i32>} : memref<1024xi32, #tpu.memory_space<vmem>>, vector<16xi32>,
      tpu.vector_store %arg9[%swap3A_501], %broadcast_in_dim3A_4 {strides = array<i32>} : memref<1024xi32, #tpu.memory_space<vmem>>, vector<16xi32>,
      %swap3A_503 = arith.constant 176 : index
      %swap3A_504 = tpu.vector_load %arg9[%swap3A_503] {strides = array<i32>} : memref<1024xi32, #tpu.memory_space<vmem>>, vector<16xi32>,
      tpu.vector_store %arg9[%swap3A_503], %broadcast_in_dim3A_4 {strides = array<i32>} : memref<1024xi32, #tpu.memory_space<vmem>>, vector<16xi32>,
      %swap3A_505 = arith.constant 192 : index
      %swap3A_506 = tpu.vector_load %arg9[%swap3A_505] {strides = array<i32>} : memref<1024xi32, #tpu.memory_space<vmem>>, vector<16xi32>,
      tpu.vector_store %arg9[%swap3A_505], %broadcast_in_dim3A_4 {strides = array<i32>} : memref<1024xi32, #tpu.memory_space<vmem>>, vector<16xi32>,
      %swap3A_507 = arith.constant 208 : index
      %swap3A_508 = tpu.vector_load %arg9[%swap3A_507] {strides = array<i32>} : memref<1024xi32, #tpu.memory_space<vmem>>, vector<16xi32>,
      tpu.vector_store %arg9[%swap3A_507], %broadcast_in_dim3A_4 {strides = array<i32>} : memref<1024xi32, #tpu.memory_space<vmem>>, vector<16xi32>,
      %swap3A_509 = arith.constant 224 : index
      %swap3A_510 = tpu.vector_load %arg9[%swap3A_509] {strides = array<i32>} : memref<1024xi32, #tpu.memory_space<vmem>>, vector<16xi32>,
      tpu.vector_store %arg9[%swap3A_509], %broadcast_in_dim3A_4 {strides = array<i32>} : memref<1024xi32, #tpu.memory_space<vmem>>, vector<16xi32>,
      %swap3A_511 = arith.constant 240 : index
      %swap3A_512 = tpu.vector_load %arg9[%swap3A_511] {strides = array<i32>} : memref<1024xi32, #tpu.memory_space<vmem>>, vector<16xi32>,
      tpu.vector_store %arg9[%swap3A_511], %broadcast_in_dim3A_4 {strides = array<i32>} : memref<1024xi32, #tpu.memory_space<vmem>>, vector<16xi32>,
      %swap3A_513 = arith.constant 256 : index
      %swap3A_514 = tpu.vector_load %arg9[%swap3A_513] {strides = array<i32>} : memref<1024xi32, #tpu.memory_space<vmem>>, vector<16xi32>,
      tpu.vector_store %arg9[%swap3A_513], %broadcast_in_dim3A_4 {strides = array<i32>} : memref<1024xi32, #tpu.memory_space<vmem>>, vector<16xi32>,
      %swap3A_515 = arith.constant 272 : index
      %swap3A_516 = tpu.vector_load %arg9[%swap3A_515] {strides = array<i32>} : memref<1024xi32, #tpu.memory_space<vmem>>, vector<16xi32>,
      tpu.vector_store %arg9[%swap3A_515], %broadcast_in_dim3A_4 {strides = array<i32>} : memref<1024xi32, #tpu.memory_space<vmem>>, vector<16xi32>,
      %swap3A_517 = arith.constant 288 : index
      %swap3A_518 = tpu.vector_load %arg9[%swap3A_517] {strides = array<i32>} : memref<1024xi32, #tpu.memory_space<vmem>>, vector<16xi32>,
      tpu.vector_store %arg9[%swap3A_517], %broadcast_in_dim3A_4 {strides = array<i32>} : memref<1024xi32, #tpu.memory_space<vmem>>, vector<16xi32>,
      %swap3A_519 = arith.constant 304 : index
      %swap3A_520 = tpu.vector_load %arg9[%swap3A_519] {strides = array<i32>} : memref<1024xi32, #tpu.memory_space<vmem>>, vector<16xi32>,
      tpu.vector_store %arg9[%swap3A_519], %broadcast_in_dim3A_4 {strides = array<i32>} : memref<1024xi32, #tpu.memory_space<vmem>>, vector<16xi32>,
      %swap3A_521 = arith.constant 320 : index
      %swap3A_522 = tpu.vector_load %arg9[%swap3A_521] {strides = array<i32>} : memref<1024xi32, #tpu.memory_space<vmem>>, vector<16xi32>,
      tpu.vector_store %arg9[%swap3A_521], %broadcast_in_dim3A_4 {strides = array<i32>} : memref<1024xi32, #tpu.memory_space<vmem>>, vector<16xi32>,
      %swap3A_523 = arith.constant 336 : index
      %swap3A_524 = tpu.vector_load %arg9[%swap3A_523] {strides = array<i32>} : memref<1024xi32, #tpu.memory_space<vmem>>, vector<16xi32>,
      tpu.vector_store %arg9[%swap3A_523], %broadcast_in_dim3A_4 {strides = array<i32>} : memref<1024xi32, #tpu.memory_space<vmem>>, vector<16xi32>,
      %swap3A_525 = arith.constant 352 : index
      %swap3A_526 = tpu.vector_load %arg9[%swap3A_525] {strides = array<i32>} : memref<1024xi32, #tpu.memory_space<vmem>>, vector<16xi32>,
      tpu.vector_store %arg9[%swap3A_525], %broadcast_in_dim3A_4 {strides = array<i32>} : memref<1024xi32, #tpu.memory_space<vmem>>, vector<16xi32>,
      %swap3A_527 = arith.constant 368 : index
      %swap3A_528 = tpu.vector_load %arg9[%swap3A_527] {strides = array<i32>} : memref<1024xi32, #tpu.memory_space<vmem>>, vector<16xi32>,
      tpu.vector_store %arg9[%swap3A_527], %broadcast_in_dim3A_4 {strides = array<i32>} : memref<1024xi32, #tpu.memory_space<vmem>>, vector<16xi32>,
      %swap3A_529 = arith.constant 384 : index
      %swap3A_530 = tpu.vector_load %arg9[%swap3A_529] {strides = array<i32>} : memref<1024xi32, #tpu.memory_space<vmem>>, vector<16xi32>,
      tpu.vector_store %arg9[%swap3A_529], %broadcast_in_dim3A_4 {strides = array<i32>} : memref<1024xi32, #tpu.memory_space<vmem>>, vector<16xi32>,
      %swap3A_531 = arith.constant 400 : index
      %swap3A_532 = tpu.vector_load %arg9[%swap3A_531] {strides = array<i32>} : memref<1024xi32, #tpu.memory_space<vmem>>, vector<16xi32>,
      tpu.vector_store %arg9[%swap3A_531], %broadcast_in_dim3A_4 {strides = array<i32>} : memref<1024xi32, #tpu.memory_space<vmem>>, vector<16xi32>,
      %swap3A_533 = arith.constant 416 : index
      %swap3A_534 = tpu.vector_load %arg9[%swap3A_533] {strides = array<i32>} : memref<1024xi32, #tpu.memory_space<vmem>>, vector<16xi32>,
      tpu.vector_store %arg9[%swap3A_533], %broadcast_in_dim3A_4 {strides = array<i32>} : memref<1024xi32, #tpu.memory_space<vmem>>, vector<16xi32>,
      %swap3A_535 = arith.constant 432 : index
      %swap3A_536 = tpu.vector_load %arg9[%swap3A_535] {strides = array<i32>} : memref<1024xi32, #tpu.memory_space<vmem>>, vector<16xi32>,
      tpu.vector_store %arg9[%swap3A_535], %broadcast_in_dim3A_4 {strides = array<i32>} : memref<1024xi32, #tpu.memory_space<vmem>>, vector<16xi32>,
      %swap3A_537 = arith.constant 448 : index
      %swap3A_538 = tpu.vector_load %arg9[%swap3A_537] {strides = array<i32>} : memref<1024xi32, #tpu.memory_space<vmem>>, vector<16xi32>,
      tpu.vector_store %arg9[%swap3A_537], %broadcast_in_dim3A_4 {strides = array<i32>} : memref<1024xi32, #tpu.memory_space<vmem>>, vector<16xi32>,
      %swap3A_539 = arith.constant 464 : index
      %swap3A_540 = tpu.vector_load %arg9[%swap3A_539] {strides = array<i32>} : memref<1024xi32, #tpu.memory_space<vmem>>, vector<16xi32>,
      tpu.vector_store %arg9[%swap3A_539], %broadcast_in_dim3A_4 {strides = array<i32>} : memref<1024xi32, #tpu.memory_space<vmem>>, vector<16xi32>,
      %swap3A_541 = arith.constant 480 : index
      %swap3A_542 = tpu.vector_load %arg9[%swap3A_541] {strides = array<i32>} : memref<1024xi32, #tpu.memory_space<vmem>>, vector<16xi32>,
      tpu.vector_store %arg9[%swap3A_541], %broadcast_in_dim3A_4 {strides = array<i32>} : memref<1024xi32, #tpu.memory_space<vmem>>, vector<16xi32>,
      %swap3A_543 = arith.constant 496 : index
      %swap3A_544 = tpu.vector_load %arg9[%swap3A_543] {strides = array<i32>} : memref<1024xi32, #tpu.memory_space<vmem>>, vector<16xi32>,
      tpu.vector_store %arg9[%swap3A_543], %broadcast_in_dim3A_4 {strides = array<i32>} : memref<1024xi32, #tpu.memory_space<vmem>>, vector<16xi32>,
      %swap3A_545 = arith.constant 512 : index
      %swap3A_546 = tpu.vector_load %arg9[%swap3A_545] {strides = array<i32>} : memref<1024xi32, #tpu.memory_space<vmem>>, vector<16xi32>,
      tpu.vector_store %arg9[%swap3A_545], %broadcast_in_dim3A_4 {strides = array<i32>} : memref<1024xi32, #tpu.memory_space<vmem>>, vector<16xi32>,
      %swap3A_547 = arith.constant 528 : index
      %swap3A_548 = tpu.vector_load %arg9[%swap3A_547] {strides = array<i32>} : memref<1024xi32, #tpu.memory_space<vmem>>, vector<16xi32>,
      tpu.vector_store %arg9[%swap3A_547], %broadcast_in_dim3A_4 {strides = array<i32>} : memref<1024xi32, #tpu.memory_space<vmem>>, vector<16xi32>,
      %swap3A_549 = arith.constant 544 : index
      %swap3A_550 = tpu.vector_load %arg9[%swap3A_549] {strides = array<i32>} : memref<1024xi32, #tpu.memory_space<vmem>>, vector<16xi32>,
      tpu.vector_store %arg9[%swap3A_549], %broadcast_in_dim3A_4 {strides = array<i32>} : memref<1024xi32, #tpu.memory_space<vmem>>, vector<16xi32>,
      %swap3A_551 = arith.constant 560 : index
      %swap3A_552 = tpu.vector_load %arg9[%swap3A_551] {strides = array<i32>} : memref<1024xi32, #tpu.memory_space<vmem>>, vector<16xi32>,
      tpu.vector_store %arg9[%swap3A_551], %broadcast_in_dim3A_4 {strides = array<i32>} : memref<1024xi32, #tpu.memory_space<vmem>>, vector<16xi32>,
      %swap3A_553 = arith.constant 576 : index
      %swap3A_554 = tpu.vector_load %arg9[%swap3A_553] {strides = array<i32>} : memref<1024xi32, #tpu.memory_space<vmem>>, vector<16xi32>,
      tpu.vector_store %arg9[%swap3A_553], %broadcast_in_dim3A_4 {strides = array<i32>} : memref<1024xi32, #tpu.memory_space<vmem>>, vector<16xi32>,
      %swap3A_555 = arith.constant 592 : index
      %swap3A_556 = tpu.vector_load %arg9[%swap3A_555] {strides = array<i32>} : memref<1024xi32, #tpu.memory_space<vmem>>, vector<16xi32>,
      tpu.vector_store %arg9[%swap3A_555], %broadcast_in_dim3A_4 {strides = array<i32>} : memref<1024xi32, #tpu.memory_space<vmem>>, vector<16xi32>,
      %swap3A_557 = arith.constant 608 : index
      %swap3A_558 = tpu.vector_load %arg9[%swap3A_557] {strides = array<i32>} : memref<1024xi32, #tpu.memory_space<vmem>>, vector<16xi32>,
      tpu.vector_store %arg9[%swap3A_557], %broadcast_in_dim3A_4 {strides = array<i32>} : memref<1024xi32, #tpu.memory_space<vmem>>, vector<16xi32>,
      %swap3A_559 = arith.constant 624 : index
      %swap3A_560 = tpu.vector_load %arg9[%swap3A_559] {strides = array<i32>} : memref<1024xi32, #tpu.memory_space<vmem>>, vector<16xi32>,
      tpu.vector_store %arg9[%swap3A_559], %broadcast_in_dim3A_4 {strides = array<i32>} : memref<1024xi32, #tpu.memory_space<vmem>>, vector<16xi32>,
      %swap3A_561 = arith.constant 640 : index
      %swap3A_562 = tpu.vector_load %arg9[%swap3A_561] {strides = array<i32>} : memref<1024xi32, #tpu.memory_space<vmem>>, vector<16xi32>,
      tpu.vector_store %arg9[%swap3A_561], %broadcast_in_dim3A_4 {strides = array<i32>} : memref<1024xi32, #tpu.memory_space<vmem>>, vector<16xi32>,
      %swap3A_563 = arith.constant 656 : index
      %swap3A_564 = tpu.vector_load %arg9[%swap3A_563] {strides = array<i32>} : memref<1024xi32, #tpu.memory_space<vmem>>, vector<16xi32>,
      tpu.vector_store %arg9[%swap3A_563], %broadcast_in_dim3A_4 {strides = array<i32>} : memref<1024xi32, #tpu.memory_space<vmem>>, vector<16xi32>,
      %swap3A_565 = arith.constant 672 : index
      %swap3A_566 = tpu.vector_load %arg9[%swap3A_565] {strides = array<i32>} : memref<1024xi32, #tpu.memory_space<vmem>>, vector<16xi32>,
      tpu.vector_store %arg9[%swap3A_565], %broadcast_in_dim3A_4 {strides = array<i32>} : memref<1024xi32, #tpu.memory_space<vmem>>, vector<16xi32>,
      %swap3A_567 = arith.constant 688 : index
      %swap3A_568 = tpu.vector_load %arg9[%swap3A_567] {strides = array<i32>} : memref<1024xi32, #tpu.memory_space<vmem>>, vector<16xi32>,
      tpu.vector_store %arg9[%swap3A_567], %broadcast_in_dim3A_4 {strides = array<i32>} : memref<1024xi32, #tpu.memory_space<vmem>>, vector<16xi32>,
      %swap3A_569 = arith.constant 704 : index
      %swap3A_570 = tpu.vector_load %arg9[%swap3A_569] {strides = array<i32>} : memref<1024xi32, #tpu.memory_space<vmem>>, vector<16xi32>,
      tpu.vector_store %arg9[%swap3A_569], %broadcast_in_dim3A_4 {strides = array<i32>} : memref<1024xi32, #tpu.memory_space<vmem>>, vector<16xi32>,
      %swap3A_571 = arith.constant 720 : index
      %swap3A_572 = tpu.vector_load %arg9[%swap3A_571] {strides = array<i32>} : memref<1024xi32, #tpu.memory_space<vmem>>, vector<16xi32>,
      tpu.vector_store %arg9[%swap3A_571], %broadcast_in_dim3A_4 {strides = array<i32>} : memref<1024xi32, #tpu.memory_space<vmem>>, vector<16xi32>,
      %swap3A_573 = arith.constant 736 : index
      %swap3A_574 = tpu.vector_load %arg9[%swap3A_573] {strides = array<i32>} : memref<1024xi32, #tpu.memory_space<vmem>>, vector<16xi32>,
      tpu.vector_store %arg9[%swap3A_573], %broadcast_in_dim3A_4 {strides = array<i32>} : memref<1024xi32, #tpu.memory_space<vmem>>, vector<16xi32>,
      %swap3A_575 = arith.constant 752 : index
      %swap3A_576 = tpu.vector_load %arg9[%swap3A_575] {strides = array<i32>} : memref<1024xi32, #tpu.memory_space<vmem>>, vector<16xi32>,
      tpu.vector_store %arg9[%swap3A_575], %broadcast_in_dim3A_4 {strides = array<i32>} : memref<1024xi32, #tpu.memory_space<vmem>>, vector<16xi32>,
      %swap3A_577 = arith.constant 768 : index
      %swap3A_578 = tpu.vector_load %arg9[%swap3A_577] {strides = array<i32>} : memref<1024xi32, #tpu.memory_space<vmem>>, vector<16xi32>,
      tpu.vector_store %arg9[%swap3A_577], %broadcast_in_dim3A_4 {strides = array<i32>} : memref<1024xi32, #tpu.memory_space<vmem>>, vector<16xi32>,
      %swap3A_579 = arith.constant 784 : index
      %swap3A_580 = tpu.vector_load %arg9[%swap3A_579] {strides = array<i32>} : memref<1024xi32, #tpu.memory_space<vmem>>, vector<16xi32>,
      tpu.vector_store %arg9[%swap3A_579], %broadcast_in_dim3A_4 {strides = array<i32>} : memref<1024xi32, #tpu.memory_space<vmem>>, vector<16xi32>,
      %swap3A_581 = arith.constant 800 : index
      %swap3A_582 = tpu.vector_load %arg9[%swap3A_581] {strides = array<i32>} : memref<1024xi32, #tpu.memory_space<vmem>>, vector<16xi32>,
      tpu.vector_store %arg9[%swap3A_581], %broadcast_in_dim3A_4 {strides = array<i32>} : memref<1024xi32, #tpu.memory_space<vmem>>, vector<16xi32>,
      %swap3A_583 = arith.constant 816 : index
      %swap3A_584 = tpu.vector_load %arg9[%swap3A_583] {strides = array<i32>} : memref<1024xi32, #tpu.memory_space<vmem>>, vector<16xi32>,
      tpu.vector_store %arg9[%swap3A_583], %broadcast_in_dim3A_4 {strides = array<i32>} : memref<1024xi32, #tpu.memory_space<vmem>>, vector<16xi32>,
      %swap3A_585 = arith.constant 832 : index
      %swap3A_586 = tpu.vector_load %arg9[%swap3A_585] {strides = array<i32>} : memref<1024xi32, #tpu.memory_space<vmem>>, vector<16xi32>,
      tpu.vector_store %arg9[%swap3A_585], %broadcast_in_dim3A_4 {strides = array<i32>} : memref<1024xi32, #tpu.memory_space<vmem>>, vector<16xi32>,
      %swap3A_587 = arith.constant 848 : index
      %swap3A_588 = tpu.vector_load %arg9[%swap3A_587] {strides = array<i32>} : memref<1024xi32, #tpu.memory_space<vmem>>, vector<16xi32>,
      tpu.vector_store %arg9[%swap3A_587], %broadcast_in_dim3A_4 {strides = array<i32>} : memref<1024xi32, #tpu.memory_space<vmem>>, vector<16xi32>,
      %swap3A_589 = arith.constant 864 : index
      %swap3A_590 = tpu.vector_load %arg9[%swap3A_589] {strides = array<i32>} : memref<1024xi32, #tpu.memory_space<vmem>>, vector<16xi32>,
      tpu.vector_store %arg9[%swap3A_589], %broadcast_in_dim3A_4 {strides = array<i32>} : memref<1024xi32, #tpu.memory_space<vmem>>, vector<16xi32>,
      %swap3A_591 = arith.constant 880 : index
      %swap3A_592 = tpu.vector_load %arg9[%swap3A_591] {strides = array<i32>} : memref<1024xi32, #tpu.memory_space<vmem>>, vector<16xi32>,
      tpu.vector_store %arg9[%swap3A_591], %broadcast_in_dim3A_4 {strides = array<i32>} : memref<1024xi32, #tpu.memory_space<vmem>>, vector<16xi32>,
      %swap3A_593 = arith.constant 896 : index
      %swap3A_594 = tpu.vector_load %arg9[%swap3A_593] {strides = array<i32>} : memref<1024xi32, #tpu.memory_space<vmem>>, vector<16xi32>,
      tpu.vector_store %arg9[%swap3A_593], %broadcast_in_dim3A_4 {strides = array<i32>} : memref<1024xi32, #tpu.memory_space<vmem>>, vector<16xi32>,
      %swap3A_595 = arith.constant 912 : index
      %swap3A_596 = tpu.vector_load %arg9[%swap3A_595] {strides = array<i32>} : memref<1024xi32, #tpu.memory_space<vmem>>, vector<16xi32>,
      tpu.vector_store %arg9[%swap3A_595], %broadcast_in_dim3A_4 {strides = array<i32>} : memref<1024xi32, #tpu.memory_space<vmem>>, vector<16xi32>,
      %swap3A_597 = arith.constant 928 : index
      %swap3A_598 = tpu.vector_load %arg9[%swap3A_597] {strides = array<i32>} : memref<1024xi32, #tpu.memory_space<vmem>>, vector<16xi32>,
      tpu.vector_store %arg9[%swap3A_597], %broadcast_in_dim3A_4 {strides = array<i32>} : memref<1024xi32, #tpu.memory_space<vmem>>, vector<16xi32>,
      %swap3A_599 = arith.constant 944 : index
      %swap3A_600 = tpu.vector_load %arg9[%swap3A_599] {strides = array<i32>} : memref<1024xi32, #tpu.memory_space<vmem>>, vector<16xi32>,
      tpu.vector_store %arg9[%swap3A_599], %broadcast_in_dim3A_4 {strides = array<i32>} : memref<1024xi32, #tpu.memory_space<vmem>>, vector<16xi32>,
      %swap3A_601 = arith.constant 960 : index
      %swap3A_602 = tpu.vector_load %arg9[%swap3A_601] {strides = array<i32>} : memref<1024xi32, #tpu.memory_space<vmem>>, vector<16xi32>,
      tpu.vector_store %arg9[%swap3A_601], %broadcast_in_dim3A_4 {strides = array<i32>} : memref<1024xi32, #tpu.memory_space<vmem>>, vector<16xi32>,
      %swap3A_603 = arith.constant 976 : index
      %swap3A_604 = tpu.vector_load %arg9[%swap3A_603] {strides = array<i32>} : memref<1024xi32, #tpu.memory_space<vmem>>, vector<16xi32>,
      tpu.vector_store %arg9[%swap3A_603], %broadcast_in_dim3A_4 {strides = array<i32>} : memref<1024xi32, #tpu.memory_space<vmem>>, vector<16xi32>,
      %swap3A_605 = arith.constant 992 : index
      %swap3A_606 = tpu.vector_load %arg9[%swap3A_605] {strides = array<i32>} : memref<1024xi32, #tpu.memory_space<vmem>>, vector<16xi32>,
      tpu.vector_store %arg9[%swap3A_605], %broadcast_in_dim3A_4 {strides = array<i32>} : memref<1024xi32, #tpu.memory_space<vmem>>, vector<16xi32>,
      %swap3A_607 = arith.constant 1008 : index
      %swap3A_608 = tpu.vector_load %arg9[%swap3A_607] {strides = array<i32>} : memref<1024xi32, #tpu.memory_space<vmem>>, vector<16xi32>,
      tpu.vector_store %arg9[%swap3A_607], %broadcast_in_dim3A_4 {strides = array<i32>} : memref<1024xi32, #tpu.memory_space<vmem>>, vector<16xi32>,
      %mul3A_609 = arith.constant 1024 : i32
      %mul3A_610 = arith.muli %arg1, %mul3A_609 : i32
      "tpu.region"() ({
        %run_scoped3A = tpu.sem_alloc : memref<!tpu.dma_semaphore, #tpu.memory_space<semaphore_mem>>
        %dma_start3A_614 = tpu.memref_slice %arg11[%mul3A_610] : memref<16384xi32, #tpu.memory_space<vmem_shared>> -> memref<1024xi32, #tpu.memory_space<vmem_shared>>
        %dma_start3A_615 = tpu.memref_slice %arg11[%mul3A_610] : memref<16384xi32, #tpu.memory_space<vmem_shared>> -> memref<1024xi32, #tpu.memory_space<vmem_shared>>
        tpu.enqueue_dma source(%arg9 : memref<1024xi32, #tpu.memory_space<vmem>>) target(%dma_start3A_615 : memref<1024xi32, #tpu.memory_space<vmem_shared>>) target_semaphore(%run_scoped3A : memref<!tpu.dma_semaphore, #tpu.memory_space<semaphore_mem>>)
        %dma_wait3A_616 = tpu.memref_slice %arg11[%mul3A_610] : memref<16384xi32, #tpu.memory_space<vmem_shared>> -> memref<1024xi32, #tpu.memory_space<vmem_shared>>
        %dma_wait3A_617 = tpu.memref_slice %arg11[%mul3A_610] : memref<16384xi32, #tpu.memory_space<vmem_shared>> -> memref<1024xi32, #tpu.memory_space<vmem_shared>>
        tpu.wait_dma2 semaphore(%run_scoped3A : memref<!tpu.dma_semaphore, #tpu.memory_space<semaphore_mem>>) src(%arg9 : memref<1024xi32, #tpu.memory_space<vmem>>) dst(%dma_wait3A_617 : memref<1024xi32, #tpu.memory_space<vmem_shared>>)
        tpu.yield
      }) : () -> ()
      %dma_wait3A = tpu.memref_slice %arg2[%mul3A_2] : memref<100000xi32, #tpu.memory_space<hbm>> -> memref<3200xi32, #tpu.memory_space<hbm>>
      %dma_wait3A_611 = tpu.memref_slice %arg2[%mul3A_2] : memref<100000xi32, #tpu.memory_space<hbm>> -> memref<3200xi32, #tpu.memory_space<hbm>>
      tpu.wait_dma2 semaphore(%arg10 : memref<!tpu.dma_semaphore, #tpu.memory_space<semaphore_mem>>) src(%dma_wait3A_611 : memref<3200xi32, #tpu.memory_space<hbm>>) dst(%arg5 : memref<3200xi32, #tpu.memory_space<vmem>>)
      %dma_wait3A_612 = tpu.memref_slice %arg3[%mul3A_2] : memref<100000xi32, #tpu.memory_space<hbm>> -> memref<3200xi32, #tpu.memory_space<hbm>>
      %dma_wait3A_613 = tpu.memref_slice %arg3[%mul3A_2] : memref<100000xi32, #tpu.memory_space<hbm>> -> memref<3200xi32, #tpu.memory_space<hbm>>
      tpu.wait_dma2 semaphore(%arg10 : memref<!tpu.dma_semaphore, #tpu.memory_space<semaphore_mem>>) src(%dma_wait3A_613 : memref<3200xi32, #tpu.memory_space<hbm>>) dst(%arg6 : memref<3200xi32, #tpu.memory_space<vmem>>)
    } else {
    }
    %convert_element_type3A_9 = arith.extui %eq3A_3 : i1 to i32
    %cond3A_10 = arith.constant 0 : i32
    %cond3A_11 = arith.cmpi ne, %convert_element_type3A_9, %cond3A_10 : i32
    scf.if %cond3A_11 {
      %dma_start3A = arith.constant 0 : i32
      %dma_start3A_479 = tpu.memref_slice %arg5[%dma_start3A] : memref<3200xi32, #tpu.memory_space<vmem>> -> memref<800xi32, #tpu.memory_space<vmem>>
      %dma_start3A_480 = tpu.memref_slice %arg2[%mul3A_2] : memref<100000xi32, #tpu.memory_space<hbm>> -> memref<800xi32, #tpu.memory_space<hbm>>
      %dma_start3A_481 = arith.constant 0 : i32
      %dma_start3A_482 = tpu.memref_slice %arg5[%dma_start3A_481] : memref<3200xi32, #tpu.memory_space<vmem>> -> memref<800xi32, #tpu.memory_space<vmem>>
      %dma_start3A_483 = tpu.memref_slice %arg2[%mul3A_2] : memref<100000xi32, #tpu.memory_space<hbm>> -> memref<800xi32, #tpu.memory_space<hbm>>
      tpu.enqueue_dma source(%dma_start3A_483 : memref<800xi32, #tpu.memory_space<hbm>>) target(%dma_start3A_482 : memref<800xi32, #tpu.memory_space<vmem>>) target_semaphore(%arg10 : memref<!tpu.dma_semaphore, #tpu.memory_space<semaphore_mem>>)
      %dma_start3A_484 = arith.constant 0 : i32
      %dma_start3A_485 = tpu.memref_slice %arg6[%dma_start3A_484] : memref<3200xi32, #tpu.memory_space<vmem>> -> memref<800xi32, #tpu.memory_space<vmem>>
      %dma_start3A_486 = tpu.memref_slice %arg3[%mul3A_2] : memref<100000xi32, #tpu.memory_space<hbm>> -> memref<800xi32, #tpu.memory_space<hbm>>
      %dma_start3A_487 = arith.constant 0 : i32
      %dma_start3A_488 = tpu.memref_slice %arg6[%dma_start3A_487] : memref<3200xi32, #tpu.memory_space<vmem>> -> memref<800xi32, #tpu.memory_space<vmem>>
      %dma_start3A_489 = tpu.memref_slice %arg3[%mul3A_2] : memref<100000xi32, #tpu.memory_space<hbm>> -> memref<800xi32, #tpu.memory_space<hbm>>
      tpu.enqueue_dma source(%dma_start3A_489 : memref<800xi32, #tpu.memory_space<hbm>>) target(%dma_start3A_488 : memref<800xi32, #tpu.memory_space<vmem>>) target_semaphore(%arg10 : memref<!tpu.dma_semaphore, #tpu.memory_space<semaphore_mem>>)
      %swap3A = arith.constant 0 : index
      %swap3A_490 = tpu.vector_load %arg9[%swap3A] {strides = array<i32>} : memref<1024xi32, #tpu.memory_space<vmem>>, vector<16xi32>,
      tpu.vector_store %arg9[%swap3A], %broadcast_in_dim3A_4 {strides = array<i32>} : memref<1024xi32, #tpu.memory_space<vmem>>, vector<16xi32>,
      %swap3A_491 = arith.constant 16 : index
      %swap3A_492 = tpu.vector_load %arg9[%swap3A_491] {strides = array<i32>} : memref<1024xi32, #tpu.memory_space<vmem>>, vector<16xi32>,
      tpu.vector_store %arg9[%swap3A_491], %broadcast_in_dim3A_4 {strides = array<i32>} : memref<1024xi32, #tpu.memory_space<vmem>>, vector<16xi32>,
      %swap3A_493 = arith.constant 32 : index
      %swap3A_494 = tpu.vector_load %arg9[%swap3A_493] {strides = array<i32>} : memref<1024xi32, #tpu.memory_space<vmem>>, vector<16xi32>,
      tpu.vector_store %arg9[%swap3A_493], %broadcast_in_dim3A_4 {strides = array<i32>} : memref<1024xi32, #tpu.memory_space<vmem>>, vector<16xi32>,
      %swap3A_495 = arith.constant 48 : index
      %swap3A_496 = tpu.vector_load %arg9[%swap3A_495] {strides = array<i32>} : memref<1024xi32, #tpu.memory_space<vmem>>, vector<16xi32>,
      tpu.vector_store %arg9[%swap3A_495], %broadcast_in_dim3A_4 {strides = array<i32>} : memref<1024xi32, #tpu.memory_space<vmem>>, vector<16xi32>,
      %swap3A_497 = arith.constant 64 : index
      %swap3A_498 = tpu.vector_load %arg9[%swap3A_497] {strides = array<i32>} : memref<1024xi32, #tpu.memory_space<vmem>>, vector<16xi32>,
      tpu.vector_store %arg9[%swap3A_497], %broadcast_in_dim3A_4 {strides = array<i32>} : memref<1024xi32, #tpu.memory_space<vmem>>, vector<16xi32>,
      %swap3A_499 = arith.constant 80 : index
      %swap3A_500 = tpu.vector_load %arg9[%swap3A_499] {strides = array<i32>} : memref<1024xi32, #tpu.memory_space<vmem>>, vector<16xi32>,
      tpu.vector_store %arg9[%swap3A_499], %broadcast_in_dim3A_4 {strides = array<i32>} : memref<1024xi32, #tpu.memory_space<vmem>>, vector<16xi32>,
      %swap3A_501 = arith.constant 96 : index
      %swap3A_502 = tpu.vector_load %arg9[%swap3A_501] {strides = array<i32>} : memref<1024xi32, #tpu.memory_space<vmem>>, vector<16xi32>,
      tpu.vector_store %arg9[%swap3A_501], %broadcast_in_dim3A_4 {strides = array<i32>} : memref<1024xi32, #tpu.memory_space<vmem>>, vector<16xi32>,
      %swap3A_503 = arith.constant 112 : index
      %swap3A_504 = tpu.vector_load %arg9[%swap3A_503] {strides = array<i32>} : memref<1024xi32, #tpu.memory_space<vmem>>, vector<16xi32>,
      tpu.vector_store %arg9[%swap3A_503], %broadcast_in_dim3A_4 {strides = array<i32>} : memref<1024xi32, #tpu.memory_space<vmem>>, vector<16xi32>,
      %swap3A_505 = arith.constant 128 : index
      %swap3A_506 = tpu.vector_load %arg9[%swap3A_505] {strides = array<i32>} : memref<1024xi32, #tpu.memory_space<vmem>>, vector<16xi32>,
      tpu.vector_store %arg9[%swap3A_505], %broadcast_in_dim3A_4 {strides = array<i32>} : memref<1024xi32, #tpu.memory_space<vmem>>, vector<16xi32>,
      %swap3A_507 = arith.constant 144 : index
      %swap3A_508 = tpu.vector_load %arg9[%swap3A_507] {strides = array<i32>} : memref<1024xi32, #tpu.memory_space<vmem>>, vector<16xi32>,
      tpu.vector_store %arg9[%swap3A_507], %broadcast_in_dim3A_4 {strides = array<i32>} : memref<1024xi32, #tpu.memory_space<vmem>>, vector<16xi32>,
      %swap3A_509 = arith.constant 160 : index
      %swap3A_510 = tpu.vector_load %arg9[%swap3A_509] {strides = array<i32>} : memref<1024xi32, #tpu.memory_space<vmem>>, vector<16xi32>,
      tpu.vector_store %arg9[%swap3A_509], %broadcast_in_dim3A_4 {strides = array<i32>} : memref<1024xi32, #tpu.memory_space<vmem>>, vector<16xi32>,
      %swap3A_511 = arith.constant 176 : index
      %swap3A_512 = tpu.vector_load %arg9[%swap3A_511] {strides = array<i32>} : memref<1024xi32, #tpu.memory_space<vmem>>, vector<16xi32>,
      tpu.vector_store %arg9[%swap3A_511], %broadcast_in_dim3A_4 {strides = array<i32>} : memref<1024xi32, #tpu.memory_space<vmem>>, vector<16xi32>,
      %swap3A_513 = arith.constant 192 : index
      %swap3A_514 = tpu.vector_load %arg9[%swap3A_513] {strides = array<i32>} : memref<1024xi32, #tpu.memory_space<vmem>>, vector<16xi32>,
      tpu.vector_store %arg9[%swap3A_513], %broadcast_in_dim3A_4 {strides = array<i32>} : memref<1024xi32, #tpu.memory_space<vmem>>, vector<16xi32>,
      %swap3A_515 = arith.constant 208 : index
      %swap3A_516 = tpu.vector_load %arg9[%swap3A_515] {strides = array<i32>} : memref<1024xi32, #tpu.memory_space<vmem>>, vector<16xi32>,
      tpu.vector_store %arg9[%swap3A_515], %broadcast_in_dim3A_4 {strides = array<i32>} : memref<1024xi32, #tpu.memory_space<vmem>>, vector<16xi32>,
      %swap3A_517 = arith.constant 224 : index
      %swap3A_518 = tpu.vector_load %arg9[%swap3A_517] {strides = array<i32>} : memref<1024xi32, #tpu.memory_space<vmem>>, vector<16xi32>,
      tpu.vector_store %arg9[%swap3A_517], %broadcast_in_dim3A_4 {strides = array<i32>} : memref<1024xi32, #tpu.memory_space<vmem>>, vector<16xi32>,
      %swap3A_519 = arith.constant 240 : index
      %swap3A_520 = tpu.vector_load %arg9[%swap3A_519] {strides = array<i32>} : memref<1024xi32, #tpu.memory_space<vmem>>, vector<16xi32>,
      tpu.vector_store %arg9[%swap3A_519], %broadcast_in_dim3A_4 {strides = array<i32>} : memref<1024xi32, #tpu.memory_space<vmem>>, vector<16xi32>,
      %swap3A_521 = arith.constant 256 : index
      %swap3A_522 = tpu.vector_load %arg9[%swap3A_521] {strides = array<i32>} : memref<1024xi32, #tpu.memory_space<vmem>>, vector<16xi32>,
      tpu.vector_store %arg9[%swap3A_521], %broadcast_in_dim3A_4 {strides = array<i32>} : memref<1024xi32, #tpu.memory_space<vmem>>, vector<16xi32>,
      %swap3A_523 = arith.constant 272 : index
      %swap3A_524 = tpu.vector_load %arg9[%swap3A_523] {strides = array<i32>} : memref<1024xi32, #tpu.memory_space<vmem>>, vector<16xi32>,
      tpu.vector_store %arg9[%swap3A_523], %broadcast_in_dim3A_4 {strides = array<i32>} : memref<1024xi32, #tpu.memory_space<vmem>>, vector<16xi32>,
      %swap3A_525 = arith.constant 288 : index
      %swap3A_526 = tpu.vector_load %arg9[%swap3A_525] {strides = array<i32>} : memref<1024xi32, #tpu.memory_space<vmem>>, vector<16xi32>,
      tpu.vector_store %arg9[%swap3A_525], %broadcast_in_dim3A_4 {strides = array<i32>} : memref<1024xi32, #tpu.memory_space<vmem>>, vector<16xi32>,
      %swap3A_527 = arith.constant 304 : index
      %swap3A_528 = tpu.vector_load %arg9[%swap3A_527] {strides = array<i32>} : memref<1024xi32, #tpu.memory_space<vmem>>, vector<16xi32>,
      tpu.vector_store %arg9[%swap3A_527], %broadcast_in_dim3A_4 {strides = array<i32>} : memref<1024xi32, #tpu.memory_space<vmem>>, vector<16xi32>,
      %swap3A_529 = arith.constant 320 : index
      %swap3A_530 = tpu.vector_load %arg9[%swap3A_529] {strides = array<i32>} : memref<1024xi32, #tpu.memory_space<vmem>>, vector<16xi32>,
      tpu.vector_store %arg9[%swap3A_529], %broadcast_in_dim3A_4 {strides = array<i32>} : memref<1024xi32, #tpu.memory_space<vmem>>, vector<16xi32>,
      %swap3A_531 = arith.constant 336 : index
      %swap3A_532 = tpu.vector_load %arg9[%swap3A_531] {strides = array<i32>} : memref<1024xi32, #tpu.memory_space<vmem>>, vector<16xi32>,
      tpu.vector_store %arg9[%swap3A_531], %broadcast_in_dim3A_4 {strides = array<i32>} : memref<1024xi32, #tpu.memory_space<vmem>>, vector<16xi32>,
      %swap3A_533 = arith.constant 352 : index
      %swap3A_534 = tpu.vector_load %arg9[%swap3A_533] {strides = array<i32>} : memref<1024xi32, #tpu.memory_space<vmem>>, vector<16xi32>,
      tpu.vector_store %arg9[%swap3A_533], %broadcast_in_dim3A_4 {strides = array<i32>} : memref<1024xi32, #tpu.memory_space<vmem>>, vector<16xi32>,
      %swap3A_535 = arith.constant 368 : index
      %swap3A_536 = tpu.vector_load %arg9[%swap3A_535] {strides = array<i32>} : memref<1024xi32, #tpu.memory_space<vmem>>, vector<16xi32>,
      tpu.vector_store %arg9[%swap3A_535], %broadcast_in_dim3A_4 {strides = array<i32>} : memref<1024xi32, #tpu.memory_space<vmem>>, vector<16xi32>,
      %swap3A_537 = arith.constant 384 : index
      %swap3A_538 = tpu.vector_load %arg9[%swap3A_537] {strides = array<i32>} : memref<1024xi32, #tpu.memory_space<vmem>>, vector<16xi32>,
      tpu.vector_store %arg9[%swap3A_537], %broadcast_in_dim3A_4 {strides = array<i32>} : memref<1024xi32, #tpu.memory_space<vmem>>, vector<16xi32>,
      %swap3A_539 = arith.constant 400 : index
      %swap3A_540 = tpu.vector_load %arg9[%swap3A_539] {strides = array<i32>} : memref<1024xi32, #tpu.memory_space<vmem>>, vector<16xi32>,
      tpu.vector_store %arg9[%swap3A_539], %broadcast_in_dim3A_4 {strides = array<i32>} : memref<1024xi32, #tpu.memory_space<vmem>>, vector<16xi32>,
      %swap3A_541 = arith.constant 416 : index
      %swap3A_542 = tpu.vector_load %arg9[%swap3A_541] {strides = array<i32>} : memref<1024xi32, #tpu.memory_space<vmem>>, vector<16xi32>,
      tpu.vector_store %arg9[%swap3A_541], %broadcast_in_dim3A_4 {strides = array<i32>} : memref<1024xi32, #tpu.memory_space<vmem>>, vector<16xi32>,
      %swap3A_543 = arith.constant 432 : index
      %swap3A_544 = tpu.vector_load %arg9[%swap3A_543] {strides = array<i32>} : memref<1024xi32, #tpu.memory_space<vmem>>, vector<16xi32>,
      tpu.vector_store %arg9[%swap3A_543], %broadcast_in_dim3A_4 {strides = array<i32>} : memref<1024xi32, #tpu.memory_space<vmem>>, vector<16xi32>,
      %swap3A_545 = arith.constant 448 : index
      %swap3A_546 = tpu.vector_load %arg9[%swap3A_545] {strides = array<i32>} : memref<1024xi32, #tpu.memory_space<vmem>>, vector<16xi32>,
      tpu.vector_store %arg9[%swap3A_545], %broadcast_in_dim3A_4 {strides = array<i32>} : memref<1024xi32, #tpu.memory_space<vmem>>, vector<16xi32>,
      %swap3A_547 = arith.constant 464 : index
      %swap3A_548 = tpu.vector_load %arg9[%swap3A_547] {strides = array<i32>} : memref<1024xi32, #tpu.memory_space<vmem>>, vector<16xi32>,
      tpu.vector_store %arg9[%swap3A_547], %broadcast_in_dim3A_4 {strides = array<i32>} : memref<1024xi32, #tpu.memory_space<vmem>>, vector<16xi32>,
      %swap3A_549 = arith.constant 480 : index
      %swap3A_550 = tpu.vector_load %arg9[%swap3A_549] {strides = array<i32>} : memref<1024xi32, #tpu.memory_space<vmem>>, vector<16xi32>,
      tpu.vector_store %arg9[%swap3A_549], %broadcast_in_dim3A_4 {strides = array<i32>} : memref<1024xi32, #tpu.memory_space<vmem>>, vector<16xi32>,
      %swap3A_551 = arith.constant 496 : index
      %swap3A_552 = tpu.vector_load %arg9[%swap3A_551] {strides = array<i32>} : memref<1024xi32, #tpu.memory_space<vmem>>, vector<16xi32>,
      tpu.vector_store %arg9[%swap3A_551], %broadcast_in_dim3A_4 {strides = array<i32>} : memref<1024xi32, #tpu.memory_space<vmem>>, vector<16xi32>,
      %swap3A_553 = arith.constant 512 : index
      %swap3A_554 = tpu.vector_load %arg9[%swap3A_553] {strides = array<i32>} : memref<1024xi32, #tpu.memory_space<vmem>>, vector<16xi32>,
      tpu.vector_store %arg9[%swap3A_553], %broadcast_in_dim3A_4 {strides = array<i32>} : memref<1024xi32, #tpu.memory_space<vmem>>, vector<16xi32>,
      %swap3A_555 = arith.constant 528 : index
      %swap3A_556 = tpu.vector_load %arg9[%swap3A_555] {strides = array<i32>} : memref<1024xi32, #tpu.memory_space<vmem>>, vector<16xi32>,
      tpu.vector_store %arg9[%swap3A_555], %broadcast_in_dim3A_4 {strides = array<i32>} : memref<1024xi32, #tpu.memory_space<vmem>>, vector<16xi32>,
      %swap3A_557 = arith.constant 544 : index
      %swap3A_558 = tpu.vector_load %arg9[%swap3A_557] {strides = array<i32>} : memref<1024xi32, #tpu.memory_space<vmem>>, vector<16xi32>,
      tpu.vector_store %arg9[%swap3A_557], %broadcast_in_dim3A_4 {strides = array<i32>} : memref<1024xi32, #tpu.memory_space<vmem>>, vector<16xi32>,
      %swap3A_559 = arith.constant 560 : index
      %swap3A_560 = tpu.vector_load %arg9[%swap3A_559] {strides = array<i32>} : memref<1024xi32, #tpu.memory_space<vmem>>, vector<16xi32>,
      tpu.vector_store %arg9[%swap3A_559], %broadcast_in_dim3A_4 {strides = array<i32>} : memref<1024xi32, #tpu.memory_space<vmem>>, vector<16xi32>,
      %swap3A_561 = arith.constant 576 : index
      %swap3A_562 = tpu.vector_load %arg9[%swap3A_561] {strides = array<i32>} : memref<1024xi32, #tpu.memory_space<vmem>>, vector<16xi32>,
      tpu.vector_store %arg9[%swap3A_561], %broadcast_in_dim3A_4 {strides = array<i32>} : memref<1024xi32, #tpu.memory_space<vmem>>, vector<16xi32>,
      %swap3A_563 = arith.constant 592 : index
      %swap3A_564 = tpu.vector_load %arg9[%swap3A_563] {strides = array<i32>} : memref<1024xi32, #tpu.memory_space<vmem>>, vector<16xi32>,
      tpu.vector_store %arg9[%swap3A_563], %broadcast_in_dim3A_4 {strides = array<i32>} : memref<1024xi32, #tpu.memory_space<vmem>>, vector<16xi32>,
      %swap3A_565 = arith.constant 608 : index
      %swap3A_566 = tpu.vector_load %arg9[%swap3A_565] {strides = array<i32>} : memref<1024xi32, #tpu.memory_space<vmem>>, vector<16xi32>,
      tpu.vector_store %arg9[%swap3A_565], %broadcast_in_dim3A_4 {strides = array<i32>} : memref<1024xi32, #tpu.memory_space<vmem>>, vector<16xi32>,
      %swap3A_567 = arith.constant 624 : index
      %swap3A_568 = tpu.vector_load %arg9[%swap3A_567] {strides = array<i32>} : memref<1024xi32, #tpu.memory_space<vmem>>, vector<16xi32>,
      tpu.vector_store %arg9[%swap3A_567], %broadcast_in_dim3A_4 {strides = array<i32>} : memref<1024xi32, #tpu.memory_space<vmem>>, vector<16xi32>,
      %swap3A_569 = arith.constant 640 : index
      %swap3A_570 = tpu.vector_load %arg9[%swap3A_569] {strides = array<i32>} : memref<1024xi32, #tpu.memory_space<vmem>>, vector<16xi32>,
      tpu.vector_store %arg9[%swap3A_569], %broadcast_in_dim3A_4 {strides = array<i32>} : memref<1024xi32, #tpu.memory_space<vmem>>, vector<16xi32>,
      %swap3A_571 = arith.constant 656 : index
      %swap3A_572 = tpu.vector_load %arg9[%swap3A_571] {strides = array<i32>} : memref<1024xi32, #tpu.memory_space<vmem>>, vector<16xi32>,
      tpu.vector_store %arg9[%swap3A_571], %broadcast_in_dim3A_4 {strides = array<i32>} : memref<1024xi32, #tpu.memory_space<vmem>>, vector<16xi32>,
      %swap3A_573 = arith.constant 672 : index
      %swap3A_574 = tpu.vector_load %arg9[%swap3A_573] {strides = array<i32>} : memref<1024xi32, #tpu.memory_space<vmem>>, vector<16xi32>,
      tpu.vector_store %arg9[%swap3A_573], %broadcast_in_dim3A_4 {strides = array<i32>} : memref<1024xi32, #tpu.memory_space<vmem>>, vector<16xi32>,
      %swap3A_575 = arith.constant 688 : index
      %swap3A_576 = tpu.vector_load %arg9[%swap3A_575] {strides = array<i32>} : memref<1024xi32, #tpu.memory_space<vmem>>, vector<16xi32>,
      tpu.vector_store %arg9[%swap3A_575], %broadcast_in_dim3A_4 {strides = array<i32>} : memref<1024xi32, #tpu.memory_space<vmem>>, vector<16xi32>,
      %swap3A_577 = arith.constant 704 : index
      %swap3A_578 = tpu.vector_load %arg9[%swap3A_577] {strides = array<i32>} : memref<1024xi32, #tpu.memory_space<vmem>>, vector<16xi32>,
      tpu.vector_store %arg9[%swap3A_577], %broadcast_in_dim3A_4 {strides = array<i32>} : memref<1024xi32, #tpu.memory_space<vmem>>, vector<16xi32>,
      %swap3A_579 = arith.constant 720 : index
      %swap3A_580 = tpu.vector_load %arg9[%swap3A_579] {strides = array<i32>} : memref<1024xi32, #tpu.memory_space<vmem>>, vector<16xi32>,
      tpu.vector_store %arg9[%swap3A_579], %broadcast_in_dim3A_4 {strides = array<i32>} : memref<1024xi32, #tpu.memory_space<vmem>>, vector<16xi32>,
      %swap3A_581 = arith.constant 736 : index
      %swap3A_582 = tpu.vector_load %arg9[%swap3A_581] {strides = array<i32>} : memref<1024xi32, #tpu.memory_space<vmem>>, vector<16xi32>,
      tpu.vector_store %arg9[%swap3A_581], %broadcast_in_dim3A_4 {strides = array<i32>} : memref<1024xi32, #tpu.memory_space<vmem>>, vector<16xi32>,
      %swap3A_583 = arith.constant 752 : index
      %swap3A_584 = tpu.vector_load %arg9[%swap3A_583] {strides = array<i32>} : memref<1024xi32, #tpu.memory_space<vmem>>, vector<16xi32>,
      tpu.vector_store %arg9[%swap3A_583], %broadcast_in_dim3A_4 {strides = array<i32>} : memref<1024xi32, #tpu.memory_space<vmem>>, vector<16xi32>,
      %swap3A_585 = arith.constant 768 : index
      %swap3A_586 = tpu.vector_load %arg9[%swap3A_585] {strides = array<i32>} : memref<1024xi32, #tpu.memory_space<vmem>>, vector<16xi32>,
      tpu.vector_store %arg9[%swap3A_585], %broadcast_in_dim3A_4 {strides = array<i32>} : memref<1024xi32, #tpu.memory_space<vmem>>, vector<16xi32>,
      %swap3A_587 = arith.constant 784 : index
      %swap3A_588 = tpu.vector_load %arg9[%swap3A_587] {strides = array<i32>} : memref<1024xi32, #tpu.memory_space<vmem>>, vector<16xi32>,
      tpu.vector_store %arg9[%swap3A_587], %broadcast_in_dim3A_4 {strides = array<i32>} : memref<1024xi32, #tpu.memory_space<vmem>>, vector<16xi32>,
      %swap3A_589 = arith.constant 800 : index
      %swap3A_590 = tpu.vector_load %arg9[%swap3A_589] {strides = array<i32>} : memref<1024xi32, #tpu.memory_space<vmem>>, vector<16xi32>,
      tpu.vector_store %arg9[%swap3A_589], %broadcast_in_dim3A_4 {strides = array<i32>} : memref<1024xi32, #tpu.memory_space<vmem>>, vector<16xi32>,
      %swap3A_591 = arith.constant 816 : index
      %swap3A_592 = tpu.vector_load %arg9[%swap3A_591] {strides = array<i32>} : memref<1024xi32, #tpu.memory_space<vmem>>, vector<16xi32>,
      tpu.vector_store %arg9[%swap3A_591], %broadcast_in_dim3A_4 {strides = array<i32>} : memref<1024xi32, #tpu.memory_space<vmem>>, vector<16xi32>,
      %swap3A_593 = arith.constant 832 : index
      %swap3A_594 = tpu.vector_load %arg9[%swap3A_593] {strides = array<i32>} : memref<1024xi32, #tpu.memory_space<vmem>>, vector<16xi32>,
      tpu.vector_store %arg9[%swap3A_593], %broadcast_in_dim3A_4 {strides = array<i32>} : memref<1024xi32, #tpu.memory_space<vmem>>, vector<16xi32>,
      %swap3A_595 = arith.constant 848 : index
      %swap3A_596 = tpu.vector_load %arg9[%swap3A_595] {strides = array<i32>} : memref<1024xi32, #tpu.memory_space<vmem>>, vector<16xi32>,
      tpu.vector_store %arg9[%swap3A_595], %broadcast_in_dim3A_4 {strides = array<i32>} : memref<1024xi32, #tpu.memory_space<vmem>>, vector<16xi32>,
      %swap3A_597 = arith.constant 864 : index
      %swap3A_598 = tpu.vector_load %arg9[%swap3A_597] {strides = array<i32>} : memref<1024xi32, #tpu.memory_space<vmem>>, vector<16xi32>,
      tpu.vector_store %arg9[%swap3A_597], %broadcast_in_dim3A_4 {strides = array<i32>} : memref<1024xi32, #tpu.memory_space<vmem>>, vector<16xi32>,
      %swap3A_599 = arith.constant 880 : index
      %swap3A_600 = tpu.vector_load %arg9[%swap3A_599] {strides = array<i32>} : memref<1024xi32, #tpu.memory_space<vmem>>, vector<16xi32>,
      tpu.vector_store %arg9[%swap3A_599], %broadcast_in_dim3A_4 {strides = array<i32>} : memref<1024xi32, #tpu.memory_space<vmem>>, vector<16xi32>,
      %swap3A_601 = arith.constant 896 : index
      %swap3A_602 = tpu.vector_load %arg9[%swap3A_601] {strides = array<i32>} : memref<1024xi32, #tpu.memory_space<vmem>>, vector<16xi32>,
      tpu.vector_store %arg9[%swap3A_601], %broadcast_in_dim3A_4 {strides = array<i32>} : memref<1024xi32, #tpu.memory_space<vmem>>, vector<16xi32>,
      %swap3A_603 = arith.constant 912 : index
      %swap3A_604 = tpu.vector_load %arg9[%swap3A_603] {strides = array<i32>} : memref<1024xi32, #tpu.memory_space<vmem>>, vector<16xi32>,
      tpu.vector_store %arg9[%swap3A_603], %broadcast_in_dim3A_4 {strides = array<i32>} : memref<1024xi32, #tpu.memory_space<vmem>>, vector<16xi32>,
      %swap3A_605 = arith.constant 928 : index
      %swap3A_606 = tpu.vector_load %arg9[%swap3A_605] {strides = array<i32>} : memref<1024xi32, #tpu.memory_space<vmem>>, vector<16xi32>,
      tpu.vector_store %arg9[%swap3A_605], %broadcast_in_dim3A_4 {strides = array<i32>} : memref<1024xi32, #tpu.memory_space<vmem>>, vector<16xi32>,
      %swap3A_607 = arith.constant 944 : index
      %swap3A_608 = tpu.vector_load %arg9[%swap3A_607] {strides = array<i32>} : memref<1024xi32, #tpu.memory_space<vmem>>, vector<16xi32>,
      tpu.vector_store %arg9[%swap3A_607], %broadcast_in_dim3A_4 {strides = array<i32>} : memref<1024xi32, #tpu.memory_space<vmem>>, vector<16xi32>,
      %swap3A_609 = arith.constant 960 : index
      %swap3A_610 = tpu.vector_load %arg9[%swap3A_609] {strides = array<i32>} : memref<1024xi32, #tpu.memory_space<vmem>>, vector<16xi32>,
      tpu.vector_store %arg9[%swap3A_609], %broadcast_in_dim3A_4 {strides = array<i32>} : memref<1024xi32, #tpu.memory_space<vmem>>, vector<16xi32>,
      %swap3A_611 = arith.constant 976 : index
      %swap3A_612 = tpu.vector_load %arg9[%swap3A_611] {strides = array<i32>} : memref<1024xi32, #tpu.memory_space<vmem>>, vector<16xi32>,
      tpu.vector_store %arg9[%swap3A_611], %broadcast_in_dim3A_4 {strides = array<i32>} : memref<1024xi32, #tpu.memory_space<vmem>>, vector<16xi32>,
      %swap3A_613 = arith.constant 992 : index
      %swap3A_614 = tpu.vector_load %arg9[%swap3A_613] {strides = array<i32>} : memref<1024xi32, #tpu.memory_space<vmem>>, vector<16xi32>,
      tpu.vector_store %arg9[%swap3A_613], %broadcast_in_dim3A_4 {strides = array<i32>} : memref<1024xi32, #tpu.memory_space<vmem>>, vector<16xi32>,
      %swap3A_615 = arith.constant 1008 : index
      %swap3A_616 = tpu.vector_load %arg9[%swap3A_615] {strides = array<i32>} : memref<1024xi32, #tpu.memory_space<vmem>>, vector<16xi32>,
      tpu.vector_store %arg9[%swap3A_615], %broadcast_in_dim3A_4 {strides = array<i32>} : memref<1024xi32, #tpu.memory_space<vmem>>, vector<16xi32>,
      %mul3A_617 = arith.constant 1024 : i32
      %mul3A_618 = arith.muli %arg1, %mul3A_617 : i32
      "tpu.region"() ({
        %run_scoped3A = tpu.sem_alloc : memref<!tpu.dma_semaphore, #tpu.memory_space<semaphore_mem>>
        %dma_start3A_630 = tpu.memref_slice %arg11[%mul3A_618] : memref<16384xi32, #tpu.memory_space<vmem_shared>> -> memref<1024xi32, #tpu.memory_space<vmem_shared>>
        %dma_start3A_631 = tpu.memref_slice %arg11[%mul3A_618] : memref<16384xi32, #tpu.memory_space<vmem_shared>> -> memref<1024xi32, #tpu.memory_space<vmem_shared>>
        tpu.enqueue_dma source(%arg9 : memref<1024xi32, #tpu.memory_space<vmem>>) target(%dma_start3A_631 : memref<1024xi32, #tpu.memory_space<vmem_shared>>) target_semaphore(%run_scoped3A : memref<!tpu.dma_semaphore, #tpu.memory_space<semaphore_mem>>)
        %dma_wait3A_632 = tpu.memref_slice %arg11[%mul3A_618] : memref<16384xi32, #tpu.memory_space<vmem_shared>> -> memref<1024xi32, #tpu.memory_space<vmem_shared>>
        %dma_wait3A_633 = tpu.memref_slice %arg11[%mul3A_618] : memref<16384xi32, #tpu.memory_space<vmem_shared>> -> memref<1024xi32, #tpu.memory_space<vmem_shared>>
        tpu.wait_dma2 semaphore(%run_scoped3A : memref<!tpu.dma_semaphore, #tpu.memory_space<semaphore_mem>>) src(%arg9 : memref<1024xi32, #tpu.memory_space<vmem>>) dst(%dma_wait3A_633 : memref<1024xi32, #tpu.memory_space<vmem_shared>>)
        tpu.yield
      }) : () -> ()
      %dma_wait3A = arith.constant 0 : i32
      %dma_wait3A_619 = tpu.memref_slice %arg5[%dma_wait3A] : memref<3200xi32, #tpu.memory_space<vmem>> -> memref<800xi32, #tpu.memory_space<vmem>>
      %dma_wait3A_620 = tpu.memref_slice %arg2[%mul3A_2] : memref<100000xi32, #tpu.memory_space<hbm>> -> memref<800xi32, #tpu.memory_space<hbm>>
      %dma_wait3A_621 = arith.constant 0 : i32
      %dma_wait3A_622 = tpu.memref_slice %arg5[%dma_wait3A_621] : memref<3200xi32, #tpu.memory_space<vmem>> -> memref<800xi32, #tpu.memory_space<vmem>>
      %dma_wait3A_623 = tpu.memref_slice %arg2[%mul3A_2] : memref<100000xi32, #tpu.memory_space<hbm>> -> memref<800xi32, #tpu.memory_space<hbm>>
      tpu.wait_dma2 semaphore(%arg10 : memref<!tpu.dma_semaphore, #tpu.memory_space<semaphore_mem>>) src(%dma_wait3A_623 : memref<800xi32, #tpu.memory_space<hbm>>) dst(%dma_wait3A_622 : memref<800xi32, #tpu.memory_space<vmem>>)
      %dma_wait3A_624 = arith.constant 0 : i32
      %dma_wait3A_625 = tpu.memref_slice %arg6[%dma_wait3A_624] : memref<3200xi32, #tpu.memory_space<vmem>> -> memref<800xi32, #tpu.memory_space<vmem>>
      %dma_wait3A_626 = tpu.memref_slice %arg3[%mul3A_2] : memref<100000xi32, #tpu.memory_space<hbm>> -> memref<800xi32, #tpu.memory_space<hbm>>
      %dma_wait3A_627 = arith.constant 0 : i32
      %dma_wait3A_628 = tpu.memref_slice %arg6[%dma_wait3A_627] : memref<3200xi32, #tpu.memory_space<vmem>> -> memref<800xi32, #tpu.memory_space<vmem>>
      %dma_wait3A_629 = tpu.memref_slice %arg3[%mul3A_2] : memref<100000xi32, #tpu.memory_space<hbm>> -> memref<800xi32, #tpu.memory_space<hbm>>
      tpu.wait_dma2 semaphore(%arg10 : memref<!tpu.dma_semaphore, #tpu.memory_space<semaphore_mem>>) src(%dma_wait3A_629 : memref<800xi32, #tpu.memory_space<hbm>>) dst(%dma_wait3A_628 : memref<800xi32, #tpu.memory_space<vmem>>)
    } else {
    }
    %get3A = arith.constant 0 : index
    %get3A_12 = tpu.vector_load %arg6[%get3A] {strides = array<i32>} : memref<3200xi32, #tpu.memory_space<vmem>>, vector<16xi32>,
    %slice3A = vector.extract_strided_slice %get3A_12 {offsets = [0], sizes = [1], strides = [1]} : vector<16xi32> to vector<1xi32>
    %squeeze3A = vector.extract %slice3A[0] : i32 from vector<1xi32>
    %get3A_13 = arith.constant 784 : index
    %get3A_14 = tpu.vector_load %arg6[%get3A_13] {strides = array<i32>} : memref<3200xi32, #tpu.memory_space<vmem>>, vector<16xi32>,
    %slice3A_15 = vector.extract_strided_slice %get3A_14 {offsets = [15], sizes = [1], strides = [1]} : vector<16xi32> to vector<1xi32>
    %squeeze3A_16 = vector.extract %slice3A_15[0] : i32 from vector<1xi32>
    %get3A_17 = arith.constant 3184 : index
    %get3A_18 = tpu.vector_load %arg6[%get3A_17] {strides = array<i32>} : memref<3200xi32, #tpu.memory_space<vmem>>, vector<16xi32>,
    %slice3A_19 = vector.extract_strided_slice %get3A_18 {offsets = [15], sizes = [1], strides = [1]} : vector<16xi32> to vector<1xi32>
    %squeeze3A_20 = vector.extract %slice3A_19[0] : i32 from vector<1xi32>
    %select_n3A = arith.select %eq3A_3, %squeeze3A_16, %squeeze3A_20 : i32
    %add3A_21 = arith.constant 1 : i32
    %add3A_22 = arith.addi %select_n3A, %add3A_21 : i32
    %while3A = arith.constant 0 : i32
    %while3A_23 = arith.subi %add3A_22, %squeeze3A : i32
    %while3A_24 = arith.addi %squeeze3A, %while3A_23 : i32
    %while3A_25 = arith.constant 1 : i32
    %while3A_26 = arith.divsi %while3A_23, %while3A_25 : i32
    %while3A_27 = arith.muli %while3A_26, %while3A_25 : i32
    %while3A_28 = arith.addi %squeeze3A, %while3A_27 : i32
    %while3A_29 = arith.constant 1 : i32
    scf.for %while3A_479 = %squeeze3A to %while3A_28 step %while3A_29  : i32 {
      %mul3A_480 = arith.constant 128 : i32
      %mul3A_481 = arith.muli %while3A_479, %mul3A_480 : i32
      %add3A_482 = arith.constant 0 : i32
      %add3A_483 = arith.addi %mul3A_481, %add3A_482 : i32
      %swap3A = arith.index_cast %add3A_483 : i32 to index
      %swap3A_484 = tpu.vector_load %arg7[%swap3A] {strides = array<i32>} : memref<16384xi32, #tpu.memory_space<vmem>>, vector<16xi32>,
      tpu.vector_store %arg7[%swap3A], %broadcast_in_dim3A_4 {strides = array<i32>} : memref<16384xi32, #tpu.memory_space<vmem>>, vector<16xi32>,
      %mul3A_485 = arith.constant 128 : i32
      %mul3A_486 = arith.muli %while3A_479, %mul3A_485 : i32
      %add3A_487 = arith.constant 16 : i32
      %add3A_488 = arith.addi %mul3A_486, %add3A_487 : i32
      %swap3A_489 = arith.index_cast %add3A_488 : i32 to index
      %swap3A_490 = tpu.vector_load %arg7[%swap3A_489] {strides = array<i32>} : memref<16384xi32, #tpu.memory_space<vmem>>, vector<16xi32>,
      tpu.vector_store %arg7[%swap3A_489], %broadcast_in_dim3A_4 {strides = array<i32>} : memref<16384xi32, #tpu.memory_space<vmem>>, vector<16xi32>,
      %mul3A_491 = arith.constant 128 : i32
      %mul3A_492 = arith.muli %while3A_479, %mul3A_491 : i32
      %add3A_493 = arith.constant 32 : i32
      %add3A_494 = arith.addi %mul3A_492, %add3A_493 : i32
      %swap3A_495 = arith.index_cast %add3A_494 : i32 to index
      %swap3A_496 = tpu.vector_load %arg7[%swap3A_495] {strides = array<i32>} : memref<16384xi32, #tpu.memory_space<vmem>>, vector<16xi32>,
      tpu.vector_store %arg7[%swap3A_495], %broadcast_in_dim3A_4 {strides = array<i32>} : memref<16384xi32, #tpu.memory_space<vmem>>, vector<16xi32>,
      %mul3A_497 = arith.constant 128 : i32
      %mul3A_498 = arith.muli %while3A_479, %mul3A_497 : i32
      %add3A_499 = arith.constant 48 : i32
      %add3A_500 = arith.addi %mul3A_498, %add3A_499 : i32
      %swap3A_501 = arith.index_cast %add3A_500 : i32 to index
      %swap3A_502 = tpu.vector_load %arg7[%swap3A_501] {strides = array<i32>} : memref<16384xi32, #tpu.memory_space<vmem>>, vector<16xi32>,
      tpu.vector_store %arg7[%swap3A_501], %broadcast_in_dim3A_4 {strides = array<i32>} : memref<16384xi32, #tpu.memory_space<vmem>>, vector<16xi32>,
      %mul3A_503 = arith.constant 128 : i32
      %mul3A_504 = arith.muli %while3A_479, %mul3A_503 : i32
      %add3A_505 = arith.constant 64 : i32
      %add3A_506 = arith.addi %mul3A_504, %add3A_505 : i32
      %swap3A_507 = arith.index_cast %add3A_506 : i32 to index
      %swap3A_508 = tpu.vector_load %arg7[%swap3A_507] {strides = array<i32>} : memref<16384xi32, #tpu.memory_space<vmem>>, vector<16xi32>,
      tpu.vector_store %arg7[%swap3A_507], %broadcast_in_dim3A_4 {strides = array<i32>} : memref<16384xi32, #tpu.memory_space<vmem>>, vector<16xi32>,
      %mul3A_509 = arith.constant 128 : i32
      %mul3A_510 = arith.muli %while3A_479, %mul3A_509 : i32
      %add3A_511 = arith.constant 80 : i32
      %add3A_512 = arith.addi %mul3A_510, %add3A_511 : i32
      %swap3A_513 = arith.index_cast %add3A_512 : i32 to index
      %swap3A_514 = tpu.vector_load %arg7[%swap3A_513] {strides = array<i32>} : memref<16384xi32, #tpu.memory_space<vmem>>, vector<16xi32>,
      tpu.vector_store %arg7[%swap3A_513], %broadcast_in_dim3A_4 {strides = array<i32>} : memref<16384xi32, #tpu.memory_space<vmem>>, vector<16xi32>,
      %mul3A_515 = arith.constant 128 : i32
      %mul3A_516 = arith.muli %while3A_479, %mul3A_515 : i32
      %add3A_517 = arith.constant 96 : i32
      %add3A_518 = arith.addi %mul3A_516, %add3A_517 : i32
      %swap3A_519 = arith.index_cast %add3A_518 : i32 to index
      %swap3A_520 = tpu.vector_load %arg7[%swap3A_519] {strides = array<i32>} : memref<16384xi32, #tpu.memory_space<vmem>>, vector<16xi32>,
      tpu.vector_store %arg7[%swap3A_519], %broadcast_in_dim3A_4 {strides = array<i32>} : memref<16384xi32, #tpu.memory_space<vmem>>, vector<16xi32>,
      %mul3A_521 = arith.constant 128 : i32
      %mul3A_522 = arith.muli %while3A_479, %mul3A_521 : i32
      %add3A_523 = arith.constant 112 : i32
      %add3A_524 = arith.addi %mul3A_522, %add3A_523 : i32
      %swap3A_525 = arith.index_cast %add3A_524 : i32 to index
      %swap3A_526 = tpu.vector_load %arg7[%swap3A_525] {strides = array<i32>} : memref<16384xi32, #tpu.memory_space<vmem>>, vector<16xi32>,
      tpu.vector_store %arg7[%swap3A_525], %broadcast_in_dim3A_4 {strides = array<i32>} : memref<16384xi32, #tpu.memory_space<vmem>>, vector<16xi32>,
    }
    %while3A_30 = arith.constant 1 : i32
    scf.for %while3A_479 = %while3A_28 to %while3A_24 step %while3A_30  : i32 {
      %mul3A_480 = arith.constant 128 : i32
      %mul3A_481 = arith.muli %while3A_479, %mul3A_480 : i32
      %add3A_482 = arith.constant 0 : i32
      %add3A_483 = arith.addi %mul3A_481, %add3A_482 : i32
      %swap3A = arith.index_cast %add3A_483 : i32 to index
      %swap3A_484 = tpu.vector_load %arg7[%swap3A] {strides = array<i32>} : memref<16384xi32, #tpu.memory_space<vmem>>, vector<16xi32>,
      tpu.vector_store %arg7[%swap3A], %broadcast_in_dim3A_4 {strides = array<i32>} : memref<16384xi32, #tpu.memory_space<vmem>>, vector<16xi32>,
      %mul3A_485 = arith.constant 128 : i32
      %mul3A_486 = arith.muli %while3A_479, %mul3A_485 : i32
      %add3A_487 = arith.constant 16 : i32
      %add3A_488 = arith.addi %mul3A_486, %add3A_487 : i32
      %swap3A_489 = arith.index_cast %add3A_488 : i32 to index
      %swap3A_490 = tpu.vector_load %arg7[%swap3A_489] {strides = array<i32>} : memref<16384xi32, #tpu.memory_space<vmem>>, vector<16xi32>,
      tpu.vector_store %arg7[%swap3A_489], %broadcast_in_dim3A_4 {strides = array<i32>} : memref<16384xi32, #tpu.memory_space<vmem>>, vector<16xi32>,
      %mul3A_491 = arith.constant 128 : i32
      %mul3A_492 = arith.muli %while3A_479, %mul3A_491 : i32
      %add3A_493 = arith.constant 32 : i32
      %add3A_494 = arith.addi %mul3A_492, %add3A_493 : i32
      %swap3A_495 = arith.index_cast %add3A_494 : i32 to index
      %swap3A_496 = tpu.vector_load %arg7[%swap3A_495] {strides = array<i32>} : memref<16384xi32, #tpu.memory_space<vmem>>, vector<16xi32>,
      tpu.vector_store %arg7[%swap3A_495], %broadcast_in_dim3A_4 {strides = array<i32>} : memref<16384xi32, #tpu.memory_space<vmem>>, vector<16xi32>,
      %mul3A_497 = arith.constant 128 : i32
      %mul3A_498 = arith.muli %while3A_479, %mul3A_497 : i32
      %add3A_499 = arith.constant 48 : i32
      %add3A_500 = arith.addi %mul3A_498, %add3A_499 : i32
      %swap3A_501 = arith.index_cast %add3A_500 : i32 to index
      %swap3A_502 = tpu.vector_load %arg7[%swap3A_501] {strides = array<i32>} : memref<16384xi32, #tpu.memory_space<vmem>>, vector<16xi32>,
      tpu.vector_store %arg7[%swap3A_501], %broadcast_in_dim3A_4 {strides = array<i32>} : memref<16384xi32, #tpu.memory_space<vmem>>, vector<16xi32>,
      %mul3A_503 = arith.constant 128 : i32
      %mul3A_504 = arith.muli %while3A_479, %mul3A_503 : i32
      %add3A_505 = arith.constant 64 : i32
      %add3A_506 = arith.addi %mul3A_504, %add3A_505 : i32
      %swap3A_507 = arith.index_cast %add3A_506 : i32 to index
      %swap3A_508 = tpu.vector_load %arg7[%swap3A_507] {strides = array<i32>} : memref<16384xi32, #tpu.memory_space<vmem>>, vector<16xi32>,
      tpu.vector_store %arg7[%swap3A_507], %broadcast_in_dim3A_4 {strides = array<i32>} : memref<16384xi32, #tpu.memory_space<vmem>>, vector<16xi32>,
      %mul3A_509 = arith.constant 128 : i32
      %mul3A_510 = arith.muli %while3A_479, %mul3A_509 : i32
      %add3A_511 = arith.constant 80 : i32
      %add3A_512 = arith.addi %mul3A_510, %add3A_511 : i32
      %swap3A_513 = arith.index_cast %add3A_512 : i32 to index
      %swap3A_514 = tpu.vector_load %arg7[%swap3A_513] {strides = array<i32>} : memref<16384xi32, #tpu.memory_space<vmem>>, vector<16xi32>,
      tpu.vector_store %arg7[%swap3A_513], %broadcast_in_dim3A_4 {strides = array<i32>} : memref<16384xi32, #tpu.memory_space<vmem>>, vector<16xi32>,
      %mul3A_515 = arith.constant 128 : i32
      %mul3A_516 = arith.muli %while3A_479, %mul3A_515 : i32
      %add3A_517 = arith.constant 96 : i32
      %add3A_518 = arith.addi %mul3A_516, %add3A_517 : i32
      %swap3A_519 = arith.index_cast %add3A_518 : i32 to index
      %swap3A_520 = tpu.vector_load %arg7[%swap3A_519] {strides = array<i32>} : memref<16384xi32, #tpu.memory_space<vmem>>, vector<16xi32>,
      tpu.vector_store %arg7[%swap3A_519], %broadcast_in_dim3A_4 {strides = array<i32>} : memref<16384xi32, #tpu.memory_space<vmem>>, vector<16xi32>,
      %mul3A_521 = arith.constant 128 : i32
      %mul3A_522 = arith.muli %while3A_479, %mul3A_521 : i32
      %add3A_523 = arith.constant 112 : i32
      %add3A_524 = arith.addi %mul3A_522, %add3A_523 : i32
      %swap3A_525 = arith.index_cast %add3A_524 : i32 to index
      %swap3A_526 = tpu.vector_load %arg7[%swap3A_525] {strides = array<i32>} : memref<16384xi32, #tpu.memory_space<vmem>>, vector<16xi32>,
      tpu.vector_store %arg7[%swap3A_525], %broadcast_in_dim3A_4 {strides = array<i32>} : memref<16384xi32, #tpu.memory_space<vmem>>, vector<16xi32>,
    }
    %get3A_31 = arith.constant 0 : index
    %get3A_32 = tpu.vector_load %arg6[%get3A_31] {strides = array<i32>} : memref<3200xi32, #tpu.memory_space<vmem>>, vector<16xi32>,
    %mul3A_33 = arith.constant 128 : i32
    %mul3A_34 = vector.broadcast %mul3A_33 : i32 to vector<16xi32>
    %mul3A_35 = arith.muli %get3A_32, %mul3A_34 : vector<16xi32>
    %get3A_36 = arith.constant 0 : index
    %get3A_37 = tpu.vector_load %arg5[%get3A_36] {strides = array<i32>} : memref<3200xi32, #tpu.memory_space<vmem>>, vector<16xi32>,
    %add3A_38 = arith.addi %mul3A_35, %get3A_37 : vector<16xi32>
    tpu.vector_store_idx %arg7[%add3A_38], %broadcast_in_dim3A_6 {add = true} : memref<16384xi32, #tpu.memory_space<vmem>>[vector<16xi32>], vector<16xi32>,
    %get3A_39 = arith.constant 16 : index
    %get3A_40 = tpu.vector_load %arg6[%get3A_39] {strides = array<i32>} : memref<3200xi32, #tpu.memory_space<vmem>>, vector<16xi32>,
    %mul3A_41 = arith.constant 128 : i32
    %mul3A_42 = vector.broadcast %mul3A_41 : i32 to vector<16xi32>
    %mul3A_43 = arith.muli %get3A_40, %mul3A_42 : vector<16xi32>
    %get3A_44 = arith.constant 16 : index
    %get3A_45 = tpu.vector_load %arg5[%get3A_44] {strides = array<i32>} : memref<3200xi32, #tpu.memory_space<vmem>>, vector<16xi32>,
    %add3A_46 = arith.addi %mul3A_43, %get3A_45 : vector<16xi32>
    tpu.vector_store_idx %arg7[%add3A_46], %broadcast_in_dim3A_6 {add = true} : memref<16384xi32, #tpu.memory_space<vmem>>[vector<16xi32>], vector<16xi32>,
    %get3A_47 = arith.constant 32 : index
    %get3A_48 = tpu.vector_load %arg6[%get3A_47] {strides = array<i32>} : memref<3200xi32, #tpu.memory_space<vmem>>, vector<16xi32>,
    %mul3A_49 = arith.constant 128 : i32
    %mul3A_50 = vector.broadcast %mul3A_49 : i32 to vector<16xi32>
    %mul3A_51 = arith.muli %get3A_48, %mul3A_50 : vector<16xi32>
    %get3A_52 = arith.constant 32 : index
    %get3A_53 = tpu.vector_load %arg5[%get3A_52] {strides = array<i32>} : memref<3200xi32, #tpu.memory_space<vmem>>, vector<16xi32>,
    %add3A_54 = arith.addi %mul3A_51, %get3A_53 : vector<16xi32>
    tpu.vector_store_idx %arg7[%add3A_54], %broadcast_in_dim3A_6 {add = true} : memref<16384xi32, #tpu.memory_space<vmem>>[vector<16xi32>], vector<16xi32>,
    %get3A_55 = arith.constant 48 : index
    %get3A_56 = tpu.vector_load %arg6[%get3A_55] {strides = array<i32>} : memref<3200xi32, #tpu.memory_space<vmem>>, vector<16xi32>,
    %mul3A_57 = arith.constant 128 : i32
    %mul3A_58 = vector.broadcast %mul3A_57 : i32 to vector<16xi32>
    %mul3A_59 = arith.muli %get3A_56, %mul3A_58 : vector<16xi32>
    %get3A_60 = arith.constant 48 : index
    %get3A_61 = tpu.vector_load %arg5[%get3A_60] {strides = array<i32>} : memref<3200xi32, #tpu.memory_space<vmem>>, vector<16xi32>,
    %add3A_62 = arith.addi %mul3A_59, %get3A_61 : vector<16xi32>
    tpu.vector_store_idx %arg7[%add3A_62], %broadcast_in_dim3A_6 {add = true} : memref<16384xi32, #tpu.memory_space<vmem>>[vector<16xi32>], vector<16xi32>,
    %get3A_63 = arith.constant 64 : index
    %get3A_64 = tpu.vector_load %arg6[%get3A_63] {strides = array<i32>} : memref<3200xi32, #tpu.memory_space<vmem>>, vector<16xi32>,
    %mul3A_65 = arith.constant 128 : i32
    %mul3A_66 = vector.broadcast %mul3A_65 : i32 to vector<16xi32>
    %mul3A_67 = arith.muli %get3A_64, %mul3A_66 : vector<16xi32>
    %get3A_68 = arith.constant 64 : index
    %get3A_69 = tpu.vector_load %arg5[%get3A_68] {strides = array<i32>} : memref<3200xi32, #tpu.memory_space<vmem>>, vector<16xi32>,
    %add3A_70 = arith.addi %mul3A_67, %get3A_69 : vector<16xi32>
    tpu.vector_store_idx %arg7[%add3A_70], %broadcast_in_dim3A_6 {add = true} : memref<16384xi32, #tpu.memory_space<vmem>>[vector<16xi32>], vector<16xi32>,
    %get3A_71 = arith.constant 80 : index
    %get3A_72 = tpu.vector_load %arg6[%get3A_71] {strides = array<i32>} : memref<3200xi32, #tpu.memory_space<vmem>>, vector<16xi32>,
    %mul3A_73 = arith.constant 128 : i32
    %mul3A_74 = vector.broadcast %mul3A_73 : i32 to vector<16xi32>
    %mul3A_75 = arith.muli %get3A_72, %mul3A_74 : vector<16xi32>
    %get3A_76 = arith.constant 80 : index
    %get3A_77 = tpu.vector_load %arg5[%get3A_76] {strides = array<i32>} : memref<3200xi32, #tpu.memory_space<vmem>>, vector<16xi32>,
    %add3A_78 = arith.addi %mul3A_75, %get3A_77 : vector<16xi32>
    tpu.vector_store_idx %arg7[%add3A_78], %broadcast_in_dim3A_6 {add = true} : memref<16384xi32, #tpu.memory_space<vmem>>[vector<16xi32>], vector<16xi32>,
    %get3A_79 = arith.constant 96 : index
    %get3A_80 = tpu.vector_load %arg6[%get3A_79] {strides = array<i32>} : memref<3200xi32, #tpu.memory_space<vmem>>, vector<16xi32>,
    %mul3A_81 = arith.constant 128 : i32
    %mul3A_82 = vector.broadcast %mul3A_81 : i32 to vector<16xi32>
    %mul3A_83 = arith.muli %get3A_80, %mul3A_82 : vector<16xi32>
    %get3A_84 = arith.constant 96 : index
    %get3A_85 = tpu.vector_load %arg5[%get3A_84] {strides = array<i32>} : memref<3200xi32, #tpu.memory_space<vmem>>, vector<16xi32>,
    %add3A_86 = arith.addi %mul3A_83, %get3A_85 : vector<16xi32>
    tpu.vector_store_idx %arg7[%add3A_86], %broadcast_in_dim3A_6 {add = true} : memref<16384xi32, #tpu.memory_space<vmem>>[vector<16xi32>], vector<16xi32>,
    %get3A_87 = arith.constant 112 : index
    %get3A_88 = tpu.vector_load %arg6[%get3A_87] {strides = array<i32>} : memref<3200xi32, #tpu.memory_space<vmem>>, vector<16xi32>,
    %mul3A_89 = arith.constant 128 : i32
    %mul3A_90 = vector.broadcast %mul3A_89 : i32 to vector<16xi32>
    %mul3A_91 = arith.muli %get3A_88, %mul3A_90 : vector<16xi32>
    %get3A_92 = arith.constant 112 : index
    %get3A_93 = tpu.vector_load %arg5[%get3A_92] {strides = array<i32>} : memref<3200xi32, #tpu.memory_space<vmem>>, vector<16xi32>,
    %add3A_94 = arith.addi %mul3A_91, %get3A_93 : vector<16xi32>
    tpu.vector_store_idx %arg7[%add3A_94], %broadcast_in_dim3A_6 {add = true} : memref<16384xi32, #tpu.memory_space<vmem>>[vector<16xi32>], vector<16xi32>,
    %get3A_95 = arith.constant 128 : index
    %get3A_96 = tpu.vector_load %arg6[%get3A_95] {strides = array<i32>} : memref<3200xi32, #tpu.memory_space<vmem>>, vector<16xi32>,
    %mul3A_97 = arith.constant 128 : i32
    %mul3A_98 = vector.broadcast %mul3A_97 : i32 to vector<16xi32>
    %mul3A_99 = arith.muli %get3A_96, %mul3A_98 : vector<16xi32>
    %get3A_100 = arith.constant 128 : index
    %get3A_101 = tpu.vector_load %arg5[%get3A_100] {strides = array<i32>} : memref<3200xi32, #tpu.memory_space<vmem>>, vector<16xi32>,
    %add3A_102 = arith.addi %mul3A_99, %get3A_101 : vector<16xi32>
    tpu.vector_store_idx %arg7[%add3A_102], %broadcast_in_dim3A_6 {add = true} : memref<16384xi32, #tpu.memory_space<vmem>>[vector<16xi32>], vector<16xi32>,
    %get3A_103 = arith.constant 144 : index
    %get3A_104 = tpu.vector_load %arg6[%get3A_103] {strides = array<i32>} : memref<3200xi32, #tpu.memory_space<vmem>>, vector<16xi32>,
    %mul3A_105 = arith.constant 128 : i32
    %mul3A_106 = vector.broadcast %mul3A_105 : i32 to vector<16xi32>
    %mul3A_107 = arith.muli %get3A_104, %mul3A_106 : vector<16xi32>
    %get3A_108 = arith.constant 144 : index
    %get3A_109 = tpu.vector_load %arg5[%get3A_108] {strides = array<i32>} : memref<3200xi32, #tpu.memory_space<vmem>>, vector<16xi32>,
    %add3A_110 = arith.addi %mul3A_107, %get3A_109 : vector<16xi32>
    tpu.vector_store_idx %arg7[%add3A_110], %broadcast_in_dim3A_6 {add = true} : memref<16384xi32, #tpu.memory_space<vmem>>[vector<16xi32>], vector<16xi32>,
    %get3A_111 = arith.constant 160 : index
    %get3A_112 = tpu.vector_load %arg6[%get3A_111] {strides = array<i32>} : memref<3200xi32, #tpu.memory_space<vmem>>, vector<16xi32>,
    %mul3A_113 = arith.constant 128 : i32
    %mul3A_114 = vector.broadcast %mul3A_113 : i32 to vector<16xi32>
    %mul3A_115 = arith.muli %get3A_112, %mul3A_114 : vector<16xi32>
    %get3A_116 = arith.constant 160 : index
    %get3A_117 = tpu.vector_load %arg5[%get3A_116] {strides = array<i32>} : memref<3200xi32, #tpu.memory_space<vmem>>, vector<16xi32>,
    %add3A_118 = arith.addi %mul3A_115, %get3A_117 : vector<16xi32>
    tpu.vector_store_idx %arg7[%add3A_118], %broadcast_in_dim3A_6 {add = true} : memref<16384xi32, #tpu.memory_space<vmem>>[vector<16xi32>], vector<16xi32>,
    %get3A_119 = arith.constant 176 : index
    %get3A_120 = tpu.vector_load %arg6[%get3A_119] {strides = array<i32>} : memref<3200xi32, #tpu.memory_space<vmem>>, vector<16xi32>,
    %mul3A_121 = arith.constant 128 : i32
    %mul3A_122 = vector.broadcast %mul3A_121 : i32 to vector<16xi32>
    %mul3A_123 = arith.muli %get3A_120, %mul3A_122 : vector<16xi32>
    %get3A_124 = arith.constant 176 : index
    %get3A_125 = tpu.vector_load %arg5[%get3A_124] {strides = array<i32>} : memref<3200xi32, #tpu.memory_space<vmem>>, vector<16xi32>,
    %add3A_126 = arith.addi %mul3A_123, %get3A_125 : vector<16xi32>
    tpu.vector_store_idx %arg7[%add3A_126], %broadcast_in_dim3A_6 {add = true} : memref<16384xi32, #tpu.memory_space<vmem>>[vector<16xi32>], vector<16xi32>,
    %get3A_127 = arith.constant 192 : index
    %get3A_128 = tpu.vector_load %arg6[%get3A_127] {strides = array<i32>} : memref<3200xi32, #tpu.memory_space<vmem>>, vector<16xi32>,
    %mul3A_129 = arith.constant 128 : i32
    %mul3A_130 = vector.broadcast %mul3A_129 : i32 to vector<16xi32>
    %mul3A_131 = arith.muli %get3A_128, %mul3A_130 : vector<16xi32>
    %get3A_132 = arith.constant 192 : index
    %get3A_133 = tpu.vector_load %arg5[%get3A_132] {strides = array<i32>} : memref<3200xi32, #tpu.memory_space<vmem>>, vector<16xi32>,
    %add3A_134 = arith.addi %mul3A_131, %get3A_133 : vector<16xi32>
    tpu.vector_store_idx %arg7[%add3A_134], %broadcast_in_dim3A_6 {add = true} : memref<16384xi32, #tpu.memory_space<vmem>>[vector<16xi32>], vector<16xi32>,
    %get3A_135 = arith.constant 208 : index
    %get3A_136 = tpu.vector_load %arg6[%get3A_135] {strides = array<i32>} : memref<3200xi32, #tpu.memory_space<vmem>>, vector<16xi32>,
    %mul3A_137 = arith.constant 128 : i32
    %mul3A_138 = vector.broadcast %mul3A_137 : i32 to vector<16xi32>
    %mul3A_139 = arith.muli %get3A_136, %mul3A_138 : vector<16xi32>
    %get3A_140 = arith.constant 208 : index
    %get3A_141 = tpu.vector_load %arg5[%get3A_140] {strides = array<i32>} : memref<3200xi32, #tpu.memory_space<vmem>>, vector<16xi32>,
    %add3A_142 = arith.addi %mul3A_139, %get3A_141 : vector<16xi32>
    tpu.vector_store_idx %arg7[%add3A_142], %broadcast_in_dim3A_6 {add = true} : memref<16384xi32, #tpu.memory_space<vmem>>[vector<16xi32>], vector<16xi32>,
    %get3A_143 = arith.constant 224 : index
    %get3A_144 = tpu.vector_load %arg6[%get3A_143] {strides = array<i32>} : memref<3200xi32, #tpu.memory_space<vmem>>, vector<16xi32>,
    %mul3A_145 = arith.constant 128 : i32
    %mul3A_146 = vector.broadcast %mul3A_145 : i32 to vector<16xi32>
    %mul3A_147 = arith.muli %get3A_144, %mul3A_146 : vector<16xi32>
    %get3A_148 = arith.constant 224 : index
    %get3A_149 = tpu.vector_load %arg5[%get3A_148] {strides = array<i32>} : memref<3200xi32, #tpu.memory_space<vmem>>, vector<16xi32>,
    %add3A_150 = arith.addi %mul3A_147, %get3A_149 : vector<16xi32>
    tpu.vector_store_idx %arg7[%add3A_150], %broadcast_in_dim3A_6 {add = true} : memref<16384xi32, #tpu.memory_space<vmem>>[vector<16xi32>], vector<16xi32>,
    %get3A_151 = arith.constant 240 : index
    %get3A_152 = tpu.vector_load %arg6[%get3A_151] {strides = array<i32>} : memref<3200xi32, #tpu.memory_space<vmem>>, vector<16xi32>,
    %mul3A_153 = arith.constant 128 : i32
    %mul3A_154 = vector.broadcast %mul3A_153 : i32 to vector<16xi32>
    %mul3A_155 = arith.muli %get3A_152, %mul3A_154 : vector<16xi32>
    %get3A_156 = arith.constant 240 : index
    %get3A_157 = tpu.vector_load %arg5[%get3A_156] {strides = array<i32>} : memref<3200xi32, #tpu.memory_space<vmem>>, vector<16xi32>,
    %add3A_158 = arith.addi %mul3A_155, %get3A_157 : vector<16xi32>
    tpu.vector_store_idx %arg7[%add3A_158], %broadcast_in_dim3A_6 {add = true} : memref<16384xi32, #tpu.memory_space<vmem>>[vector<16xi32>], vector<16xi32>,
    %get3A_159 = arith.constant 256 : index
    %get3A_160 = tpu.vector_load %arg6[%get3A_159] {strides = array<i32>} : memref<3200xi32, #tpu.memory_space<vmem>>, vector<16xi32>,
    %mul3A_161 = arith.constant 128 : i32
    %mul3A_162 = vector.broadcast %mul3A_161 : i32 to vector<16xi32>
    %mul3A_163 = arith.muli %get3A_160, %mul3A_162 : vector<16xi32>
    %get3A_164 = arith.constant 256 : index
    %get3A_165 = tpu.vector_load %arg5[%get3A_164] {strides = array<i32>} : memref<3200xi32, #tpu.memory_space<vmem>>, vector<16xi32>,
    %add3A_166 = arith.addi %mul3A_163, %get3A_165 : vector<16xi32>
    tpu.vector_store_idx %arg7[%add3A_166], %broadcast_in_dim3A_6 {add = true} : memref<16384xi32, #tpu.memory_space<vmem>>[vector<16xi32>], vector<16xi32>,
    %get3A_167 = arith.constant 272 : index
    %get3A_168 = tpu.vector_load %arg6[%get3A_167] {strides = array<i32>} : memref<3200xi32, #tpu.memory_space<vmem>>, vector<16xi32>,
    %mul3A_169 = arith.constant 128 : i32
    %mul3A_170 = vector.broadcast %mul3A_169 : i32 to vector<16xi32>
    %mul3A_171 = arith.muli %get3A_168, %mul3A_170 : vector<16xi32>
    %get3A_172 = arith.constant 272 : index
    %get3A_173 = tpu.vector_load %arg5[%get3A_172] {strides = array<i32>} : memref<3200xi32, #tpu.memory_space<vmem>>, vector<16xi32>,
    %add3A_174 = arith.addi %mul3A_171, %get3A_173 : vector<16xi32>
    tpu.vector_store_idx %arg7[%add3A_174], %broadcast_in_dim3A_6 {add = true} : memref<16384xi32, #tpu.memory_space<vmem>>[vector<16xi32>], vector<16xi32>,
    %get3A_175 = arith.constant 288 : index
    %get3A_176 = tpu.vector_load %arg6[%get3A_175] {strides = array<i32>} : memref<3200xi32, #tpu.memory_space<vmem>>, vector<16xi32>,
    %mul3A_177 = arith.constant 128 : i32
    %mul3A_178 = vector.broadcast %mul3A_177 : i32 to vector<16xi32>
    %mul3A_179 = arith.muli %get3A_176, %mul3A_178 : vector<16xi32>
    %get3A_180 = arith.constant 288 : index
    %get3A_181 = tpu.vector_load %arg5[%get3A_180] {strides = array<i32>} : memref<3200xi32, #tpu.memory_space<vmem>>, vector<16xi32>,
    %add3A_182 = arith.addi %mul3A_179, %get3A_181 : vector<16xi32>
    tpu.vector_store_idx %arg7[%add3A_182], %broadcast_in_dim3A_6 {add = true} : memref<16384xi32, #tpu.memory_space<vmem>>[vector<16xi32>], vector<16xi32>,
    %get3A_183 = arith.constant 304 : index
    %get3A_184 = tpu.vector_load %arg6[%get3A_183] {strides = array<i32>} : memref<3200xi32, #tpu.memory_space<vmem>>, vector<16xi32>,
    %mul3A_185 = arith.constant 128 : i32
    %mul3A_186 = vector.broadcast %mul3A_185 : i32 to vector<16xi32>
    %mul3A_187 = arith.muli %get3A_184, %mul3A_186 : vector<16xi32>
    %get3A_188 = arith.constant 304 : index
    %get3A_189 = tpu.vector_load %arg5[%get3A_188] {strides = array<i32>} : memref<3200xi32, #tpu.memory_space<vmem>>, vector<16xi32>,
    %add3A_190 = arith.addi %mul3A_187, %get3A_189 : vector<16xi32>
    tpu.vector_store_idx %arg7[%add3A_190], %broadcast_in_dim3A_6 {add = true} : memref<16384xi32, #tpu.memory_space<vmem>>[vector<16xi32>], vector<16xi32>,
    %get3A_191 = arith.constant 320 : index
    %get3A_192 = tpu.vector_load %arg6[%get3A_191] {strides = array<i32>} : memref<3200xi32, #tpu.memory_space<vmem>>, vector<16xi32>,
    %mul3A_193 = arith.constant 128 : i32
    %mul3A_194 = vector.broadcast %mul3A_193 : i32 to vector<16xi32>
    %mul3A_195 = arith.muli %get3A_192, %mul3A_194 : vector<16xi32>
    %get3A_196 = arith.constant 320 : index
    %get3A_197 = tpu.vector_load %arg5[%get3A_196] {strides = array<i32>} : memref<3200xi32, #tpu.memory_space<vmem>>, vector<16xi32>,
    %add3A_198 = arith.addi %mul3A_195, %get3A_197 : vector<16xi32>
    tpu.vector_store_idx %arg7[%add3A_198], %broadcast_in_dim3A_6 {add = true} : memref<16384xi32, #tpu.memory_space<vmem>>[vector<16xi32>], vector<16xi32>,
    %get3A_199 = arith.constant 336 : index
    %get3A_200 = tpu.vector_load %arg6[%get3A_199] {strides = array<i32>} : memref<3200xi32, #tpu.memory_space<vmem>>, vector<16xi32>,
    %mul3A_201 = arith.constant 128 : i32
    %mul3A_202 = vector.broadcast %mul3A_201 : i32 to vector<16xi32>
    %mul3A_203 = arith.muli %get3A_200, %mul3A_202 : vector<16xi32>
    %get3A_204 = arith.constant 336 : index
    %get3A_205 = tpu.vector_load %arg5[%get3A_204] {strides = array<i32>} : memref<3200xi32, #tpu.memory_space<vmem>>, vector<16xi32>,
    %add3A_206 = arith.addi %mul3A_203, %get3A_205 : vector<16xi32>
    tpu.vector_store_idx %arg7[%add3A_206], %broadcast_in_dim3A_6 {add = true} : memref<16384xi32, #tpu.memory_space<vmem>>[vector<16xi32>], vector<16xi32>,
    %get3A_207 = arith.constant 352 : index
    %get3A_208 = tpu.vector_load %arg6[%get3A_207] {strides = array<i32>} : memref<3200xi32, #tpu.memory_space<vmem>>, vector<16xi32>,
    %mul3A_209 = arith.constant 128 : i32
    %mul3A_210 = vector.broadcast %mul3A_209 : i32 to vector<16xi32>
    %mul3A_211 = arith.muli %get3A_208, %mul3A_210 : vector<16xi32>
    %get3A_212 = arith.constant 352 : index
    %get3A_213 = tpu.vector_load %arg5[%get3A_212] {strides = array<i32>} : memref<3200xi32, #tpu.memory_space<vmem>>, vector<16xi32>,
    %add3A_214 = arith.addi %mul3A_211, %get3A_213 : vector<16xi32>
    tpu.vector_store_idx %arg7[%add3A_214], %broadcast_in_dim3A_6 {add = true} : memref<16384xi32, #tpu.memory_space<vmem>>[vector<16xi32>], vector<16xi32>,
    %get3A_215 = arith.constant 368 : index
    %get3A_216 = tpu.vector_load %arg6[%get3A_215] {strides = array<i32>} : memref<3200xi32, #tpu.memory_space<vmem>>, vector<16xi32>,
    %mul3A_217 = arith.constant 128 : i32
    %mul3A_218 = vector.broadcast %mul3A_217 : i32 to vector<16xi32>
    %mul3A_219 = arith.muli %get3A_216, %mul3A_218 : vector<16xi32>
    %get3A_220 = arith.constant 368 : index
    %get3A_221 = tpu.vector_load %arg5[%get3A_220] {strides = array<i32>} : memref<3200xi32, #tpu.memory_space<vmem>>, vector<16xi32>,
    %add3A_222 = arith.addi %mul3A_219, %get3A_221 : vector<16xi32>
    tpu.vector_store_idx %arg7[%add3A_222], %broadcast_in_dim3A_6 {add = true} : memref<16384xi32, #tpu.memory_space<vmem>>[vector<16xi32>], vector<16xi32>,
    %get3A_223 = arith.constant 384 : index
    %get3A_224 = tpu.vector_load %arg6[%get3A_223] {strides = array<i32>} : memref<3200xi32, #tpu.memory_space<vmem>>, vector<16xi32>,
    %mul3A_225 = arith.constant 128 : i32
    %mul3A_226 = vector.broadcast %mul3A_225 : i32 to vector<16xi32>
    %mul3A_227 = arith.muli %get3A_224, %mul3A_226 : vector<16xi32>
    %get3A_228 = arith.constant 384 : index
    %get3A_229 = tpu.vector_load %arg5[%get3A_228] {strides = array<i32>} : memref<3200xi32, #tpu.memory_space<vmem>>, vector<16xi32>,
    %add3A_230 = arith.addi %mul3A_227, %get3A_229 : vector<16xi32>
    tpu.vector_store_idx %arg7[%add3A_230], %broadcast_in_dim3A_6 {add = true} : memref<16384xi32, #tpu.memory_space<vmem>>[vector<16xi32>], vector<16xi32>,
    %get3A_231 = arith.constant 400 : index
    %get3A_232 = tpu.vector_load %arg6[%get3A_231] {strides = array<i32>} : memref<3200xi32, #tpu.memory_space<vmem>>, vector<16xi32>,
    %mul3A_233 = arith.constant 128 : i32
    %mul3A_234 = vector.broadcast %mul3A_233 : i32 to vector<16xi32>
    %mul3A_235 = arith.muli %get3A_232, %mul3A_234 : vector<16xi32>
    %get3A_236 = arith.constant 400 : index
    %get3A_237 = tpu.vector_load %arg5[%get3A_236] {strides = array<i32>} : memref<3200xi32, #tpu.memory_space<vmem>>, vector<16xi32>,
    %add3A_238 = arith.addi %mul3A_235, %get3A_237 : vector<16xi32>
    tpu.vector_store_idx %arg7[%add3A_238], %broadcast_in_dim3A_6 {add = true} : memref<16384xi32, #tpu.memory_space<vmem>>[vector<16xi32>], vector<16xi32>,
    %get3A_239 = arith.constant 416 : index
    %get3A_240 = tpu.vector_load %arg6[%get3A_239] {strides = array<i32>} : memref<3200xi32, #tpu.memory_space<vmem>>, vector<16xi32>,
    %mul3A_241 = arith.constant 128 : i32
    %mul3A_242 = vector.broadcast %mul3A_241 : i32 to vector<16xi32>
    %mul3A_243 = arith.muli %get3A_240, %mul3A_242 : vector<16xi32>
    %get3A_244 = arith.constant 416 : index
    %get3A_245 = tpu.vector_load %arg5[%get3A_244] {strides = array<i32>} : memref<3200xi32, #tpu.memory_space<vmem>>, vector<16xi32>,
    %add3A_246 = arith.addi %mul3A_243, %get3A_245 : vector<16xi32>
    tpu.vector_store_idx %arg7[%add3A_246], %broadcast_in_dim3A_6 {add = true} : memref<16384xi32, #tpu.memory_space<vmem>>[vector<16xi32>], vector<16xi32>,
    %get3A_247 = arith.constant 432 : index
    %get3A_248 = tpu.vector_load %arg6[%get3A_247] {strides = array<i32>} : memref<3200xi32, #tpu.memory_space<vmem>>, vector<16xi32>,
    %mul3A_249 = arith.constant 128 : i32
    %mul3A_250 = vector.broadcast %mul3A_249 : i32 to vector<16xi32>
    %mul3A_251 = arith.muli %get3A_248, %mul3A_250 : vector<16xi32>
    %get3A_252 = arith.constant 432 : index
    %get3A_253 = tpu.vector_load %arg5[%get3A_252] {strides = array<i32>} : memref<3200xi32, #tpu.memory_space<vmem>>, vector<16xi32>,
    %add3A_254 = arith.addi %mul3A_251, %get3A_253 : vector<16xi32>
    tpu.vector_store_idx %arg7[%add3A_254], %broadcast_in_dim3A_6 {add = true} : memref<16384xi32, #tpu.memory_space<vmem>>[vector<16xi32>], vector<16xi32>,
    %get3A_255 = arith.constant 448 : index
    %get3A_256 = tpu.vector_load %arg6[%get3A_255] {strides = array<i32>} : memref<3200xi32, #tpu.memory_space<vmem>>, vector<16xi32>,
    %mul3A_257 = arith.constant 128 : i32
    %mul3A_258 = vector.broadcast %mul3A_257 : i32 to vector<16xi32>
    %mul3A_259 = arith.muli %get3A_256, %mul3A_258 : vector<16xi32>
    %get3A_260 = arith.constant 448 : index
    %get3A_261 = tpu.vector_load %arg5[%get3A_260] {strides = array<i32>} : memref<3200xi32, #tpu.memory_space<vmem>>, vector<16xi32>,
    %add3A_262 = arith.addi %mul3A_259, %get3A_261 : vector<16xi32>
    tpu.vector_store_idx %arg7[%add3A_262], %broadcast_in_dim3A_6 {add = true} : memref<16384xi32, #tpu.memory_space<vmem>>[vector<16xi32>], vector<16xi32>,
    %get3A_263 = arith.constant 464 : index
    %get3A_264 = tpu.vector_load %arg6[%get3A_263] {strides = array<i32>} : memref<3200xi32, #tpu.memory_space<vmem>>, vector<16xi32>,
    %mul3A_265 = arith.constant 128 : i32
    %mul3A_266 = vector.broadcast %mul3A_265 : i32 to vector<16xi32>
    %mul3A_267 = arith.muli %get3A_264, %mul3A_266 : vector<16xi32>
    %get3A_268 = arith.constant 464 : index
    %get3A_269 = tpu.vector_load %arg5[%get3A_268] {strides = array<i32>} : memref<3200xi32, #tpu.memory_space<vmem>>, vector<16xi32>,
    %add3A_270 = arith.addi %mul3A_267, %get3A_269 : vector<16xi32>
    tpu.vector_store_idx %arg7[%add3A_270], %broadcast_in_dim3A_6 {add = true} : memref<16384xi32, #tpu.memory_space<vmem>>[vector<16xi32>], vector<16xi32>,
    %get3A_271 = arith.constant 480 : index
    %get3A_272 = tpu.vector_load %arg6[%get3A_271] {strides = array<i32>} : memref<3200xi32, #tpu.memory_space<vmem>>, vector<16xi32>,
    %mul3A_273 = arith.constant 128 : i32
    %mul3A_274 = vector.broadcast %mul3A_273 : i32 to vector<16xi32>
    %mul3A_275 = arith.muli %get3A_272, %mul3A_274 : vector<16xi32>
    %get3A_276 = arith.constant 480 : index
    %get3A_277 = tpu.vector_load %arg5[%get3A_276] {strides = array<i32>} : memref<3200xi32, #tpu.memory_space<vmem>>, vector<16xi32>,
    %add3A_278 = arith.addi %mul3A_275, %get3A_277 : vector<16xi32>
    tpu.vector_store_idx %arg7[%add3A_278], %broadcast_in_dim3A_6 {add = true} : memref<16384xi32, #tpu.memory_space<vmem>>[vector<16xi32>], vector<16xi32>,
    %get3A_279 = arith.constant 496 : index
    %get3A_280 = tpu.vector_load %arg6[%get3A_279] {strides = array<i32>} : memref<3200xi32, #tpu.memory_space<vmem>>, vector<16xi32>,
    %mul3A_281 = arith.constant 128 : i32
    %mul3A_282 = vector.broadcast %mul3A_281 : i32 to vector<16xi32>
    %mul3A_283 = arith.muli %get3A_280, %mul3A_282 : vector<16xi32>
    %get3A_284 = arith.constant 496 : index
    %get3A_285 = tpu.vector_load %arg5[%get3A_284] {strides = array<i32>} : memref<3200xi32, #tpu.memory_space<vmem>>, vector<16xi32>,
    %add3A_286 = arith.addi %mul3A_283, %get3A_285 : vector<16xi32>
    tpu.vector_store_idx %arg7[%add3A_286], %broadcast_in_dim3A_6 {add = true} : memref<16384xi32, #tpu.memory_space<vmem>>[vector<16xi32>], vector<16xi32>,
    %get3A_287 = arith.constant 512 : index
    %get3A_288 = tpu.vector_load %arg6[%get3A_287] {strides = array<i32>} : memref<3200xi32, #tpu.memory_space<vmem>>, vector<16xi32>,
    %mul3A_289 = arith.constant 128 : i32
    %mul3A_290 = vector.broadcast %mul3A_289 : i32 to vector<16xi32>
    %mul3A_291 = arith.muli %get3A_288, %mul3A_290 : vector<16xi32>
    %get3A_292 = arith.constant 512 : index
    %get3A_293 = tpu.vector_load %arg5[%get3A_292] {strides = array<i32>} : memref<3200xi32, #tpu.memory_space<vmem>>, vector<16xi32>,
    %add3A_294 = arith.addi %mul3A_291, %get3A_293 : vector<16xi32>
    tpu.vector_store_idx %arg7[%add3A_294], %broadcast_in_dim3A_6 {add = true} : memref<16384xi32, #tpu.memory_space<vmem>>[vector<16xi32>], vector<16xi32>,
    %get3A_295 = arith.constant 528 : index
    %get3A_296 = tpu.vector_load %arg6[%get3A_295] {strides = array<i32>} : memref<3200xi32, #tpu.memory_space<vmem>>, vector<16xi32>,
    %mul3A_297 = arith.constant 128 : i32
    %mul3A_298 = vector.broadcast %mul3A_297 : i32 to vector<16xi32>
    %mul3A_299 = arith.muli %get3A_296, %mul3A_298 : vector<16xi32>
    %get3A_300 = arith.constant 528 : index
    %get3A_301 = tpu.vector_load %arg5[%get3A_300] {strides = array<i32>} : memref<3200xi32, #tpu.memory_space<vmem>>, vector<16xi32>,
    %add3A_302 = arith.addi %mul3A_299, %get3A_301 : vector<16xi32>
    tpu.vector_store_idx %arg7[%add3A_302], %broadcast_in_dim3A_6 {add = true} : memref<16384xi32, #tpu.memory_space<vmem>>[vector<16xi32>], vector<16xi32>,
    %get3A_303 = arith.constant 544 : index
    %get3A_304 = tpu.vector_load %arg6[%get3A_303] {strides = array<i32>} : memref<3200xi32, #tpu.memory_space<vmem>>, vector<16xi32>,
    %mul3A_305 = arith.constant 128 : i32
    %mul3A_306 = vector.broadcast %mul3A_305 : i32 to vector<16xi32>
    %mul3A_307 = arith.muli %get3A_304, %mul3A_306 : vector<16xi32>
    %get3A_308 = arith.constant 544 : index
    %get3A_309 = tpu.vector_load %arg5[%get3A_308] {strides = array<i32>} : memref<3200xi32, #tpu.memory_space<vmem>>, vector<16xi32>,
    %add3A_310 = arith.addi %mul3A_307, %get3A_309 : vector<16xi32>
    tpu.vector_store_idx %arg7[%add3A_310], %broadcast_in_dim3A_6 {add = true} : memref<16384xi32, #tpu.memory_space<vmem>>[vector<16xi32>], vector<16xi32>,
    %get3A_311 = arith.constant 560 : index
    %get3A_312 = tpu.vector_load %arg6[%get3A_311] {strides = array<i32>} : memref<3200xi32, #tpu.memory_space<vmem>>, vector<16xi32>,
    %mul3A_313 = arith.constant 128 : i32
    %mul3A_314 = vector.broadcast %mul3A_313 : i32 to vector<16xi32>
    %mul3A_315 = arith.muli %get3A_312, %mul3A_314 : vector<16xi32>
    %get3A_316 = arith.constant 560 : index
    %get3A_317 = tpu.vector_load %arg5[%get3A_316] {strides = array<i32>} : memref<3200xi32, #tpu.memory_space<vmem>>, vector<16xi32>,
    %add3A_318 = arith.addi %mul3A_315, %get3A_317 : vector<16xi32>
    tpu.vector_store_idx %arg7[%add3A_318], %broadcast_in_dim3A_6 {add = true} : memref<16384xi32, #tpu.memory_space<vmem>>[vector<16xi32>], vector<16xi32>,
    %get3A_319 = arith.constant 576 : index
    %get3A_320 = tpu.vector_load %arg6[%get3A_319] {strides = array<i32>} : memref<3200xi32, #tpu.memory_space<vmem>>, vector<16xi32>,
    %mul3A_321 = arith.constant 128 : i32
    %mul3A_322 = vector.broadcast %mul3A_321 : i32 to vector<16xi32>
    %mul3A_323 = arith.muli %get3A_320, %mul3A_322 : vector<16xi32>
    %get3A_324 = arith.constant 576 : index
    %get3A_325 = tpu.vector_load %arg5[%get3A_324] {strides = array<i32>} : memref<3200xi32, #tpu.memory_space<vmem>>, vector<16xi32>,
    %add3A_326 = arith.addi %mul3A_323, %get3A_325 : vector<16xi32>
    tpu.vector_store_idx %arg7[%add3A_326], %broadcast_in_dim3A_6 {add = true} : memref<16384xi32, #tpu.memory_space<vmem>>[vector<16xi32>], vector<16xi32>,
    %get3A_327 = arith.constant 592 : index
    %get3A_328 = tpu.vector_load %arg6[%get3A_327] {strides = array<i32>} : memref<3200xi32, #tpu.memory_space<vmem>>, vector<16xi32>,
    %mul3A_329 = arith.constant 128 : i32
    %mul3A_330 = vector.broadcast %mul3A_329 : i32 to vector<16xi32>
    %mul3A_331 = arith.muli %get3A_328, %mul3A_330 : vector<16xi32>
    %get3A_332 = arith.constant 592 : index
    %get3A_333 = tpu.vector_load %arg5[%get3A_332] {strides = array<i32>} : memref<3200xi32, #tpu.memory_space<vmem>>, vector<16xi32>,
    %add3A_334 = arith.addi %mul3A_331, %get3A_333 : vector<16xi32>
    tpu.vector_store_idx %arg7[%add3A_334], %broadcast_in_dim3A_6 {add = true} : memref<16384xi32, #tpu.memory_space<vmem>>[vector<16xi32>], vector<16xi32>,
    %get3A_335 = arith.constant 608 : index
    %get3A_336 = tpu.vector_load %arg6[%get3A_335] {strides = array<i32>} : memref<3200xi32, #tpu.memory_space<vmem>>, vector<16xi32>,
    %mul3A_337 = arith.constant 128 : i32
    %mul3A_338 = vector.broadcast %mul3A_337 : i32 to vector<16xi32>
    %mul3A_339 = arith.muli %get3A_336, %mul3A_338 : vector<16xi32>
    %get3A_340 = arith.constant 608 : index
    %get3A_341 = tpu.vector_load %arg5[%get3A_340] {strides = array<i32>} : memref<3200xi32, #tpu.memory_space<vmem>>, vector<16xi32>,
    %add3A_342 = arith.addi %mul3A_339, %get3A_341 : vector<16xi32>
    tpu.vector_store_idx %arg7[%add3A_342], %broadcast_in_dim3A_6 {add = true} : memref<16384xi32, #tpu.memory_space<vmem>>[vector<16xi32>], vector<16xi32>,
    %get3A_343 = arith.constant 624 : index
    %get3A_344 = tpu.vector_load %arg6[%get3A_343] {strides = array<i32>} : memref<3200xi32, #tpu.memory_space<vmem>>, vector<16xi32>,
    %mul3A_345 = arith.constant 128 : i32
    %mul3A_346 = vector.broadcast %mul3A_345 : i32 to vector<16xi32>
    %mul3A_347 = arith.muli %get3A_344, %mul3A_346 : vector<16xi32>
    %get3A_348 = arith.constant 624 : index
    %get3A_349 = tpu.vector_load %arg5[%get3A_348] {strides = array<i32>} : memref<3200xi32, #tpu.memory_space<vmem>>, vector<16xi32>,
    %add3A_350 = arith.addi %mul3A_347, %get3A_349 : vector<16xi32>
    tpu.vector_store_idx %arg7[%add3A_350], %broadcast_in_dim3A_6 {add = true} : memref<16384xi32, #tpu.memory_space<vmem>>[vector<16xi32>], vector<16xi32>,
    %get3A_351 = arith.constant 640 : index
    %get3A_352 = tpu.vector_load %arg6[%get3A_351] {strides = array<i32>} : memref<3200xi32, #tpu.memory_space<vmem>>, vector<16xi32>,
    %mul3A_353 = arith.constant 128 : i32
    %mul3A_354 = vector.broadcast %mul3A_353 : i32 to vector<16xi32>
    %mul3A_355 = arith.muli %get3A_352, %mul3A_354 : vector<16xi32>
    %get3A_356 = arith.constant 640 : index
    %get3A_357 = tpu.vector_load %arg5[%get3A_356] {strides = array<i32>} : memref<3200xi32, #tpu.memory_space<vmem>>, vector<16xi32>,
    %add3A_358 = arith.addi %mul3A_355, %get3A_357 : vector<16xi32>
    tpu.vector_store_idx %arg7[%add3A_358], %broadcast_in_dim3A_6 {add = true} : memref<16384xi32, #tpu.memory_space<vmem>>[vector<16xi32>], vector<16xi32>,
    %get3A_359 = arith.constant 656 : index
    %get3A_360 = tpu.vector_load %arg6[%get3A_359] {strides = array<i32>} : memref<3200xi32, #tpu.memory_space<vmem>>, vector<16xi32>,
    %mul3A_361 = arith.constant 128 : i32
    %mul3A_362 = vector.broadcast %mul3A_361 : i32 to vector<16xi32>
    %mul3A_363 = arith.muli %get3A_360, %mul3A_362 : vector<16xi32>
    %get3A_364 = arith.constant 656 : index
    %get3A_365 = tpu.vector_load %arg5[%get3A_364] {strides = array<i32>} : memref<3200xi32, #tpu.memory_space<vmem>>, vector<16xi32>,
    %add3A_366 = arith.addi %mul3A_363, %get3A_365 : vector<16xi32>
    tpu.vector_store_idx %arg7[%add3A_366], %broadcast_in_dim3A_6 {add = true} : memref<16384xi32, #tpu.memory_space<vmem>>[vector<16xi32>], vector<16xi32>,
    %get3A_367 = arith.constant 672 : index
    %get3A_368 = tpu.vector_load %arg6[%get3A_367] {strides = array<i32>} : memref<3200xi32, #tpu.memory_space<vmem>>, vector<16xi32>,
    %mul3A_369 = arith.constant 128 : i32
    %mul3A_370 = vector.broadcast %mul3A_369 : i32 to vector<16xi32>
    %mul3A_371 = arith.muli %get3A_368, %mul3A_370 : vector<16xi32>
    %get3A_372 = arith.constant 672 : index
    %get3A_373 = tpu.vector_load %arg5[%get3A_372] {strides = array<i32>} : memref<3200xi32, #tpu.memory_space<vmem>>, vector<16xi32>,
    %add3A_374 = arith.addi %mul3A_371, %get3A_373 : vector<16xi32>
    tpu.vector_store_idx %arg7[%add3A_374], %broadcast_in_dim3A_6 {add = true} : memref<16384xi32, #tpu.memory_space<vmem>>[vector<16xi32>], vector<16xi32>,
    %get3A_375 = arith.constant 688 : index
    %get3A_376 = tpu.vector_load %arg6[%get3A_375] {strides = array<i32>} : memref<3200xi32, #tpu.memory_space<vmem>>, vector<16xi32>,
    %mul3A_377 = arith.constant 128 : i32
    %mul3A_378 = vector.broadcast %mul3A_377 : i32 to vector<16xi32>
    %mul3A_379 = arith.muli %get3A_376, %mul3A_378 : vector<16xi32>
    %get3A_380 = arith.constant 688 : index
    %get3A_381 = tpu.vector_load %arg5[%get3A_380] {strides = array<i32>} : memref<3200xi32, #tpu.memory_space<vmem>>, vector<16xi32>,
    %add3A_382 = arith.addi %mul3A_379, %get3A_381 : vector<16xi32>
    tpu.vector_store_idx %arg7[%add3A_382], %broadcast_in_dim3A_6 {add = true} : memref<16384xi32, #tpu.memory_space<vmem>>[vector<16xi32>], vector<16xi32>,
    %get3A_383 = arith.constant 704 : index
    %get3A_384 = tpu.vector_load %arg6[%get3A_383] {strides = array<i32>} : memref<3200xi32, #tpu.memory_space<vmem>>, vector<16xi32>,
    %mul3A_385 = arith.constant 128 : i32
    %mul3A_386 = vector.broadcast %mul3A_385 : i32 to vector<16xi32>
    %mul3A_387 = arith.muli %get3A_384, %mul3A_386 : vector<16xi32>
    %get3A_388 = arith.constant 704 : index
    %get3A_389 = tpu.vector_load %arg5[%get3A_388] {strides = array<i32>} : memref<3200xi32, #tpu.memory_space<vmem>>, vector<16xi32>,
    %add3A_390 = arith.addi %mul3A_387, %get3A_389 : vector<16xi32>
    tpu.vector_store_idx %arg7[%add3A_390], %broadcast_in_dim3A_6 {add = true} : memref<16384xi32, #tpu.memory_space<vmem>>[vector<16xi32>], vector<16xi32>,
    %get3A_391 = arith.constant 720 : index
    %get3A_392 = tpu.vector_load %arg6[%get3A_391] {strides = array<i32>} : memref<3200xi32, #tpu.memory_space<vmem>>, vector<16xi32>,
    %mul3A_393 = arith.constant 128 : i32
    %mul3A_394 = vector.broadcast %mul3A_393 : i32 to vector<16xi32>
    %mul3A_395 = arith.muli %get3A_392, %mul3A_394 : vector<16xi32>
    %get3A_396 = arith.constant 720 : index
    %get3A_397 = tpu.vector_load %arg5[%get3A_396] {strides = array<i32>} : memref<3200xi32, #tpu.memory_space<vmem>>, vector<16xi32>,
    %add3A_398 = arith.addi %mul3A_395, %get3A_397 : vector<16xi32>
    tpu.vector_store_idx %arg7[%add3A_398], %broadcast_in_dim3A_6 {add = true} : memref<16384xi32, #tpu.memory_space<vmem>>[vector<16xi32>], vector<16xi32>,
    %get3A_399 = arith.constant 736 : index
    %get3A_400 = tpu.vector_load %arg6[%get3A_399] {strides = array<i32>} : memref<3200xi32, #tpu.memory_space<vmem>>, vector<16xi32>,
    %mul3A_401 = arith.constant 128 : i32
    %mul3A_402 = vector.broadcast %mul3A_401 : i32 to vector<16xi32>
    %mul3A_403 = arith.muli %get3A_400, %mul3A_402 : vector<16xi32>
    %get3A_404 = arith.constant 736 : index
    %get3A_405 = tpu.vector_load %arg5[%get3A_404] {strides = array<i32>} : memref<3200xi32, #tpu.memory_space<vmem>>, vector<16xi32>,
    %add3A_406 = arith.addi %mul3A_403, %get3A_405 : vector<16xi32>
    tpu.vector_store_idx %arg7[%add3A_406], %broadcast_in_dim3A_6 {add = true} : memref<16384xi32, #tpu.memory_space<vmem>>[vector<16xi32>], vector<16xi32>,
    %get3A_407 = arith.constant 752 : index
    %get3A_408 = tpu.vector_load %arg6[%get3A_407] {strides = array<i32>} : memref<3200xi32, #tpu.memory_space<vmem>>, vector<16xi32>,
    %mul3A_409 = arith.constant 128 : i32
    %mul3A_410 = vector.broadcast %mul3A_409 : i32 to vector<16xi32>
    %mul3A_411 = arith.muli %get3A_408, %mul3A_410 : vector<16xi32>
    %get3A_412 = arith.constant 752 : index
    %get3A_413 = tpu.vector_load %arg5[%get3A_412] {strides = array<i32>} : memref<3200xi32, #tpu.memory_space<vmem>>, vector<16xi32>,
    %add3A_414 = arith.addi %mul3A_411, %get3A_413 : vector<16xi32>
    tpu.vector_store_idx %arg7[%add3A_414], %broadcast_in_dim3A_6 {add = true} : memref<16384xi32, #tpu.memory_space<vmem>>[vector<16xi32>], vector<16xi32>,
    %get3A_415 = arith.constant 768 : index
    %get3A_416 = tpu.vector_load %arg6[%get3A_415] {strides = array<i32>} : memref<3200xi32, #tpu.memory_space<vmem>>, vector<16xi32>,
    %mul3A_417 = arith.constant 128 : i32
    %mul3A_418 = vector.broadcast %mul3A_417 : i32 to vector<16xi32>
    %mul3A_419 = arith.muli %get3A_416, %mul3A_418 : vector<16xi32>
    %get3A_420 = arith.constant 768 : index
    %get3A_421 = tpu.vector_load %arg5[%get3A_420] {strides = array<i32>} : memref<3200xi32, #tpu.memory_space<vmem>>, vector<16xi32>,
    %add3A_422 = arith.addi %mul3A_419, %get3A_421 : vector<16xi32>
    tpu.vector_store_idx %arg7[%add3A_422], %broadcast_in_dim3A_6 {add = true} : memref<16384xi32, #tpu.memory_space<vmem>>[vector<16xi32>], vector<16xi32>,
    %get3A_423 = arith.constant 784 : index
    %get3A_424 = tpu.vector_load %arg6[%get3A_423] {strides = array<i32>} : memref<3200xi32, #tpu.memory_space<vmem>>, vector<16xi32>,
    %mul3A_425 = arith.constant 128 : i32
    %mul3A_426 = vector.broadcast %mul3A_425 : i32 to vector<16xi32>
    %mul3A_427 = arith.muli %get3A_424, %mul3A_426 : vector<16xi32>
    %get3A_428 = arith.constant 784 : index
    %get3A_429 = tpu.vector_load %arg5[%get3A_428] {strides = array<i32>} : memref<3200xi32, #tpu.memory_space<vmem>>, vector<16xi32>,
    %add3A_430 = arith.addi %mul3A_427, %get3A_429 : vector<16xi32>
    tpu.vector_store_idx %arg7[%add3A_430], %broadcast_in_dim3A_6 {add = true} : memref<16384xi32, #tpu.memory_space<vmem>>[vector<16xi32>], vector<16xi32>,
    %not3A_431 = arith.constant true
    %not3A_432 = arith.xori %eq3A_3, %not3A_431 : i1
    %convert_element_type3A_433 = arith.extui %not3A_432 : i1 to i32
    %cond3A_434 = arith.constant 0 : i32
    %cond3A_435 = arith.cmpi ne, %convert_element_type3A_433, %cond3A_434 : i32
    scf.if %cond3A_435 {
      %get3A_479 = arith.constant 800 : index
      %get3A_480 = tpu.vector_load %arg6[%get3A_479] {strides = array<i32>} : memref<3200xi32, #tpu.memory_space<vmem>>, vector<16xi32>,
      %mul3A_481 = arith.constant 128 : i32
      %mul3A_482 = vector.broadcast %mul3A_481 : i32 to vector<16xi32>
      %mul3A_483 = arith.muli %get3A_480, %mul3A_482 : vector<16xi32>
      %get3A_484 = arith.constant 800 : index
      %get3A_485 = tpu.vector_load %arg5[%get3A_484] {strides = array<i32>} : memref<3200xi32, #tpu.memory_space<vmem>>, vector<16xi32>,
      %add3A_486 = arith.addi %mul3A_483, %get3A_485 : vector<16xi32>
      tpu.vector_store_idx %arg7[%add3A_486], %broadcast_in_dim3A_6 {add = true} : memref<16384xi32, #tpu.memory_space<vmem>>[vector<16xi32>], vector<16xi32>,
      %get3A_487 = arith.constant 816 : index
      %get3A_488 = tpu.vector_load %arg6[%get3A_487] {strides = array<i32>} : memref<3200xi32, #tpu.memory_space<vmem>>, vector<16xi32>,
      %mul3A_489 = arith.constant 128 : i32
      %mul3A_490 = vector.broadcast %mul3A_489 : i32 to vector<16xi32>
      %mul3A_491 = arith.muli %get3A_488, %mul3A_490 : vector<16xi32>
      %get3A_492 = arith.constant 816 : index
      %get3A_493 = tpu.vector_load %arg5[%get3A_492] {strides = array<i32>} : memref<3200xi32, #tpu.memory_space<vmem>>, vector<16xi32>,
      %add3A_494 = arith.addi %mul3A_491, %get3A_493 : vector<16xi32>
      tpu.vector_store_idx %arg7[%add3A_494], %broadcast_in_dim3A_6 {add = true} : memref<16384xi32, #tpu.memory_space<vmem>>[vector<16xi32>], vector<16xi32>,
      %get3A_495 = arith.constant 832 : index
      %get3A_496 = tpu.vector_load %arg6[%get3A_495] {strides = array<i32>} : memref<3200xi32, #tpu.memory_space<vmem>>, vector<16xi32>,
      %mul3A_497 = arith.constant 128 : i32
      %mul3A_498 = vector.broadcast %mul3A_497 : i32 to vector<16xi32>
      %mul3A_499 = arith.muli %get3A_496, %mul3A_498 : vector<16xi32>
      %get3A_500 = arith.constant 832 : index
      %get3A_501 = tpu.vector_load %arg5[%get3A_500] {strides = array<i32>} : memref<3200xi32, #tpu.memory_space<vmem>>, vector<16xi32>,
      %add3A_502 = arith.addi %mul3A_499, %get3A_501 : vector<16xi32>
      tpu.vector_store_idx %arg7[%add3A_502], %broadcast_in_dim3A_6 {add = true} : memref<16384xi32, #tpu.memory_space<vmem>>[vector<16xi32>], vector<16xi32>,
      %get3A_503 = arith.constant 848 : index
      %get3A_504 = tpu.vector_load %arg6[%get3A_503] {strides = array<i32>} : memref<3200xi32, #tpu.memory_space<vmem>>, vector<16xi32>,
      %mul3A_505 = arith.constant 128 : i32
      %mul3A_506 = vector.broadcast %mul3A_505 : i32 to vector<16xi32>
      %mul3A_507 = arith.muli %get3A_504, %mul3A_506 : vector<16xi32>
      %get3A_508 = arith.constant 848 : index
      %get3A_509 = tpu.vector_load %arg5[%get3A_508] {strides = array<i32>} : memref<3200xi32, #tpu.memory_space<vmem>>, vector<16xi32>,
      %add3A_510 = arith.addi %mul3A_507, %get3A_509 : vector<16xi32>
      tpu.vector_store_idx %arg7[%add3A_510], %broadcast_in_dim3A_6 {add = true} : memref<16384xi32, #tpu.memory_space<vmem>>[vector<16xi32>], vector<16xi32>,
      %get3A_511 = arith.constant 864 : index
      %get3A_512 = tpu.vector_load %arg6[%get3A_511] {strides = array<i32>} : memref<3200xi32, #tpu.memory_space<vmem>>, vector<16xi32>,
      %mul3A_513 = arith.constant 128 : i32
      %mul3A_514 = vector.broadcast %mul3A_513 : i32 to vector<16xi32>
      %mul3A_515 = arith.muli %get3A_512, %mul3A_514 : vector<16xi32>
      %get3A_516 = arith.constant 864 : index
      %get3A_517 = tpu.vector_load %arg5[%get3A_516] {strides = array<i32>} : memref<3200xi32, #tpu.memory_space<vmem>>, vector<16xi32>,
      %add3A_518 = arith.addi %mul3A_515, %get3A_517 : vector<16xi32>
      tpu.vector_store_idx %arg7[%add3A_518], %broadcast_in_dim3A_6 {add = true} : memref<16384xi32, #tpu.memory_space<vmem>>[vector<16xi32>], vector<16xi32>,
      %get3A_519 = arith.constant 880 : index
      %get3A_520 = tpu.vector_load %arg6[%get3A_519] {strides = array<i32>} : memref<3200xi32, #tpu.memory_space<vmem>>, vector<16xi32>,
      %mul3A_521 = arith.constant 128 : i32
      %mul3A_522 = vector.broadcast %mul3A_521 : i32 to vector<16xi32>
      %mul3A_523 = arith.muli %get3A_520, %mul3A_522 : vector<16xi32>
      %get3A_524 = arith.constant 880 : index
      %get3A_525 = tpu.vector_load %arg5[%get3A_524] {strides = array<i32>} : memref<3200xi32, #tpu.memory_space<vmem>>, vector<16xi32>,
      %add3A_526 = arith.addi %mul3A_523, %get3A_525 : vector<16xi32>
      tpu.vector_store_idx %arg7[%add3A_526], %broadcast_in_dim3A_6 {add = true} : memref<16384xi32, #tpu.memory_space<vmem>>[vector<16xi32>], vector<16xi32>,
      %get3A_527 = arith.constant 896 : index
      %get3A_528 = tpu.vector_load %arg6[%get3A_527] {strides = array<i32>} : memref<3200xi32, #tpu.memory_space<vmem>>, vector<16xi32>,
      %mul3A_529 = arith.constant 128 : i32
      %mul3A_530 = vector.broadcast %mul3A_529 : i32 to vector<16xi32>
      %mul3A_531 = arith.muli %get3A_528, %mul3A_530 : vector<16xi32>
      %get3A_532 = arith.constant 896 : index
      %get3A_533 = tpu.vector_load %arg5[%get3A_532] {strides = array<i32>} : memref<3200xi32, #tpu.memory_space<vmem>>, vector<16xi32>,
      %add3A_534 = arith.addi %mul3A_531, %get3A_533 : vector<16xi32>
      tpu.vector_store_idx %arg7[%add3A_534], %broadcast_in_dim3A_6 {add = true} : memref<16384xi32, #tpu.memory_space<vmem>>[vector<16xi32>], vector<16xi32>,
      %get3A_535 = arith.constant 912 : index
      %get3A_536 = tpu.vector_load %arg6[%get3A_535] {strides = array<i32>} : memref<3200xi32, #tpu.memory_space<vmem>>, vector<16xi32>,
      %mul3A_537 = arith.constant 128 : i32
      %mul3A_538 = vector.broadcast %mul3A_537 : i32 to vector<16xi32>
      %mul3A_539 = arith.muli %get3A_536, %mul3A_538 : vector<16xi32>
      %get3A_540 = arith.constant 912 : index
      %get3A_541 = tpu.vector_load %arg5[%get3A_540] {strides = array<i32>} : memref<3200xi32, #tpu.memory_space<vmem>>, vector<16xi32>,
      %add3A_542 = arith.addi %mul3A_539, %get3A_541 : vector<16xi32>
      tpu.vector_store_idx %arg7[%add3A_542], %broadcast_in_dim3A_6 {add = true} : memref<16384xi32, #tpu.memory_space<vmem>>[vector<16xi32>], vector<16xi32>,
      %get3A_543 = arith.constant 928 : index
      %get3A_544 = tpu.vector_load %arg6[%get3A_543] {strides = array<i32>} : memref<3200xi32, #tpu.memory_space<vmem>>, vector<16xi32>,
      %mul3A_545 = arith.constant 128 : i32
      %mul3A_546 = vector.broadcast %mul3A_545 : i32 to vector<16xi32>
      %mul3A_547 = arith.muli %get3A_544, %mul3A_546 : vector<16xi32>
      %get3A_548 = arith.constant 928 : index
      %get3A_549 = tpu.vector_load %arg5[%get3A_548] {strides = array<i32>} : memref<3200xi32, #tpu.memory_space<vmem>>, vector<16xi32>,
      %add3A_550 = arith.addi %mul3A_547, %get3A_549 : vector<16xi32>
      tpu.vector_store_idx %arg7[%add3A_550], %broadcast_in_dim3A_6 {add = true} : memref<16384xi32, #tpu.memory_space<vmem>>[vector<16xi32>], vector<16xi32>,
      %get3A_551 = arith.constant 944 : index
      %get3A_552 = tpu.vector_load %arg6[%get3A_551] {strides = array<i32>} : memref<3200xi32, #tpu.memory_space<vmem>>, vector<16xi32>,
      %mul3A_553 = arith.constant 128 : i32
      %mul3A_554 = vector.broadcast %mul3A_553 : i32 to vector<16xi32>
      %mul3A_555 = arith.muli %get3A_552, %mul3A_554 : vector<16xi32>
      %get3A_556 = arith.constant 944 : index
      %get3A_557 = tpu.vector_load %arg5[%get3A_556] {strides = array<i32>} : memref<3200xi32, #tpu.memory_space<vmem>>, vector<16xi32>,
      %add3A_558 = arith.addi %mul3A_555, %get3A_557 : vector<16xi32>
      tpu.vector_store_idx %arg7[%add3A_558], %broadcast_in_dim3A_6 {add = true} : memref<16384xi32, #tpu.memory_space<vmem>>[vector<16xi32>], vector<16xi32>,
      %get3A_559 = arith.constant 960 : index
      %get3A_560 = tpu.vector_load %arg6[%get3A_559] {strides = array<i32>} : memref<3200xi32, #tpu.memory_space<vmem>>, vector<16xi32>,
      %mul3A_561 = arith.constant 128 : i32
      %mul3A_562 = vector.broadcast %mul3A_561 : i32 to vector<16xi32>
      %mul3A_563 = arith.muli %get3A_560, %mul3A_562 : vector<16xi32>
      %get3A_564 = arith.constant 960 : index
      %get3A_565 = tpu.vector_load %arg5[%get3A_564] {strides = array<i32>} : memref<3200xi32, #tpu.memory_space<vmem>>, vector<16xi32>,
      %add3A_566 = arith.addi %mul3A_563, %get3A_565 : vector<16xi32>
      tpu.vector_store_idx %arg7[%add3A_566], %broadcast_in_dim3A_6 {add = true} : memref<16384xi32, #tpu.memory_space<vmem>>[vector<16xi32>], vector<16xi32>,
      %get3A_567 = arith.constant 976 : index
      %get3A_568 = tpu.vector_load %arg6[%get3A_567] {strides = array<i32>} : memref<3200xi32, #tpu.memory_space<vmem>>, vector<16xi32>,
      %mul3A_569 = arith.constant 128 : i32
      %mul3A_570 = vector.broadcast %mul3A_569 : i32 to vector<16xi32>
      %mul3A_571 = arith.muli %get3A_568, %mul3A_570 : vector<16xi32>
      %get3A_572 = arith.constant 976 : index
      %get3A_573 = tpu.vector_load %arg5[%get3A_572] {strides = array<i32>} : memref<3200xi32, #tpu.memory_space<vmem>>, vector<16xi32>,
      %add3A_574 = arith.addi %mul3A_571, %get3A_573 : vector<16xi32>
      tpu.vector_store_idx %arg7[%add3A_574], %broadcast_in_dim3A_6 {add = true} : memref<16384xi32, #tpu.memory_space<vmem>>[vector<16xi32>], vector<16xi32>,
      %get3A_575 = arith.constant 992 : index
      %get3A_576 = tpu.vector_load %arg6[%get3A_575] {strides = array<i32>} : memref<3200xi32, #tpu.memory_space<vmem>>, vector<16xi32>,
      %mul3A_577 = arith.constant 128 : i32
      %mul3A_578 = vector.broadcast %mul3A_577 : i32 to vector<16xi32>
      %mul3A_579 = arith.muli %get3A_576, %mul3A_578 : vector<16xi32>
      %get3A_580 = arith.constant 992 : index
      %get3A_581 = tpu.vector_load %arg5[%get3A_580] {strides = array<i32>} : memref<3200xi32, #tpu.memory_space<vmem>>, vector<16xi32>,
      %add3A_582 = arith.addi %mul3A_579, %get3A_581 : vector<16xi32>
      tpu.vector_store_idx %arg7[%add3A_582], %broadcast_in_dim3A_6 {add = true} : memref<16384xi32, #tpu.memory_space<vmem>>[vector<16xi32>], vector<16xi32>,
      %get3A_583 = arith.constant 1008 : index
      %get3A_584 = tpu.vector_load %arg6[%get3A_583] {strides = array<i32>} : memref<3200xi32, #tpu.memory_space<vmem>>, vector<16xi32>,
      %mul3A_585 = arith.constant 128 : i32
      %mul3A_586 = vector.broadcast %mul3A_585 : i32 to vector<16xi32>
      %mul3A_587 = arith.muli %get3A_584, %mul3A_586 : vector<16xi32>
      %get3A_588 = arith.constant 1008 : index
      %get3A_589 = tpu.vector_load %arg5[%get3A_588] {strides = array<i32>} : memref<3200xi32, #tpu.memory_space<vmem>>, vector<16xi32>,
      %add3A_590 = arith.addi %mul3A_587, %get3A_589 : vector<16xi32>
      tpu.vector_store_idx %arg7[%add3A_590], %broadcast_in_dim3A_6 {add = true} : memref<16384xi32, #tpu.memory_space<vmem>>[vector<16xi32>], vector<16xi32>,
      %get3A_591 = arith.constant 1024 : index
      %get3A_592 = tpu.vector_load %arg6[%get3A_591] {strides = array<i32>} : memref<3200xi32, #tpu.memory_space<vmem>>, vector<16xi32>,
      %mul3A_593 = arith.constant 128 : i32
      %mul3A_594 = vector.broadcast %mul3A_593 : i32 to vector<16xi32>
      %mul3A_595 = arith.muli %get3A_592, %mul3A_594 : vector<16xi32>
      %get3A_596 = arith.constant 1024 : index
      %get3A_597 = tpu.vector_load %arg5[%get3A_596] {strides = array<i32>} : memref<3200xi32, #tpu.memory_space<vmem>>, vector<16xi32>,
      %add3A_598 = arith.addi %mul3A_595, %get3A_597 : vector<16xi32>
      tpu.vector_store_idx %arg7[%add3A_598], %broadcast_in_dim3A_6 {add = true} : memref<16384xi32, #tpu.memory_space<vmem>>[vector<16xi32>], vector<16xi32>,
      %get3A_599 = arith.constant 1040 : index
      %get3A_600 = tpu.vector_load %arg6[%get3A_599] {strides = array<i32>} : memref<3200xi32, #tpu.memory_space<vmem>>, vector<16xi32>,
      %mul3A_601 = arith.constant 128 : i32
      %mul3A_602 = vector.broadcast %mul3A_601 : i32 to vector<16xi32>
      %mul3A_603 = arith.muli %get3A_600, %mul3A_602 : vector<16xi32>
      %get3A_604 = arith.constant 1040 : index
      %get3A_605 = tpu.vector_load %arg5[%get3A_604] {strides = array<i32>} : memref<3200xi32, #tpu.memory_space<vmem>>, vector<16xi32>,
      %add3A_606 = arith.addi %mul3A_603, %get3A_605 : vector<16xi32>
      tpu.vector_store_idx %arg7[%add3A_606], %broadcast_in_dim3A_6 {add = true} : memref<16384xi32, #tpu.memory_space<vmem>>[vector<16xi32>], vector<16xi32>,
      %get3A_607 = arith.constant 1056 : index
      %get3A_608 = tpu.vector_load %arg6[%get3A_607] {strides = array<i32>} : memref<3200xi32, #tpu.memory_space<vmem>>, vector<16xi32>,
      %mul3A_609 = arith.constant 128 : i32
      %mul3A_610 = vector.broadcast %mul3A_609 : i32 to vector<16xi32>
      %mul3A_611 = arith.muli %get3A_608, %mul3A_610 : vector<16xi32>
      %get3A_612 = arith.constant 1056 : index
      %get3A_613 = tpu.vector_load %arg5[%get3A_612] {strides = array<i32>} : memref<3200xi32, #tpu.memory_space<vmem>>, vector<16xi32>,
      %add3A_614 = arith.addi %mul3A_611, %get3A_613 : vector<16xi32>
      tpu.vector_store_idx %arg7[%add3A_614], %broadcast_in_dim3A_6 {add = true} : memref<16384xi32, #tpu.memory_space<vmem>>[vector<16xi32>], vector<16xi32>,
      %get3A_615 = arith.constant 1072 : index
      %get3A_616 = tpu.vector_load %arg6[%get3A_615] {strides = array<i32>} : memref<3200xi32, #tpu.memory_space<vmem>>, vector<16xi32>,
      %mul3A_617 = arith.constant 128 : i32
      %mul3A_618 = vector.broadcast %mul3A_617 : i32 to vector<16xi32>
      %mul3A_619 = arith.muli %get3A_616, %mul3A_618 : vector<16xi32>
      %get3A_620 = arith.constant 1072 : index
      %get3A_621 = tpu.vector_load %arg5[%get3A_620] {strides = array<i32>} : memref<3200xi32, #tpu.memory_space<vmem>>, vector<16xi32>,
      %add3A_622 = arith.addi %mul3A_619, %get3A_621 : vector<16xi32>
      tpu.vector_store_idx %arg7[%add3A_622], %broadcast_in_dim3A_6 {add = true} : memref<16384xi32, #tpu.memory_space<vmem>>[vector<16xi32>], vector<16xi32>,
      %get3A_623 = arith.constant 1088 : index
      %get3A_624 = tpu.vector_load %arg6[%get3A_623] {strides = array<i32>} : memref<3200xi32, #tpu.memory_space<vmem>>, vector<16xi32>,
      %mul3A_625 = arith.constant 128 : i32
      %mul3A_626 = vector.broadcast %mul3A_625 : i32 to vector<16xi32>
      %mul3A_627 = arith.muli %get3A_624, %mul3A_626 : vector<16xi32>
      %get3A_628 = arith.constant 1088 : index
      %get3A_629 = tpu.vector_load %arg5[%get3A_628] {strides = array<i32>} : memref<3200xi32, #tpu.memory_space<vmem>>, vector<16xi32>,
      %add3A_630 = arith.addi %mul3A_627, %get3A_629 : vector<16xi32>
      tpu.vector_store_idx %arg7[%add3A_630], %broadcast_in_dim3A_6 {add = true} : memref<16384xi32, #tpu.memory_space<vmem>>[vector<16xi32>], vector<16xi32>,
      %get3A_631 = arith.constant 1104 : index
      %get3A_632 = tpu.vector_load %arg6[%get3A_631] {strides = array<i32>} : memref<3200xi32, #tpu.memory_space<vmem>>, vector<16xi32>,
      %mul3A_633 = arith.constant 128 : i32
      %mul3A_634 = vector.broadcast %mul3A_633 : i32 to vector<16xi32>
      %mul3A_635 = arith.muli %get3A_632, %mul3A_634 : vector<16xi32>
      %get3A_636 = arith.constant 1104 : index
      %get3A_637 = tpu.vector_load %arg5[%get3A_636] {strides = array<i32>} : memref<3200xi32, #tpu.memory_space<vmem>>, vector<16xi32>,
      %add3A_638 = arith.addi %mul3A_635, %get3A_637 : vector<16xi32>
      tpu.vector_store_idx %arg7[%add3A_638], %broadcast_in_dim3A_6 {add = true} : memref<16384xi32, #tpu.memory_space<vmem>>[vector<16xi32>], vector<16xi32>,
      %get3A_639 = arith.constant 1120 : index
      %get3A_640 = tpu.vector_load %arg6[%get3A_639] {strides = array<i32>} : memref<3200xi32, #tpu.memory_space<vmem>>, vector<16xi32>,
      %mul3A_641 = arith.constant 128 : i32
      %mul3A_642 = vector.broadcast %mul3A_641 : i32 to vector<16xi32>
      %mul3A_643 = arith.muli %get3A_640, %mul3A_642 : vector<16xi32>
      %get3A_644 = arith.constant 1120 : index
      %get3A_645 = tpu.vector_load %arg5[%get3A_644] {strides = array<i32>} : memref<3200xi32, #tpu.memory_space<vmem>>, vector<16xi32>,
      %add3A_646 = arith.addi %mul3A_643, %get3A_645 : vector<16xi32>
      tpu.vector_store_idx %arg7[%add3A_646], %broadcast_in_dim3A_6 {add = true} : memref<16384xi32, #tpu.memory_space<vmem>>[vector<16xi32>], vector<16xi32>,
      %get3A_647 = arith.constant 1136 : index
      %get3A_648 = tpu.vector_load %arg6[%get3A_647] {strides = array<i32>} : memref<3200xi32, #tpu.memory_space<vmem>>, vector<16xi32>,
      %mul3A_649 = arith.constant 128 : i32
      %mul3A_650 = vector.broadcast %mul3A_649 : i32 to vector<16xi32>
      %mul3A_651 = arith.muli %get3A_648, %mul3A_650 : vector<16xi32>
      %get3A_652 = arith.constant 1136 : index
      %get3A_653 = tpu.vector_load %arg5[%get3A_652] {strides = array<i32>} : memref<3200xi32, #tpu.memory_space<vmem>>, vector<16xi32>,
      %add3A_654 = arith.addi %mul3A_651, %get3A_653 : vector<16xi32>
      tpu.vector_store_idx %arg7[%add3A_654], %broadcast_in_dim3A_6 {add = true} : memref<16384xi32, #tpu.memory_space<vmem>>[vector<16xi32>], vector<16xi32>,
      %get3A_655 = arith.constant 1152 : index
      %get3A_656 = tpu.vector_load %arg6[%get3A_655] {strides = array<i32>} : memref<3200xi32, #tpu.memory_space<vmem>>, vector<16xi32>,
      %mul3A_657 = arith.constant 128 : i32
      %mul3A_658 = vector.broadcast %mul3A_657 : i32 to vector<16xi32>
      %mul3A_659 = arith.muli %get3A_656, %mul3A_658 : vector<16xi32>
      %get3A_660 = arith.constant 1152 : index
      %get3A_661 = tpu.vector_load %arg5[%get3A_660] {strides = array<i32>} : memref<3200xi32, #tpu.memory_space<vmem>>, vector<16xi32>,
      %add3A_662 = arith.addi %mul3A_659, %get3A_661 : vector<16xi32>
      tpu.vector_store_idx %arg7[%add3A_662], %broadcast_in_dim3A_6 {add = true} : memref<16384xi32, #tpu.memory_space<vmem>>[vector<16xi32>], vector<16xi32>,
      %get3A_663 = arith.constant 1168 : index
      %get3A_664 = tpu.vector_load %arg6[%get3A_663] {strides = array<i32>} : memref<3200xi32, #tpu.memory_space<vmem>>, vector<16xi32>,
      %mul3A_665 = arith.constant 128 : i32
      %mul3A_666 = vector.broadcast %mul3A_665 : i32 to vector<16xi32>
      %mul3A_667 = arith.muli %get3A_664, %mul3A_666 : vector<16xi32>
      %get3A_668 = arith.constant 1168 : index
      %get3A_669 = tpu.vector_load %arg5[%get3A_668] {strides = array<i32>} : memref<3200xi32, #tpu.memory_space<vmem>>, vector<16xi32>,
      %add3A_670 = arith.addi %mul3A_667, %get3A_669 : vector<16xi32>
      tpu.vector_store_idx %arg7[%add3A_670], %broadcast_in_dim3A_6 {add = true} : memref<16384xi32, #tpu.memory_space<vmem>>[vector<16xi32>], vector<16xi32>,
      %get3A_671 = arith.constant 1184 : index
      %get3A_672 = tpu.vector_load %arg6[%get3A_671] {strides = array<i32>} : memref<3200xi32, #tpu.memory_space<vmem>>, vector<16xi32>,
      %mul3A_673 = arith.constant 128 : i32
      %mul3A_674 = vector.broadcast %mul3A_673 : i32 to vector<16xi32>
      %mul3A_675 = arith.muli %get3A_672, %mul3A_674 : vector<16xi32>
      %get3A_676 = arith.constant 1184 : index
      %get3A_677 = tpu.vector_load %arg5[%get3A_676] {strides = array<i32>} : memref<3200xi32, #tpu.memory_space<vmem>>, vector<16xi32>,
      %add3A_678 = arith.addi %mul3A_675, %get3A_677 : vector<16xi32>
      tpu.vector_store_idx %arg7[%add3A_678], %broadcast_in_dim3A_6 {add = true} : memref<16384xi32, #tpu.memory_space<vmem>>[vector<16xi32>], vector<16xi32>,
      %get3A_679 = arith.constant 1200 : index
      %get3A_680 = tpu.vector_load %arg6[%get3A_679] {strides = array<i32>} : memref<3200xi32, #tpu.memory_space<vmem>>, vector<16xi32>,
      %mul3A_681 = arith.constant 128 : i32
      %mul3A_682 = vector.broadcast %mul3A_681 : i32 to vector<16xi32>
      %mul3A_683 = arith.muli %get3A_680, %mul3A_682 : vector<16xi32>
      %get3A_684 = arith.constant 1200 : index
      %get3A_685 = tpu.vector_load %arg5[%get3A_684] {strides = array<i32>} : memref<3200xi32, #tpu.memory_space<vmem>>, vector<16xi32>,
      %add3A_686 = arith.addi %mul3A_683, %get3A_685 : vector<16xi32>
      tpu.vector_store_idx %arg7[%add3A_686], %broadcast_in_dim3A_6 {add = true} : memref<16384xi32, #tpu.memory_space<vmem>>[vector<16xi32>], vector<16xi32>,
      %get3A_687 = arith.constant 1216 : index
      %get3A_688 = tpu.vector_load %arg6[%get3A_687] {strides = array<i32>} : memref<3200xi32, #tpu.memory_space<vmem>>, vector<16xi32>,
      %mul3A_689 = arith.constant 128 : i32
      %mul3A_690 = vector.broadcast %mul3A_689 : i32 to vector<16xi32>
      %mul3A_691 = arith.muli %get3A_688, %mul3A_690 : vector<16xi32>
      %get3A_692 = arith.constant 1216 : index
      %get3A_693 = tpu.vector_load %arg5[%get3A_692] {strides = array<i32>} : memref<3200xi32, #tpu.memory_space<vmem>>, vector<16xi32>,
      %add3A_694 = arith.addi %mul3A_691, %get3A_693 : vector<16xi32>
      tpu.vector_store_idx %arg7[%add3A_694], %broadcast_in_dim3A_6 {add = true} : memref<16384xi32, #tpu.memory_space<vmem>>[vector<16xi32>], vector<16xi32>,
      %get3A_695 = arith.constant 1232 : index
      %get3A_696 = tpu.vector_load %arg6[%get3A_695] {strides = array<i32>} : memref<3200xi32, #tpu.memory_space<vmem>>, vector<16xi32>,
      %mul3A_697 = arith.constant 128 : i32
      %mul3A_698 = vector.broadcast %mul3A_697 : i32 to vector<16xi32>
      %mul3A_699 = arith.muli %get3A_696, %mul3A_698 : vector<16xi32>
      %get3A_700 = arith.constant 1232 : index
      %get3A_701 = tpu.vector_load %arg5[%get3A_700] {strides = array<i32>} : memref<3200xi32, #tpu.memory_space<vmem>>, vector<16xi32>,
      %add3A_702 = arith.addi %mul3A_699, %get3A_701 : vector<16xi32>
      tpu.vector_store_idx %arg7[%add3A_702], %broadcast_in_dim3A_6 {add = true} : memref<16384xi32, #tpu.memory_space<vmem>>[vector<16xi32>], vector<16xi32>,
      %get3A_703 = arith.constant 1248 : index
      %get3A_704 = tpu.vector_load %arg6[%get3A_703] {strides = array<i32>} : memref<3200xi32, #tpu.memory_space<vmem>>, vector<16xi32>,
      %mul3A_705 = arith.constant 128 : i32
      %mul3A_706 = vector.broadcast %mul3A_705 : i32 to vector<16xi32>
      %mul3A_707 = arith.muli %get3A_704, %mul3A_706 : vector<16xi32>
      %get3A_708 = arith.constant 1248 : index
      %get3A_709 = tpu.vector_load %arg5[%get3A_708] {strides = array<i32>} : memref<3200xi32, #tpu.memory_space<vmem>>, vector<16xi32>,
      %add3A_710 = arith.addi %mul3A_707, %get3A_709 : vector<16xi32>
      tpu.vector_store_idx %arg7[%add3A_710], %broadcast_in_dim3A_6 {add = true} : memref<16384xi32, #tpu.memory_space<vmem>>[vector<16xi32>], vector<16xi32>,
      %get3A_711 = arith.constant 1264 : index
      %get3A_712 = tpu.vector_load %arg6[%get3A_711] {strides = array<i32>} : memref<3200xi32, #tpu.memory_space<vmem>>, vector<16xi32>,
      %mul3A_713 = arith.constant 128 : i32
      %mul3A_714 = vector.broadcast %mul3A_713 : i32 to vector<16xi32>
      %mul3A_715 = arith.muli %get3A_712, %mul3A_714 : vector<16xi32>
      %get3A_716 = arith.constant 1264 : index
      %get3A_717 = tpu.vector_load %arg5[%get3A_716] {strides = array<i32>} : memref<3200xi32, #tpu.memory_space<vmem>>, vector<16xi32>,
      %add3A_718 = arith.addi %mul3A_715, %get3A_717 : vector<16xi32>
      tpu.vector_store_idx %arg7[%add3A_718], %broadcast_in_dim3A_6 {add = true} : memref<16384xi32, #tpu.memory_space<vmem>>[vector<16xi32>], vector<16xi32>,
      %get3A_719 = arith.constant 1280 : index
      %get3A_720 = tpu.vector_load %arg6[%get3A_719] {strides = array<i32>} : memref<3200xi32, #tpu.memory_space<vmem>>, vector<16xi32>,
      %mul3A_721 = arith.constant 128 : i32
      %mul3A_722 = vector.broadcast %mul3A_721 : i32 to vector<16xi32>
      %mul3A_723 = arith.muli %get3A_720, %mul3A_722 : vector<16xi32>
      %get3A_724 = arith.constant 1280 : index
      %get3A_725 = tpu.vector_load %arg5[%get3A_724] {strides = array<i32>} : memref<3200xi32, #tpu.memory_space<vmem>>, vector<16xi32>,
      %add3A_726 = arith.addi %mul3A_723, %get3A_725 : vector<16xi32>
      tpu.vector_store_idx %arg7[%add3A_726], %broadcast_in_dim3A_6 {add = true} : memref<16384xi32, #tpu.memory_space<vmem>>[vector<16xi32>], vector<16xi32>,
      %get3A_727 = arith.constant 1296 : index
      %get3A_728 = tpu.vector_load %arg6[%get3A_727] {strides = array<i32>} : memref<3200xi32, #tpu.memory_space<vmem>>, vector<16xi32>,
      %mul3A_729 = arith.constant 128 : i32
      %mul3A_730 = vector.broadcast %mul3A_729 : i32 to vector<16xi32>
      %mul3A_731 = arith.muli %get3A_728, %mul3A_730 : vector<16xi32>
      %get3A_732 = arith.constant 1296 : index
      %get3A_733 = tpu.vector_load %arg5[%get3A_732] {strides = array<i32>} : memref<3200xi32, #tpu.memory_space<vmem>>, vector<16xi32>,
      %add3A_734 = arith.addi %mul3A_731, %get3A_733 : vector<16xi32>
      tpu.vector_store_idx %arg7[%add3A_734], %broadcast_in_dim3A_6 {add = true} : memref<16384xi32, #tpu.memory_space<vmem>>[vector<16xi32>], vector<16xi32>,
      %get3A_735 = arith.constant 1312 : index
      %get3A_736 = tpu.vector_load %arg6[%get3A_735] {strides = array<i32>} : memref<3200xi32, #tpu.memory_space<vmem>>, vector<16xi32>,
      %mul3A_737 = arith.constant 128 : i32
      %mul3A_738 = vector.broadcast %mul3A_737 : i32 to vector<16xi32>
      %mul3A_739 = arith.muli %get3A_736, %mul3A_738 : vector<16xi32>
      %get3A_740 = arith.constant 1312 : index
      %get3A_741 = tpu.vector_load %arg5[%get3A_740] {strides = array<i32>} : memref<3200xi32, #tpu.memory_space<vmem>>, vector<16xi32>,
      %add3A_742 = arith.addi %mul3A_739, %get3A_741 : vector<16xi32>
      tpu.vector_store_idx %arg7[%add3A_742], %broadcast_in_dim3A_6 {add = true} : memref<16384xi32, #tpu.memory_space<vmem>>[vector<16xi32>], vector<16xi32>,
      %get3A_743 = arith.constant 1328 : index
      %get3A_744 = tpu.vector_load %arg6[%get3A_743] {strides = array<i32>} : memref<3200xi32, #tpu.memory_space<vmem>>, vector<16xi32>,
      %mul3A_745 = arith.constant 128 : i32
      %mul3A_746 = vector.broadcast %mul3A_745 : i32 to vector<16xi32>
      %mul3A_747 = arith.muli %get3A_744, %mul3A_746 : vector<16xi32>
      %get3A_748 = arith.constant 1328 : index
      %get3A_749 = tpu.vector_load %arg5[%get3A_748] {strides = array<i32>} : memref<3200xi32, #tpu.memory_space<vmem>>, vector<16xi32>,
      %add3A_750 = arith.addi %mul3A_747, %get3A_749 : vector<16xi32>
      tpu.vector_store_idx %arg7[%add3A_750], %broadcast_in_dim3A_6 {add = true} : memref<16384xi32, #tpu.memory_space<vmem>>[vector<16xi32>], vector<16xi32>,
      %get3A_751 = arith.constant 1344 : index
      %get3A_752 = tpu.vector_load %arg6[%get3A_751] {strides = array<i32>} : memref<3200xi32, #tpu.memory_space<vmem>>, vector<16xi32>,
      %mul3A_753 = arith.constant 128 : i32
      %mul3A_754 = vector.broadcast %mul3A_753 : i32 to vector<16xi32>
      %mul3A_755 = arith.muli %get3A_752, %mul3A_754 : vector<16xi32>
      %get3A_756 = arith.constant 1344 : index
      %get3A_757 = tpu.vector_load %arg5[%get3A_756] {strides = array<i32>} : memref<3200xi32, #tpu.memory_space<vmem>>, vector<16xi32>,
      %add3A_758 = arith.addi %mul3A_755, %get3A_757 : vector<16xi32>
      tpu.vector_store_idx %arg7[%add3A_758], %broadcast_in_dim3A_6 {add = true} : memref<16384xi32, #tpu.memory_space<vmem>>[vector<16xi32>], vector<16xi32>,
      %get3A_759 = arith.constant 1360 : index
      %get3A_760 = tpu.vector_load %arg6[%get3A_759] {strides = array<i32>} : memref<3200xi32, #tpu.memory_space<vmem>>, vector<16xi32>,
      %mul3A_761 = arith.constant 128 : i32
      %mul3A_762 = vector.broadcast %mul3A_761 : i32 to vector<16xi32>
      %mul3A_763 = arith.muli %get3A_760, %mul3A_762 : vector<16xi32>
      %get3A_764 = arith.constant 1360 : index
      %get3A_765 = tpu.vector_load %arg5[%get3A_764] {strides = array<i32>} : memref<3200xi32, #tpu.memory_space<vmem>>, vector<16xi32>,
      %add3A_766 = arith.addi %mul3A_763, %get3A_765 : vector<16xi32>
      tpu.vector_store_idx %arg7[%add3A_766], %broadcast_in_dim3A_6 {add = true} : memref<16384xi32, #tpu.memory_space<vmem>>[vector<16xi32>], vector<16xi32>,
      %get3A_767 = arith.constant 1376 : index
      %get3A_768 = tpu.vector_load %arg6[%get3A_767] {strides = array<i32>} : memref<3200xi32, #tpu.memory_space<vmem>>, vector<16xi32>,
      %mul3A_769 = arith.constant 128 : i32
      %mul3A_770 = vector.broadcast %mul3A_769 : i32 to vector<16xi32>
      %mul3A_771 = arith.muli %get3A_768, %mul3A_770 : vector<16xi32>
      %get3A_772 = arith.constant 1376 : index
      %get3A_773 = tpu.vector_load %arg5[%get3A_772] {strides = array<i32>} : memref<3200xi32, #tpu.memory_space<vmem>>, vector<16xi32>,
      %add3A_774 = arith.addi %mul3A_771, %get3A_773 : vector<16xi32>
      tpu.vector_store_idx %arg7[%add3A_774], %broadcast_in_dim3A_6 {add = true} : memref<16384xi32, #tpu.memory_space<vmem>>[vector<16xi32>], vector<16xi32>,
      %get3A_775 = arith.constant 1392 : index
      %get3A_776 = tpu.vector_load %arg6[%get3A_775] {strides = array<i32>} : memref<3200xi32, #tpu.memory_space<vmem>>, vector<16xi32>,
      %mul3A_777 = arith.constant 128 : i32
      %mul3A_778 = vector.broadcast %mul3A_777 : i32 to vector<16xi32>
      %mul3A_779 = arith.muli %get3A_776, %mul3A_778 : vector<16xi32>
      %get3A_780 = arith.constant 1392 : index
      %get3A_781 = tpu.vector_load %arg5[%get3A_780] {strides = array<i32>} : memref<3200xi32, #tpu.memory_space<vmem>>, vector<16xi32>,
      %add3A_782 = arith.addi %mul3A_779, %get3A_781 : vector<16xi32>
      tpu.vector_store_idx %arg7[%add3A_782], %broadcast_in_dim3A_6 {add = true} : memref<16384xi32, #tpu.memory_space<vmem>>[vector<16xi32>], vector<16xi32>,
      %get3A_783 = arith.constant 1408 : index
      %get3A_784 = tpu.vector_load %arg6[%get3A_783] {strides = array<i32>} : memref<3200xi32, #tpu.memory_space<vmem>>, vector<16xi32>,
      %mul3A_785 = arith.constant 128 : i32
      %mul3A_786 = vector.broadcast %mul3A_785 : i32 to vector<16xi32>
      %mul3A_787 = arith.muli %get3A_784, %mul3A_786 : vector<16xi32>
      %get3A_788 = arith.constant 1408 : index
      %get3A_789 = tpu.vector_load %arg5[%get3A_788] {strides = array<i32>} : memref<3200xi32, #tpu.memory_space<vmem>>, vector<16xi32>,
      %add3A_790 = arith.addi %mul3A_787, %get3A_789 : vector<16xi32>
      tpu.vector_store_idx %arg7[%add3A_790], %broadcast_in_dim3A_6 {add = true} : memref<16384xi32, #tpu.memory_space<vmem>>[vector<16xi32>], vector<16xi32>,
      %get3A_791 = arith.constant 1424 : index
      %get3A_792 = tpu.vector_load %arg6[%get3A_791] {strides = array<i32>} : memref<3200xi32, #tpu.memory_space<vmem>>, vector<16xi32>,
      %mul3A_793 = arith.constant 128 : i32
      %mul3A_794 = vector.broadcast %mul3A_793 : i32 to vector<16xi32>
      %mul3A_795 = arith.muli %get3A_792, %mul3A_794 : vector<16xi32>
      %get3A_796 = arith.constant 1424 : index
      %get3A_797 = tpu.vector_load %arg5[%get3A_796] {strides = array<i32>} : memref<3200xi32, #tpu.memory_space<vmem>>, vector<16xi32>,
      %add3A_798 = arith.addi %mul3A_795, %get3A_797 : vector<16xi32>
      tpu.vector_store_idx %arg7[%add3A_798], %broadcast_in_dim3A_6 {add = true} : memref<16384xi32, #tpu.memory_space<vmem>>[vector<16xi32>], vector<16xi32>,
      %get3A_799 = arith.constant 1440 : index
      %get3A_800 = tpu.vector_load %arg6[%get3A_799] {strides = array<i32>} : memref<3200xi32, #tpu.memory_space<vmem>>, vector<16xi32>,
      %mul3A_801 = arith.constant 128 : i32
      %mul3A_802 = vector.broadcast %mul3A_801 : i32 to vector<16xi32>
      %mul3A_803 = arith.muli %get3A_800, %mul3A_802 : vector<16xi32>
      %get3A_804 = arith.constant 1440 : index
      %get3A_805 = tpu.vector_load %arg5[%get3A_804] {strides = array<i32>} : memref<3200xi32, #tpu.memory_space<vmem>>, vector<16xi32>,
      %add3A_806 = arith.addi %mul3A_803, %get3A_805 : vector<16xi32>
      tpu.vector_store_idx %arg7[%add3A_806], %broadcast_in_dim3A_6 {add = true} : memref<16384xi32, #tpu.memory_space<vmem>>[vector<16xi32>], vector<16xi32>,
      %get3A_807 = arith.constant 1456 : index
      %get3A_808 = tpu.vector_load %arg6[%get3A_807] {strides = array<i32>} : memref<3200xi32, #tpu.memory_space<vmem>>, vector<16xi32>,
      %mul3A_809 = arith.constant 128 : i32
      %mul3A_810 = vector.broadcast %mul3A_809 : i32 to vector<16xi32>
      %mul3A_811 = arith.muli %get3A_808, %mul3A_810 : vector<16xi32>
      %get3A_812 = arith.constant 1456 : index
      %get3A_813 = tpu.vector_load %arg5[%get3A_812] {strides = array<i32>} : memref<3200xi32, #tpu.memory_space<vmem>>, vector<16xi32>,
      %add3A_814 = arith.addi %mul3A_811, %get3A_813 : vector<16xi32>
      tpu.vector_store_idx %arg7[%add3A_814], %broadcast_in_dim3A_6 {add = true} : memref<16384xi32, #tpu.memory_space<vmem>>[vector<16xi32>], vector<16xi32>,
      %get3A_815 = arith.constant 1472 : index
      %get3A_816 = tpu.vector_load %arg6[%get3A_815] {strides = array<i32>} : memref<3200xi32, #tpu.memory_space<vmem>>, vector<16xi32>,
      %mul3A_817 = arith.constant 128 : i32
      %mul3A_818 = vector.broadcast %mul3A_817 : i32 to vector<16xi32>
      %mul3A_819 = arith.muli %get3A_816, %mul3A_818 : vector<16xi32>
      %get3A_820 = arith.constant 1472 : index
      %get3A_821 = tpu.vector_load %arg5[%get3A_820] {strides = array<i32>} : memref<3200xi32, #tpu.memory_space<vmem>>, vector<16xi32>,
      %add3A_822 = arith.addi %mul3A_819, %get3A_821 : vector<16xi32>
      tpu.vector_store_idx %arg7[%add3A_822], %broadcast_in_dim3A_6 {add = true} : memref<16384xi32, #tpu.memory_space<vmem>>[vector<16xi32>], vector<16xi32>,
      %get3A_823 = arith.constant 1488 : index
      %get3A_824 = tpu.vector_load %arg6[%get3A_823] {strides = array<i32>} : memref<3200xi32, #tpu.memory_space<vmem>>, vector<16xi32>,
      %mul3A_825 = arith.constant 128 : i32
      %mul3A_826 = vector.broadcast %mul3A_825 : i32 to vector<16xi32>
      %mul3A_827 = arith.muli %get3A_824, %mul3A_826 : vector<16xi32>
      %get3A_828 = arith.constant 1488 : index
      %get3A_829 = tpu.vector_load %arg5[%get3A_828] {strides = array<i32>} : memref<3200xi32, #tpu.memory_space<vmem>>, vector<16xi32>,
      %add3A_830 = arith.addi %mul3A_827, %get3A_829 : vector<16xi32>
      tpu.vector_store_idx %arg7[%add3A_830], %broadcast_in_dim3A_6 {add = true} : memref<16384xi32, #tpu.memory_space<vmem>>[vector<16xi32>], vector<16xi32>,
      %get3A_831 = arith.constant 1504 : index
      %get3A_832 = tpu.vector_load %arg6[%get3A_831] {strides = array<i32>} : memref<3200xi32, #tpu.memory_space<vmem>>, vector<16xi32>,
      %mul3A_833 = arith.constant 128 : i32
      %mul3A_834 = vector.broadcast %mul3A_833 : i32 to vector<16xi32>
      %mul3A_835 = arith.muli %get3A_832, %mul3A_834 : vector<16xi32>
      %get3A_836 = arith.constant 1504 : index
      %get3A_837 = tpu.vector_load %arg5[%get3A_836] {strides = array<i32>} : memref<3200xi32, #tpu.memory_space<vmem>>, vector<16xi32>,
      %add3A_838 = arith.addi %mul3A_835, %get3A_837 : vector<16xi32>
      tpu.vector_store_idx %arg7[%add3A_838], %broadcast_in_dim3A_6 {add = true} : memref<16384xi32, #tpu.memory_space<vmem>>[vector<16xi32>], vector<16xi32>,
      %get3A_839 = arith.constant 1520 : index
      %get3A_840 = tpu.vector_load %arg6[%get3A_839] {strides = array<i32>} : memref<3200xi32, #tpu.memory_space<vmem>>, vector<16xi32>,
      %mul3A_841 = arith.constant 128 : i32
      %mul3A_842 = vector.broadcast %mul3A_841 : i32 to vector<16xi32>
      %mul3A_843 = arith.muli %get3A_840, %mul3A_842 : vector<16xi32>
      %get3A_844 = arith.constant 1520 : index
      %get3A_845 = tpu.vector_load %arg5[%get3A_844] {strides = array<i32>} : memref<3200xi32, #tpu.memory_space<vmem>>, vector<16xi32>,
      %add3A_846 = arith.addi %mul3A_843, %get3A_845 : vector<16xi32>
      tpu.vector_store_idx %arg7[%add3A_846], %broadcast_in_dim3A_6 {add = true} : memref<16384xi32, #tpu.memory_space<vmem>>[vector<16xi32>], vector<16xi32>,
      %get3A_847 = arith.constant 1536 : index
      %get3A_848 = tpu.vector_load %arg6[%get3A_847] {strides = array<i32>} : memref<3200xi32, #tpu.memory_space<vmem>>, vector<16xi32>,
      %mul3A_849 = arith.constant 128 : i32
      %mul3A_850 = vector.broadcast %mul3A_849 : i32 to vector<16xi32>
      %mul3A_851 = arith.muli %get3A_848, %mul3A_850 : vector<16xi32>
      %get3A_852 = arith.constant 1536 : index
      %get3A_853 = tpu.vector_load %arg5[%get3A_852] {strides = array<i32>} : memref<3200xi32, #tpu.memory_space<vmem>>, vector<16xi32>,
      %add3A_854 = arith.addi %mul3A_851, %get3A_853 : vector<16xi32>
      tpu.vector_store_idx %arg7[%add3A_854], %broadcast_in_dim3A_6 {add = true} : memref<16384xi32, #tpu.memory_space<vmem>>[vector<16xi32>], vector<16xi32>,
      %get3A_855 = arith.constant 1552 : index
      %get3A_856 = tpu.vector_load %arg6[%get3A_855] {strides = array<i32>} : memref<3200xi32, #tpu.memory_space<vmem>>, vector<16xi32>,
      %mul3A_857 = arith.constant 128 : i32
      %mul3A_858 = vector.broadcast %mul3A_857 : i32 to vector<16xi32>
      %mul3A_859 = arith.muli %get3A_856, %mul3A_858 : vector<16xi32>
      %get3A_860 = arith.constant 1552 : index
      %get3A_861 = tpu.vector_load %arg5[%get3A_860] {strides = array<i32>} : memref<3200xi32, #tpu.memory_space<vmem>>, vector<16xi32>,
      %add3A_862 = arith.addi %mul3A_859, %get3A_861 : vector<16xi32>
      tpu.vector_store_idx %arg7[%add3A_862], %broadcast_in_dim3A_6 {add = true} : memref<16384xi32, #tpu.memory_space<vmem>>[vector<16xi32>], vector<16xi32>,
      %get3A_863 = arith.constant 1568 : index
      %get3A_864 = tpu.vector_load %arg6[%get3A_863] {strides = array<i32>} : memref<3200xi32, #tpu.memory_space<vmem>>, vector<16xi32>,
      %mul3A_865 = arith.constant 128 : i32
      %mul3A_866 = vector.broadcast %mul3A_865 : i32 to vector<16xi32>
      %mul3A_867 = arith.muli %get3A_864, %mul3A_866 : vector<16xi32>
      %get3A_868 = arith.constant 1568 : index
      %get3A_869 = tpu.vector_load %arg5[%get3A_868] {strides = array<i32>} : memref<3200xi32, #tpu.memory_space<vmem>>, vector<16xi32>,
      %add3A_870 = arith.addi %mul3A_867, %get3A_869 : vector<16xi32>
      tpu.vector_store_idx %arg7[%add3A_870], %broadcast_in_dim3A_6 {add = true} : memref<16384xi32, #tpu.memory_space<vmem>>[vector<16xi32>], vector<16xi32>,
      %get3A_871 = arith.constant 1584 : index
      %get3A_872 = tpu.vector_load %arg6[%get3A_871] {strides = array<i32>} : memref<3200xi32, #tpu.memory_space<vmem>>, vector<16xi32>,
      %mul3A_873 = arith.constant 128 : i32
      %mul3A_874 = vector.broadcast %mul3A_873 : i32 to vector<16xi32>
      %mul3A_875 = arith.muli %get3A_872, %mul3A_874 : vector<16xi32>
      %get3A_876 = arith.constant 1584 : index
      %get3A_877 = tpu.vector_load %arg5[%get3A_876] {strides = array<i32>} : memref<3200xi32, #tpu.memory_space<vmem>>, vector<16xi32>,
      %add3A_878 = arith.addi %mul3A_875, %get3A_877 : vector<16xi32>
      tpu.vector_store_idx %arg7[%add3A_878], %broadcast_in_dim3A_6 {add = true} : memref<16384xi32, #tpu.memory_space<vmem>>[vector<16xi32>], vector<16xi32>,
      %get3A_879 = arith.constant 1600 : index
      %get3A_880 = tpu.vector_load %arg6[%get3A_879] {strides = array<i32>} : memref<3200xi32, #tpu.memory_space<vmem>>, vector<16xi32>,
      %mul3A_881 = arith.constant 128 : i32
      %mul3A_882 = vector.broadcast %mul3A_881 : i32 to vector<16xi32>
      %mul3A_883 = arith.muli %get3A_880, %mul3A_882 : vector<16xi32>
      %get3A_884 = arith.constant 1600 : index
      %get3A_885 = tpu.vector_load %arg5[%get3A_884] {strides = array<i32>} : memref<3200xi32, #tpu.memory_space<vmem>>, vector<16xi32>,
      %add3A_886 = arith.addi %mul3A_883, %get3A_885 : vector<16xi32>
      tpu.vector_store_idx %arg7[%add3A_886], %broadcast_in_dim3A_6 {add = true} : memref<16384xi32, #tpu.memory_space<vmem>>[vector<16xi32>], vector<16xi32>,
      %get3A_887 = arith.constant 1616 : index
      %get3A_888 = tpu.vector_load %arg6[%get3A_887] {strides = array<i32>} : memref<3200xi32, #tpu.memory_space<vmem>>, vector<16xi32>,
      %mul3A_889 = arith.constant 128 : i32
      %mul3A_890 = vector.broadcast %mul3A_889 : i32 to vector<16xi32>
      %mul3A_891 = arith.muli %get3A_888, %mul3A_890 : vector<16xi32>
      %get3A_892 = arith.constant 1616 : index
      %get3A_893 = tpu.vector_load %arg5[%get3A_892] {strides = array<i32>} : memref<3200xi32, #tpu.memory_space<vmem>>, vector<16xi32>,
      %add3A_894 = arith.addi %mul3A_891, %get3A_893 : vector<16xi32>
      tpu.vector_store_idx %arg7[%add3A_894], %broadcast_in_dim3A_6 {add = true} : memref<16384xi32, #tpu.memory_space<vmem>>[vector<16xi32>], vector<16xi32>,
      %get3A_895 = arith.constant 1632 : index
      %get3A_896 = tpu.vector_load %arg6[%get3A_895] {strides = array<i32>} : memref<3200xi32, #tpu.memory_space<vmem>>, vector<16xi32>,
      %mul3A_897 = arith.constant 128 : i32
      %mul3A_898 = vector.broadcast %mul3A_897 : i32 to vector<16xi32>
      %mul3A_899 = arith.muli %get3A_896, %mul3A_898 : vector<16xi32>
      %get3A_900 = arith.constant 1632 : index
      %get3A_901 = tpu.vector_load %arg5[%get3A_900] {strides = array<i32>} : memref<3200xi32, #tpu.memory_space<vmem>>, vector<16xi32>,
      %add3A_902 = arith.addi %mul3A_899, %get3A_901 : vector<16xi32>
      tpu.vector_store_idx %arg7[%add3A_902], %broadcast_in_dim3A_6 {add = true} : memref<16384xi32, #tpu.memory_space<vmem>>[vector<16xi32>], vector<16xi32>,
      %get3A_903 = arith.constant 1648 : index
      %get3A_904 = tpu.vector_load %arg6[%get3A_903] {strides = array<i32>} : memref<3200xi32, #tpu.memory_space<vmem>>, vector<16xi32>,
      %mul3A_905 = arith.constant 128 : i32
      %mul3A_906 = vector.broadcast %mul3A_905 : i32 to vector<16xi32>
      %mul3A_907 = arith.muli %get3A_904, %mul3A_906 : vector<16xi32>
      %get3A_908 = arith.constant 1648 : index
      %get3A_909 = tpu.vector_load %arg5[%get3A_908] {strides = array<i32>} : memref<3200xi32, #tpu.memory_space<vmem>>, vector<16xi32>,
      %add3A_910 = arith.addi %mul3A_907, %get3A_909 : vector<16xi32>
      tpu.vector_store_idx %arg7[%add3A_910], %broadcast_in_dim3A_6 {add = true} : memref<16384xi32, #tpu.memory_space<vmem>>[vector<16xi32>], vector<16xi32>,
      %get3A_911 = arith.constant 1664 : index
      %get3A_912 = tpu.vector_load %arg6[%get3A_911] {strides = array<i32>} : memref<3200xi32, #tpu.memory_space<vmem>>, vector<16xi32>,
      %mul3A_913 = arith.constant 128 : i32
      %mul3A_914 = vector.broadcast %mul3A_913 : i32 to vector<16xi32>
      %mul3A_915 = arith.muli %get3A_912, %mul3A_914 : vector<16xi32>
      %get3A_916 = arith.constant 1664 : index
      %get3A_917 = tpu.vector_load %arg5[%get3A_916] {strides = array<i32>} : memref<3200xi32, #tpu.memory_space<vmem>>, vector<16xi32>,
      %add3A_918 = arith.addi %mul3A_915, %get3A_917 : vector<16xi32>
      tpu.vector_store_idx %arg7[%add3A_918], %broadcast_in_dim3A_6 {add = true} : memref<16384xi32, #tpu.memory_space<vmem>>[vector<16xi32>], vector<16xi32>,
      %get3A_919 = arith.constant 1680 : index
      %get3A_920 = tpu.vector_load %arg6[%get3A_919] {strides = array<i32>} : memref<3200xi32, #tpu.memory_space<vmem>>, vector<16xi32>,
      %mul3A_921 = arith.constant 128 : i32
      %mul3A_922 = vector.broadcast %mul3A_921 : i32 to vector<16xi32>
      %mul3A_923 = arith.muli %get3A_920, %mul3A_922 : vector<16xi32>
      %get3A_924 = arith.constant 1680 : index
      %get3A_925 = tpu.vector_load %arg5[%get3A_924] {strides = array<i32>} : memref<3200xi32, #tpu.memory_space<vmem>>, vector<16xi32>,
      %add3A_926 = arith.addi %mul3A_923, %get3A_925 : vector<16xi32>
      tpu.vector_store_idx %arg7[%add3A_926], %broadcast_in_dim3A_6 {add = true} : memref<16384xi32, #tpu.memory_space<vmem>>[vector<16xi32>], vector<16xi32>,
      %get3A_927 = arith.constant 1696 : index
      %get3A_928 = tpu.vector_load %arg6[%get3A_927] {strides = array<i32>} : memref<3200xi32, #tpu.memory_space<vmem>>, vector<16xi32>,
      %mul3A_929 = arith.constant 128 : i32
      %mul3A_930 = vector.broadcast %mul3A_929 : i32 to vector<16xi32>
      %mul3A_931 = arith.muli %get3A_928, %mul3A_930 : vector<16xi32>
      %get3A_932 = arith.constant 1696 : index
      %get3A_933 = tpu.vector_load %arg5[%get3A_932] {strides = array<i32>} : memref<3200xi32, #tpu.memory_space<vmem>>, vector<16xi32>,
      %add3A_934 = arith.addi %mul3A_931, %get3A_933 : vector<16xi32>
      tpu.vector_store_idx %arg7[%add3A_934], %broadcast_in_dim3A_6 {add = true} : memref<16384xi32, #tpu.memory_space<vmem>>[vector<16xi32>], vector<16xi32>,
      %get3A_935 = arith.constant 1712 : index
      %get3A_936 = tpu.vector_load %arg6[%get3A_935] {strides = array<i32>} : memref<3200xi32, #tpu.memory_space<vmem>>, vector<16xi32>,
      %mul3A_937 = arith.constant 128 : i32
      %mul3A_938 = vector.broadcast %mul3A_937 : i32 to vector<16xi32>
      %mul3A_939 = arith.muli %get3A_936, %mul3A_938 : vector<16xi32>
      %get3A_940 = arith.constant 1712 : index
      %get3A_941 = tpu.vector_load %arg5[%get3A_940] {strides = array<i32>} : memref<3200xi32, #tpu.memory_space<vmem>>, vector<16xi32>,
      %add3A_942 = arith.addi %mul3A_939, %get3A_941 : vector<16xi32>
      tpu.vector_store_idx %arg7[%add3A_942], %broadcast_in_dim3A_6 {add = true} : memref<16384xi32, #tpu.memory_space<vmem>>[vector<16xi32>], vector<16xi32>,
      %get3A_943 = arith.constant 1728 : index
      %get3A_944 = tpu.vector_load %arg6[%get3A_943] {strides = array<i32>} : memref<3200xi32, #tpu.memory_space<vmem>>, vector<16xi32>,
      %mul3A_945 = arith.constant 128 : i32
      %mul3A_946 = vector.broadcast %mul3A_945 : i32 to vector<16xi32>
      %mul3A_947 = arith.muli %get3A_944, %mul3A_946 : vector<16xi32>
      %get3A_948 = arith.constant 1728 : index
      %get3A_949 = tpu.vector_load %arg5[%get3A_948] {strides = array<i32>} : memref<3200xi32, #tpu.memory_space<vmem>>, vector<16xi32>,
      %add3A_950 = arith.addi %mul3A_947, %get3A_949 : vector<16xi32>
      tpu.vector_store_idx %arg7[%add3A_950], %broadcast_in_dim3A_6 {add = true} : memref<16384xi32, #tpu.memory_space<vmem>>[vector<16xi32>], vector<16xi32>,
      %get3A_951 = arith.constant 1744 : index
      %get3A_952 = tpu.vector_load %arg6[%get3A_951] {strides = array<i32>} : memref<3200xi32, #tpu.memory_space<vmem>>, vector<16xi32>,
      %mul3A_953 = arith.constant 128 : i32
      %mul3A_954 = vector.broadcast %mul3A_953 : i32 to vector<16xi32>
      %mul3A_955 = arith.muli %get3A_952, %mul3A_954 : vector<16xi32>
      %get3A_956 = arith.constant 1744 : index
      %get3A_957 = tpu.vector_load %arg5[%get3A_956] {strides = array<i32>} : memref<3200xi32, #tpu.memory_space<vmem>>, vector<16xi32>,
      %add3A_958 = arith.addi %mul3A_955, %get3A_957 : vector<16xi32>
      tpu.vector_store_idx %arg7[%add3A_958], %broadcast_in_dim3A_6 {add = true} : memref<16384xi32, #tpu.memory_space<vmem>>[vector<16xi32>], vector<16xi32>,
      %get3A_959 = arith.constant 1760 : index
      %get3A_960 = tpu.vector_load %arg6[%get3A_959] {strides = array<i32>} : memref<3200xi32, #tpu.memory_space<vmem>>, vector<16xi32>,
      %mul3A_961 = arith.constant 128 : i32
      %mul3A_962 = vector.broadcast %mul3A_961 : i32 to vector<16xi32>
      %mul3A_963 = arith.muli %get3A_960, %mul3A_962 : vector<16xi32>
      %get3A_964 = arith.constant 1760 : index
      %get3A_965 = tpu.vector_load %arg5[%get3A_964] {strides = array<i32>} : memref<3200xi32, #tpu.memory_space<vmem>>, vector<16xi32>,
      %add3A_966 = arith.addi %mul3A_963, %get3A_965 : vector<16xi32>
      tpu.vector_store_idx %arg7[%add3A_966], %broadcast_in_dim3A_6 {add = true} : memref<16384xi32, #tpu.memory_space<vmem>>[vector<16xi32>], vector<16xi32>,
      %get3A_967 = arith.constant 1776 : index
      %get3A_968 = tpu.vector_load %arg6[%get3A_967] {strides = array<i32>} : memref<3200xi32, #tpu.memory_space<vmem>>, vector<16xi32>,
      %mul3A_969 = arith.constant 128 : i32
      %mul3A_970 = vector.broadcast %mul3A_969 : i32 to vector<16xi32>
      %mul3A_971 = arith.muli %get3A_968, %mul3A_970 : vector<16xi32>
      %get3A_972 = arith.constant 1776 : index
      %get3A_973 = tpu.vector_load %arg5[%get3A_972] {strides = array<i32>} : memref<3200xi32, #tpu.memory_space<vmem>>, vector<16xi32>,
      %add3A_974 = arith.addi %mul3A_971, %get3A_973 : vector<16xi32>
      tpu.vector_store_idx %arg7[%add3A_974], %broadcast_in_dim3A_6 {add = true} : memref<16384xi32, #tpu.memory_space<vmem>>[vector<16xi32>], vector<16xi32>,
      %get3A_975 = arith.constant 1792 : index
      %get3A_976 = tpu.vector_load %arg6[%get3A_975] {strides = array<i32>} : memref<3200xi32, #tpu.memory_space<vmem>>, vector<16xi32>,
      %mul3A_977 = arith.constant 128 : i32
      %mul3A_978 = vector.broadcast %mul3A_977 : i32 to vector<16xi32>
      %mul3A_979 = arith.muli %get3A_976, %mul3A_978 : vector<16xi32>
      %get3A_980 = arith.constant 1792 : index
      %get3A_981 = tpu.vector_load %arg5[%get3A_980] {strides = array<i32>} : memref<3200xi32, #tpu.memory_space<vmem>>, vector<16xi32>,
      %add3A_982 = arith.addi %mul3A_979, %get3A_981 : vector<16xi32>
      tpu.vector_store_idx %arg7[%add3A_982], %broadcast_in_dim3A_6 {add = true} : memref<16384xi32, #tpu.memory_space<vmem>>[vector<16xi32>], vector<16xi32>,
      %get3A_983 = arith.constant 1808 : index
      %get3A_984 = tpu.vector_load %arg6[%get3A_983] {strides = array<i32>} : memref<3200xi32, #tpu.memory_space<vmem>>, vector<16xi32>,
      %mul3A_985 = arith.constant 128 : i32
      %mul3A_986 = vector.broadcast %mul3A_985 : i32 to vector<16xi32>
      %mul3A_987 = arith.muli %get3A_984, %mul3A_986 : vector<16xi32>
      %get3A_988 = arith.constant 1808 : index
      %get3A_989 = tpu.vector_load %arg5[%get3A_988] {strides = array<i32>} : memref<3200xi32, #tpu.memory_space<vmem>>, vector<16xi32>,
      %add3A_990 = arith.addi %mul3A_987, %get3A_989 : vector<16xi32>
      tpu.vector_store_idx %arg7[%add3A_990], %broadcast_in_dim3A_6 {add = true} : memref<16384xi32, #tpu.memory_space<vmem>>[vector<16xi32>], vector<16xi32>,
      %get3A_991 = arith.constant 1824 : index
      %get3A_992 = tpu.vector_load %arg6[%get3A_991] {strides = array<i32>} : memref<3200xi32, #tpu.memory_space<vmem>>, vector<16xi32>,
      %mul3A_993 = arith.constant 128 : i32
      %mul3A_994 = vector.broadcast %mul3A_993 : i32 to vector<16xi32>
      %mul3A_995 = arith.muli %get3A_992, %mul3A_994 : vector<16xi32>
      %get3A_996 = arith.constant 1824 : index
      %get3A_997 = tpu.vector_load %arg5[%get3A_996] {strides = array<i32>} : memref<3200xi32, #tpu.memory_space<vmem>>, vector<16xi32>,
      %add3A_998 = arith.addi %mul3A_995, %get3A_997 : vector<16xi32>
      tpu.vector_store_idx %arg7[%add3A_998], %broadcast_in_dim3A_6 {add = true} : memref<16384xi32, #tpu.memory_space<vmem>>[vector<16xi32>], vector<16xi32>,
      %get3A_999 = arith.constant 1840 : index
      %get3A_1000 = tpu.vector_load %arg6[%get3A_999] {strides = array<i32>} : memref<3200xi32, #tpu.memory_space<vmem>>, vector<16xi32>,
      %mul3A_1001 = arith.constant 128 : i32
      %mul3A_1002 = vector.broadcast %mul3A_1001 : i32 to vector<16xi32>
      %mul3A_1003 = arith.muli %get3A_1000, %mul3A_1002 : vector<16xi32>
      %get3A_1004 = arith.constant 1840 : index
      %get3A_1005 = tpu.vector_load %arg5[%get3A_1004] {strides = array<i32>} : memref<3200xi32, #tpu.memory_space<vmem>>, vector<16xi32>,
      %add3A_1006 = arith.addi %mul3A_1003, %get3A_1005 : vector<16xi32>
      tpu.vector_store_idx %arg7[%add3A_1006], %broadcast_in_dim3A_6 {add = true} : memref<16384xi32, #tpu.memory_space<vmem>>[vector<16xi32>], vector<16xi32>,
      %get3A_1007 = arith.constant 1856 : index
      %get3A_1008 = tpu.vector_load %arg6[%get3A_1007] {strides = array<i32>} : memref<3200xi32, #tpu.memory_space<vmem>>, vector<16xi32>,
      %mul3A_1009 = arith.constant 128 : i32
      %mul3A_1010 = vector.broadcast %mul3A_1009 : i32 to vector<16xi32>
      %mul3A_1011 = arith.muli %get3A_1008, %mul3A_1010 : vector<16xi32>
      %get3A_1012 = arith.constant 1856 : index
      %get3A_1013 = tpu.vector_load %arg5[%get3A_1012] {strides = array<i32>} : memref<3200xi32, #tpu.memory_space<vmem>>, vector<16xi32>,
      %add3A_1014 = arith.addi %mul3A_1011, %get3A_1013 : vector<16xi32>
      tpu.vector_store_idx %arg7[%add3A_1014], %broadcast_in_dim3A_6 {add = true} : memref<16384xi32, #tpu.memory_space<vmem>>[vector<16xi32>], vector<16xi32>,
      %get3A_1015 = arith.constant 1872 : index
      %get3A_1016 = tpu.vector_load %arg6[%get3A_1015] {strides = array<i32>} : memref<3200xi32, #tpu.memory_space<vmem>>, vector<16xi32>,
      %mul3A_1017 = arith.constant 128 : i32
      %mul3A_1018 = vector.broadcast %mul3A_1017 : i32 to vector<16xi32>
      %mul3A_1019 = arith.muli %get3A_1016, %mul3A_1018 : vector<16xi32>
      %get3A_1020 = arith.constant 1872 : index
      %get3A_1021 = tpu.vector_load %arg5[%get3A_1020] {strides = array<i32>} : memref<3200xi32, #tpu.memory_space<vmem>>, vector<16xi32>,
      %add3A_1022 = arith.addi %mul3A_1019, %get3A_1021 : vector<16xi32>
      tpu.vector_store_idx %arg7[%add3A_1022], %broadcast_in_dim3A_6 {add = true} : memref<16384xi32, #tpu.memory_space<vmem>>[vector<16xi32>], vector<16xi32>,
      %get3A_1023 = arith.constant 1888 : index
      %get3A_1024 = tpu.vector_load %arg6[%get3A_1023] {strides = array<i32>} : memref<3200xi32, #tpu.memory_space<vmem>>, vector<16xi32>,
      %mul3A_1025 = arith.constant 128 : i32
      %mul3A_1026 = vector.broadcast %mul3A_1025 : i32 to vector<16xi32>
      %mul3A_1027 = arith.muli %get3A_1024, %mul3A_1026 : vector<16xi32>
      %get3A_1028 = arith.constant 1888 : index
      %get3A_1029 = tpu.vector_load %arg5[%get3A_1028] {strides = array<i32>} : memref<3200xi32, #tpu.memory_space<vmem>>, vector<16xi32>,
      %add3A_1030 = arith.addi %mul3A_1027, %get3A_1029 : vector<16xi32>
      tpu.vector_store_idx %arg7[%add3A_1030], %broadcast_in_dim3A_6 {add = true} : memref<16384xi32, #tpu.memory_space<vmem>>[vector<16xi32>], vector<16xi32>,
      %get3A_1031 = arith.constant 1904 : index
      %get3A_1032 = tpu.vector_load %arg6[%get3A_1031] {strides = array<i32>} : memref<3200xi32, #tpu.memory_space<vmem>>, vector<16xi32>,
      %mul3A_1033 = arith.constant 128 : i32
      %mul3A_1034 = vector.broadcast %mul3A_1033 : i32 to vector<16xi32>
      %mul3A_1035 = arith.muli %get3A_1032, %mul3A_1034 : vector<16xi32>
      %get3A_1036 = arith.constant 1904 : index
      %get3A_1037 = tpu.vector_load %arg5[%get3A_1036] {strides = array<i32>} : memref<3200xi32, #tpu.memory_space<vmem>>, vector<16xi32>,
      %add3A_1038 = arith.addi %mul3A_1035, %get3A_1037 : vector<16xi32>
      tpu.vector_store_idx %arg7[%add3A_1038], %broadcast_in_dim3A_6 {add = true} : memref<16384xi32, #tpu.memory_space<vmem>>[vector<16xi32>], vector<16xi32>,
      %get3A_1039 = arith.constant 1920 : index
      %get3A_1040 = tpu.vector_load %arg6[%get3A_1039] {strides = array<i32>} : memref<3200xi32, #tpu.memory_space<vmem>>, vector<16xi32>,
      %mul3A_1041 = arith.constant 128 : i32
      %mul3A_1042 = vector.broadcast %mul3A_1041 : i32 to vector<16xi32>
      %mul3A_1043 = arith.muli %get3A_1040, %mul3A_1042 : vector<16xi32>
      %get3A_1044 = arith.constant 1920 : index
      %get3A_1045 = tpu.vector_load %arg5[%get3A_1044] {strides = array<i32>} : memref<3200xi32, #tpu.memory_space<vmem>>, vector<16xi32>,
      %add3A_1046 = arith.addi %mul3A_1043, %get3A_1045 : vector<16xi32>
      tpu.vector_store_idx %arg7[%add3A_1046], %broadcast_in_dim3A_6 {add = true} : memref<16384xi32, #tpu.memory_space<vmem>>[vector<16xi32>], vector<16xi32>,
      %get3A_1047 = arith.constant 1936 : index
      %get3A_1048 = tpu.vector_load %arg6[%get3A_1047] {strides = array<i32>} : memref<3200xi32, #tpu.memory_space<vmem>>, vector<16xi32>,
      %mul3A_1049 = arith.constant 128 : i32
      %mul3A_1050 = vector.broadcast %mul3A_1049 : i32 to vector<16xi32>
      %mul3A_1051 = arith.muli %get3A_1048, %mul3A_1050 : vector<16xi32>
      %get3A_1052 = arith.constant 1936 : index
      %get3A_1053 = tpu.vector_load %arg5[%get3A_1052] {strides = array<i32>} : memref<3200xi32, #tpu.memory_space<vmem>>, vector<16xi32>,
      %add3A_1054 = arith.addi %mul3A_1051, %get3A_1053 : vector<16xi32>
      tpu.vector_store_idx %arg7[%add3A_1054], %broadcast_in_dim3A_6 {add = true} : memref<16384xi32, #tpu.memory_space<vmem>>[vector<16xi32>], vector<16xi32>,
      %get3A_1055 = arith.constant 1952 : index
      %get3A_1056 = tpu.vector_load %arg6[%get3A_1055] {strides = array<i32>} : memref<3200xi32, #tpu.memory_space<vmem>>, vector<16xi32>,
      %mul3A_1057 = arith.constant 128 : i32
      %mul3A_1058 = vector.broadcast %mul3A_1057 : i32 to vector<16xi32>
      %mul3A_1059 = arith.muli %get3A_1056, %mul3A_1058 : vector<16xi32>
      %get3A_1060 = arith.constant 1952 : index
      %get3A_1061 = tpu.vector_load %arg5[%get3A_1060] {strides = array<i32>} : memref<3200xi32, #tpu.memory_space<vmem>>, vector<16xi32>,
      %add3A_1062 = arith.addi %mul3A_1059, %get3A_1061 : vector<16xi32>
      tpu.vector_store_idx %arg7[%add3A_1062], %broadcast_in_dim3A_6 {add = true} : memref<16384xi32, #tpu.memory_space<vmem>>[vector<16xi32>], vector<16xi32>,
      %get3A_1063 = arith.constant 1968 : index
      %get3A_1064 = tpu.vector_load %arg6[%get3A_1063] {strides = array<i32>} : memref<3200xi32, #tpu.memory_space<vmem>>, vector<16xi32>,
      %mul3A_1065 = arith.constant 128 : i32
      %mul3A_1066 = vector.broadcast %mul3A_1065 : i32 to vector<16xi32>
      %mul3A_1067 = arith.muli %get3A_1064, %mul3A_1066 : vector<16xi32>
      %get3A_1068 = arith.constant 1968 : index
      %get3A_1069 = tpu.vector_load %arg5[%get3A_1068] {strides = array<i32>} : memref<3200xi32, #tpu.memory_space<vmem>>, vector<16xi32>,
      %add3A_1070 = arith.addi %mul3A_1067, %get3A_1069 : vector<16xi32>
      tpu.vector_store_idx %arg7[%add3A_1070], %broadcast_in_dim3A_6 {add = true} : memref<16384xi32, #tpu.memory_space<vmem>>[vector<16xi32>], vector<16xi32>,
      %get3A_1071 = arith.constant 1984 : index
      %get3A_1072 = tpu.vector_load %arg6[%get3A_1071] {strides = array<i32>} : memref<3200xi32, #tpu.memory_space<vmem>>, vector<16xi32>,
      %mul3A_1073 = arith.constant 128 : i32
      %mul3A_1074 = vector.broadcast %mul3A_1073 : i32 to vector<16xi32>
      %mul3A_1075 = arith.muli %get3A_1072, %mul3A_1074 : vector<16xi32>
      %get3A_1076 = arith.constant 1984 : index
      %get3A_1077 = tpu.vector_load %arg5[%get3A_1076] {strides = array<i32>} : memref<3200xi32, #tpu.memory_space<vmem>>, vector<16xi32>,
      %add3A_1078 = arith.addi %mul3A_1075, %get3A_1077 : vector<16xi32>
      tpu.vector_store_idx %arg7[%add3A_1078], %broadcast_in_dim3A_6 {add = true} : memref<16384xi32, #tpu.memory_space<vmem>>[vector<16xi32>], vector<16xi32>,
      %get3A_1079 = arith.constant 2000 : index
      %get3A_1080 = tpu.vector_load %arg6[%get3A_1079] {strides = array<i32>} : memref<3200xi32, #tpu.memory_space<vmem>>, vector<16xi32>,
      %mul3A_1081 = arith.constant 128 : i32
      %mul3A_1082 = vector.broadcast %mul3A_1081 : i32 to vector<16xi32>
      %mul3A_1083 = arith.muli %get3A_1080, %mul3A_1082 : vector<16xi32>
      %get3A_1084 = arith.constant 2000 : index
      %get3A_1085 = tpu.vector_load %arg5[%get3A_1084] {strides = array<i32>} : memref<3200xi32, #tpu.memory_space<vmem>>, vector<16xi32>,
      %add3A_1086 = arith.addi %mul3A_1083, %get3A_1085 : vector<16xi32>
      tpu.vector_store_idx %arg7[%add3A_1086], %broadcast_in_dim3A_6 {add = true} : memref<16384xi32, #tpu.memory_space<vmem>>[vector<16xi32>], vector<16xi32>,
      %get3A_1087 = arith.constant 2016 : index
      %get3A_1088 = tpu.vector_load %arg6[%get3A_1087] {strides = array<i32>} : memref<3200xi32, #tpu.memory_space<vmem>>, vector<16xi32>,
      %mul3A_1089 = arith.constant 128 : i32
      %mul3A_1090 = vector.broadcast %mul3A_1089 : i32 to vector<16xi32>
      %mul3A_1091 = arith.muli %get3A_1088, %mul3A_1090 : vector<16xi32>
      %get3A_1092 = arith.constant 2016 : index
      %get3A_1093 = tpu.vector_load %arg5[%get3A_1092] {strides = array<i32>} : memref<3200xi32, #tpu.memory_space<vmem>>, vector<16xi32>,
      %add3A_1094 = arith.addi %mul3A_1091, %get3A_1093 : vector<16xi32>
      tpu.vector_store_idx %arg7[%add3A_1094], %broadcast_in_dim3A_6 {add = true} : memref<16384xi32, #tpu.memory_space<vmem>>[vector<16xi32>], vector<16xi32>,
      %get3A_1095 = arith.constant 2032 : index
      %get3A_1096 = tpu.vector_load %arg6[%get3A_1095] {strides = array<i32>} : memref<3200xi32, #tpu.memory_space<vmem>>, vector<16xi32>,
      %mul3A_1097 = arith.constant 128 : i32
      %mul3A_1098 = vector.broadcast %mul3A_1097 : i32 to vector<16xi32>
      %mul3A_1099 = arith.muli %get3A_1096, %mul3A_1098 : vector<16xi32>
      %get3A_1100 = arith.constant 2032 : index
      %get3A_1101 = tpu.vector_load %arg5[%get3A_1100] {strides = array<i32>} : memref<3200xi32, #tpu.memory_space<vmem>>, vector<16xi32>,
      %add3A_1102 = arith.addi %mul3A_1099, %get3A_1101 : vector<16xi32>
      tpu.vector_store_idx %arg7[%add3A_1102], %broadcast_in_dim3A_6 {add = true} : memref<16384xi32, #tpu.memory_space<vmem>>[vector<16xi32>], vector<16xi32>,
      %get3A_1103 = arith.constant 2048 : index
      %get3A_1104 = tpu.vector_load %arg6[%get3A_1103] {strides = array<i32>} : memref<3200xi32, #tpu.memory_space<vmem>>, vector<16xi32>,
      %mul3A_1105 = arith.constant 128 : i32
      %mul3A_1106 = vector.broadcast %mul3A_1105 : i32 to vector<16xi32>
      %mul3A_1107 = arith.muli %get3A_1104, %mul3A_1106 : vector<16xi32>
      %get3A_1108 = arith.constant 2048 : index
      %get3A_1109 = tpu.vector_load %arg5[%get3A_1108] {strides = array<i32>} : memref<3200xi32, #tpu.memory_space<vmem>>, vector<16xi32>,
      %add3A_1110 = arith.addi %mul3A_1107, %get3A_1109 : vector<16xi32>
      tpu.vector_store_idx %arg7[%add3A_1110], %broadcast_in_dim3A_6 {add = true} : memref<16384xi32, #tpu.memory_space<vmem>>[vector<16xi32>], vector<16xi32>,
      %get3A_1111 = arith.constant 2064 : index
      %get3A_1112 = tpu.vector_load %arg6[%get3A_1111] {strides = array<i32>} : memref<3200xi32, #tpu.memory_space<vmem>>, vector<16xi32>,
      %mul3A_1113 = arith.constant 128 : i32
      %mul3A_1114 = vector.broadcast %mul3A_1113 : i32 to vector<16xi32>
      %mul3A_1115 = arith.muli %get3A_1112, %mul3A_1114 : vector<16xi32>
      %get3A_1116 = arith.constant 2064 : index
      %get3A_1117 = tpu.vector_load %arg5[%get3A_1116] {strides = array<i32>} : memref<3200xi32, #tpu.memory_space<vmem>>, vector<16xi32>,
      %add3A_1118 = arith.addi %mul3A_1115, %get3A_1117 : vector<16xi32>
      tpu.vector_store_idx %arg7[%add3A_1118], %broadcast_in_dim3A_6 {add = true} : memref<16384xi32, #tpu.memory_space<vmem>>[vector<16xi32>], vector<16xi32>,
      %get3A_1119 = arith.constant 2080 : index
      %get3A_1120 = tpu.vector_load %arg6[%get3A_1119] {strides = array<i32>} : memref<3200xi32, #tpu.memory_space<vmem>>, vector<16xi32>,
      %mul3A_1121 = arith.constant 128 : i32
      %mul3A_1122 = vector.broadcast %mul3A_1121 : i32 to vector<16xi32>
      %mul3A_1123 = arith.muli %get3A_1120, %mul3A_1122 : vector<16xi32>
      %get3A_1124 = arith.constant 2080 : index
      %get3A_1125 = tpu.vector_load %arg5[%get3A_1124] {strides = array<i32>} : memref<3200xi32, #tpu.memory_space<vmem>>, vector<16xi32>,
      %add3A_1126 = arith.addi %mul3A_1123, %get3A_1125 : vector<16xi32>
      tpu.vector_store_idx %arg7[%add3A_1126], %broadcast_in_dim3A_6 {add = true} : memref<16384xi32, #tpu.memory_space<vmem>>[vector<16xi32>], vector<16xi32>,
      %get3A_1127 = arith.constant 2096 : index
      %get3A_1128 = tpu.vector_load %arg6[%get3A_1127] {strides = array<i32>} : memref<3200xi32, #tpu.memory_space<vmem>>, vector<16xi32>,
      %mul3A_1129 = arith.constant 128 : i32
      %mul3A_1130 = vector.broadcast %mul3A_1129 : i32 to vector<16xi32>
      %mul3A_1131 = arith.muli %get3A_1128, %mul3A_1130 : vector<16xi32>
      %get3A_1132 = arith.constant 2096 : index
      %get3A_1133 = tpu.vector_load %arg5[%get3A_1132] {strides = array<i32>} : memref<3200xi32, #tpu.memory_space<vmem>>, vector<16xi32>,
      %add3A_1134 = arith.addi %mul3A_1131, %get3A_1133 : vector<16xi32>
      tpu.vector_store_idx %arg7[%add3A_1134], %broadcast_in_dim3A_6 {add = true} : memref<16384xi32, #tpu.memory_space<vmem>>[vector<16xi32>], vector<16xi32>,
      %get3A_1135 = arith.constant 2112 : index
      %get3A_1136 = tpu.vector_load %arg6[%get3A_1135] {strides = array<i32>} : memref<3200xi32, #tpu.memory_space<vmem>>, vector<16xi32>,
      %mul3A_1137 = arith.constant 128 : i32
      %mul3A_1138 = vector.broadcast %mul3A_1137 : i32 to vector<16xi32>
      %mul3A_1139 = arith.muli %get3A_1136, %mul3A_1138 : vector<16xi32>
      %get3A_1140 = arith.constant 2112 : index
      %get3A_1141 = tpu.vector_load %arg5[%get3A_1140] {strides = array<i32>} : memref<3200xi32, #tpu.memory_space<vmem>>, vector<16xi32>,
      %add3A_1142 = arith.addi %mul3A_1139, %get3A_1141 : vector<16xi32>
      tpu.vector_store_idx %arg7[%add3A_1142], %broadcast_in_dim3A_6 {add = true} : memref<16384xi32, #tpu.memory_space<vmem>>[vector<16xi32>], vector<16xi32>,
      %get3A_1143 = arith.constant 2128 : index
      %get3A_1144 = tpu.vector_load %arg6[%get3A_1143] {strides = array<i32>} : memref<3200xi32, #tpu.memory_space<vmem>>, vector<16xi32>,
      %mul3A_1145 = arith.constant 128 : i32
      %mul3A_1146 = vector.broadcast %mul3A_1145 : i32 to vector<16xi32>
      %mul3A_1147 = arith.muli %get3A_1144, %mul3A_1146 : vector<16xi32>
      %get3A_1148 = arith.constant 2128 : index
      %get3A_1149 = tpu.vector_load %arg5[%get3A_1148] {strides = array<i32>} : memref<3200xi32, #tpu.memory_space<vmem>>, vector<16xi32>,
      %add3A_1150 = arith.addi %mul3A_1147, %get3A_1149 : vector<16xi32>
      tpu.vector_store_idx %arg7[%add3A_1150], %broadcast_in_dim3A_6 {add = true} : memref<16384xi32, #tpu.memory_space<vmem>>[vector<16xi32>], vector<16xi32>,
      %get3A_1151 = arith.constant 2144 : index
      %get3A_1152 = tpu.vector_load %arg6[%get3A_1151] {strides = array<i32>} : memref<3200xi32, #tpu.memory_space<vmem>>, vector<16xi32>,
      %mul3A_1153 = arith.constant 128 : i32
      %mul3A_1154 = vector.broadcast %mul3A_1153 : i32 to vector<16xi32>
      %mul3A_1155 = arith.muli %get3A_1152, %mul3A_1154 : vector<16xi32>
      %get3A_1156 = arith.constant 2144 : index
      %get3A_1157 = tpu.vector_load %arg5[%get3A_1156] {strides = array<i32>} : memref<3200xi32, #tpu.memory_space<vmem>>, vector<16xi32>,
      %add3A_1158 = arith.addi %mul3A_1155, %get3A_1157 : vector<16xi32>
      tpu.vector_store_idx %arg7[%add3A_1158], %broadcast_in_dim3A_6 {add = true} : memref<16384xi32, #tpu.memory_space<vmem>>[vector<16xi32>], vector<16xi32>,
      %get3A_1159 = arith.constant 2160 : index
      %get3A_1160 = tpu.vector_load %arg6[%get3A_1159] {strides = array<i32>} : memref<3200xi32, #tpu.memory_space<vmem>>, vector<16xi32>,
      %mul3A_1161 = arith.constant 128 : i32
      %mul3A_1162 = vector.broadcast %mul3A_1161 : i32 to vector<16xi32>
      %mul3A_1163 = arith.muli %get3A_1160, %mul3A_1162 : vector<16xi32>
      %get3A_1164 = arith.constant 2160 : index
      %get3A_1165 = tpu.vector_load %arg5[%get3A_1164] {strides = array<i32>} : memref<3200xi32, #tpu.memory_space<vmem>>, vector<16xi32>,
      %add3A_1166 = arith.addi %mul3A_1163, %get3A_1165 : vector<16xi32>
      tpu.vector_store_idx %arg7[%add3A_1166], %broadcast_in_dim3A_6 {add = true} : memref<16384xi32, #tpu.memory_space<vmem>>[vector<16xi32>], vector<16xi32>,
      %get3A_1167 = arith.constant 2176 : index
      %get3A_1168 = tpu.vector_load %arg6[%get3A_1167] {strides = array<i32>} : memref<3200xi32, #tpu.memory_space<vmem>>, vector<16xi32>,
      %mul3A_1169 = arith.constant 128 : i32
      %mul3A_1170 = vector.broadcast %mul3A_1169 : i32 to vector<16xi32>
      %mul3A_1171 = arith.muli %get3A_1168, %mul3A_1170 : vector<16xi32>
      %get3A_1172 = arith.constant 2176 : index
      %get3A_1173 = tpu.vector_load %arg5[%get3A_1172] {strides = array<i32>} : memref<3200xi32, #tpu.memory_space<vmem>>, vector<16xi32>,
      %add3A_1174 = arith.addi %mul3A_1171, %get3A_1173 : vector<16xi32>
      tpu.vector_store_idx %arg7[%add3A_1174], %broadcast_in_dim3A_6 {add = true} : memref<16384xi32, #tpu.memory_space<vmem>>[vector<16xi32>], vector<16xi32>,
      %get3A_1175 = arith.constant 2192 : index
      %get3A_1176 = tpu.vector_load %arg6[%get3A_1175] {strides = array<i32>} : memref<3200xi32, #tpu.memory_space<vmem>>, vector<16xi32>,
      %mul3A_1177 = arith.constant 128 : i32
      %mul3A_1178 = vector.broadcast %mul3A_1177 : i32 to vector<16xi32>
      %mul3A_1179 = arith.muli %get3A_1176, %mul3A_1178 : vector<16xi32>
      %get3A_1180 = arith.constant 2192 : index
      %get3A_1181 = tpu.vector_load %arg5[%get3A_1180] {strides = array<i32>} : memref<3200xi32, #tpu.memory_space<vmem>>, vector<16xi32>,
      %add3A_1182 = arith.addi %mul3A_1179, %get3A_1181 : vector<16xi32>
      tpu.vector_store_idx %arg7[%add3A_1182], %broadcast_in_dim3A_6 {add = true} : memref<16384xi32, #tpu.memory_space<vmem>>[vector<16xi32>], vector<16xi32>,
      %get3A_1183 = arith.constant 2208 : index
      %get3A_1184 = tpu.vector_load %arg6[%get3A_1183] {strides = array<i32>} : memref<3200xi32, #tpu.memory_space<vmem>>, vector<16xi32>,
      %mul3A_1185 = arith.constant 128 : i32
      %mul3A_1186 = vector.broadcast %mul3A_1185 : i32 to vector<16xi32>
      %mul3A_1187 = arith.muli %get3A_1184, %mul3A_1186 : vector<16xi32>
      %get3A_1188 = arith.constant 2208 : index
      %get3A_1189 = tpu.vector_load %arg5[%get3A_1188] {strides = array<i32>} : memref<3200xi32, #tpu.memory_space<vmem>>, vector<16xi32>,
      %add3A_1190 = arith.addi %mul3A_1187, %get3A_1189 : vector<16xi32>
      tpu.vector_store_idx %arg7[%add3A_1190], %broadcast_in_dim3A_6 {add = true} : memref<16384xi32, #tpu.memory_space<vmem>>[vector<16xi32>], vector<16xi32>,
      %get3A_1191 = arith.constant 2224 : index
      %get3A_1192 = tpu.vector_load %arg6[%get3A_1191] {strides = array<i32>} : memref<3200xi32, #tpu.memory_space<vmem>>, vector<16xi32>,
      %mul3A_1193 = arith.constant 128 : i32
      %mul3A_1194 = vector.broadcast %mul3A_1193 : i32 to vector<16xi32>
      %mul3A_1195 = arith.muli %get3A_1192, %mul3A_1194 : vector<16xi32>
      %get3A_1196 = arith.constant 2224 : index
      %get3A_1197 = tpu.vector_load %arg5[%get3A_1196] {strides = array<i32>} : memref<3200xi32, #tpu.memory_space<vmem>>, vector<16xi32>,
      %add3A_1198 = arith.addi %mul3A_1195, %get3A_1197 : vector<16xi32>
      tpu.vector_store_idx %arg7[%add3A_1198], %broadcast_in_dim3A_6 {add = true} : memref<16384xi32, #tpu.memory_space<vmem>>[vector<16xi32>], vector<16xi32>,
      %get3A_1199 = arith.constant 2240 : index
      %get3A_1200 = tpu.vector_load %arg6[%get3A_1199] {strides = array<i32>} : memref<3200xi32, #tpu.memory_space<vmem>>, vector<16xi32>,
      %mul3A_1201 = arith.constant 128 : i32
      %mul3A_1202 = vector.broadcast %mul3A_1201 : i32 to vector<16xi32>
      %mul3A_1203 = arith.muli %get3A_1200, %mul3A_1202 : vector<16xi32>
      %get3A_1204 = arith.constant 2240 : index
      %get3A_1205 = tpu.vector_load %arg5[%get3A_1204] {strides = array<i32>} : memref<3200xi32, #tpu.memory_space<vmem>>, vector<16xi32>,
      %add3A_1206 = arith.addi %mul3A_1203, %get3A_1205 : vector<16xi32>
      tpu.vector_store_idx %arg7[%add3A_1206], %broadcast_in_dim3A_6 {add = true} : memref<16384xi32, #tpu.memory_space<vmem>>[vector<16xi32>], vector<16xi32>,
      %get3A_1207 = arith.constant 2256 : index
      %get3A_1208 = tpu.vector_load %arg6[%get3A_1207] {strides = array<i32>} : memref<3200xi32, #tpu.memory_space<vmem>>, vector<16xi32>,
      %mul3A_1209 = arith.constant 128 : i32
      %mul3A_1210 = vector.broadcast %mul3A_1209 : i32 to vector<16xi32>
      %mul3A_1211 = arith.muli %get3A_1208, %mul3A_1210 : vector<16xi32>
      %get3A_1212 = arith.constant 2256 : index
      %get3A_1213 = tpu.vector_load %arg5[%get3A_1212] {strides = array<i32>} : memref<3200xi32, #tpu.memory_space<vmem>>, vector<16xi32>,
      %add3A_1214 = arith.addi %mul3A_1211, %get3A_1213 : vector<16xi32>
      tpu.vector_store_idx %arg7[%add3A_1214], %broadcast_in_dim3A_6 {add = true} : memref<16384xi32, #tpu.memory_space<vmem>>[vector<16xi32>], vector<16xi32>,
      %get3A_1215 = arith.constant 2272 : index
      %get3A_1216 = tpu.vector_load %arg6[%get3A_1215] {strides = array<i32>} : memref<3200xi32, #tpu.memory_space<vmem>>, vector<16xi32>,
      %mul3A_1217 = arith.constant 128 : i32
      %mul3A_1218 = vector.broadcast %mul3A_1217 : i32 to vector<16xi32>
      %mul3A_1219 = arith.muli %get3A_1216, %mul3A_1218 : vector<16xi32>
      %get3A_1220 = arith.constant 2272 : index
      %get3A_1221 = tpu.vector_load %arg5[%get3A_1220] {strides = array<i32>} : memref<3200xi32, #tpu.memory_space<vmem>>, vector<16xi32>,
      %add3A_1222 = arith.addi %mul3A_1219, %get3A_1221 : vector<16xi32>
      tpu.vector_store_idx %arg7[%add3A_1222], %broadcast_in_dim3A_6 {add = true} : memref<16384xi32, #tpu.memory_space<vmem>>[vector<16xi32>], vector<16xi32>,
      %get3A_1223 = arith.constant 2288 : index
      %get3A_1224 = tpu.vector_load %arg6[%get3A_1223] {strides = array<i32>} : memref<3200xi32, #tpu.memory_space<vmem>>, vector<16xi32>,
      %mul3A_1225 = arith.constant 128 : i32
      %mul3A_1226 = vector.broadcast %mul3A_1225 : i32 to vector<16xi32>
      %mul3A_1227 = arith.muli %get3A_1224, %mul3A_1226 : vector<16xi32>
      %get3A_1228 = arith.constant 2288 : index
      %get3A_1229 = tpu.vector_load %arg5[%get3A_1228] {strides = array<i32>} : memref<3200xi32, #tpu.memory_space<vmem>>, vector<16xi32>,
      %add3A_1230 = arith.addi %mul3A_1227, %get3A_1229 : vector<16xi32>
      tpu.vector_store_idx %arg7[%add3A_1230], %broadcast_in_dim3A_6 {add = true} : memref<16384xi32, #tpu.memory_space<vmem>>[vector<16xi32>], vector<16xi32>,
      %get3A_1231 = arith.constant 2304 : index
      %get3A_1232 = tpu.vector_load %arg6[%get3A_1231] {strides = array<i32>} : memref<3200xi32, #tpu.memory_space<vmem>>, vector<16xi32>,
      %mul3A_1233 = arith.constant 128 : i32
      %mul3A_1234 = vector.broadcast %mul3A_1233 : i32 to vector<16xi32>
      %mul3A_1235 = arith.muli %get3A_1232, %mul3A_1234 : vector<16xi32>
      %get3A_1236 = arith.constant 2304 : index
      %get3A_1237 = tpu.vector_load %arg5[%get3A_1236] {strides = array<i32>} : memref<3200xi32, #tpu.memory_space<vmem>>, vector<16xi32>,
      %add3A_1238 = arith.addi %mul3A_1235, %get3A_1237 : vector<16xi32>
      tpu.vector_store_idx %arg7[%add3A_1238], %broadcast_in_dim3A_6 {add = true} : memref<16384xi32, #tpu.memory_space<vmem>>[vector<16xi32>], vector<16xi32>,
      %get3A_1239 = arith.constant 2320 : index
      %get3A_1240 = tpu.vector_load %arg6[%get3A_1239] {strides = array<i32>} : memref<3200xi32, #tpu.memory_space<vmem>>, vector<16xi32>,
      %mul3A_1241 = arith.constant 128 : i32
      %mul3A_1242 = vector.broadcast %mul3A_1241 : i32 to vector<16xi32>
      %mul3A_1243 = arith.muli %get3A_1240, %mul3A_1242 : vector<16xi32>
      %get3A_1244 = arith.constant 2320 : index
      %get3A_1245 = tpu.vector_load %arg5[%get3A_1244] {strides = array<i32>} : memref<3200xi32, #tpu.memory_space<vmem>>, vector<16xi32>,
      %add3A_1246 = arith.addi %mul3A_1243, %get3A_1245 : vector<16xi32>
      tpu.vector_store_idx %arg7[%add3A_1246], %broadcast_in_dim3A_6 {add = true} : memref<16384xi32, #tpu.memory_space<vmem>>[vector<16xi32>], vector<16xi32>,
      %get3A_1247 = arith.constant 2336 : index
      %get3A_1248 = tpu.vector_load %arg6[%get3A_1247] {strides = array<i32>} : memref<3200xi32, #tpu.memory_space<vmem>>, vector<16xi32>,
      %mul3A_1249 = arith.constant 128 : i32
      %mul3A_1250 = vector.broadcast %mul3A_1249 : i32 to vector<16xi32>
      %mul3A_1251 = arith.muli %get3A_1248, %mul3A_1250 : vector<16xi32>
      %get3A_1252 = arith.constant 2336 : index
      %get3A_1253 = tpu.vector_load %arg5[%get3A_1252] {strides = array<i32>} : memref<3200xi32, #tpu.memory_space<vmem>>, vector<16xi32>,
      %add3A_1254 = arith.addi %mul3A_1251, %get3A_1253 : vector<16xi32>
      tpu.vector_store_idx %arg7[%add3A_1254], %broadcast_in_dim3A_6 {add = true} : memref<16384xi32, #tpu.memory_space<vmem>>[vector<16xi32>], vector<16xi32>,
      %get3A_1255 = arith.constant 2352 : index
      %get3A_1256 = tpu.vector_load %arg6[%get3A_1255] {strides = array<i32>} : memref<3200xi32, #tpu.memory_space<vmem>>, vector<16xi32>,
      %mul3A_1257 = arith.constant 128 : i32
      %mul3A_1258 = vector.broadcast %mul3A_1257 : i32 to vector<16xi32>
      %mul3A_1259 = arith.muli %get3A_1256, %mul3A_1258 : vector<16xi32>
      %get3A_1260 = arith.constant 2352 : index
      %get3A_1261 = tpu.vector_load %arg5[%get3A_1260] {strides = array<i32>} : memref<3200xi32, #tpu.memory_space<vmem>>, vector<16xi32>,
      %add3A_1262 = arith.addi %mul3A_1259, %get3A_1261 : vector<16xi32>
      tpu.vector_store_idx %arg7[%add3A_1262], %broadcast_in_dim3A_6 {add = true} : memref<16384xi32, #tpu.memory_space<vmem>>[vector<16xi32>], vector<16xi32>,
      %get3A_1263 = arith.constant 2368 : index
      %get3A_1264 = tpu.vector_load %arg6[%get3A_1263] {strides = array<i32>} : memref<3200xi32, #tpu.memory_space<vmem>>, vector<16xi32>,
      %mul3A_1265 = arith.constant 128 : i32
      %mul3A_1266 = vector.broadcast %mul3A_1265 : i32 to vector<16xi32>
      %mul3A_1267 = arith.muli %get3A_1264, %mul3A_1266 : vector<16xi32>
      %get3A_1268 = arith.constant 2368 : index
      %get3A_1269 = tpu.vector_load %arg5[%get3A_1268] {strides = array<i32>} : memref<3200xi32, #tpu.memory_space<vmem>>, vector<16xi32>,
      %add3A_1270 = arith.addi %mul3A_1267, %get3A_1269 : vector<16xi32>
      tpu.vector_store_idx %arg7[%add3A_1270], %broadcast_in_dim3A_6 {add = true} : memref<16384xi32, #tpu.memory_space<vmem>>[vector<16xi32>], vector<16xi32>,
      %get3A_1271 = arith.constant 2384 : index
      %get3A_1272 = tpu.vector_load %arg6[%get3A_1271] {strides = array<i32>} : memref<3200xi32, #tpu.memory_space<vmem>>, vector<16xi32>,
      %mul3A_1273 = arith.constant 128 : i32
      %mul3A_1274 = vector.broadcast %mul3A_1273 : i32 to vector<16xi32>
      %mul3A_1275 = arith.muli %get3A_1272, %mul3A_1274 : vector<16xi32>
      %get3A_1276 = arith.constant 2384 : index
      %get3A_1277 = tpu.vector_load %arg5[%get3A_1276] {strides = array<i32>} : memref<3200xi32, #tpu.memory_space<vmem>>, vector<16xi32>,
      %add3A_1278 = arith.addi %mul3A_1275, %get3A_1277 : vector<16xi32>
      tpu.vector_store_idx %arg7[%add3A_1278], %broadcast_in_dim3A_6 {add = true} : memref<16384xi32, #tpu.memory_space<vmem>>[vector<16xi32>], vector<16xi32>,
      %get3A_1279 = arith.constant 2400 : index
      %get3A_1280 = tpu.vector_load %arg6[%get3A_1279] {strides = array<i32>} : memref<3200xi32, #tpu.memory_space<vmem>>, vector<16xi32>,
      %mul3A_1281 = arith.constant 128 : i32
      %mul3A_1282 = vector.broadcast %mul3A_1281 : i32 to vector<16xi32>
      %mul3A_1283 = arith.muli %get3A_1280, %mul3A_1282 : vector<16xi32>
      %get3A_1284 = arith.constant 2400 : index
      %get3A_1285 = tpu.vector_load %arg5[%get3A_1284] {strides = array<i32>} : memref<3200xi32, #tpu.memory_space<vmem>>, vector<16xi32>,
      %add3A_1286 = arith.addi %mul3A_1283, %get3A_1285 : vector<16xi32>
      tpu.vector_store_idx %arg7[%add3A_1286], %broadcast_in_dim3A_6 {add = true} : memref<16384xi32, #tpu.memory_space<vmem>>[vector<16xi32>], vector<16xi32>,
      %get3A_1287 = arith.constant 2416 : index
      %get3A_1288 = tpu.vector_load %arg6[%get3A_1287] {strides = array<i32>} : memref<3200xi32, #tpu.memory_space<vmem>>, vector<16xi32>,
      %mul3A_1289 = arith.constant 128 : i32
      %mul3A_1290 = vector.broadcast %mul3A_1289 : i32 to vector<16xi32>
      %mul3A_1291 = arith.muli %get3A_1288, %mul3A_1290 : vector<16xi32>
      %get3A_1292 = arith.constant 2416 : index
      %get3A_1293 = tpu.vector_load %arg5[%get3A_1292] {strides = array<i32>} : memref<3200xi32, #tpu.memory_space<vmem>>, vector<16xi32>,
      %add3A_1294 = arith.addi %mul3A_1291, %get3A_1293 : vector<16xi32>
      tpu.vector_store_idx %arg7[%add3A_1294], %broadcast_in_dim3A_6 {add = true} : memref<16384xi32, #tpu.memory_space<vmem>>[vector<16xi32>], vector<16xi32>,
      %get3A_1295 = arith.constant 2432 : index
      %get3A_1296 = tpu.vector_load %arg6[%get3A_1295] {strides = array<i32>} : memref<3200xi32, #tpu.memory_space<vmem>>, vector<16xi32>,
      %mul3A_1297 = arith.constant 128 : i32
      %mul3A_1298 = vector.broadcast %mul3A_1297 : i32 to vector<16xi32>
      %mul3A_1299 = arith.muli %get3A_1296, %mul3A_1298 : vector<16xi32>
      %get3A_1300 = arith.constant 2432 : index
      %get3A_1301 = tpu.vector_load %arg5[%get3A_1300] {strides = array<i32>} : memref<3200xi32, #tpu.memory_space<vmem>>, vector<16xi32>,
      %add3A_1302 = arith.addi %mul3A_1299, %get3A_1301 : vector<16xi32>
      tpu.vector_store_idx %arg7[%add3A_1302], %broadcast_in_dim3A_6 {add = true} : memref<16384xi32, #tpu.memory_space<vmem>>[vector<16xi32>], vector<16xi32>,
      %get3A_1303 = arith.constant 2448 : index
      %get3A_1304 = tpu.vector_load %arg6[%get3A_1303] {strides = array<i32>} : memref<3200xi32, #tpu.memory_space<vmem>>, vector<16xi32>,
      %mul3A_1305 = arith.constant 128 : i32
      %mul3A_1306 = vector.broadcast %mul3A_1305 : i32 to vector<16xi32>
      %mul3A_1307 = arith.muli %get3A_1304, %mul3A_1306 : vector<16xi32>
      %get3A_1308 = arith.constant 2448 : index
      %get3A_1309 = tpu.vector_load %arg5[%get3A_1308] {strides = array<i32>} : memref<3200xi32, #tpu.memory_space<vmem>>, vector<16xi32>,
      %add3A_1310 = arith.addi %mul3A_1307, %get3A_1309 : vector<16xi32>
      tpu.vector_store_idx %arg7[%add3A_1310], %broadcast_in_dim3A_6 {add = true} : memref<16384xi32, #tpu.memory_space<vmem>>[vector<16xi32>], vector<16xi32>,
      %get3A_1311 = arith.constant 2464 : index
      %get3A_1312 = tpu.vector_load %arg6[%get3A_1311] {strides = array<i32>} : memref<3200xi32, #tpu.memory_space<vmem>>, vector<16xi32>,
      %mul3A_1313 = arith.constant 128 : i32
      %mul3A_1314 = vector.broadcast %mul3A_1313 : i32 to vector<16xi32>
      %mul3A_1315 = arith.muli %get3A_1312, %mul3A_1314 : vector<16xi32>
      %get3A_1316 = arith.constant 2464 : index
      %get3A_1317 = tpu.vector_load %arg5[%get3A_1316] {strides = array<i32>} : memref<3200xi32, #tpu.memory_space<vmem>>, vector<16xi32>,
      %add3A_1318 = arith.addi %mul3A_1315, %get3A_1317 : vector<16xi32>
      tpu.vector_store_idx %arg7[%add3A_1318], %broadcast_in_dim3A_6 {add = true} : memref<16384xi32, #tpu.memory_space<vmem>>[vector<16xi32>], vector<16xi32>,
      %get3A_1319 = arith.constant 2480 : index
      %get3A_1320 = tpu.vector_load %arg6[%get3A_1319] {strides = array<i32>} : memref<3200xi32, #tpu.memory_space<vmem>>, vector<16xi32>,
      %mul3A_1321 = arith.constant 128 : i32
      %mul3A_1322 = vector.broadcast %mul3A_1321 : i32 to vector<16xi32>
      %mul3A_1323 = arith.muli %get3A_1320, %mul3A_1322 : vector<16xi32>
      %get3A_1324 = arith.constant 2480 : index
      %get3A_1325 = tpu.vector_load %arg5[%get3A_1324] {strides = array<i32>} : memref<3200xi32, #tpu.memory_space<vmem>>, vector<16xi32>,
      %add3A_1326 = arith.addi %mul3A_1323, %get3A_1325 : vector<16xi32>
      tpu.vector_store_idx %arg7[%add3A_1326], %broadcast_in_dim3A_6 {add = true} : memref<16384xi32, #tpu.memory_space<vmem>>[vector<16xi32>], vector<16xi32>,
      %get3A_1327 = arith.constant 2496 : index
      %get3A_1328 = tpu.vector_load %arg6[%get3A_1327] {strides = array<i32>} : memref<3200xi32, #tpu.memory_space<vmem>>, vector<16xi32>,
      %mul3A_1329 = arith.constant 128 : i32
      %mul3A_1330 = vector.broadcast %mul3A_1329 : i32 to vector<16xi32>
      %mul3A_1331 = arith.muli %get3A_1328, %mul3A_1330 : vector<16xi32>
      %get3A_1332 = arith.constant 2496 : index
      %get3A_1333 = tpu.vector_load %arg5[%get3A_1332] {strides = array<i32>} : memref<3200xi32, #tpu.memory_space<vmem>>, vector<16xi32>,
      %add3A_1334 = arith.addi %mul3A_1331, %get3A_1333 : vector<16xi32>
      tpu.vector_store_idx %arg7[%add3A_1334], %broadcast_in_dim3A_6 {add = true} : memref<16384xi32, #tpu.memory_space<vmem>>[vector<16xi32>], vector<16xi32>,
      %get3A_1335 = arith.constant 2512 : index
      %get3A_1336 = tpu.vector_load %arg6[%get3A_1335] {strides = array<i32>} : memref<3200xi32, #tpu.memory_space<vmem>>, vector<16xi32>,
      %mul3A_1337 = arith.constant 128 : i32
      %mul3A_1338 = vector.broadcast %mul3A_1337 : i32 to vector<16xi32>
      %mul3A_1339 = arith.muli %get3A_1336, %mul3A_1338 : vector<16xi32>
      %get3A_1340 = arith.constant 2512 : index
      %get3A_1341 = tpu.vector_load %arg5[%get3A_1340] {strides = array<i32>} : memref<3200xi32, #tpu.memory_space<vmem>>, vector<16xi32>,
      %add3A_1342 = arith.addi %mul3A_1339, %get3A_1341 : vector<16xi32>
      tpu.vector_store_idx %arg7[%add3A_1342], %broadcast_in_dim3A_6 {add = true} : memref<16384xi32, #tpu.memory_space<vmem>>[vector<16xi32>], vector<16xi32>,
      %get3A_1343 = arith.constant 2528 : index
      %get3A_1344 = tpu.vector_load %arg6[%get3A_1343] {strides = array<i32>} : memref<3200xi32, #tpu.memory_space<vmem>>, vector<16xi32>,
      %mul3A_1345 = arith.constant 128 : i32
      %mul3A_1346 = vector.broadcast %mul3A_1345 : i32 to vector<16xi32>
      %mul3A_1347 = arith.muli %get3A_1344, %mul3A_1346 : vector<16xi32>
      %get3A_1348 = arith.constant 2528 : index
      %get3A_1349 = tpu.vector_load %arg5[%get3A_1348] {strides = array<i32>} : memref<3200xi32, #tpu.memory_space<vmem>>, vector<16xi32>,
      %add3A_1350 = arith.addi %mul3A_1347, %get3A_1349 : vector<16xi32>
      tpu.vector_store_idx %arg7[%add3A_1350], %broadcast_in_dim3A_6 {add = true} : memref<16384xi32, #tpu.memory_space<vmem>>[vector<16xi32>], vector<16xi32>,
      %get3A_1351 = arith.constant 2544 : index
      %get3A_1352 = tpu.vector_load %arg6[%get3A_1351] {strides = array<i32>} : memref<3200xi32, #tpu.memory_space<vmem>>, vector<16xi32>,
      %mul3A_1353 = arith.constant 128 : i32
      %mul3A_1354 = vector.broadcast %mul3A_1353 : i32 to vector<16xi32>
      %mul3A_1355 = arith.muli %get3A_1352, %mul3A_1354 : vector<16xi32>
      %get3A_1356 = arith.constant 2544 : index
      %get3A_1357 = tpu.vector_load %arg5[%get3A_1356] {strides = array<i32>} : memref<3200xi32, #tpu.memory_space<vmem>>, vector<16xi32>,
      %add3A_1358 = arith.addi %mul3A_1355, %get3A_1357 : vector<16xi32>
      tpu.vector_store_idx %arg7[%add3A_1358], %broadcast_in_dim3A_6 {add = true} : memref<16384xi32, #tpu.memory_space<vmem>>[vector<16xi32>], vector<16xi32>,
      %get3A_1359 = arith.constant 2560 : index
      %get3A_1360 = tpu.vector_load %arg6[%get3A_1359] {strides = array<i32>} : memref<3200xi32, #tpu.memory_space<vmem>>, vector<16xi32>,
      %mul3A_1361 = arith.constant 128 : i32
      %mul3A_1362 = vector.broadcast %mul3A_1361 : i32 to vector<16xi32>
      %mul3A_1363 = arith.muli %get3A_1360, %mul3A_1362 : vector<16xi32>
      %get3A_1364 = arith.constant 2560 : index
      %get3A_1365 = tpu.vector_load %arg5[%get3A_1364] {strides = array<i32>} : memref<3200xi32, #tpu.memory_space<vmem>>, vector<16xi32>,
      %add3A_1366 = arith.addi %mul3A_1363, %get3A_1365 : vector<16xi32>
      tpu.vector_store_idx %arg7[%add3A_1366], %broadcast_in_dim3A_6 {add = true} : memref<16384xi32, #tpu.memory_space<vmem>>[vector<16xi32>], vector<16xi32>,
      %get3A_1367 = arith.constant 2576 : index
      %get3A_1368 = tpu.vector_load %arg6[%get3A_1367] {strides = array<i32>} : memref<3200xi32, #tpu.memory_space<vmem>>, vector<16xi32>,
      %mul3A_1369 = arith.constant 128 : i32
      %mul3A_1370 = vector.broadcast %mul3A_1369 : i32 to vector<16xi32>
      %mul3A_1371 = arith.muli %get3A_1368, %mul3A_1370 : vector<16xi32>
      %get3A_1372 = arith.constant 2576 : index
      %get3A_1373 = tpu.vector_load %arg5[%get3A_1372] {strides = array<i32>} : memref<3200xi32, #tpu.memory_space<vmem>>, vector<16xi32>,
      %add3A_1374 = arith.addi %mul3A_1371, %get3A_1373 : vector<16xi32>
      tpu.vector_store_idx %arg7[%add3A_1374], %broadcast_in_dim3A_6 {add = true} : memref<16384xi32, #tpu.memory_space<vmem>>[vector<16xi32>], vector<16xi32>,
      %get3A_1375 = arith.constant 2592 : index
      %get3A_1376 = tpu.vector_load %arg6[%get3A_1375] {strides = array<i32>} : memref<3200xi32, #tpu.memory_space<vmem>>, vector<16xi32>,
      %mul3A_1377 = arith.constant 128 : i32
      %mul3A_1378 = vector.broadcast %mul3A_1377 : i32 to vector<16xi32>
      %mul3A_1379 = arith.muli %get3A_1376, %mul3A_1378 : vector<16xi32>
      %get3A_1380 = arith.constant 2592 : index
      %get3A_1381 = tpu.vector_load %arg5[%get3A_1380] {strides = array<i32>} : memref<3200xi32, #tpu.memory_space<vmem>>, vector<16xi32>,
      %add3A_1382 = arith.addi %mul3A_1379, %get3A_1381 : vector<16xi32>
      tpu.vector_store_idx %arg7[%add3A_1382], %broadcast_in_dim3A_6 {add = true} : memref<16384xi32, #tpu.memory_space<vmem>>[vector<16xi32>], vector<16xi32>,
      %get3A_1383 = arith.constant 2608 : index
      %get3A_1384 = tpu.vector_load %arg6[%get3A_1383] {strides = array<i32>} : memref<3200xi32, #tpu.memory_space<vmem>>, vector<16xi32>,
      %mul3A_1385 = arith.constant 128 : i32
      %mul3A_1386 = vector.broadcast %mul3A_1385 : i32 to vector<16xi32>
      %mul3A_1387 = arith.muli %get3A_1384, %mul3A_1386 : vector<16xi32>
      %get3A_1388 = arith.constant 2608 : index
      %get3A_1389 = tpu.vector_load %arg5[%get3A_1388] {strides = array<i32>} : memref<3200xi32, #tpu.memory_space<vmem>>, vector<16xi32>,
      %add3A_1390 = arith.addi %mul3A_1387, %get3A_1389 : vector<16xi32>
      tpu.vector_store_idx %arg7[%add3A_1390], %broadcast_in_dim3A_6 {add = true} : memref<16384xi32, #tpu.memory_space<vmem>>[vector<16xi32>], vector<16xi32>,
      %get3A_1391 = arith.constant 2624 : index
      %get3A_1392 = tpu.vector_load %arg6[%get3A_1391] {strides = array<i32>} : memref<3200xi32, #tpu.memory_space<vmem>>, vector<16xi32>,
      %mul3A_1393 = arith.constant 128 : i32
      %mul3A_1394 = vector.broadcast %mul3A_1393 : i32 to vector<16xi32>
      %mul3A_1395 = arith.muli %get3A_1392, %mul3A_1394 : vector<16xi32>
      %get3A_1396 = arith.constant 2624 : index
      %get3A_1397 = tpu.vector_load %arg5[%get3A_1396] {strides = array<i32>} : memref<3200xi32, #tpu.memory_space<vmem>>, vector<16xi32>,
      %add3A_1398 = arith.addi %mul3A_1395, %get3A_1397 : vector<16xi32>
      tpu.vector_store_idx %arg7[%add3A_1398], %broadcast_in_dim3A_6 {add = true} : memref<16384xi32, #tpu.memory_space<vmem>>[vector<16xi32>], vector<16xi32>,
      %get3A_1399 = arith.constant 2640 : index
      %get3A_1400 = tpu.vector_load %arg6[%get3A_1399] {strides = array<i32>} : memref<3200xi32, #tpu.memory_space<vmem>>, vector<16xi32>,
      %mul3A_1401 = arith.constant 128 : i32
      %mul3A_1402 = vector.broadcast %mul3A_1401 : i32 to vector<16xi32>
      %mul3A_1403 = arith.muli %get3A_1400, %mul3A_1402 : vector<16xi32>
      %get3A_1404 = arith.constant 2640 : index
      %get3A_1405 = tpu.vector_load %arg5[%get3A_1404] {strides = array<i32>} : memref<3200xi32, #tpu.memory_space<vmem>>, vector<16xi32>,
      %add3A_1406 = arith.addi %mul3A_1403, %get3A_1405 : vector<16xi32>
      tpu.vector_store_idx %arg7[%add3A_1406], %broadcast_in_dim3A_6 {add = true} : memref<16384xi32, #tpu.memory_space<vmem>>[vector<16xi32>], vector<16xi32>,
      %get3A_1407 = arith.constant 2656 : index
      %get3A_1408 = tpu.vector_load %arg6[%get3A_1407] {strides = array<i32>} : memref<3200xi32, #tpu.memory_space<vmem>>, vector<16xi32>,
      %mul3A_1409 = arith.constant 128 : i32
      %mul3A_1410 = vector.broadcast %mul3A_1409 : i32 to vector<16xi32>
      %mul3A_1411 = arith.muli %get3A_1408, %mul3A_1410 : vector<16xi32>
      %get3A_1412 = arith.constant 2656 : index
      %get3A_1413 = tpu.vector_load %arg5[%get3A_1412] {strides = array<i32>} : memref<3200xi32, #tpu.memory_space<vmem>>, vector<16xi32>,
      %add3A_1414 = arith.addi %mul3A_1411, %get3A_1413 : vector<16xi32>
      tpu.vector_store_idx %arg7[%add3A_1414], %broadcast_in_dim3A_6 {add = true} : memref<16384xi32, #tpu.memory_space<vmem>>[vector<16xi32>], vector<16xi32>,
      %get3A_1415 = arith.constant 2672 : index
      %get3A_1416 = tpu.vector_load %arg6[%get3A_1415] {strides = array<i32>} : memref<3200xi32, #tpu.memory_space<vmem>>, vector<16xi32>,
      %mul3A_1417 = arith.constant 128 : i32
      %mul3A_1418 = vector.broadcast %mul3A_1417 : i32 to vector<16xi32>
      %mul3A_1419 = arith.muli %get3A_1416, %mul3A_1418 : vector<16xi32>
      %get3A_1420 = arith.constant 2672 : index
      %get3A_1421 = tpu.vector_load %arg5[%get3A_1420] {strides = array<i32>} : memref<3200xi32, #tpu.memory_space<vmem>>, vector<16xi32>,
      %add3A_1422 = arith.addi %mul3A_1419, %get3A_1421 : vector<16xi32>
      tpu.vector_store_idx %arg7[%add3A_1422], %broadcast_in_dim3A_6 {add = true} : memref<16384xi32, #tpu.memory_space<vmem>>[vector<16xi32>], vector<16xi32>,
      %get3A_1423 = arith.constant 2688 : index
      %get3A_1424 = tpu.vector_load %arg6[%get3A_1423] {strides = array<i32>} : memref<3200xi32, #tpu.memory_space<vmem>>, vector<16xi32>,
      %mul3A_1425 = arith.constant 128 : i32
      %mul3A_1426 = vector.broadcast %mul3A_1425 : i32 to vector<16xi32>
      %mul3A_1427 = arith.muli %get3A_1424, %mul3A_1426 : vector<16xi32>
      %get3A_1428 = arith.constant 2688 : index
      %get3A_1429 = tpu.vector_load %arg5[%get3A_1428] {strides = array<i32>} : memref<3200xi32, #tpu.memory_space<vmem>>, vector<16xi32>,
      %add3A_1430 = arith.addi %mul3A_1427, %get3A_1429 : vector<16xi32>
      tpu.vector_store_idx %arg7[%add3A_1430], %broadcast_in_dim3A_6 {add = true} : memref<16384xi32, #tpu.memory_space<vmem>>[vector<16xi32>], vector<16xi32>,
      %get3A_1431 = arith.constant 2704 : index
      %get3A_1432 = tpu.vector_load %arg6[%get3A_1431] {strides = array<i32>} : memref<3200xi32, #tpu.memory_space<vmem>>, vector<16xi32>,
      %mul3A_1433 = arith.constant 128 : i32
      %mul3A_1434 = vector.broadcast %mul3A_1433 : i32 to vector<16xi32>
      %mul3A_1435 = arith.muli %get3A_1432, %mul3A_1434 : vector<16xi32>
      %get3A_1436 = arith.constant 2704 : index
      %get3A_1437 = tpu.vector_load %arg5[%get3A_1436] {strides = array<i32>} : memref<3200xi32, #tpu.memory_space<vmem>>, vector<16xi32>,
      %add3A_1438 = arith.addi %mul3A_1435, %get3A_1437 : vector<16xi32>
      tpu.vector_store_idx %arg7[%add3A_1438], %broadcast_in_dim3A_6 {add = true} : memref<16384xi32, #tpu.memory_space<vmem>>[vector<16xi32>], vector<16xi32>,
      %get3A_1439 = arith.constant 2720 : index
      %get3A_1440 = tpu.vector_load %arg6[%get3A_1439] {strides = array<i32>} : memref<3200xi32, #tpu.memory_space<vmem>>, vector<16xi32>,
      %mul3A_1441 = arith.constant 128 : i32
      %mul3A_1442 = vector.broadcast %mul3A_1441 : i32 to vector<16xi32>
      %mul3A_1443 = arith.muli %get3A_1440, %mul3A_1442 : vector<16xi32>
      %get3A_1444 = arith.constant 2720 : index
      %get3A_1445 = tpu.vector_load %arg5[%get3A_1444] {strides = array<i32>} : memref<3200xi32, #tpu.memory_space<vmem>>, vector<16xi32>,
      %add3A_1446 = arith.addi %mul3A_1443, %get3A_1445 : vector<16xi32>
      tpu.vector_store_idx %arg7[%add3A_1446], %broadcast_in_dim3A_6 {add = true} : memref<16384xi32, #tpu.memory_space<vmem>>[vector<16xi32>], vector<16xi32>,
      %get3A_1447 = arith.constant 2736 : index
      %get3A_1448 = tpu.vector_load %arg6[%get3A_1447] {strides = array<i32>} : memref<3200xi32, #tpu.memory_space<vmem>>, vector<16xi32>,
      %mul3A_1449 = arith.constant 128 : i32
      %mul3A_1450 = vector.broadcast %mul3A_1449 : i32 to vector<16xi32>
      %mul3A_1451 = arith.muli %get3A_1448, %mul3A_1450 : vector<16xi32>
      %get3A_1452 = arith.constant 2736 : index
      %get3A_1453 = tpu.vector_load %arg5[%get3A_1452] {strides = array<i32>} : memref<3200xi32, #tpu.memory_space<vmem>>, vector<16xi32>,
      %add3A_1454 = arith.addi %mul3A_1451, %get3A_1453 : vector<16xi32>
      tpu.vector_store_idx %arg7[%add3A_1454], %broadcast_in_dim3A_6 {add = true} : memref<16384xi32, #tpu.memory_space<vmem>>[vector<16xi32>], vector<16xi32>,
      %get3A_1455 = arith.constant 2752 : index
      %get3A_1456 = tpu.vector_load %arg6[%get3A_1455] {strides = array<i32>} : memref<3200xi32, #tpu.memory_space<vmem>>, vector<16xi32>,
      %mul3A_1457 = arith.constant 128 : i32
      %mul3A_1458 = vector.broadcast %mul3A_1457 : i32 to vector<16xi32>
      %mul3A_1459 = arith.muli %get3A_1456, %mul3A_1458 : vector<16xi32>
      %get3A_1460 = arith.constant 2752 : index
      %get3A_1461 = tpu.vector_load %arg5[%get3A_1460] {strides = array<i32>} : memref<3200xi32, #tpu.memory_space<vmem>>, vector<16xi32>,
      %add3A_1462 = arith.addi %mul3A_1459, %get3A_1461 : vector<16xi32>
      tpu.vector_store_idx %arg7[%add3A_1462], %broadcast_in_dim3A_6 {add = true} : memref<16384xi32, #tpu.memory_space<vmem>>[vector<16xi32>], vector<16xi32>,
      %get3A_1463 = arith.constant 2768 : index
      %get3A_1464 = tpu.vector_load %arg6[%get3A_1463] {strides = array<i32>} : memref<3200xi32, #tpu.memory_space<vmem>>, vector<16xi32>,
      %mul3A_1465 = arith.constant 128 : i32
      %mul3A_1466 = vector.broadcast %mul3A_1465 : i32 to vector<16xi32>
      %mul3A_1467 = arith.muli %get3A_1464, %mul3A_1466 : vector<16xi32>
      %get3A_1468 = arith.constant 2768 : index
      %get3A_1469 = tpu.vector_load %arg5[%get3A_1468] {strides = array<i32>} : memref<3200xi32, #tpu.memory_space<vmem>>, vector<16xi32>,
      %add3A_1470 = arith.addi %mul3A_1467, %get3A_1469 : vector<16xi32>
      tpu.vector_store_idx %arg7[%add3A_1470], %broadcast_in_dim3A_6 {add = true} : memref<16384xi32, #tpu.memory_space<vmem>>[vector<16xi32>], vector<16xi32>,
      %get3A_1471 = arith.constant 2784 : index
      %get3A_1472 = tpu.vector_load %arg6[%get3A_1471] {strides = array<i32>} : memref<3200xi32, #tpu.memory_space<vmem>>, vector<16xi32>,
      %mul3A_1473 = arith.constant 128 : i32
      %mul3A_1474 = vector.broadcast %mul3A_1473 : i32 to vector<16xi32>
      %mul3A_1475 = arith.muli %get3A_1472, %mul3A_1474 : vector<16xi32>
      %get3A_1476 = arith.constant 2784 : index
      %get3A_1477 = tpu.vector_load %arg5[%get3A_1476] {strides = array<i32>} : memref<3200xi32, #tpu.memory_space<vmem>>, vector<16xi32>,
      %add3A_1478 = arith.addi %mul3A_1475, %get3A_1477 : vector<16xi32>
      tpu.vector_store_idx %arg7[%add3A_1478], %broadcast_in_dim3A_6 {add = true} : memref<16384xi32, #tpu.memory_space<vmem>>[vector<16xi32>], vector<16xi32>,
      %get3A_1479 = arith.constant 2800 : index
      %get3A_1480 = tpu.vector_load %arg6[%get3A_1479] {strides = array<i32>} : memref<3200xi32, #tpu.memory_space<vmem>>, vector<16xi32>,
      %mul3A_1481 = arith.constant 128 : i32
      %mul3A_1482 = vector.broadcast %mul3A_1481 : i32 to vector<16xi32>
      %mul3A_1483 = arith.muli %get3A_1480, %mul3A_1482 : vector<16xi32>
      %get3A_1484 = arith.constant 2800 : index
      %get3A_1485 = tpu.vector_load %arg5[%get3A_1484] {strides = array<i32>} : memref<3200xi32, #tpu.memory_space<vmem>>, vector<16xi32>,
      %add3A_1486 = arith.addi %mul3A_1483, %get3A_1485 : vector<16xi32>
      tpu.vector_store_idx %arg7[%add3A_1486], %broadcast_in_dim3A_6 {add = true} : memref<16384xi32, #tpu.memory_space<vmem>>[vector<16xi32>], vector<16xi32>,
      %get3A_1487 = arith.constant 2816 : index
      %get3A_1488 = tpu.vector_load %arg6[%get3A_1487] {strides = array<i32>} : memref<3200xi32, #tpu.memory_space<vmem>>, vector<16xi32>,
      %mul3A_1489 = arith.constant 128 : i32
      %mul3A_1490 = vector.broadcast %mul3A_1489 : i32 to vector<16xi32>
      %mul3A_1491 = arith.muli %get3A_1488, %mul3A_1490 : vector<16xi32>
      %get3A_1492 = arith.constant 2816 : index
      %get3A_1493 = tpu.vector_load %arg5[%get3A_1492] {strides = array<i32>} : memref<3200xi32, #tpu.memory_space<vmem>>, vector<16xi32>,
      %add3A_1494 = arith.addi %mul3A_1491, %get3A_1493 : vector<16xi32>
      tpu.vector_store_idx %arg7[%add3A_1494], %broadcast_in_dim3A_6 {add = true} : memref<16384xi32, #tpu.memory_space<vmem>>[vector<16xi32>], vector<16xi32>,
      %get3A_1495 = arith.constant 2832 : index
      %get3A_1496 = tpu.vector_load %arg6[%get3A_1495] {strides = array<i32>} : memref<3200xi32, #tpu.memory_space<vmem>>, vector<16xi32>,
      %mul3A_1497 = arith.constant 128 : i32
      %mul3A_1498 = vector.broadcast %mul3A_1497 : i32 to vector<16xi32>
      %mul3A_1499 = arith.muli %get3A_1496, %mul3A_1498 : vector<16xi32>
      %get3A_1500 = arith.constant 2832 : index
      %get3A_1501 = tpu.vector_load %arg5[%get3A_1500] {strides = array<i32>} : memref<3200xi32, #tpu.memory_space<vmem>>, vector<16xi32>,
      %add3A_1502 = arith.addi %mul3A_1499, %get3A_1501 : vector<16xi32>
      tpu.vector_store_idx %arg7[%add3A_1502], %broadcast_in_dim3A_6 {add = true} : memref<16384xi32, #tpu.memory_space<vmem>>[vector<16xi32>], vector<16xi32>,
      %get3A_1503 = arith.constant 2848 : index
      %get3A_1504 = tpu.vector_load %arg6[%get3A_1503] {strides = array<i32>} : memref<3200xi32, #tpu.memory_space<vmem>>, vector<16xi32>,
      %mul3A_1505 = arith.constant 128 : i32
      %mul3A_1506 = vector.broadcast %mul3A_1505 : i32 to vector<16xi32>
      %mul3A_1507 = arith.muli %get3A_1504, %mul3A_1506 : vector<16xi32>
      %get3A_1508 = arith.constant 2848 : index
      %get3A_1509 = tpu.vector_load %arg5[%get3A_1508] {strides = array<i32>} : memref<3200xi32, #tpu.memory_space<vmem>>, vector<16xi32>,
      %add3A_1510 = arith.addi %mul3A_1507, %get3A_1509 : vector<16xi32>
      tpu.vector_store_idx %arg7[%add3A_1510], %broadcast_in_dim3A_6 {add = true} : memref<16384xi32, #tpu.memory_space<vmem>>[vector<16xi32>], vector<16xi32>,
      %get3A_1511 = arith.constant 2864 : index
      %get3A_1512 = tpu.vector_load %arg6[%get3A_1511] {strides = array<i32>} : memref<3200xi32, #tpu.memory_space<vmem>>, vector<16xi32>,
      %mul3A_1513 = arith.constant 128 : i32
      %mul3A_1514 = vector.broadcast %mul3A_1513 : i32 to vector<16xi32>
      %mul3A_1515 = arith.muli %get3A_1512, %mul3A_1514 : vector<16xi32>
      %get3A_1516 = arith.constant 2864 : index
      %get3A_1517 = tpu.vector_load %arg5[%get3A_1516] {strides = array<i32>} : memref<3200xi32, #tpu.memory_space<vmem>>, vector<16xi32>,
      %add3A_1518 = arith.addi %mul3A_1515, %get3A_1517 : vector<16xi32>
      tpu.vector_store_idx %arg7[%add3A_1518], %broadcast_in_dim3A_6 {add = true} : memref<16384xi32, #tpu.memory_space<vmem>>[vector<16xi32>], vector<16xi32>,
      %get3A_1519 = arith.constant 2880 : index
      %get3A_1520 = tpu.vector_load %arg6[%get3A_1519] {strides = array<i32>} : memref<3200xi32, #tpu.memory_space<vmem>>, vector<16xi32>,
      %mul3A_1521 = arith.constant 128 : i32
      %mul3A_1522 = vector.broadcast %mul3A_1521 : i32 to vector<16xi32>
      %mul3A_1523 = arith.muli %get3A_1520, %mul3A_1522 : vector<16xi32>
      %get3A_1524 = arith.constant 2880 : index
      %get3A_1525 = tpu.vector_load %arg5[%get3A_1524] {strides = array<i32>} : memref<3200xi32, #tpu.memory_space<vmem>>, vector<16xi32>,
      %add3A_1526 = arith.addi %mul3A_1523, %get3A_1525 : vector<16xi32>
      tpu.vector_store_idx %arg7[%add3A_1526], %broadcast_in_dim3A_6 {add = true} : memref<16384xi32, #tpu.memory_space<vmem>>[vector<16xi32>], vector<16xi32>,
      %get3A_1527 = arith.constant 2896 : index
      %get3A_1528 = tpu.vector_load %arg6[%get3A_1527] {strides = array<i32>} : memref<3200xi32, #tpu.memory_space<vmem>>, vector<16xi32>,
      %mul3A_1529 = arith.constant 128 : i32
      %mul3A_1530 = vector.broadcast %mul3A_1529 : i32 to vector<16xi32>
      %mul3A_1531 = arith.muli %get3A_1528, %mul3A_1530 : vector<16xi32>
      %get3A_1532 = arith.constant 2896 : index
      %get3A_1533 = tpu.vector_load %arg5[%get3A_1532] {strides = array<i32>} : memref<3200xi32, #tpu.memory_space<vmem>>, vector<16xi32>,
      %add3A_1534 = arith.addi %mul3A_1531, %get3A_1533 : vector<16xi32>
      tpu.vector_store_idx %arg7[%add3A_1534], %broadcast_in_dim3A_6 {add = true} : memref<16384xi32, #tpu.memory_space<vmem>>[vector<16xi32>], vector<16xi32>,
      %get3A_1535 = arith.constant 2912 : index
      %get3A_1536 = tpu.vector_load %arg6[%get3A_1535] {strides = array<i32>} : memref<3200xi32, #tpu.memory_space<vmem>>, vector<16xi32>,
      %mul3A_1537 = arith.constant 128 : i32
      %mul3A_1538 = vector.broadcast %mul3A_1537 : i32 to vector<16xi32>
      %mul3A_1539 = arith.muli %get3A_1536, %mul3A_1538 : vector<16xi32>
      %get3A_1540 = arith.constant 2912 : index
      %get3A_1541 = tpu.vector_load %arg5[%get3A_1540] {strides = array<i32>} : memref<3200xi32, #tpu.memory_space<vmem>>, vector<16xi32>,
      %add3A_1542 = arith.addi %mul3A_1539, %get3A_1541 : vector<16xi32>
      tpu.vector_store_idx %arg7[%add3A_1542], %broadcast_in_dim3A_6 {add = true} : memref<16384xi32, #tpu.memory_space<vmem>>[vector<16xi32>], vector<16xi32>,
      %get3A_1543 = arith.constant 2928 : index
      %get3A_1544 = tpu.vector_load %arg6[%get3A_1543] {strides = array<i32>} : memref<3200xi32, #tpu.memory_space<vmem>>, vector<16xi32>,
      %mul3A_1545 = arith.constant 128 : i32
      %mul3A_1546 = vector.broadcast %mul3A_1545 : i32 to vector<16xi32>
      %mul3A_1547 = arith.muli %get3A_1544, %mul3A_1546 : vector<16xi32>
      %get3A_1548 = arith.constant 2928 : index
      %get3A_1549 = tpu.vector_load %arg5[%get3A_1548] {strides = array<i32>} : memref<3200xi32, #tpu.memory_space<vmem>>, vector<16xi32>,
      %add3A_1550 = arith.addi %mul3A_1547, %get3A_1549 : vector<16xi32>
      tpu.vector_store_idx %arg7[%add3A_1550], %broadcast_in_dim3A_6 {add = true} : memref<16384xi32, #tpu.memory_space<vmem>>[vector<16xi32>], vector<16xi32>,
      %get3A_1551 = arith.constant 2944 : index
      %get3A_1552 = tpu.vector_load %arg6[%get3A_1551] {strides = array<i32>} : memref<3200xi32, #tpu.memory_space<vmem>>, vector<16xi32>,
      %mul3A_1553 = arith.constant 128 : i32
      %mul3A_1554 = vector.broadcast %mul3A_1553 : i32 to vector<16xi32>
      %mul3A_1555 = arith.muli %get3A_1552, %mul3A_1554 : vector<16xi32>
      %get3A_1556 = arith.constant 2944 : index
      %get3A_1557 = tpu.vector_load %arg5[%get3A_1556] {strides = array<i32>} : memref<3200xi32, #tpu.memory_space<vmem>>, vector<16xi32>,
      %add3A_1558 = arith.addi %mul3A_1555, %get3A_1557 : vector<16xi32>
      tpu.vector_store_idx %arg7[%add3A_1558], %broadcast_in_dim3A_6 {add = true} : memref<16384xi32, #tpu.memory_space<vmem>>[vector<16xi32>], vector<16xi32>,
      %get3A_1559 = arith.constant 2960 : index
      %get3A_1560 = tpu.vector_load %arg6[%get3A_1559] {strides = array<i32>} : memref<3200xi32, #tpu.memory_space<vmem>>, vector<16xi32>,
      %mul3A_1561 = arith.constant 128 : i32
      %mul3A_1562 = vector.broadcast %mul3A_1561 : i32 to vector<16xi32>
      %mul3A_1563 = arith.muli %get3A_1560, %mul3A_1562 : vector<16xi32>
      %get3A_1564 = arith.constant 2960 : index
      %get3A_1565 = tpu.vector_load %arg5[%get3A_1564] {strides = array<i32>} : memref<3200xi32, #tpu.memory_space<vmem>>, vector<16xi32>,
      %add3A_1566 = arith.addi %mul3A_1563, %get3A_1565 : vector<16xi32>
      tpu.vector_store_idx %arg7[%add3A_1566], %broadcast_in_dim3A_6 {add = true} : memref<16384xi32, #tpu.memory_space<vmem>>[vector<16xi32>], vector<16xi32>,
      %get3A_1567 = arith.constant 2976 : index
      %get3A_1568 = tpu.vector_load %arg6[%get3A_1567] {strides = array<i32>} : memref<3200xi32, #tpu.memory_space<vmem>>, vector<16xi32>,
      %mul3A_1569 = arith.constant 128 : i32
      %mul3A_1570 = vector.broadcast %mul3A_1569 : i32 to vector<16xi32>
      %mul3A_1571 = arith.muli %get3A_1568, %mul3A_1570 : vector<16xi32>
      %get3A_1572 = arith.constant 2976 : index
      %get3A_1573 = tpu.vector_load %arg5[%get3A_1572] {strides = array<i32>} : memref<3200xi32, #tpu.memory_space<vmem>>, vector<16xi32>,
      %add3A_1574 = arith.addi %mul3A_1571, %get3A_1573 : vector<16xi32>
      tpu.vector_store_idx %arg7[%add3A_1574], %broadcast_in_dim3A_6 {add = true} : memref<16384xi32, #tpu.memory_space<vmem>>[vector<16xi32>], vector<16xi32>,
      %get3A_1575 = arith.constant 2992 : index
      %get3A_1576 = tpu.vector_load %arg6[%get3A_1575] {strides = array<i32>} : memref<3200xi32, #tpu.memory_space<vmem>>, vector<16xi32>,
      %mul3A_1577 = arith.constant 128 : i32
      %mul3A_1578 = vector.broadcast %mul3A_1577 : i32 to vector<16xi32>
      %mul3A_1579 = arith.muli %get3A_1576, %mul3A_1578 : vector<16xi32>
      %get3A_1580 = arith.constant 2992 : index
      %get3A_1581 = tpu.vector_load %arg5[%get3A_1580] {strides = array<i32>} : memref<3200xi32, #tpu.memory_space<vmem>>, vector<16xi32>,
      %add3A_1582 = arith.addi %mul3A_1579, %get3A_1581 : vector<16xi32>
      tpu.vector_store_idx %arg7[%add3A_1582], %broadcast_in_dim3A_6 {add = true} : memref<16384xi32, #tpu.memory_space<vmem>>[vector<16xi32>], vector<16xi32>,
      %get3A_1583 = arith.constant 3008 : index
      %get3A_1584 = tpu.vector_load %arg6[%get3A_1583] {strides = array<i32>} : memref<3200xi32, #tpu.memory_space<vmem>>, vector<16xi32>,
      %mul3A_1585 = arith.constant 128 : i32
      %mul3A_1586 = vector.broadcast %mul3A_1585 : i32 to vector<16xi32>
      %mul3A_1587 = arith.muli %get3A_1584, %mul3A_1586 : vector<16xi32>
      %get3A_1588 = arith.constant 3008 : index
      %get3A_1589 = tpu.vector_load %arg5[%get3A_1588] {strides = array<i32>} : memref<3200xi32, #tpu.memory_space<vmem>>, vector<16xi32>,
      %add3A_1590 = arith.addi %mul3A_1587, %get3A_1589 : vector<16xi32>
      tpu.vector_store_idx %arg7[%add3A_1590], %broadcast_in_dim3A_6 {add = true} : memref<16384xi32, #tpu.memory_space<vmem>>[vector<16xi32>], vector<16xi32>,
      %get3A_1591 = arith.constant 3024 : index
      %get3A_1592 = tpu.vector_load %arg6[%get3A_1591] {strides = array<i32>} : memref<3200xi32, #tpu.memory_space<vmem>>, vector<16xi32>,
      %mul3A_1593 = arith.constant 128 : i32
      %mul3A_1594 = vector.broadcast %mul3A_1593 : i32 to vector<16xi32>
      %mul3A_1595 = arith.muli %get3A_1592, %mul3A_1594 : vector<16xi32>
      %get3A_1596 = arith.constant 3024 : index
      %get3A_1597 = tpu.vector_load %arg5[%get3A_1596] {strides = array<i32>} : memref<3200xi32, #tpu.memory_space<vmem>>, vector<16xi32>,
      %add3A_1598 = arith.addi %mul3A_1595, %get3A_1597 : vector<16xi32>
      tpu.vector_store_idx %arg7[%add3A_1598], %broadcast_in_dim3A_6 {add = true} : memref<16384xi32, #tpu.memory_space<vmem>>[vector<16xi32>], vector<16xi32>,
      %get3A_1599 = arith.constant 3040 : index
      %get3A_1600 = tpu.vector_load %arg6[%get3A_1599] {strides = array<i32>} : memref<3200xi32, #tpu.memory_space<vmem>>, vector<16xi32>,
      %mul3A_1601 = arith.constant 128 : i32
      %mul3A_1602 = vector.broadcast %mul3A_1601 : i32 to vector<16xi32>
      %mul3A_1603 = arith.muli %get3A_1600, %mul3A_1602 : vector<16xi32>
      %get3A_1604 = arith.constant 3040 : index
      %get3A_1605 = tpu.vector_load %arg5[%get3A_1604] {strides = array<i32>} : memref<3200xi32, #tpu.memory_space<vmem>>, vector<16xi32>,
      %add3A_1606 = arith.addi %mul3A_1603, %get3A_1605 : vector<16xi32>
      tpu.vector_store_idx %arg7[%add3A_1606], %broadcast_in_dim3A_6 {add = true} : memref<16384xi32, #tpu.memory_space<vmem>>[vector<16xi32>], vector<16xi32>,
      %get3A_1607 = arith.constant 3056 : index
      %get3A_1608 = tpu.vector_load %arg6[%get3A_1607] {strides = array<i32>} : memref<3200xi32, #tpu.memory_space<vmem>>, vector<16xi32>,
      %mul3A_1609 = arith.constant 128 : i32
      %mul3A_1610 = vector.broadcast %mul3A_1609 : i32 to vector<16xi32>
      %mul3A_1611 = arith.muli %get3A_1608, %mul3A_1610 : vector<16xi32>
      %get3A_1612 = arith.constant 3056 : index
      %get3A_1613 = tpu.vector_load %arg5[%get3A_1612] {strides = array<i32>} : memref<3200xi32, #tpu.memory_space<vmem>>, vector<16xi32>,
      %add3A_1614 = arith.addi %mul3A_1611, %get3A_1613 : vector<16xi32>
      tpu.vector_store_idx %arg7[%add3A_1614], %broadcast_in_dim3A_6 {add = true} : memref<16384xi32, #tpu.memory_space<vmem>>[vector<16xi32>], vector<16xi32>,
      %get3A_1615 = arith.constant 3072 : index
      %get3A_1616 = tpu.vector_load %arg6[%get3A_1615] {strides = array<i32>} : memref<3200xi32, #tpu.memory_space<vmem>>, vector<16xi32>,
      %mul3A_1617 = arith.constant 128 : i32
      %mul3A_1618 = vector.broadcast %mul3A_1617 : i32 to vector<16xi32>
      %mul3A_1619 = arith.muli %get3A_1616, %mul3A_1618 : vector<16xi32>
      %get3A_1620 = arith.constant 3072 : index
      %get3A_1621 = tpu.vector_load %arg5[%get3A_1620] {strides = array<i32>} : memref<3200xi32, #tpu.memory_space<vmem>>, vector<16xi32>,
      %add3A_1622 = arith.addi %mul3A_1619, %get3A_1621 : vector<16xi32>
      tpu.vector_store_idx %arg7[%add3A_1622], %broadcast_in_dim3A_6 {add = true} : memref<16384xi32, #tpu.memory_space<vmem>>[vector<16xi32>], vector<16xi32>,
      %get3A_1623 = arith.constant 3088 : index
      %get3A_1624 = tpu.vector_load %arg6[%get3A_1623] {strides = array<i32>} : memref<3200xi32, #tpu.memory_space<vmem>>, vector<16xi32>,
      %mul3A_1625 = arith.constant 128 : i32
      %mul3A_1626 = vector.broadcast %mul3A_1625 : i32 to vector<16xi32>
      %mul3A_1627 = arith.muli %get3A_1624, %mul3A_1626 : vector<16xi32>
      %get3A_1628 = arith.constant 3088 : index
      %get3A_1629 = tpu.vector_load %arg5[%get3A_1628] {strides = array<i32>} : memref<3200xi32, #tpu.memory_space<vmem>>, vector<16xi32>,
      %add3A_1630 = arith.addi %mul3A_1627, %get3A_1629 : vector<16xi32>
      tpu.vector_store_idx %arg7[%add3A_1630], %broadcast_in_dim3A_6 {add = true} : memref<16384xi32, #tpu.memory_space<vmem>>[vector<16xi32>], vector<16xi32>,
      %get3A_1631 = arith.constant 3104 : index
      %get3A_1632 = tpu.vector_load %arg6[%get3A_1631] {strides = array<i32>} : memref<3200xi32, #tpu.memory_space<vmem>>, vector<16xi32>,
      %mul3A_1633 = arith.constant 128 : i32
      %mul3A_1634 = vector.broadcast %mul3A_1633 : i32 to vector<16xi32>
      %mul3A_1635 = arith.muli %get3A_1632, %mul3A_1634 : vector<16xi32>
      %get3A_1636 = arith.constant 3104 : index
      %get3A_1637 = tpu.vector_load %arg5[%get3A_1636] {strides = array<i32>} : memref<3200xi32, #tpu.memory_space<vmem>>, vector<16xi32>,
      %add3A_1638 = arith.addi %mul3A_1635, %get3A_1637 : vector<16xi32>
      tpu.vector_store_idx %arg7[%add3A_1638], %broadcast_in_dim3A_6 {add = true} : memref<16384xi32, #tpu.memory_space<vmem>>[vector<16xi32>], vector<16xi32>,
      %get3A_1639 = arith.constant 3120 : index
      %get3A_1640 = tpu.vector_load %arg6[%get3A_1639] {strides = array<i32>} : memref<3200xi32, #tpu.memory_space<vmem>>, vector<16xi32>,
      %mul3A_1641 = arith.constant 128 : i32
      %mul3A_1642 = vector.broadcast %mul3A_1641 : i32 to vector<16xi32>
      %mul3A_1643 = arith.muli %get3A_1640, %mul3A_1642 : vector<16xi32>
      %get3A_1644 = arith.constant 3120 : index
      %get3A_1645 = tpu.vector_load %arg5[%get3A_1644] {strides = array<i32>} : memref<3200xi32, #tpu.memory_space<vmem>>, vector<16xi32>,
      %add3A_1646 = arith.addi %mul3A_1643, %get3A_1645 : vector<16xi32>
      tpu.vector_store_idx %arg7[%add3A_1646], %broadcast_in_dim3A_6 {add = true} : memref<16384xi32, #tpu.memory_space<vmem>>[vector<16xi32>], vector<16xi32>,
      %get3A_1647 = arith.constant 3136 : index
      %get3A_1648 = tpu.vector_load %arg6[%get3A_1647] {strides = array<i32>} : memref<3200xi32, #tpu.memory_space<vmem>>, vector<16xi32>,
      %mul3A_1649 = arith.constant 128 : i32
      %mul3A_1650 = vector.broadcast %mul3A_1649 : i32 to vector<16xi32>
      %mul3A_1651 = arith.muli %get3A_1648, %mul3A_1650 : vector<16xi32>
      %get3A_1652 = arith.constant 3136 : index
      %get3A_1653 = tpu.vector_load %arg5[%get3A_1652] {strides = array<i32>} : memref<3200xi32, #tpu.memory_space<vmem>>, vector<16xi32>,
      %add3A_1654 = arith.addi %mul3A_1651, %get3A_1653 : vector<16xi32>
      tpu.vector_store_idx %arg7[%add3A_1654], %broadcast_in_dim3A_6 {add = true} : memref<16384xi32, #tpu.memory_space<vmem>>[vector<16xi32>], vector<16xi32>,
      %get3A_1655 = arith.constant 3152 : index
      %get3A_1656 = tpu.vector_load %arg6[%get3A_1655] {strides = array<i32>} : memref<3200xi32, #tpu.memory_space<vmem>>, vector<16xi32>,
      %mul3A_1657 = arith.constant 128 : i32
      %mul3A_1658 = vector.broadcast %mul3A_1657 : i32 to vector<16xi32>
      %mul3A_1659 = arith.muli %get3A_1656, %mul3A_1658 : vector<16xi32>
      %get3A_1660 = arith.constant 3152 : index
      %get3A_1661 = tpu.vector_load %arg5[%get3A_1660] {strides = array<i32>} : memref<3200xi32, #tpu.memory_space<vmem>>, vector<16xi32>,
      %add3A_1662 = arith.addi %mul3A_1659, %get3A_1661 : vector<16xi32>
      tpu.vector_store_idx %arg7[%add3A_1662], %broadcast_in_dim3A_6 {add = true} : memref<16384xi32, #tpu.memory_space<vmem>>[vector<16xi32>], vector<16xi32>,
      %get3A_1663 = arith.constant 3168 : index
      %get3A_1664 = tpu.vector_load %arg6[%get3A_1663] {strides = array<i32>} : memref<3200xi32, #tpu.memory_space<vmem>>, vector<16xi32>,
      %mul3A_1665 = arith.constant 128 : i32
      %mul3A_1666 = vector.broadcast %mul3A_1665 : i32 to vector<16xi32>
      %mul3A_1667 = arith.muli %get3A_1664, %mul3A_1666 : vector<16xi32>
      %get3A_1668 = arith.constant 3168 : index
      %get3A_1669 = tpu.vector_load %arg5[%get3A_1668] {strides = array<i32>} : memref<3200xi32, #tpu.memory_space<vmem>>, vector<16xi32>,
      %add3A_1670 = arith.addi %mul3A_1667, %get3A_1669 : vector<16xi32>
      tpu.vector_store_idx %arg7[%add3A_1670], %broadcast_in_dim3A_6 {add = true} : memref<16384xi32, #tpu.memory_space<vmem>>[vector<16xi32>], vector<16xi32>,
      %get3A_1671 = arith.constant 3184 : index
      %get3A_1672 = tpu.vector_load %arg6[%get3A_1671] {strides = array<i32>} : memref<3200xi32, #tpu.memory_space<vmem>>, vector<16xi32>,
      %mul3A_1673 = arith.constant 128 : i32
      %mul3A_1674 = vector.broadcast %mul3A_1673 : i32 to vector<16xi32>
      %mul3A_1675 = arith.muli %get3A_1672, %mul3A_1674 : vector<16xi32>
      %get3A_1676 = arith.constant 3184 : index
      %get3A_1677 = tpu.vector_load %arg5[%get3A_1676] {strides = array<i32>} : memref<3200xi32, #tpu.memory_space<vmem>>, vector<16xi32>,
      %add3A_1678 = arith.addi %mul3A_1675, %get3A_1677 : vector<16xi32>
      tpu.vector_store_idx %arg7[%add3A_1678], %broadcast_in_dim3A_6 {add = true} : memref<16384xi32, #tpu.memory_space<vmem>>[vector<16xi32>], vector<16xi32>,
    } else {
    }
    %barrier3A = arith.constant 0 : index
    tpu.barrier barrier_id(%barrier3A)
    %iota3A = tpu.iota {dimensions = array<i32: 0>} : vector<16xi32>
    %add3A_436 = arith.constant 0 : i32
    %add3A_437 = vector.broadcast %add3A_436 : i32 to vector<16xi32>
    %add3A_438 = arith.addi %iota3A, %add3A_437 : vector<16xi32>
    %add3A_439 = arith.constant 16 : i32
    %add3A_440 = vector.broadcast %add3A_439 : i32 to vector<16xi32>
    %add3A_441 = arith.addi %iota3A, %add3A_440 : vector<16xi32>
    %add3A_442 = arith.constant 32 : i32
    %add3A_443 = vector.broadcast %add3A_442 : i32 to vector<16xi32>
    %add3A_444 = arith.addi %iota3A, %add3A_443 : vector<16xi32>
    %add3A_445 = arith.constant 48 : i32
    %add3A_446 = vector.broadcast %add3A_445 : i32 to vector<16xi32>
    %add3A_447 = arith.addi %iota3A, %add3A_446 : vector<16xi32>
    %add3A_448 = arith.constant 64 : i32
    %add3A_449 = vector.broadcast %add3A_448 : i32 to vector<16xi32>
    %add3A_450 = arith.addi %iota3A, %add3A_449 : vector<16xi32>
    %add3A_451 = arith.constant 80 : i32
    %add3A_452 = vector.broadcast %add3A_451 : i32 to vector<16xi32>
    %add3A_453 = arith.addi %iota3A, %add3A_452 : vector<16xi32>
    %add3A_454 = arith.constant 96 : i32
    %add3A_455 = vector.broadcast %add3A_454 : i32 to vector<16xi32>
    %add3A_456 = arith.addi %iota3A, %add3A_455 : vector<16xi32>
    %add3A_457 = arith.constant 112 : i32
    %add3A_458 = vector.broadcast %add3A_457 : i32 to vector<16xi32>
    %add3A_459 = arith.addi %iota3A, %add3A_458 : vector<16xi32>
    %add3A_460 = arith.constant 1 : i32
    %add3A_461 = arith.addi %select_n3A, %add3A_460 : i32
    %while3A_462 = arith.constant 0 : i32
    %while3A_463 = arith.subi %add3A_461, %squeeze3A : i32
    %while3A_464 = arith.addi %squeeze3A, %while3A_463 : i32
    %while3A_465 = arith.constant 1 : i32
    %while3A_466 = arith.divsi %while3A_463, %while3A_465 : i32
    %while3A_467 = arith.muli %while3A_466, %while3A_465 : i32
    %while3A_468 = arith.addi %squeeze3A, %while3A_467 : i32
    %while3A_469 = arith.constant 1 : i32
    scf.for %while3A_479 = %squeeze3A to %while3A_468 step %while3A_469  : i32 {
      %mul3A_480 = arith.constant 128 : i32
      %mul3A_481 = arith.muli %while3A_479, %mul3A_480 : i32
      %add3A_482 = vector.broadcast %mul3A_481 : i32 to vector<16xi32>
      %add3A_483 = arith.addi %add3A_482, %add3A_438 : vector<16xi32>
      %swap3A = arith.constant 0 : index
      %swap3A_484 = tpu.vector_load %arg8[%swap3A] {strides = array<i32>} : memref<128xi32, #tpu.memory_space<vmem>>, vector<16xi32>,
      tpu.vector_store %arg8[%swap3A], %add3A_483 {strides = array<i32>} : memref<128xi32, #tpu.memory_space<vmem>>, vector<16xi32>,
      %mul3A_485 = arith.constant 128 : i32
      %mul3A_486 = arith.muli %while3A_479, %mul3A_485 : i32
      %add3A_487 = vector.broadcast %mul3A_486 : i32 to vector<16xi32>
      %add3A_488 = arith.addi %add3A_487, %add3A_441 : vector<16xi32>
      %swap3A_489 = arith.constant 16 : index
      %swap3A_490 = tpu.vector_load %arg8[%swap3A_489] {strides = array<i32>} : memref<128xi32, #tpu.memory_space<vmem>>, vector<16xi32>,
      tpu.vector_store %arg8[%swap3A_489], %add3A_488 {strides = array<i32>} : memref<128xi32, #tpu.memory_space<vmem>>, vector<16xi32>,
      %mul3A_491 = arith.constant 128 : i32
      %mul3A_492 = arith.muli %while3A_479, %mul3A_491 : i32
      %add3A_493 = vector.broadcast %mul3A_492 : i32 to vector<16xi32>
      %add3A_494 = arith.addi %add3A_493, %add3A_444 : vector<16xi32>
      %swap3A_495 = arith.constant 32 : index
      %swap3A_496 = tpu.vector_load %arg8[%swap3A_495] {strides = array<i32>} : memref<128xi32, #tpu.memory_space<vmem>>, vector<16xi32>,
      tpu.vector_store %arg8[%swap3A_495], %add3A_494 {strides = array<i32>} : memref<128xi32, #tpu.memory_space<vmem>>, vector<16xi32>,
      %mul3A_497 = arith.constant 128 : i32
      %mul3A_498 = arith.muli %while3A_479, %mul3A_497 : i32
      %add3A_499 = vector.broadcast %mul3A_498 : i32 to vector<16xi32>
      %add3A_500 = arith.addi %add3A_499, %add3A_447 : vector<16xi32>
      %swap3A_501 = arith.constant 48 : index
      %swap3A_502 = tpu.vector_load %arg8[%swap3A_501] {strides = array<i32>} : memref<128xi32, #tpu.memory_space<vmem>>, vector<16xi32>,
      tpu.vector_store %arg8[%swap3A_501], %add3A_500 {strides = array<i32>} : memref<128xi32, #tpu.memory_space<vmem>>, vector<16xi32>,
      %mul3A_503 = arith.constant 128 : i32
      %mul3A_504 = arith.muli %while3A_479, %mul3A_503 : i32
      %add3A_505 = vector.broadcast %mul3A_504 : i32 to vector<16xi32>
      %add3A_506 = arith.addi %add3A_505, %add3A_450 : vector<16xi32>
      %swap3A_507 = arith.constant 64 : index
      %swap3A_508 = tpu.vector_load %arg8[%swap3A_507] {strides = array<i32>} : memref<128xi32, #tpu.memory_space<vmem>>, vector<16xi32>,
      tpu.vector_store %arg8[%swap3A_507], %add3A_506 {strides = array<i32>} : memref<128xi32, #tpu.memory_space<vmem>>, vector<16xi32>,
      %mul3A_509 = arith.constant 128 : i32
      %mul3A_510 = arith.muli %while3A_479, %mul3A_509 : i32
      %add3A_511 = vector.broadcast %mul3A_510 : i32 to vector<16xi32>
      %add3A_512 = arith.addi %add3A_511, %add3A_453 : vector<16xi32>
      %swap3A_513 = arith.constant 80 : index
      %swap3A_514 = tpu.vector_load %arg8[%swap3A_513] {strides = array<i32>} : memref<128xi32, #tpu.memory_space<vmem>>, vector<16xi32>,
      tpu.vector_store %arg8[%swap3A_513], %add3A_512 {strides = array<i32>} : memref<128xi32, #tpu.memory_space<vmem>>, vector<16xi32>,
      %mul3A_515 = arith.constant 128 : i32
      %mul3A_516 = arith.muli %while3A_479, %mul3A_515 : i32
      %add3A_517 = vector.broadcast %mul3A_516 : i32 to vector<16xi32>
      %add3A_518 = arith.addi %add3A_517, %add3A_456 : vector<16xi32>
      %swap3A_519 = arith.constant 96 : index
      %swap3A_520 = tpu.vector_load %arg8[%swap3A_519] {strides = array<i32>} : memref<128xi32, #tpu.memory_space<vmem>>, vector<16xi32>,
      tpu.vector_store %arg8[%swap3A_519], %add3A_518 {strides = array<i32>} : memref<128xi32, #tpu.memory_space<vmem>>, vector<16xi32>,
      %mul3A_521 = arith.constant 128 : i32
      %mul3A_522 = arith.muli %while3A_479, %mul3A_521 : i32
      %add3A_523 = vector.broadcast %mul3A_522 : i32 to vector<16xi32>
      %add3A_524 = arith.addi %add3A_523, %add3A_459 : vector<16xi32>
      %swap3A_525 = arith.constant 112 : index
      %swap3A_526 = tpu.vector_load %arg8[%swap3A_525] {strides = array<i32>} : memref<128xi32, #tpu.memory_space<vmem>>, vector<16xi32>,
      tpu.vector_store %arg8[%swap3A_525], %add3A_524 {strides = array<i32>} : memref<128xi32, #tpu.memory_space<vmem>>, vector<16xi32>,
      %mul3A_527 = arith.constant 128 : i32
      %mul3A_528 = arith.muli %while3A_479, %mul3A_527 : i32
      "tpu.region"() ({
        %run_scoped3A = tpu.sem_alloc : memref<!tpu.dma_semaphore, #tpu.memory_space<semaphore_mem>>
        %dma_start3A = tpu.memref_slice %arg7[%mul3A_528] : memref<16384xi32, #tpu.memory_space<vmem>> -> memref<128xi32, #tpu.memory_space<vmem>>
        %dma_start3A_529 = arith.constant 0 : i32
        %dma_start3A_530 = tpu.memref_slice %arg11[%dma_start3A_529] : memref<16384xi32, #tpu.memory_space<vmem_shared>> -> memref<16384xi32, #tpu.memory_space<vmem_shared>>
        tpu.enqueue_indirect_dma source(%dma_start3A : memref<128xi32, #tpu.memory_space<vmem>>) target(%dma_start3A_530 : memref<16384xi32, #tpu.memory_space<vmem_shared>>) offsets(%arg8 : memref<128xi32, #tpu.memory_space<vmem>>) semaphore(%run_scoped3A : memref<!tpu.dma_semaphore, #tpu.memory_space<semaphore_mem>>) {add = true}
        %dma_wait3A = tpu.memref_slice %arg7[%mul3A_528] : memref<16384xi32, #tpu.memory_space<vmem>> -> memref<128xi32, #tpu.memory_space<vmem>>
        %dma_wait3A_531 = arith.constant 0 : i32
        %dma_wait3A_532 = tpu.memref_slice %arg11[%dma_wait3A_531] : memref<16384xi32, #tpu.memory_space<vmem_shared>> -> memref<16384xi32, #tpu.memory_space<vmem_shared>>
        tpu.wait_indirect_dma semaphore(%run_scoped3A : memref<!tpu.dma_semaphore, #tpu.memory_space<semaphore_mem>>) src(%dma_wait3A : memref<128xi32, #tpu.memory_space<vmem>>) dst(%dma_wait3A_532 : memref<16384xi32, #tpu.memory_space<vmem_shared>>)
        tpu.yield
      }) : () -> ()
    }
    %while3A_470 = arith.constant 1 : i32
    scf.for %while3A_479 = %while3A_468 to %while3A_464 step %while3A_470  : i32 {
      %mul3A_480 = arith.constant 128 : i32
      %mul3A_481 = arith.muli %while3A_479, %mul3A_480 : i32
      %add3A_482 = vector.broadcast %mul3A_481 : i32 to vector<16xi32>
      %add3A_483 = arith.addi %add3A_482, %add3A_438 : vector<16xi32>
      %swap3A = arith.constant 0 : index
      %swap3A_484 = tpu.vector_load %arg8[%swap3A] {strides = array<i32>} : memref<128xi32, #tpu.memory_space<vmem>>, vector<16xi32>,
      tpu.vector_store %arg8[%swap3A], %add3A_483 {strides = array<i32>} : memref<128xi32, #tpu.memory_space<vmem>>, vector<16xi32>,
      %mul3A_485 = arith.constant 128 : i32
      %mul3A_486 = arith.muli %while3A_479, %mul3A_485 : i32
      %add3A_487 = vector.broadcast %mul3A_486 : i32 to vector<16xi32>
      %add3A_488 = arith.addi %add3A_487, %add3A_441 : vector<16xi32>
      %swap3A_489 = arith.constant 16 : index
      %swap3A_490 = tpu.vector_load %arg8[%swap3A_489] {strides = array<i32>} : memref<128xi32, #tpu.memory_space<vmem>>, vector<16xi32>,
      tpu.vector_store %arg8[%swap3A_489], %add3A_488 {strides = array<i32>} : memref<128xi32, #tpu.memory_space<vmem>>, vector<16xi32>,
      %mul3A_491 = arith.constant 128 : i32
      %mul3A_492 = arith.muli %while3A_479, %mul3A_491 : i32
      %add3A_493 = vector.broadcast %mul3A_492 : i32 to vector<16xi32>
      %add3A_494 = arith.addi %add3A_493, %add3A_444 : vector<16xi32>
      %swap3A_495 = arith.constant 32 : index
      %swap3A_496 = tpu.vector_load %arg8[%swap3A_495] {strides = array<i32>} : memref<128xi32, #tpu.memory_space<vmem>>, vector<16xi32>,
      tpu.vector_store %arg8[%swap3A_495], %add3A_494 {strides = array<i32>} : memref<128xi32, #tpu.memory_space<vmem>>, vector<16xi32>,
      %mul3A_497 = arith.constant 128 : i32
      %mul3A_498 = arith.muli %while3A_479, %mul3A_497 : i32
      %add3A_499 = vector.broadcast %mul3A_498 : i32 to vector<16xi32>
      %add3A_500 = arith.addi %add3A_499, %add3A_447 : vector<16xi32>
      %swap3A_501 = arith.constant 48 : index
      %swap3A_502 = tpu.vector_load %arg8[%swap3A_501] {strides = array<i32>} : memref<128xi32, #tpu.memory_space<vmem>>, vector<16xi32>,
      tpu.vector_store %arg8[%swap3A_501], %add3A_500 {strides = array<i32>} : memref<128xi32, #tpu.memory_space<vmem>>, vector<16xi32>,
      %mul3A_503 = arith.constant 128 : i32
      %mul3A_504 = arith.muli %while3A_479, %mul3A_503 : i32
      %add3A_505 = vector.broadcast %mul3A_504 : i32 to vector<16xi32>
      %add3A_506 = arith.addi %add3A_505, %add3A_450 : vector<16xi32>
      %swap3A_507 = arith.constant 64 : index
      %swap3A_508 = tpu.vector_load %arg8[%swap3A_507] {strides = array<i32>} : memref<128xi32, #tpu.memory_space<vmem>>, vector<16xi32>,
      tpu.vector_store %arg8[%swap3A_507], %add3A_506 {strides = array<i32>} : memref<128xi32, #tpu.memory_space<vmem>>, vector<16xi32>,
      %mul3A_509 = arith.constant 128 : i32
      %mul3A_510 = arith.muli %while3A_479, %mul3A_509 : i32
      %add3A_511 = vector.broadcast %mul3A_510 : i32 to vector<16xi32>
      %add3A_512 = arith.addi %add3A_511, %add3A_453 : vector<16xi32>
      %swap3A_513 = arith.constant 80 : index
      %swap3A_514 = tpu.vector_load %arg8[%swap3A_513] {strides = array<i32>} : memref<128xi32, #tpu.memory_space<vmem>>, vector<16xi32>,
      tpu.vector_store %arg8[%swap3A_513], %add3A_512 {strides = array<i32>} : memref<128xi32, #tpu.memory_space<vmem>>, vector<16xi32>,
      %mul3A_515 = arith.constant 128 : i32
      %mul3A_516 = arith.muli %while3A_479, %mul3A_515 : i32
      %add3A_517 = vector.broadcast %mul3A_516 : i32 to vector<16xi32>
      %add3A_518 = arith.addi %add3A_517, %add3A_456 : vector<16xi32>
      %swap3A_519 = arith.constant 96 : index
      %swap3A_520 = tpu.vector_load %arg8[%swap3A_519] {strides = array<i32>} : memref<128xi32, #tpu.memory_space<vmem>>, vector<16xi32>,
      tpu.vector_store %arg8[%swap3A_519], %add3A_518 {strides = array<i32>} : memref<128xi32, #tpu.memory_space<vmem>>, vector<16xi32>,
      %mul3A_521 = arith.constant 128 : i32
      %mul3A_522 = arith.muli %while3A_479, %mul3A_521 : i32
      %add3A_523 = vector.broadcast %mul3A_522 : i32 to vector<16xi32>
      %add3A_524 = arith.addi %add3A_523, %add3A_459 : vector<16xi32>
      %swap3A_525 = arith.constant 112 : index
      %swap3A_526 = tpu.vector_load %arg8[%swap3A_525] {strides = array<i32>} : memref<128xi32, #tpu.memory_space<vmem>>, vector<16xi32>,
      tpu.vector_store %arg8[%swap3A_525], %add3A_524 {strides = array<i32>} : memref<128xi32, #tpu.memory_space<vmem>>, vector<16xi32>,
      %mul3A_527 = arith.constant 128 : i32
      %mul3A_528 = arith.muli %while3A_479, %mul3A_527 : i32
      "tpu.region"() ({
        %run_scoped3A = tpu.sem_alloc : memref<!tpu.dma_semaphore, #tpu.memory_space<semaphore_mem>>
        %dma_start3A = tpu.memref_slice %arg7[%mul3A_528] : memref<16384xi32, #tpu.memory_space<vmem>> -> memref<128xi32, #tpu.memory_space<vmem>>
        %dma_start3A_529 = arith.constant 0 : i32
        %dma_start3A_530 = tpu.memref_slice %arg11[%dma_start3A_529] : memref<16384xi32, #tpu.memory_space<vmem_shared>> -> memref<16384xi32, #tpu.memory_space<vmem_shared>>
        tpu.enqueue_indirect_dma source(%dma_start3A : memref<128xi32, #tpu.memory_space<vmem>>) target(%dma_start3A_530 : memref<16384xi32, #tpu.memory_space<vmem_shared>>) offsets(%arg8 : memref<128xi32, #tpu.memory_space<vmem>>) semaphore(%run_scoped3A : memref<!tpu.dma_semaphore, #tpu.memory_space<semaphore_mem>>) {add = true}
        %dma_wait3A = tpu.memref_slice %arg7[%mul3A_528] : memref<16384xi32, #tpu.memory_space<vmem>> -> memref<128xi32, #tpu.memory_space<vmem>>
        %dma_wait3A_531 = arith.constant 0 : i32
        %dma_wait3A_532 = tpu.memref_slice %arg11[%dma_wait3A_531] : memref<16384xi32, #tpu.memory_space<vmem_shared>> -> memref<16384xi32, #tpu.memory_space<vmem_shared>>
        tpu.wait_indirect_dma semaphore(%run_scoped3A : memref<!tpu.dma_semaphore, #tpu.memory_space<semaphore_mem>>) src(%dma_wait3A : memref<128xi32, #tpu.memory_space<vmem>>) dst(%dma_wait3A_532 : memref<16384xi32, #tpu.memory_space<vmem_shared>>)
        tpu.yield
      }) : () -> ()
    }
    %barrier3A_471 = arith.constant 0 : index
    tpu.barrier barrier_id(%barrier3A_471)
    %mul3A_472 = arith.constant 1024 : i32
    %mul3A_473 = arith.muli %arg1, %mul3A_472 : i32
    "tpu.region"() ({
      %run_scoped3A = tpu.sem_alloc : memref<!tpu.dma_semaphore, #tpu.memory_space<semaphore_mem>>
      %dma_start3A = tpu.memref_slice %arg11[%mul3A_473] : memref<16384xi32, #tpu.memory_space<vmem_shared>> -> memref<1024xi32, #tpu.memory_space<vmem_shared>>
      %dma_start3A_479 = tpu.memref_slice %arg11[%mul3A_473] : memref<16384xi32, #tpu.memory_space<vmem_shared>> -> memref<1024xi32, #tpu.memory_space<vmem_shared>>
      tpu.enqueue_dma source(%dma_start3A_479 : memref<1024xi32, #tpu.memory_space<vmem_shared>>) target(%arg9 : memref<1024xi32, #tpu.memory_space<vmem>>) target_semaphore(%run_scoped3A : memref<!tpu.dma_semaphore, #tpu.memory_space<semaphore_mem>>)
      %dma_wait3A = tpu.memref_slice %arg11[%mul3A_473] : memref<16384xi32, #tpu.memory_space<vmem_shared>> -> memref<1024xi32, #tpu.memory_space<vmem_shared>>
      %dma_wait3A_480 = tpu.memref_slice %arg11[%mul3A_473] : memref<16384xi32, #tpu.memory_space<vmem_shared>> -> memref<1024xi32, #tpu.memory_space<vmem_shared>>
      tpu.wait_dma2 semaphore(%run_scoped3A : memref<!tpu.dma_semaphore, #tpu.memory_space<semaphore_mem>>) src(%dma_wait3A_480 : memref<1024xi32, #tpu.memory_space<vmem_shared>>) dst(%arg9 : memref<1024xi32, #tpu.memory_space<vmem>>)
      tpu.yield
    }) : () -> ()
    %mul3A_474 = arith.constant 16384 : i32
    %mul3A_475 = arith.muli %arg0, %mul3A_474 : i32
    %mul3A_476 = arith.constant 1024 : i32
    %mul3A_477 = arith.muli %arg1, %mul3A_476 : i32
    %add3A_478 = arith.addi %mul3A_475, %mul3A_477 : i32
    "tpu.region"() ({
      %run_scoped3A = tpu.sem_alloc : memref<!tpu.dma_semaphore, #tpu.memory_space<semaphore_mem>>
      %dma_start3A = tpu.memref_slice %arg4[%add3A_478] : memref<32768xi32, #tpu.memory_space<hbm>> -> memref<1024xi32, #tpu.memory_space<hbm>>
      %dma_start3A_479 = tpu.memref_slice %arg4[%add3A_478] : memref<32768xi32, #tpu.memory_space<hbm>> -> memref<1024xi32, #tpu.memory_space<hbm>>
      tpu.enqueue_dma source(%arg9 : memref<1024xi32, #tpu.memory_space<vmem>>) target(%dma_start3A_479 : memref<1024xi32, #tpu.memory_space<hbm>>) target_semaphore(%run_scoped3A : memref<!tpu.dma_semaphore, #tpu.memory_space<semaphore_mem>>)
      %dma_wait3A = tpu.memref_slice %arg4[%add3A_478] : memref<32768xi32, #tpu.memory_space<hbm>> -> memref<1024xi32, #tpu.memory_space<hbm>>
      %dma_wait3A_480 = tpu.memref_slice %arg4[%add3A_478] : memref<32768xi32, #tpu.memory_space<hbm>> -> memref<1024xi32, #tpu.memory_space<hbm>>
      tpu.wait_dma2 semaphore(%run_scoped3A : memref<!tpu.dma_semaphore, #tpu.memory_space<semaphore_mem>>) src(%arg9 : memref<1024xi32, #tpu.memory_space<vmem>>) dst(%dma_wait3A_480 : memref<1024xi32, #tpu.memory_space<hbm>>)
      tpu.yield
    }) : () -> ()
    return
  }
}

</mosaic_0001>

<sc_bundles>
// kernel: _sc_call.3.cloned.1.call-start
scs
__scs_entry_jumppad:
0x0: {  	(pc) =	sbr.rel $0x88, $3  }
0x1: {  	(tag) =	ssettag $0x0;
	lr =	simm.s32 $0x1  }
0x2: {  	[smem:$0x3F9F] =	sst lr;
	_ =	strace $0xD0000000  }
0x3: {  	_ = 	snop  }
0x4: {  	_ = 	snop  }
0x5: {  	_ = 	snop  }
0x6: {  	_ = 	snop  }
0x7: {  	_ = 	snop  }
__scs_overlays_trampoline_lowered:
0x8: {  	[smem:$0x3FAE] =	sst s0  }
0x9: {  	[smem:$0x3FAF] =	sst s1  }
0xa: {  	[smem:$0x3FB0] =	sst s2  }
0xb: {  	[smem:$0x3FB1] =	sst s3  }
0xc: {  	[smem:$0x3FB2] =	sst s4  }
0xd: {  	[smem:$0x3FB3] =	sst s5  }
0xe: {  	[smem:$0x3FB4] =	sst s6  }
0xf: {  	[smem:$0x3FB5] =	sst s7  }
0x10: {  	[smem:$0x3FB6] =	sst s8  }
0x11: {  	[smem:$0x3FB7] =	sst s9;
	s0 =	simm.s32 @!p0 $0x0  }
0x12: {  	s1 =	sld [smem:$0x3F9D];
	s0 =	simm.s32 @p0 $0x1  }
0x13: {  	[smem:$0x3FB8] =	sst s0;
	s0 =	simm.s32 @!p1 $0x0  }
0x14: {  	s2 =	sld [smem:$0x3F9C];
	s0 =	simm.s32 @p1 $0x1  }
0x15: {  	[smem:$0x3FB9] =	sst s0;
	s0 =	simm.s32 @!p2 $0x0  }
0x16: {  	s3 =	sld [smem:$0x3FDB];
	s0 =	simm.s32 @p2 $0x1  }
0x17: {  	s4 =	simm.s32 $0x1BF5;
	[smem:$0x3FBB] =	sst s0  }
0x18: {  	s0 =	sld [smem:$0x3F9E];
	_ =	swait.ge [sflag:s4], $0x0  }
0x19: {  	s7 =	sld [smem:$0x3F9F]  }
0x1a: {  	s8 =	sadd.s32 $0xFFFFE003, lr  }
0x1b: {  	s9 =	sadd.s32 $0xFFFFFEF7, lr;
	s5 =	simm.s32 $0xFFFFFFFF;
	p2 =	slt.u32 s8, $0xFFFFF086  }
0x1c: {  	p1 =	slt.u32 s9, $0xF7A;
	s5 =	simm.s32 @!p2 $0x0  }
0x1d: {  	s5 =	simm.s32 @p1 $0x1;
	p0 =	seq.s32 s7, s2  }
0x1e: {  	s7 =	smul.u32 @!p0 $0xF7A, s2;
	p2 =	seq.s32 @!p0 s5, $0x0  }
0x1f: {  	s9 =	smul.u32 $0xF7A, s1;
	s8 =	simm.s32 @!p0 $0x1BF5;
	p2 =	por !p2, p0  }
0x20: {  	[sflag:s8] =	ssyncset.s32 @!p0 $0xFFFFF086;
	s6 =	sadd.s32 @!p0 s3, s7;
	s7 =	simm.s32 @!p0 $0x108  }
0x21: {  	s3 =	sadd.s32 s3, s9;
	s6 =	sadd.s32 @!p0 $0x88, s6;
	s7 =	simm.s32 @p2 $0x1082  }
0x22: {  	[simem:s7], [sflag:s8] =	dma.local @!p0 [hbm:s6], $0xF7A  }
0x23: {  	s9 =	sor.u32 $0xD0000000, s2;
	s6 =	simm.s32 $0x108;
	_ =	swait.ge @!p0 [sflag:s8], $0x0  }
0x24: {  	s3 =	sadd.s32 $0x88, s3;
	s6 =	simm.s32 @!p1 $0x1082;
	[sflag:s4] =	ssyncset.s32 $0xFFFFF086  }
0x25: {  	[simem:s6], [sflag:s4] =	dma.local [hbm:s3], $0xF7A  }
0x26: {  	[smem:$0x3F9F] =	sst s1;
	(tag) =	ssettag s2;
	_ =	strace s9  }
0x27: {  	s1 =	sld [smem:$0x3FAF]  }
0x28: {  	s2 =	sld [smem:$0x3FB0]  }
0x29: {  	s4 =	sld [smem:$0x3FB2]  }
0x2a: {  	p0 =	seq.s32 s5, $0x0;
	s5 =	sld [smem:$0x3FB3]  }
0x2b: {  	s6 =	sld [smem:$0x3FB4]  }
0x2c: {  	s7 =	sld [smem:$0x3FB5]  }
0x2d: {  	s3 =	simm.s32 $0x108;
	s8 =	sld [smem:$0x3FB6]  }
0x2e: {  	s3 =	simm.s32 @!p0 $0x1082;
	s9 =	sld [smem:$0x3FB7]  }
0x2f: {  	lr =	sadd.s32 s0, s3;
	s0 =	sld [smem:$0x3FAE]  }
0x30: {  	s3 =	sld [smem:$0x3FB1]  }
0x31: {  	[smem:$0x3FBA] =	sst s10  }
0x32: {  	s10 =	sld [smem:$0x3FB8];
	_ =	sdelay $0x3  }
0x33: {  	p0 =	seq.s32 s10, $0x1;
	s10 =	sld [smem:$0x3FBA];
	_ =	sdelay $0x3  }
0x34: {  	[smem:$0x3FBA] =	sst s10  }
0x35: {  	s10 =	sld [smem:$0x3FB9];
	_ =	sdelay $0x3  }
0x36: {  	p1 =	seq.s32 s10, $0x1;
	s10 =	sld [smem:$0x3FBA];
	_ =	sdelay $0x3  }
0x37: {  	[smem:$0x3FBA] =	sst s10  }
0x38: {  	s10 =	sld [smem:$0x3FBB]  }
0x39: {  	_ = 	snop;
	(pc) =	sbr.ind lr, $3  }
0x3a: {  	_ = 	snop  }
0x3b: {  	_ = 	snop  }
0x3c: {  	p2 =	seq.s32 s10, $0x1;
	s10 =	sld [smem:$0x3FBA]  }
0x3d: {  	_ =	shalt  }
0x3e: {  	_ =	shalt  }
0x3f: {  	_ =	shalt  }
0x40: {  	_ =	shalt  }
0x41: {  	_ =	shalt  }
0x42: {  	_ =	shalt  }
0x43: {  	_ =	shalt  }
0x44: {  	_ =	shalt  }
0x45: {  	_ =	shalt  }
0x46: {  	_ =	shalt  }
0x47: {  	_ =	shalt  }
0x48: {  	_ =	shalt  }
0x49: {  	_ =	shalt  }
0x4a: {  	_ =	shalt  }
0x4b: {  	_ =	shalt  }
0x4c: {  	_ =	shalt  }
0x4d: {  	_ =	shalt  }
0x4e: {  	_ =	shalt  }
0x4f: {  	_ =	shalt  }
0x50: {  	_ =	shalt  }
0x51: {  	_ =	shalt  }
0x52: {  	_ =	shalt  }
0x53: {  	_ =	shalt  }
0x54: {  	_ =	shalt  }
0x55: {  	_ =	shalt  }
0x56: {  	_ =	shalt  }
0x57: {  	_ =	shalt  }
0x58: {  	_ =	shalt  }
0x59: {  	_ =	shalt  }
0x5a: {  	_ =	shalt  }
0x5b: {  	_ =	shalt  }
0x5c: {  	_ =	shalt  }
0x5d: {  	_ =	shalt  }
0x5e: {  	_ =	shalt  }
0x5f: {  	_ =	shalt  }
0x60: {  	_ =	shalt  }
0x61: {  	_ =	shalt  }
0x62: {  	_ =	shalt  }
0x63: {  	_ =	shalt  }
0x64: {  	_ =	shalt  }
0x65: {  	_ =	shalt  }
0x66: {  	_ =	shalt  }
0x67: {  	_ =	shalt  }
0x68: {  	_ =	shalt  }
0x69: {  	_ =	shalt  }
0x6a: {  	_ =	shalt  }
0x6b: {  	_ =	shalt  }
0x6c: {  	_ =	shalt  }
0x6d: {  	_ =	shalt  }
0x6e: {  	_ =	shalt  }
0x6f: {  	_ =	shalt  }
0x70: {  	_ =	shalt  }
0x71: {  	_ =	shalt  }
0x72: {  	_ =	shalt  }
0x73: {  	_ =	shalt  }
0x74: {  	_ =	shalt  }
0x75: {  	_ =	shalt  }
0x76: {  	_ =	shalt  }
0x77: {  	_ =	shalt  }
0x78: {  	_ =	shalt  }
0x79: {  	_ =	shalt  }
0x7a: {  	_ =	shalt  }
0x7b: {  	_ =	shalt  }
0x7c: {  	_ =	shalt  }
0x7d: {  	_ =	shalt  }
0x7e: {  	_ =	shalt  }
0x7f: {  	_ =	shalt  }
0x80: {  	_ =	shalt  }
0x81: {  	_ =	shalt  }
0x82: {  	_ =	shalt  }
0x83: {  	_ =	shalt  }
0x84: {  	_ =	shalt  }
0x85: {  	_ =	shalt  }
0x86: {  	_ =	shalt  }
0x87: {  	_ =	shalt  }
.Lfunc_end0:
.L_simem_size_0:
called_computation_lowered:
.L_overlay_start_0:
0x88: {  	s2 =	sld [smem:$0x3FD9]  }
0x89: {  	s3 =	sld [smem:$0x3FFE];
	_ =	sdelay $0x1  }
0x8a: {  	s1 =	srdreg.scid  }
0x8b: {  	s0 =	sand.u32 $0x1, s1  }
0x8c: {  	s18 =	sshll.u32 s0, $0xA;
	s2 =	sadd.s32 s3, s2  }
0x8d: {  	s2 =	sadd.s32 s2, s18  }
0x8e: {  	[smem:$0x3FC6] =	sst s2  }
0x8f: {  	_ = 	snop  }
0x90: {  	s2 =	sld [smem:$0x3FC9]  }
0x91: {  	s19 =	sld [smem:$0x3FC8]  }
0x92: {  	s4 =	sld [smem:$0x3FD0];
	(tm) =	ssettm $0x1  }
0x93: {  	s5 =	sld [smem:$0x3FFB];
	_ =	sdelay $0x3  }
0x94: {  	_ =	strace s5  }
0x95: {  	s5 =	sld [smem:$0x3FFC];
	_ =	sdelay $0x3  }
0x96: {  	_ =	strace s5  }
0x97: {  	s5 =	sld [smem:$0x3FFD];
	_ =	sdelay $0x3  }
0x98: {  	_ =	strace s5  }
0x99: {  	_ =	strace $0x8FFFFFFF  }
0x9a: {  	s20 =	sld [smem:$0x3FDB];
	_ =	sdelay $0x1  }
0x9b: {  	s6 =	simm.s32 $_scs_section_size  }
0x9c: {  	s7 =	simm.s32 $_size__tile_overlayer_lowered;
	s8 =	simm.s32 $_tile_overlayer_lowered  }
0x9d: {  	s23 =	simm.s32 $0x1BFF;
	s22 =	sshll.u32 s8, $0x1;
	s5 =	sadd.s32 s6, s20  }
0x9e: {  	s9 =	simm.s32 $0x0;
	s21 =	sshll.u32 s7, $0x1;
	s7 =	sadd.s32 s22, s5  }
0x9f: {  	[timem:s9], [sflag:s23] =	dma.local [hbm:s7], s21  }
0xa0: {  	_ =	swait.ge [sflag:s23], s21  }
0xa1: {  	s6 =	ssub.s32 $0x0, s21;
	[sflag:s23] =	ssyncset.done $0x0  }
0xa2: {  	[sflag:s23] =	ssyncadd.s32 s6;
	_ =	sdelay $0x1  }
0xa3: {  	s24 =	simm.s32 $0x1B8B  }
0xa4: {  	_ =	swait.ge [sflag:s24], $0x1  }
0xa5: {  	[sflag:s24] =	ssyncset.done $0x0  }
0xa6: {  	s25 =	simm.s32 $0x1B8E;
	[sflag:s24] =	ssyncadd.s32 $0xFFFFFFFF  }
0xa7: {  	s26 =	simm.s32 $execute0_lowered;
	[smem:$0x3FD2] =	sst s25  }
0xa8: {  	s6 =	sshll.u32 s26, $0x1;
	_ =	strace $0x80000046;
	[dreg:$0x1] =	wrdreg $0xFFFFFFFF  }
0xa9: {  	s28 =	simm.s32 $_size_execute0_lowered;
	s5 =	sadd.s32 s5, s6;
	[dreg:$0x0] =	wrdreg $0x0  }
0xaa: {  	s6 =	sshll.u32 s28, $0x1;
	[dreg:$0x2] =	wrdreg s5  }
0xab: {  	[dreg:$0x3] =	wrdreg s6  }
0xac: {  	[dreg:$0x4] =	wrdreg $0xC0  }
0xad: {  	_ =	task [dreg:s9], $0x5FFFF  }
0xae: {  	[dreg:$0x1] =	wrdreg $0xFFFFFFFF  }
0xaf: {  	[dreg:$0x0] =	wrdreg $0x60  }
0xb0: {  	[dreg:$0x2] =	wrdreg s2  }
0xb1: {  	[dreg:$0x3] =	wrdreg s19  }
0xb2: {  	[dreg:$0x4] =	wrdreg s4  }
0xb3: {  	[dreg:$0x5] =	wrdreg $0x5D800  }
0xb4: {  	[dreg:$0x6] =	wrdreg $0x9  }
0xb5: {  	_ =	task.clear_ibuf [dreg:s9], $0x7FFFF;
	_ =	strace $0x90000046  }
0xb6: {  	s29 =	simm.s32 $0x9;
	_ =	strace $0x80000048  }
0xb7: {  	_ =	swait.ge [sflag:s29], $0x1  }
0xb8: {  	[sflag:s29] =	ssyncadd.s32 $0xFFFFFFFF  }
0xb9: {  	_ =	strace $0x90000048  }
0xba: {  	_ =	sfence  }
0xbb: {  	s30 =	sld [smem:$0x0];
	_ =	sdelay $0x2  }
0xbc: {  	s31 =	sshll.u32 s1, $0xD;
	s1 =	sshrl.u32 s1, $0x2  }
0xbd: {  	s3 =	sand.u32 $0x4000, s31;
	s1 =	sadd.s32 s1, s30  }
0xbe: {  	s0 =	sor.u32 s3, s0;
	s1 =	sshll.u32 s1, $0x11  }
0xbf: {  	s0 =	sor.u32 s1, s0  }
0xc0: {  	s0 =	sadd.s32 $0x8F2B, s0  }
0xc1: {  	[sflag:s0] =	ssyncadd.remote.s32 $0x1  }
0xc2: {  	_ =	sfence.sel $0xFFFF  }
0xc3: {  	[dreg:$0x0] =	wrdreg $0xFFFFFFFF;
	(pc) =	sbr.abs _section_cstart, $3  }
0xc4: {  	[dreg:$0x1] =	wrdreg $0xFFFFFFFF  }
0xc5: {  	_ =	task.clear_ibuf [dreg:s9], $0x2FFFF;
	_ =	strace $0x9FFFFFFF  }
0xc6: {  	(tm) =	ssettm $0x7FFFFFFF  }
0xc7: {  	_ =	shalt  }
tec
execute0_lowered:
.L_overlay_start_1:
0x0: {  	(tag) =	ssettag $0x1  }
0x1: {  	s7 =	rddreg [dreg:$0x0]  }
0x2: {  	s8 =	rddreg [dreg:$0x1]  }
0x3: {  	s9 =	rddreg [dreg:$0x2]  }
0x4: {  	s2 =	rddreg [dreg:$0x3]  }
0x5: {  	s0 =	rddreg [dreg:$0x4]  }
0x6: {  	s4 =	srdreg.scid;
	s1 =	stileid.u32;
	s3 =	simm.s32 $0x0  }
0x7: {  	s14 =	simm.s32 $0x1;
	s15 =	simm.s32 $0x1900;
	s16 =	simm.s32 $0x80  }
0x8: {  	s17 =	simm.s32 $0x5900;
	s18 =	simm.s32 $0x0;
	s4 =	sand.u32 $0x1, s4  }
0x9: {  	s5 =	sshll.u32 s1, $0x1;
	[smem:$0x7FF] =	sst s3;
	s30 =	sshll.u32 s1, $0xA  }
0xa: {  	s6 =	ssub.s32 $0x2, s4;
	s11 =	sor.u32 s4, s5;
	_ =	strace $0x80000047  }
0xb: {  	s13 =	sshll.u32 s4, $0xE;
	s29 =	sshrl.u32 s6, $0x1;
	s10 =	smul.u32 $0x190, s11  }
.Ltmp0:
0xc: {  	s31 =	sor.u32 s30, s13;
	p0 =	seq.s32 s11, $0x1F;
	(pc) =	sbr.rel .LBB2_1-.Ltmp0, $4  }
0xd: {  	v0 =	vlaneseq.u32;
	s11 =	simm.s32 $0xC80;
	s13 =	simm.s32 $0x2;
	s12 =	ssub.s32 s6, s29  }
0xe: {  	v1 =	vimm.s32 $0x0;
	v2 =	vimm.s32 $0x1;
	v3 =	vor.u32 $0x10, v0;
	s6 =	sadd.s32 s30, s2;
	s4 =	sadd.s32 s7, s10;
	s5 =	sadd.s32 s8, s10  }
0xf: {  	v4 =	vor.u32 $0x20, v0;
	v5 =	vor.u32 $0x30, v0;
	v6 =	vor.u32 $0x40, v0;
	s7 =	sadd.s32 $0x3070, s7;
	s10 =	sshrl.u32 s31, $0x3;
	s8 =	sadd.s32 $0x3070, s8  }
0x10: {  	v7 =	vor.u32 $0x50, v0;
	v8 =	vor.u32 $0x60, v0;
	v9 =	vor.u32 $0x70, v0;
	s9 =	sadd.s32 s9, s10;
	s10 =	smax.u32 s12, $0x1;
	s12 =	simm.s32 $0x5980  }
.LBB2_13:
0x11: {  	_ =	swait.ge [sflag:s13], $0x80  }
0x12: {  	[sflag:s13] =	ssyncset.done $0x0  }
0x13: {  	[sflag:s13] =	ssyncadd.s32 $0xFFFFFF80  }
.LBB2_14:
0x14: {  	[bflag:$0x0] =	sbarrier.arrive $0xFFFF  }
0x15: {  	[tilespmem:s12], [sflag:$0x2] =	stream.linear.gather [spmem:s6], $0x400, $0x38;
	[tilespmem:$0x6180] =	vst v63  }
0x16: {  	s18 =	sadd.s32 $0x1, s18;
	_ =	swait.ge [sflag:s13], $0x400  }
0x17: {  	p1 =	sne.s32 s18, s10;
	[sflag:s13] =	ssyncset.done $0x0  }
.Ltmp1:
0x18: {  	[sflag:s13] =	ssyncadd.s32 $0xFFFFFC00;
	(pc) =	sbr.rel @!p1 .LBB2_15-.Ltmp1, $4  }
0x19: {  	[hbm4b:s9+s3] =	stream.linear.scatter [tilespmem:s12], [sflag:$0x2], $0x400, $0x38;
	[tilespmem:$0x6180] =	vst v63  }
0x1a: {  	_ =	swait.ge [sflag:s13], $0x400  }
0x1b: {  	[sflag:s13] =	ssyncset.done $0x0  }
0x1c: {  	[sflag:s13] =	ssyncadd.s32 $0xFFFFFC00  }
.LBB2_1:
.Ltmp2:
0x1d: {  	(pc) =	sbr.rel @!p0 .LBB2_2-.Ltmp2, $1  }
0x1e: {  	_ =	sdelay $0x3  }
0x1f: {  	[tilespmem:s3], [sflag:$0x1] =	stream.linear.gather [hbm4b:s7+s3], $0x320, $0x38;
	[tilespmem:$0x6180] =	vst v63  }
0x20: {  	_ = 	snop  }
0x21: {  	[tilespmem:s11], [sflag:$0x1] =	stream.linear.gather [hbm4b:s8+s3], $0x320, $0x38;
	[tilespmem:$0x6180] =	vst v63  }
0x22: {  	[tilespmem:$0x5980] =	vst v1  }
0x23: {  	[tilespmem:$0x5990] =	vst v1  }
0x24: {  	[tilespmem:$0x59A0] =	vst v1  }
0x25: {  	[tilespmem:$0x59B0] =	vst v1  }
0x26: {  	[tilespmem:$0x59C0] =	vst v1  }
0x27: {  	[tilespmem:$0x59D0] =	vst v1  }
0x28: {  	[tilespmem:$0x59E0] =	vst v1  }
0x29: {  	[tilespmem:$0x59F0] =	vst v1  }
0x2a: {  	[tilespmem:$0x5A00] =	vst v1  }
0x2b: {  	[tilespmem:$0x5A10] =	vst v1  }
0x2c: {  	[tilespmem:$0x5A20] =	vst v1  }
0x2d: {  	[tilespmem:$0x5A30] =	vst v1  }
0x2e: {  	[tilespmem:$0x5A40] =	vst v1  }
0x2f: {  	[tilespmem:$0x5A50] =	vst v1  }
0x30: {  	[tilespmem:$0x5A60] =	vst v1  }
0x31: {  	[tilespmem:$0x5A70] =	vst v1  }
0x32: {  	[tilespmem:$0x5A80] =	vst v1  }
0x33: {  	[tilespmem:$0x5A90] =	vst v1  }
0x34: {  	[tilespmem:$0x5AA0] =	vst v1  }
0x35: {  	[tilespmem:$0x5AB0] =	vst v1  }
0x36: {  	[tilespmem:$0x5AC0] =	vst v1  }
0x37: {  	[tilespmem:$0x5AD0] =	vst v1  }
0x38: {  	[tilespmem:$0x5AE0] =	vst v1  }
0x39: {  	[tilespmem:$0x5AF0] =	vst v1  }
0x3a: {  	[tilespmem:$0x5B00] =	vst v1  }
0x3b: {  	[tilespmem:$0x5B10] =	vst v1  }
0x3c: {  	[tilespmem:$0x5B20] =	vst v1  }
0x3d: {  	[tilespmem:$0x5B30] =	vst v1  }
0x3e: {  	[tilespmem:$0x5B40] =	vst v1  }
0x3f: {  	[tilespmem:$0x5B50] =	vst v1  }
0x40: {  	[tilespmem:$0x5B60] =	vst v1  }
0x41: {  	[tilespmem:$0x5B70] =	vst v1  }
0x42: {  	[tilespmem:$0x5B80] =	vst v1  }
0x43: {  	[tilespmem:$0x5B90] =	vst v1  }
0x44: {  	[tilespmem:$0x5BA0] =	vst v1  }
0x45: {  	[tilespmem:$0x5BB0] =	vst v1  }
0x46: {  	[tilespmem:$0x5BC0] =	vst v1  }
0x47: {  	[tilespmem:$0x5BD0] =	vst v1  }
0x48: {  	[tilespmem:$0x5BE0] =	vst v1  }
0x49: {  	[tilespmem:$0x5BF0] =	vst v1  }
0x4a: {  	[tilespmem:$0x5C00] =	vst v1  }
0x4b: {  	[tilespmem:$0x5C10] =	vst v1  }
0x4c: {  	[tilespmem:$0x5C20] =	vst v1  }
0x4d: {  	[tilespmem:$0x5C30] =	vst v1  }
0x4e: {  	[tilespmem:$0x5C40] =	vst v1  }
0x4f: {  	[tilespmem:$0x5C50] =	vst v1  }
0x50: {  	[tilespmem:$0x5C60] =	vst v1  }
0x51: {  	[tilespmem:$0x5C70] =	vst v1  }
0x52: {  	[tilespmem:$0x5C80] =	vst v1  }
0x53: {  	[tilespmem:$0x5C90] =	vst v1  }
0x54: {  	[tilespmem:$0x5CA0] =	vst v1  }
0x55: {  	[tilespmem:$0x5CB0] =	vst v1  }
0x56: {  	[tilespmem:$0x5CC0] =	vst v1  }
0x57: {  	[tilespmem:$0x5CD0] =	vst v1  }
0x58: {  	[tilespmem:$0x5CE0] =	vst v1  }
0x59: {  	[tilespmem:$0x5CF0] =	vst v1  }
0x5a: {  	[tilespmem:$0x5D00] =	vst v1  }
0x5b: {  	[tilespmem:$0x5D10] =	vst v1  }
0x5c: {  	[tilespmem:$0x5D20] =	vst v1  }
0x5d: {  	[tilespmem:$0x5D30] =	vst v1  }
0x5e: {  	[tilespmem:$0x5D40] =	vst v1  }
0x5f: {  	[tilespmem:$0x5D50] =	vst v1  }
0x60: {  	[tilespmem:$0x5D60] =	vst v1  }
0x61: {  	[tilespmem:$0x5D70] =	vst v1  }
0x62: {  	[spmem:s6] =	stream.linear.scatter [tilespmem:s12], [sflag:$0x2], $0x400, $0x38;
	[tilespmem:$0x6180] =	vst v63  }
0x63: {  	_ =	swait.ge [sflag:s13], $0x400  }
0x64: {  	[sflag:s13] =	ssyncset.done $0x0  }
0x65: {  	[sflag:s13] =	ssyncadd.s32 $0xFFFFFC00  }
0x66: {  	_ =	swait.ge [sflag:s14], $0x320  }
.Ltmp3:
0x67: {  	[sflag:s14] =	ssyncset.done $0x0;
	(pc) =	sbr.rel .LBB2_4-.Ltmp3, $4  }
0x68: {  	[sflag:s14] =	ssyncadd.s32 $0xFFFFFCE0  }
0x69: {  	_ =	swait.ge [sflag:s14], $0x320  }
0x6a: {  	[sflag:s14] =	ssyncset.done $0x0  }
0x6b: {  	[sflag:s14] =	ssyncadd.s32 $0xFFFFFCE0  }
.LBB2_2:
0x6c: {  	[tilespmem:s3], [sflag:$0x1] =	stream.linear.gather [hbm4b:s4+s3], $0xC80, $0x38;
	[tilespmem:$0x6180] =	vst v63  }
0x6d: {  	_ = 	snop  }
0x6e: {  	[tilespmem:s11], [sflag:$0x1] =	stream.linear.gather [hbm4b:s5+s3], $0xC80, $0x38;
	[tilespmem:$0x6180] =	vst v63  }
0x6f: {  	[tilespmem:$0x5980] =	vst v1  }
0x70: {  	[tilespmem:$0x5990] =	vst v1  }
0x71: {  	[tilespmem:$0x59A0] =	vst v1  }
0x72: {  	[tilespmem:$0x59B0] =	vst v1  }
0x73: {  	[tilespmem:$0x59C0] =	vst v1  }
0x74: {  	[tilespmem:$0x59D0] =	vst v1  }
0x75: {  	[tilespmem:$0x59E0] =	vst v1  }
0x76: {  	[tilespmem:$0x59F0] =	vst v1  }
0x77: {  	[tilespmem:$0x5A00] =	vst v1  }
0x78: {  	[tilespmem:$0x5A10] =	vst v1  }
0x79: {  	[tilespmem:$0x5A20] =	vst v1  }
0x7a: {  	[tilespmem:$0x5A30] =	vst v1  }
0x7b: {  	[tilespmem:$0x5A40] =	vst v1  }
0x7c: {  	[tilespmem:$0x5A50] =	vst v1  }
0x7d: {  	[tilespmem:$0x5A60] =	vst v1  }
0x7e: {  	[tilespmem:$0x5A70] =	vst v1  }
0x7f: {  	[tilespmem:$0x5A80] =	vst v1  }
0x80: {  	[tilespmem:$0x5A90] =	vst v1  }
0x81: {  	[tilespmem:$0x5AA0] =	vst v1  }
0x82: {  	[tilespmem:$0x5AB0] =	vst v1  }
0x83: {  	[tilespmem:$0x5AC0] =	vst v1  }
0x84: {  	[tilespmem:$0x5AD0] =	vst v1  }
0x85: {  	[tilespmem:$0x5AE0] =	vst v1  }
0x86: {  	[tilespmem:$0x5AF0] =	vst v1  }
0x87: {  	[tilespmem:$0x5B00] =	vst v1  }
0x88: {  	[tilespmem:$0x5B10] =	vst v1  }
0x89: {  	[tilespmem:$0x5B20] =	vst v1  }
0x8a: {  	[tilespmem:$0x5B30] =	vst v1  }
0x8b: {  	[tilespmem:$0x5B40] =	vst v1  }
0x8c: {  	[tilespmem:$0x5B50] =	vst v1  }
0x8d: {  	[tilespmem:$0x5B60] =	vst v1  }
0x8e: {  	[tilespmem:$0x5B70] =	vst v1  }
0x8f: {  	[tilespmem:$0x5B80] =	vst v1  }
0x90: {  	[tilespmem:$0x5B90] =	vst v1  }
0x91: {  	[tilespmem:$0x5BA0] =	vst v1  }
0x92: {  	[tilespmem:$0x5BB0] =	vst v1  }
0x93: {  	[tilespmem:$0x5BC0] =	vst v1  }
0x94: {  	[tilespmem:$0x5BD0] =	vst v1  }
0x95: {  	[tilespmem:$0x5BE0] =	vst v1  }
0x96: {  	[tilespmem:$0x5BF0] =	vst v1  }
0x97: {  	[tilespmem:$0x5C00] =	vst v1  }
0x98: {  	[tilespmem:$0x5C10] =	vst v1  }
0x99: {  	[tilespmem:$0x5C20] =	vst v1  }
0x9a: {  	[tilespmem:$0x5C30] =	vst v1  }
0x9b: {  	[tilespmem:$0x5C40] =	vst v1  }
0x9c: {  	[tilespmem:$0x5C50] =	vst v1  }
0x9d: {  	[tilespmem:$0x5C60] =	vst v1  }
0x9e: {  	[tilespmem:$0x5C70] =	vst v1  }
0x9f: {  	[tilespmem:$0x5C80] =	vst v1  }
0xa0: {  	[tilespmem:$0x5C90] =	vst v1  }
0xa1: {  	[tilespmem:$0x5CA0] =	vst v1  }
0xa2: {  	[tilespmem:$0x5CB0] =	vst v1  }
0xa3: {  	[tilespmem:$0x5CC0] =	vst v1  }
0xa4: {  	[tilespmem:$0x5CD0] =	vst v1  }
0xa5: {  	[tilespmem:$0x5CE0] =	vst v1  }
0xa6: {  	[tilespmem:$0x5CF0] =	vst v1  }
0xa7: {  	[tilespmem:$0x5D00] =	vst v1  }
0xa8: {  	[tilespmem:$0x5D10] =	vst v1  }
0xa9: {  	[tilespmem:$0x5D20] =	vst v1  }
0xaa: {  	[tilespmem:$0x5D30] =	vst v1  }
0xab: {  	[tilespmem:$0x5D40] =	vst v1  }
0xac: {  	[tilespmem:$0x5D50] =	vst v1  }
0xad: {  	[tilespmem:$0x5D60] =	vst v1  }
0xae: {  	[tilespmem:$0x5D70] =	vst v1  }
0xaf: {  	[spmem:s6] =	stream.linear.scatter [tilespmem:s12], [sflag:$0x2], $0x400, $0x38;
	[tilespmem:$0x6180] =	vst v63  }
0xb0: {  	_ =	swait.ge [sflag:s13], $0x400  }
0xb1: {  	[sflag:s13] =	ssyncset.done $0x0  }
0xb2: {  	[sflag:s13] =	ssyncadd.s32 $0xFFFFFC00  }
0xb3: {  	_ =	swait.ge [sflag:s14], $0xC80  }
0xb4: {  	[sflag:s14] =	ssyncset.done $0x0  }
0xb5: {  	[sflag:s14] =	ssyncadd.s32 $0xFFFFF380  }
0xb6: {  	_ =	swait.ge [sflag:s14], $0xC80  }
0xb7: {  	[sflag:s14] =	ssyncset.done $0x0  }
0xb8: {  	[sflag:s14] =	ssyncadd.s32 $0xFFFFF380  }
.LBB2_4:
0xb9: {  	v10 =	vld [tilespmem:$0xC80]  }
0xba: {  	v11 =	vld [tilespmem:$0xF90]  }
0xbb: {  	v12 =	vld [tilespmem:$0x18F0];
	_ =	sdelay $0x2  }
0xbc: {  	(v2sf) =	vpush v10, $0x0  }
0xbd: {  	(v2sf) =	vpush v11, $0xF  }
0xbe: {  	(v2sf) =	vpush v12, $0xF;
	_ =	sdelay $0xc  }
0xbf: {  	s21 =	spop (v2sf)  }
0xc0: {  	s19 =	spop (v2sf)  }
0xc1: {  	s20 =	spop (v2sf)  }
0xc2: {  	s20 =	smov.u32 @p0 s19  }
0xc3: {  	s19 =	sadd.s32 $0x1, s20  }
0xc4: {  	p1 =	sge.s32 s21, s19  }
.Ltmp4:
0xc5: {  	_ = 	snop;
	(pc) =	sbr.rel @p1 .LBB2_8-.Ltmp4, $2  }
0xc6: {  	_ =	sdelay $0x2  }
0xc7: {  	s19 =	ssub.s32 s20, s21;
	s20 =	sshll.u32 s21, $0x9  }
0xc8: {  	s22 =	sshra.s32 s20, $0x2  }
0xc9: {  	s22 =	sadd.s32 $0x1940, s22  }
0xca: {  	s23 =	sadd.s32 $0x1, s19;
	[tilespmem:s22+$0xFFFFFFC0] =	vst v1  }
0xcb: {  	p2 =	sne.s32 s23, $0x1;
	[tilespmem:s22+$0x30] =	vst v1  }
.Ltmp5:
0xcc: {  	[tilespmem:s22+$0x20] =	vst v1;
	(pc) =	sbr.rel @!p2 .LBB2_7-.Ltmp5, $4  }
0xcd: {  	[tilespmem:s22+$0x10] =	vst v1  }
0xce: {  	[tilespmem:s22+$0x0] =	vst v1  }
0xcf: {  	[tilespmem:s22+$0xFFFFFFF0] =	vst v1  }
0xd0: {  	s23 =	sadd.s32 $0xFFFFFFFF, s23;
	[tilespmem:s22+$0xFFFFFFE0] =	vst v1  }
.LBB2_6:
0xd1: {  	p2 =	sne.s32 s23, $0x1;
	s23 =	sadd.s32 $0xFFFFFFFF, s23;
	[tilespmem:s22+$0xFFFFFFD0] =	vst v1;
	s22 =	sadd.s32 $0x80, s22  }
0xd2: {  	[tilespmem:s22+$0xFFFFFFC0] =	vst v1  }
0xd3: {  	[tilespmem:s22+$0x30] =	vst v1  }
.Ltmp6:
0xd4: {  	[tilespmem:s22+$0x20] =	vst v1;
	(pc) =	sbr.rel @p2 .LBB2_6-.Ltmp6, $4  }
0xd5: {  	[tilespmem:s22+$0x10] =	vst v1  }
0xd6: {  	[tilespmem:s22+$0x0] =	vst v1  }
0xd7: {  	[tilespmem:s22+$0xFFFFFFF0] =	vst v1  }
0xd8: {  	[tilespmem:s22+$0xFFFFFFE0] =	vst v1  }
.LBB2_7:
0xd9: {  	[tilespmem:s22+$0xFFFFFFD0] =	vst v1  }
.LBB2_8:
0xda: {  	v10 =	vld [tilespmem:$0xC80]  }
0xdb: {  	v11 =	vld [tilespmem:$0x0];
	_ =	sdelay $0x3  }
0xdc: {  	v10 =	vshll.u32 v10, $0x7  }
0xdd: {  	v10 =	vadd.s32 v10, v11;
	_ =	sdelay $0x4  }
0xde: {  	[tilespmem:v10+s15+$0x0] =	vst.idx.add.s32.msk $0xffff, v2  }
0xdf: {  	v10 =	vld [tilespmem:$0xC90]  }
0xe0: {  	v11 =	vld [tilespmem:$0x10];
	_ =	sdelay $0x3  }
0xe1: {  	v10 =	vshll.u32 v10, $0x7  }
0xe2: {  	v10 =	vadd.s32 v10, v11;
	_ =	sdelay $0x4  }
0xe3: {  	[tilespmem:v10+s15+$0x0] =	vst.idx.add.s32.msk $0xffff, v2  }
0xe4: {  	v10 =	vld [tilespmem:$0xCA0]  }
0xe5: {  	v11 =	vld [tilespmem:$0x20];
	_ =	sdelay $0x3  }
0xe6: {  	v10 =	vshll.u32 v10, $0x7  }
0xe7: {  	v10 =	vadd.s32 v10, v11;
	_ =	sdelay $0x4  }
0xe8: {  	[tilespmem:v10+s15+$0x0] =	vst.idx.add.s32.msk $0xffff, v2  }
0xe9: {  	v10 =	vld [tilespmem:$0xCB0]  }
0xea: {  	v11 =	vld [tilespmem:$0x30];
	_ =	sdelay $0x3  }
0xeb: {  	v10 =	vshll.u32 v10, $0x7  }
0xec: {  	v10 =	vadd.s32 v10, v11;
	_ =	sdelay $0x4  }
0xed: {  	[tilespmem:v10+s15+$0x0] =	vst.idx.add.s32.msk $0xffff, v2  }
0xee: {  	v10 =	vld [tilespmem:$0xCC0]  }
0xef: {  	v11 =	vld [tilespmem:$0x40];
	_ =	sdelay $0x3  }
0xf0: {  	v10 =	vshll.u32 v10, $0x7  }
0xf1: {  	v10 =	vadd.s32 v10, v11;
	_ =	sdelay $0x4  }
0xf2: {  	[tilespmem:v10+s15+$0x0] =	vst.idx.add.s32.msk $0xffff, v2  }
0xf3: {  	v10 =	vld [tilespmem:$0xCD0]  }
0xf4: {  	v11 =	vld [tilespmem:$0x50];
	_ =	sdelay $0x3  }
0xf5: {  	v10 =	vshll.u32 v10, $0x7  }
0xf6: {  	v10 =	vadd.s32 v10, v11;
	_ =	sdelay $0x4  }
0xf7: {  	[tilespmem:v10+s15+$0x0] =	vst.idx.add.s32.msk $0xffff, v2  }
0xf8: {  	v10 =	vld [tilespmem:$0xCE0]  }
0xf9: {  	v11 =	vld [tilespmem:$0x60];
	_ =	sdelay $0x3  }
0xfa: {  	v10 =	vshll.u32 v10, $0x7  }
0xfb: {  	v10 =	vadd.s32 v10, v11;
	_ =	sdelay $0x4  }
0xfc: {  	[tilespmem:v10+s15+$0x0] =	vst.idx.add.s32.msk $0xffff, v2  }
0xfd: {  	v10 =	vld [tilespmem:$0xCF0]  }
0xfe: {  	v11 =	vld [tilespmem:$0x70];
	_ =	sdelay $0x3  }
0xff: {  	v10 =	vshll.u32 v10, $0x7  }
0x100: {  	v10 =	vadd.s32 v10, v11;
	_ =	sdelay $0x4  }
0x101: {  	[tilespmem:v10+s15+$0x0] =	vst.idx.add.s32.msk $0xffff, v2  }
0x102: {  	v10 =	vld [tilespmem:$0xD00]  }
0x103: {  	v11 =	vld [tilespmem:$0x80];
	_ =	sdelay $0x3  }
0x104: {  	v10 =	vshll.u32 v10, $0x7  }
0x105: {  	v10 =	vadd.s32 v10, v11;
	_ =	sdelay $0x4  }
0x106: {  	[tilespmem:v10+s15+$0x0] =	vst.idx.add.s32.msk $0xffff, v2  }
0x107: {  	v10 =	vld [tilespmem:$0xD10]  }
0x108: {  	v11 =	vld [tilespmem:$0x90];
	_ =	sdelay $0x3  }
0x109: {  	v10 =	vshll.u32 v10, $0x7  }
0x10a: {  	v10 =	vadd.s32 v10, v11;
	_ =	sdelay $0x4  }
0x10b: {  	[tilespmem:v10+s15+$0x0] =	vst.idx.add.s32.msk $0xffff, v2  }
0x10c: {  	v10 =	vld [tilespmem:$0xD20]  }
0x10d: {  	v11 =	vld [tilespmem:$0xA0];
	_ =	sdelay $0x3  }
0x10e: {  	v10 =	vshll.u32 v10, $0x7  }
0x10f: {  	v10 =	vadd.s32 v10, v11;
	_ =	sdelay $0x4  }
0x110: {  	[tilespmem:v10+s15+$0x0] =	vst.idx.add.s32.msk $0xffff, v2  }
0x111: {  	v10 =	vld [tilespmem:$0xD30]  }
0x112: {  	v11 =	vld [tilespmem:$0xB0];
	_ =	sdelay $0x3  }
0x113: {  	v10 =	vshll.u32 v10, $0x7  }
0x114: {  	v10 =	vadd.s32 v10, v11;
	_ =	sdelay $0x4  }
0x115: {  	[tilespmem:v10+s15+$0x0] =	vst.idx.add.s32.msk $0xffff, v2  }
0x116: {  	v10 =	vld [tilespmem:$0xD40]  }
0x117: {  	v11 =	vld [tilespmem:$0xC0];
	_ =	sdelay $0x3  }
0x118: {  	v10 =	vshll.u32 v10, $0x7  }
0x119: {  	v10 =	vadd.s32 v10, v11;
	_ =	sdelay $0x4  }
0x11a: {  	[tilespmem:v10+s15+$0x0] =	vst.idx.add.s32.msk $0xffff, v2  }
0x11b: {  	v10 =	vld [tilespmem:$0xD50]  }
0x11c: {  	v11 =	vld [tilespmem:$0xD0];
	_ =	sdelay $0x3  }
0x11d: {  	v10 =	vshll.u32 v10, $0x7  }
0x11e: {  	v10 =	vadd.s32 v10, v11;
	_ =	sdelay $0x4  }
0x11f: {  	[tilespmem:v10+s15+$0x0] =	vst.idx.add.s32.msk $0xffff, v2  }
0x120: {  	v10 =	vld [tilespmem:$0xD60]  }
0x121: {  	v11 =	vld [tilespmem:$0xE0];
	_ =	sdelay $0x3  }
0x122: {  	v10 =	vshll.u32 v10, $0x7  }
0x123: {  	v10 =	vadd.s32 v10, v11;
	_ =	sdelay $0x4  }
0x124: {  	[tilespmem:v10+s15+$0x0] =	vst.idx.add.s32.msk $0xffff, v2  }
0x125: {  	v10 =	vld [tilespmem:$0xD70]  }
0x126: {  	v11 =	vld [tilespmem:$0xF0];
	_ =	sdelay $0x3  }
0x127: {  	v10 =	vshll.u32 v10, $0x7  }
0x128: {  	v10 =	vadd.s32 v10, v11;
	_ =	sdelay $0x4  }
0x129: {  	[tilespmem:v10+s15+$0x0] =	vst.idx.add.s32.msk $0xffff, v2  }
0x12a: {  	v10 =	vld [tilespmem:$0xD80]  }
0x12b: {  	v11 =	vld [tilespmem:$0x100];
	_ =	sdelay $0x3  }
0x12c: {  	v10 =	vshll.u32 v10, $0x7  }
0x12d: {  	v10 =	vadd.s32 v10, v11;
	_ =	sdelay $0x4  }
0x12e: {  	[tilespmem:v10+s15+$0x0] =	vst.idx.add.s32.msk $0xffff, v2  }
0x12f: {  	v10 =	vld [tilespmem:$0xD90]  }
0x130: {  	v11 =	vld [tilespmem:$0x110];
	_ =	sdelay $0x3  }
0x131: {  	v10 =	vshll.u32 v10, $0x7  }
0x132: {  	v10 =	vadd.s32 v10, v11;
	_ =	sdelay $0x4  }
0x133: {  	[tilespmem:v10+s15+$0x0] =	vst.idx.add.s32.msk $0xffff, v2  }
0x134: {  	v10 =	vld [tilespmem:$0xDA0]  }
0x135: {  	v11 =	vld [tilespmem:$0x120];
	_ =	sdelay $0x3  }
0x136: {  	v10 =	vshll.u32 v10, $0x7  }
0x137: {  	v10 =	vadd.s32 v10, v11;
	_ =	sdelay $0x4  }
0x138: {  	[tilespmem:v10+s15+$0x0] =	vst.idx.add.s32.msk $0xffff, v2  }
0x139: {  	v10 =	vld [tilespmem:$0xDB0]  }
0x13a: {  	v11 =	vld [tilespmem:$0x130];
	_ =	sdelay $0x3  }
0x13b: {  	v10 =	vshll.u32 v10, $0x7  }
0x13c: {  	v10 =	vadd.s32 v10, v11;
	_ =	sdelay $0x4  }
0x13d: {  	[tilespmem:v10+s15+$0x0] =	vst.idx.add.s32.msk $0xffff, v2  }
0x13e: {  	v10 =	vld [tilespmem:$0xDC0]  }
0x13f: {  	v11 =	vld [tilespmem:$0x140];
	_ =	sdelay $0x3  }
0x140: {  	v10 =	vshll.u32 v10, $0x7  }
0x141: {  	v10 =	vadd.s32 v10, v11;
	_ =	sdelay $0x4  }
0x142: {  	[tilespmem:v10+s15+$0x0] =	vst.idx.add.s32.msk $0xffff, v2  }
0x143: {  	v10 =	vld [tilespmem:$0xDD0]  }
0x144: {  	v11 =	vld [tilespmem:$0x150];
	_ =	sdelay $0x3  }
0x145: {  	v10 =	vshll.u32 v10, $0x7  }
0x146: {  	v10 =	vadd.s32 v10, v11;
	_ =	sdelay $0x4  }
0x147: {  	[tilespmem:v10+s15+$0x0] =	vst.idx.add.s32.msk $0xffff, v2  }
0x148: {  	v10 =	vld [tilespmem:$0xDE0]  }
0x149: {  	v11 =	vld [tilespmem:$0x160];
	_ =	sdelay $0x3  }
0x14a: {  	v10 =	vshll.u32 v10, $0x7  }
0x14b: {  	v10 =	vadd.s32 v10, v11;
	_ =	sdelay $0x4  }
0x14c: {  	[tilespmem:v10+s15+$0x0] =	vst.idx.add.s32.msk $0xffff, v2  }
0x14d: {  	v10 =	vld [tilespmem:$0xDF0]  }
0x14e: {  	v11 =	vld [tilespmem:$0x170];
	_ =	sdelay $0x3  }
0x14f: {  	v10 =	vshll.u32 v10, $0x7  }
0x150: {  	v10 =	vadd.s32 v10, v11;
	_ =	sdelay $0x4  }
0x151: {  	[tilespmem:v10+s15+$0x0] =	vst.idx.add.s32.msk $0xffff, v2  }
0x152: {  	v10 =	vld [tilespmem:$0xE00]  }
0x153: {  	v11 =	vld [tilespmem:$0x180];
	_ =	sdelay $0x3  }
0x154: {  	v10 =	vshll.u32 v10, $0x7  }
0x155: {  	v10 =	vadd.s32 v10, v11;
	_ =	sdelay $0x4  }
0x156: {  	[tilespmem:v10+s15+$0x0] =	vst.idx.add.s32.msk $0xffff, v2  }
0x157: {  	v10 =	vld [tilespmem:$0xE10]  }
0x158: {  	v11 =	vld [tilespmem:$0x190];
	_ =	sdelay $0x3  }
0x159: {  	v10 =	vshll.u32 v10, $0x7  }
0x15a: {  	v10 =	vadd.s32 v10, v11;
	_ =	sdelay $0x4  }
0x15b: {  	[tilespmem:v10+s15+$0x0] =	vst.idx.add.s32.msk $0xffff, v2  }
0x15c: {  	v10 =	vld [tilespmem:$0xE20]  }
0x15d: {  	v11 =	vld [tilespmem:$0x1A0];
	_ =	sdelay $0x3  }
0x15e: {  	v10 =	vshll.u32 v10, $0x7  }
0x15f: {  	v10 =	vadd.s32 v10, v11;
	_ =	sdelay $0x4  }
0x160: {  	[tilespmem:v10+s15+$0x0] =	vst.idx.add.s32.msk $0xffff, v2  }
0x161: {  	v10 =	vld [tilespmem:$0xE30]  }
0x162: {  	v11 =	vld [tilespmem:$0x1B0];
	_ =	sdelay $0x3  }
0x163: {  	v10 =	vshll.u32 v10, $0x7  }
0x164: {  	v10 =	vadd.s32 v10, v11;
	_ =	sdelay $0x4  }
0x165: {  	[tilespmem:v10+s15+$0x0] =	vst.idx.add.s32.msk $0xffff, v2  }
0x166: {  	v10 =	vld [tilespmem:$0xE40]  }
0x167: {  	v11 =	vld [tilespmem:$0x1C0];
	_ =	sdelay $0x3  }
0x168: {  	v10 =	vshll.u32 v10, $0x7  }
0x169: {  	v10 =	vadd.s32 v10, v11;
	_ =	sdelay $0x4  }
0x16a: {  	[tilespmem:v10+s15+$0x0] =	vst.idx.add.s32.msk $0xffff, v2  }
0x16b: {  	v10 =	vld [tilespmem:$0xE50]  }
0x16c: {  	v11 =	vld [tilespmem:$0x1D0];
	_ =	sdelay $0x3  }
0x16d: {  	v10 =	vshll.u32 v10, $0x7  }
0x16e: {  	v10 =	vadd.s32 v10, v11;
	_ =	sdelay $0x4  }
0x16f: {  	[tilespmem:v10+s15+$0x0] =	vst.idx.add.s32.msk $0xffff, v2  }
0x170: {  	v10 =	vld [tilespmem:$0xE60]  }
0x171: {  	v11 =	vld [tilespmem:$0x1E0];
	_ =	sdelay $0x3  }
0x172: {  	v10 =	vshll.u32 v10, $0x7  }
0x173: {  	v10 =	vadd.s32 v10, v11;
	_ =	sdelay $0x4  }
0x174: {  	[tilespmem:v10+s15+$0x0] =	vst.idx.add.s32.msk $0xffff, v2  }
0x175: {  	v10 =	vld [tilespmem:$0xE70]  }
0x176: {  	v11 =	vld [tilespmem:$0x1F0];
	_ =	sdelay $0x3  }
0x177: {  	v10 =	vshll.u32 v10, $0x7  }
0x178: {  	v10 =	vadd.s32 v10, v11;
	_ =	sdelay $0x4  }
0x179: {  	[tilespmem:v10+s15+$0x0] =	vst.idx.add.s32.msk $0xffff, v2  }
0x17a: {  	v10 =	vld [tilespmem:$0xE80]  }
0x17b: {  	v11 =	vld [tilespmem:$0x200];
	_ =	sdelay $0x3  }
0x17c: {  	v10 =	vshll.u32 v10, $0x7  }
0x17d: {  	v10 =	vadd.s32 v10, v11;
	_ =	sdelay $0x4  }
0x17e: {  	[tilespmem:v10+s15+$0x0] =	vst.idx.add.s32.msk $0xffff, v2  }
0x17f: {  	v10 =	vld [tilespmem:$0xE90]  }
0x180: {  	v11 =	vld [tilespmem:$0x210];
	_ =	sdelay $0x3  }
0x181: {  	v10 =	vshll.u32 v10, $0x7  }
0x182: {  	v10 =	vadd.s32 v10, v11;
	_ =	sdelay $0x4  }
0x183: {  	[tilespmem:v10+s15+$0x0] =	vst.idx.add.s32.msk $0xffff, v2  }
0x184: {  	v10 =	vld [tilespmem:$0xEA0]  }
0x185: {  	v11 =	vld [tilespmem:$0x220];
	_ =	sdelay $0x3  }
0x186: {  	v10 =	vshll.u32 v10, $0x7  }
0x187: {  	v10 =	vadd.s32 v10, v11;
	_ =	sdelay $0x4  }
0x188: {  	[tilespmem:v10+s15+$0x0] =	vst.idx.add.s32.msk $0xffff, v2  }
0x189: {  	v10 =	vld [tilespmem:$0xEB0]  }
0x18a: {  	v11 =	vld [tilespmem:$0x230];
	_ =	sdelay $0x3  }
0x18b: {  	v10 =	vshll.u32 v10, $0x7  }
0x18c: {  	v10 =	vadd.s32 v10, v11;
	_ =	sdelay $0x4  }
0x18d: {  	[tilespmem:v10+s15+$0x0] =	vst.idx.add.s32.msk $0xffff, v2  }
0x18e: {  	v10 =	vld [tilespmem:$0xEC0]  }
0x18f: {  	v11 =	vld [tilespmem:$0x240];
	_ =	sdelay $0x3  }
0x190: {  	v10 =	vshll.u32 v10, $0x7  }
0x191: {  	v10 =	vadd.s32 v10, v11;
	_ =	sdelay $0x4  }
0x192: {  	[tilespmem:v10+s15+$0x0] =	vst.idx.add.s32.msk $0xffff, v2  }
0x193: {  	v10 =	vld [tilespmem:$0xED0]  }
0x194: {  	v11 =	vld [tilespmem:$0x250];
	_ =	sdelay $0x3  }
0x195: {  	v10 =	vshll.u32 v10, $0x7  }
0x196: {  	v10 =	vadd.s32 v10, v11;
	_ =	sdelay $0x4  }
0x197: {  	[tilespmem:v10+s15+$0x0] =	vst.idx.add.s32.msk $0xffff, v2  }
0x198: {  	v10 =	vld [tilespmem:$0xEE0]  }
0x199: {  	v11 =	vld [tilespmem:$0x260];
	_ =	sdelay $0x3  }
0x19a: {  	v10 =	vshll.u32 v10, $0x7  }
0x19b: {  	v10 =	vadd.s32 v10, v11;
	_ =	sdelay $0x4  }
0x19c: {  	[tilespmem:v10+s15+$0x0] =	vst.idx.add.s32.msk $0xffff, v2  }
0x19d: {  	v10 =	vld [tilespmem:$0xEF0]  }
0x19e: {  	v11 =	vld [tilespmem:$0x270];
	_ =	sdelay $0x3  }
0x19f: {  	v10 =	vshll.u32 v10, $0x7  }
0x1a0: {  	v10 =	vadd.s32 v10, v11;
	_ =	sdelay $0x4  }
0x1a1: {  	[tilespmem:v10+s15+$0x0] =	vst.idx.add.s32.msk $0xffff, v2  }
0x1a2: {  	v10 =	vld [tilespmem:$0xF00]  }
0x1a3: {  	v11 =	vld [tilespmem:$0x280];
	_ =	sdelay $0x3  }
0x1a4: {  	v10 =	vshll.u32 v10, $0x7  }
0x1a5: {  	v10 =	vadd.s32 v10, v11;
	_ =	sdelay $0x4  }
0x1a6: {  	[tilespmem:v10+s15+$0x0] =	vst.idx.add.s32.msk $0xffff, v2  }
0x1a7: {  	v10 =	vld [tilespmem:$0xF10]  }
0x1a8: {  	v11 =	vld [tilespmem:$0x290];
	_ =	sdelay $0x3  }
0x1a9: {  	v10 =	vshll.u32 v10, $0x7  }
0x1aa: {  	v10 =	vadd.s32 v10, v11;
	_ =	sdelay $0x4  }
0x1ab: {  	[tilespmem:v10+s15+$0x0] =	vst.idx.add.s32.msk $0xffff, v2  }
0x1ac: {  	v10 =	vld [tilespmem:$0xF20]  }
0x1ad: {  	v11 =	vld [tilespmem:$0x2A0];
	_ =	sdelay $0x3  }
0x1ae: {  	v10 =	vshll.u32 v10, $0x7  }
0x1af: {  	v10 =	vadd.s32 v10, v11;
	_ =	sdelay $0x4  }
0x1b0: {  	[tilespmem:v10+s15+$0x0] =	vst.idx.add.s32.msk $0xffff, v2  }
0x1b1: {  	v10 =	vld [tilespmem:$0xF30]  }
0x1b2: {  	v11 =	vld [tilespmem:$0x2B0];
	_ =	sdelay $0x3  }
0x1b3: {  	v10 =	vshll.u32 v10, $0x7  }
0x1b4: {  	v10 =	vadd.s32 v10, v11;
	_ =	sdelay $0x4  }
0x1b5: {  	[tilespmem:v10+s15+$0x0] =	vst.idx.add.s32.msk $0xffff, v2  }
0x1b6: {  	v10 =	vld [tilespmem:$0xF40]  }
0x1b7: {  	v11 =	vld [tilespmem:$0x2C0];
	_ =	sdelay $0x3  }
0x1b8: {  	v10 =	vshll.u32 v10, $0x7  }
0x1b9: {  	v10 =	vadd.s32 v10, v11;
	_ =	sdelay $0x4  }
0x1ba: {  	[tilespmem:v10+s15+$0x0] =	vst.idx.add.s32.msk $0xffff, v2  }
0x1bb: {  	v10 =	vld [tilespmem:$0xF50]  }
0x1bc: {  	v11 =	vld [tilespmem:$0x2D0];
	_ =	sdelay $0x3  }
0x1bd: {  	v10 =	vshll.u32 v10, $0x7  }
0x1be: {  	v10 =	vadd.s32 v10, v11;
	_ =	sdelay $0x4  }
0x1bf: {  	[tilespmem:v10+s15+$0x0] =	vst.idx.add.s32.msk $0xffff, v2  }
0x1c0: {  	v10 =	vld [tilespmem:$0xF60]  }
0x1c1: {  	v11 =	vld [tilespmem:$0x2E0];
	_ =	sdelay $0x3  }
0x1c2: {  	v10 =	vshll.u32 v10, $0x7  }
0x1c3: {  	v10 =	vadd.s32 v10, v11;
	_ =	sdelay $0x4  }
0x1c4: {  	[tilespmem:v10+s15+$0x0] =	vst.idx.add.s32.msk $0xffff, v2  }
0x1c5: {  	v10 =	vld [tilespmem:$0xF70]  }
0x1c6: {  	v11 =	vld [tilespmem:$0x2F0];
	_ =	sdelay $0x3  }
0x1c7: {  	v10 =	vshll.u32 v10, $0x7  }
0x1c8: {  	v10 =	vadd.s32 v10, v11;
	_ =	sdelay $0x4  }
0x1c9: {  	[tilespmem:v10+s15+$0x0] =	vst.idx.add.s32.msk $0xffff, v2  }
0x1ca: {  	v10 =	vld [tilespmem:$0xF80]  }
0x1cb: {  	v11 =	vld [tilespmem:$0x300];
	_ =	sdelay $0x3  }
0x1cc: {  	v10 =	vshll.u32 v10, $0x7  }
0x1cd: {  	v10 =	vadd.s32 v10, v11;
	_ =	sdelay $0x4  }
0x1ce: {  	[tilespmem:v10+s15+$0x0] =	vst.idx.add.s32.msk $0xffff, v2  }
0x1cf: {  	v10 =	vld [tilespmem:$0xF90]  }
0x1d0: {  	v11 =	vld [tilespmem:$0x310];
	_ =	sdelay $0x3  }
0x1d1: {  	v10 =	vshll.u32 v10, $0x7  }
0x1d2: {  	v10 =	vadd.s32 v10, v11  }
.Ltmp7:
0x1d3: {  	_ = 	snop;
	(pc) =	sbr.rel @p0 .LBB2_10-.Ltmp7, $2  }
0x1d4: {  	_ =	sdelay $0x2  }
0x1d5: {  	[tilespmem:v10+s15+$0x0] =	vst.idx.add.s32.msk $0xffff, v2  }
0x1d6: {  	v10 =	vld [tilespmem:$0xFA0]  }
0x1d7: {  	v11 =	vld [tilespmem:$0x320];
	_ =	sdelay $0x3  }
0x1d8: {  	v10 =	vshll.u32 v10, $0x7  }
0x1d9: {  	v10 =	vadd.s32 v10, v11;
	_ =	sdelay $0x4  }
0x1da: {  	[tilespmem:v10+s15+$0x0] =	vst.idx.add.s32.msk $0xffff, v2  }
0x1db: {  	v10 =	vld [tilespmem:$0xFB0]  }
0x1dc: {  	v11 =	vld [tilespmem:$0x330];
	_ =	sdelay $0x3  }
0x1dd: {  	v10 =	vshll.u32 v10, $0x7  }
0x1de: {  	v10 =	vadd.s32 v10, v11;
	_ =	sdelay $0x4  }
0x1df: {  	[tilespmem:v10+s15+$0x0] =	vst.idx.add.s32.msk $0xffff, v2  }
0x1e0: {  	v10 =	vld [tilespmem:$0xFC0]  }
0x1e1: {  	v11 =	vld [tilespmem:$0x340];
	_ =	sdelay $0x3  }
0x1e2: {  	v10 =	vshll.u32 v10, $0x7  }
0x1e3: {  	v10 =	vadd.s32 v10, v11;
	_ =	sdelay $0x4  }
0x1e4: {  	[tilespmem:v10+s15+$0x0] =	vst.idx.add.s32.msk $0xffff, v2  }
0x1e5: {  	v10 =	vld [tilespmem:$0xFD0]  }
0x1e6: {  	v11 =	vld [tilespmem:$0x350];
	_ =	sdelay $0x3  }
0x1e7: {  	v10 =	vshll.u32 v10, $0x7  }
0x1e8: {  	v10 =	vadd.s32 v10, v11;
	_ =	sdelay $0x4  }
0x1e9: {  	[tilespmem:v10+s15+$0x0] =	vst.idx.add.s32.msk $0xffff, v2  }
0x1ea: {  	v10 =	vld [tilespmem:$0xFE0]  }
0x1eb: {  	v11 =	vld [tilespmem:$0x360];
	_ =	sdelay $0x3  }
0x1ec: {  	v10 =	vshll.u32 v10, $0x7  }
0x1ed: {  	v10 =	vadd.s32 v10, v11;
	_ =	sdelay $0x4  }
0x1ee: {  	[tilespmem:v10+s15+$0x0] =	vst.idx.add.s32.msk $0xffff, v2  }
0x1ef: {  	v10 =	vld [tilespmem:$0xFF0]  }
0x1f0: {  	v11 =	vld [tilespmem:$0x370];
	_ =	sdelay $0x3  }
0x1f1: {  	v10 =	vshll.u32 v10, $0x7  }
0x1f2: {  	v10 =	vadd.s32 v10, v11;
	_ =	sdelay $0x4  }
0x1f3: {  	[tilespmem:v10+s15+$0x0] =	vst.idx.add.s32.msk $0xffff, v2  }
0x1f4: {  	v10 =	vld [tilespmem:$0x1000]  }
0x1f5: {  	v11 =	vld [tilespmem:$0x380];
	_ =	sdelay $0x3  }
0x1f6: {  	v10 =	vshll.u32 v10, $0x7  }
0x1f7: {  	v10 =	vadd.s32 v10, v11;
	_ =	sdelay $0x4  }
0x1f8: {  	[tilespmem:v10+s15+$0x0] =	vst.idx.add.s32.msk $0xffff, v2  }
0x1f9: {  	v10 =	vld [tilespmem:$0x1010]  }
0x1fa: {  	v11 =	vld [tilespmem:$0x390];
	_ =	sdelay $0x3  }
0x1fb: {  	v10 =	vshll.u32 v10, $0x7  }
0x1fc: {  	v10 =	vadd.s32 v10, v11;
	_ =	sdelay $0x4  }
0x1fd: {  	[tilespmem:v10+s15+$0x0] =	vst.idx.add.s32.msk $0xffff, v2  }
0x1fe: {  	v10 =	vld [tilespmem:$0x1020]  }
0x1ff: {  	v11 =	vld [tilespmem:$0x3A0];
	_ =	sdelay $0x3  }
0x200: {  	v10 =	vshll.u32 v10, $0x7  }
0x201: {  	v10 =	vadd.s32 v10, v11;
	_ =	sdelay $0x4  }
0x202: {  	[tilespmem:v10+s15+$0x0] =	vst.idx.add.s32.msk $0xffff, v2  }
0x203: {  	v10 =	vld [tilespmem:$0x1030]  }
0x204: {  	v11 =	vld [tilespmem:$0x3B0];
	_ =	sdelay $0x3  }
0x205: {  	v10 =	vshll.u32 v10, $0x7  }
0x206: {  	v10 =	vadd.s32 v10, v11;
	_ =	sdelay $0x4  }
0x207: {  	[tilespmem:v10+s15+$0x0] =	vst.idx.add.s32.msk $0xffff, v2  }
0x208: {  	v10 =	vld [tilespmem:$0x1040]  }
0x209: {  	v11 =	vld [tilespmem:$0x3C0];
	_ =	sdelay $0x3  }
0x20a: {  	v10 =	vshll.u32 v10, $0x7  }
0x20b: {  	v10 =	vadd.s32 v10, v11;
	_ =	sdelay $0x4  }
0x20c: {  	[tilespmem:v10+s15+$0x0] =	vst.idx.add.s32.msk $0xffff, v2  }
0x20d: {  	v10 =	vld [tilespmem:$0x1050]  }
0x20e: {  	v11 =	vld [tilespmem:$0x3D0];
	_ =	sdelay $0x3  }
0x20f: {  	v10 =	vshll.u32 v10, $0x7  }
0x210: {  	v10 =	vadd.s32 v10, v11;
	_ =	sdelay $0x4  }
0x211: {  	[tilespmem:v10+s15+$0x0] =	vst.idx.add.s32.msk $0xffff, v2  }
0x212: {  	v10 =	vld [tilespmem:$0x1060]  }
0x213: {  	v11 =	vld [tilespmem:$0x3E0];
	_ =	sdelay $0x3  }
0x214: {  	v10 =	vshll.u32 v10, $0x7  }
0x215: {  	v10 =	vadd.s32 v10, v11;
	_ =	sdelay $0x4  }
0x216: {  	[tilespmem:v10+s15+$0x0] =	vst.idx.add.s32.msk $0xffff, v2  }
0x217: {  	v10 =	vld [tilespmem:$0x1070]  }
0x218: {  	v11 =	vld [tilespmem:$0x3F0];
	_ =	sdelay $0x3  }
0x219: {  	v10 =	vshll.u32 v10, $0x7  }
0x21a: {  	v10 =	vadd.s32 v10, v11;
	_ =	sdelay $0x4  }
0x21b: {  	[tilespmem:v10+s15+$0x0] =	vst.idx.add.s32.msk $0xffff, v2  }
0x21c: {  	v10 =	vld [tilespmem:$0x1080]  }
0x21d: {  	v11 =	vld [tilespmem:$0x400];
	_ =	sdelay $0x3  }
0x21e: {  	v10 =	vshll.u32 v10, $0x7  }
0x21f: {  	v10 =	vadd.s32 v10, v11;
	_ =	sdelay $0x4  }
0x220: {  	[tilespmem:v10+s15+$0x0] =	vst.idx.add.s32.msk $0xffff, v2  }
0x221: {  	v10 =	vld [tilespmem:$0x1090]  }
0x222: {  	v11 =	vld [tilespmem:$0x410];
	_ =	sdelay $0x3  }
0x223: {  	v10 =	vshll.u32 v10, $0x7  }
0x224: {  	v10 =	vadd.s32 v10, v11;
	_ =	sdelay $0x4  }
0x225: {  	[tilespmem:v10+s15+$0x0] =	vst.idx.add.s32.msk $0xffff, v2  }
0x226: {  	v10 =	vld [tilespmem:$0x10A0]  }
0x227: {  	v11 =	vld [tilespmem:$0x420];
	_ =	sdelay $0x3  }
0x228: {  	v10 =	vshll.u32 v10, $0x7  }
0x229: {  	v10 =	vadd.s32 v10, v11;
	_ =	sdelay $0x4  }
0x22a: {  	[tilespmem:v10+s15+$0x0] =	vst.idx.add.s32.msk $0xffff, v2  }
0x22b: {  	v10 =	vld [tilespmem:$0x10B0]  }
0x22c: {  	v11 =	vld [tilespmem:$0x430];
	_ =	sdelay $0x3  }
0x22d: {  	v10 =	vshll.u32 v10, $0x7  }
0x22e: {  	v10 =	vadd.s32 v10, v11;
	_ =	sdelay $0x4  }
0x22f: {  	[tilespmem:v10+s15+$0x0] =	vst.idx.add.s32.msk $0xffff, v2  }
0x230: {  	v10 =	vld [tilespmem:$0x10C0]  }
0x231: {  	v11 =	vld [tilespmem:$0x440];
	_ =	sdelay $0x3  }
0x232: {  	v10 =	vshll.u32 v10, $0x7  }
0x233: {  	v10 =	vadd.s32 v10, v11;
	_ =	sdelay $0x4  }
0x234: {  	[tilespmem:v10+s15+$0x0] =	vst.idx.add.s32.msk $0xffff, v2  }
0x235: {  	v10 =	vld [tilespmem:$0x10D0]  }
0x236: {  	v11 =	vld [tilespmem:$0x450];
	_ =	sdelay $0x3  }
0x237: {  	v10 =	vshll.u32 v10, $0x7  }
0x238: {  	v10 =	vadd.s32 v10, v11;
	_ =	sdelay $0x4  }
0x239: {  	[tilespmem:v10+s15+$0x0] =	vst.idx.add.s32.msk $0xffff, v2  }
0x23a: {  	v10 =	vld [tilespmem:$0x10E0]  }
0x23b: {  	v11 =	vld [tilespmem:$0x460];
	_ =	sdelay $0x3  }
0x23c: {  	v10 =	vshll.u32 v10, $0x7  }
0x23d: {  	v10 =	vadd.s32 v10, v11;
	_ =	sdelay $0x4  }
0x23e: {  	[tilespmem:v10+s15+$0x0] =	vst.idx.add.s32.msk $0xffff, v2  }
0x23f: {  	v10 =	vld [tilespmem:$0x10F0]  }
0x240: {  	v11 =	vld [tilespmem:$0x470];
	_ =	sdelay $0x3  }
0x241: {  	v10 =	vshll.u32 v10, $0x7  }
0x242: {  	v10 =	vadd.s32 v10, v11;
	_ =	sdelay $0x4  }
0x243: {  	[tilespmem:v10+s15+$0x0] =	vst.idx.add.s32.msk $0xffff, v2  }
0x244: {  	v10 =	vld [tilespmem:$0x1100]  }
0x245: {  	v11 =	vld [tilespmem:$0x480];
	_ =	sdelay $0x3  }
0x246: {  	v10 =	vshll.u32 v10, $0x7  }
0x247: {  	v10 =	vadd.s32 v10, v11;
	_ =	sdelay $0x4  }
0x248: {  	[tilespmem:v10+s15+$0x0] =	vst.idx.add.s32.msk $0xffff, v2  }
0x249: {  	v10 =	vld [tilespmem:$0x1110]  }
0x24a: {  	v11 =	vld [tilespmem:$0x490];
	_ =	sdelay $0x3  }
0x24b: {  	v10 =	vshll.u32 v10, $0x7  }
0x24c: {  	v10 =	vadd.s32 v10, v11;
	_ =	sdelay $0x4  }
0x24d: {  	[tilespmem:v10+s15+$0x0] =	vst.idx.add.s32.msk $0xffff, v2  }
0x24e: {  	v10 =	vld [tilespmem:$0x1120]  }
0x24f: {  	v11 =	vld [tilespmem:$0x4A0];
	_ =	sdelay $0x3  }
0x250: {  	v10 =	vshll.u32 v10, $0x7  }
0x251: {  	v10 =	vadd.s32 v10, v11;
	_ =	sdelay $0x4  }
0x252: {  	[tilespmem:v10+s15+$0x0] =	vst.idx.add.s32.msk $0xffff, v2  }
0x253: {  	v10 =	vld [tilespmem:$0x1130]  }
0x254: {  	v11 =	vld [tilespmem:$0x4B0];
	_ =	sdelay $0x3  }
0x255: {  	v10 =	vshll.u32 v10, $0x7  }
0x256: {  	v10 =	vadd.s32 v10, v11;
	_ =	sdelay $0x4  }
0x257: {  	[tilespmem:v10+s15+$0x0] =	vst.idx.add.s32.msk $0xffff, v2  }
0x258: {  	v10 =	vld [tilespmem:$0x1140]  }
0x259: {  	v11 =	vld [tilespmem:$0x4C0];
	_ =	sdelay $0x3  }
0x25a: {  	v10 =	vshll.u32 v10, $0x7  }
0x25b: {  	v10 =	vadd.s32 v10, v11;
	_ =	sdelay $0x4  }
0x25c: {  	[tilespmem:v10+s15+$0x0] =	vst.idx.add.s32.msk $0xffff, v2  }
0x25d: {  	v10 =	vld [tilespmem:$0x1150]  }
0x25e: {  	v11 =	vld [tilespmem:$0x4D0];
	_ =	sdelay $0x3  }
0x25f: {  	v10 =	vshll.u32 v10, $0x7  }
0x260: {  	v10 =	vadd.s32 v10, v11;
	_ =	sdelay $0x4  }
0x261: {  	[tilespmem:v10+s15+$0x0] =	vst.idx.add.s32.msk $0xffff, v2  }
0x262: {  	v10 =	vld [tilespmem:$0x1160]  }
0x263: {  	v11 =	vld [tilespmem:$0x4E0];
	_ =	sdelay $0x3  }
0x264: {  	v10 =	vshll.u32 v10, $0x7  }
0x265: {  	v10 =	vadd.s32 v10, v11;
	_ =	sdelay $0x4  }
0x266: {  	[tilespmem:v10+s15+$0x0] =	vst.idx.add.s32.msk $0xffff, v2  }
0x267: {  	v10 =	vld [tilespmem:$0x1170]  }
0x268: {  	v11 =	vld [tilespmem:$0x4F0];
	_ =	sdelay $0x3  }
0x269: {  	v10 =	vshll.u32 v10, $0x7  }
0x26a: {  	v10 =	vadd.s32 v10, v11;
	_ =	sdelay $0x4  }
0x26b: {  	[tilespmem:v10+s15+$0x0] =	vst.idx.add.s32.msk $0xffff, v2  }
0x26c: {  	v10 =	vld [tilespmem:$0x1180]  }
0x26d: {  	v11 =	vld [tilespmem:$0x500];
	_ =	sdelay $0x3  }
0x26e: {  	v10 =	vshll.u32 v10, $0x7  }
0x26f: {  	v10 =	vadd.s32 v10, v11;
	_ =	sdelay $0x4  }
0x270: {  	[tilespmem:v10+s15+$0x0] =	vst.idx.add.s32.msk $0xffff, v2  }
0x271: {  	v10 =	vld [tilespmem:$0x1190]  }
0x272: {  	v11 =	vld [tilespmem:$0x510];
	_ =	sdelay $0x3  }
0x273: {  	v10 =	vshll.u32 v10, $0x7  }
0x274: {  	v10 =	vadd.s32 v10, v11;
	_ =	sdelay $0x4  }
0x275: {  	[tilespmem:v10+s15+$0x0] =	vst.idx.add.s32.msk $0xffff, v2  }
0x276: {  	v10 =	vld [tilespmem:$0x11A0]  }
0x277: {  	v11 =	vld [tilespmem:$0x520];
	_ =	sdelay $0x3  }
0x278: {  	v10 =	vshll.u32 v10, $0x7  }
0x279: {  	v10 =	vadd.s32 v10, v11;
	_ =	sdelay $0x4  }
0x27a: {  	[tilespmem:v10+s15+$0x0] =	vst.idx.add.s32.msk $0xffff, v2  }
0x27b: {  	v10 =	vld [tilespmem:$0x11B0]  }
0x27c: {  	v11 =	vld [tilespmem:$0x530];
	_ =	sdelay $0x3  }
0x27d: {  	v10 =	vshll.u32 v10, $0x7  }
0x27e: {  	v10 =	vadd.s32 v10, v11;
	_ =	sdelay $0x4  }
0x27f: {  	[tilespmem:v10+s15+$0x0] =	vst.idx.add.s32.msk $0xffff, v2  }
0x280: {  	v10 =	vld [tilespmem:$0x11C0]  }
0x281: {  	v11 =	vld [tilespmem:$0x540];
	_ =	sdelay $0x3  }
0x282: {  	v10 =	vshll.u32 v10, $0x7  }
0x283: {  	v10 =	vadd.s32 v10, v11;
	_ =	sdelay $0x4  }
0x284: {  	[tilespmem:v10+s15+$0x0] =	vst.idx.add.s32.msk $0xffff, v2  }
0x285: {  	v10 =	vld [tilespmem:$0x11D0]  }
0x286: {  	v11 =	vld [tilespmem:$0x550];
	_ =	sdelay $0x3  }
0x287: {  	v10 =	vshll.u32 v10, $0x7  }
0x288: {  	v10 =	vadd.s32 v10, v11;
	_ =	sdelay $0x4  }
0x289: {  	[tilespmem:v10+s15+$0x0] =	vst.idx.add.s32.msk $0xffff, v2  }
0x28a: {  	v10 =	vld [tilespmem:$0x11E0]  }
0x28b: {  	v11 =	vld [tilespmem:$0x560];
	_ =	sdelay $0x3  }
0x28c: {  	v10 =	vshll.u32 v10, $0x7  }
0x28d: {  	v10 =	vadd.s32 v10, v11;
	_ =	sdelay $0x4  }
0x28e: {  	[tilespmem:v10+s15+$0x0] =	vst.idx.add.s32.msk $0xffff, v2  }
0x28f: {  	v10 =	vld [tilespmem:$0x11F0]  }
0x290: {  	v11 =	vld [tilespmem:$0x570];
	_ =	sdelay $0x3  }
0x291: {  	v10 =	vshll.u32 v10, $0x7  }
0x292: {  	v10 =	vadd.s32 v10, v11;
	_ =	sdelay $0x4  }
0x293: {  	[tilespmem:v10+s15+$0x0] =	vst.idx.add.s32.msk $0xffff, v2  }
0x294: {  	v10 =	vld [tilespmem:$0x1200]  }
0x295: {  	v11 =	vld [tilespmem:$0x580];
	_ =	sdelay $0x3  }
0x296: {  	v10 =	vshll.u32 v10, $0x7  }
0x297: {  	v10 =	vadd.s32 v10, v11;
	_ =	sdelay $0x4  }
0x298: {  	[tilespmem:v10+s15+$0x0] =	vst.idx.add.s32.msk $0xffff, v2  }
0x299: {  	v10 =	vld [tilespmem:$0x1210]  }
0x29a: {  	v11 =	vld [tilespmem:$0x590];
	_ =	sdelay $0x3  }
0x29b: {  	v10 =	vshll.u32 v10, $0x7  }
0x29c: {  	v10 =	vadd.s32 v10, v11;
	_ =	sdelay $0x4  }
0x29d: {  	[tilespmem:v10+s15+$0x0] =	vst.idx.add.s32.msk $0xffff, v2  }
0x29e: {  	v10 =	vld [tilespmem:$0x1220]  }
0x29f: {  	v11 =	vld [tilespmem:$0x5A0];
	_ =	sdelay $0x3  }
0x2a0: {  	v10 =	vshll.u32 v10, $0x7  }
0x2a1: {  	v10 =	vadd.s32 v10, v11;
	_ =	sdelay $0x4  }
0x2a2: {  	[tilespmem:v10+s15+$0x0] =	vst.idx.add.s32.msk $0xffff, v2  }
0x2a3: {  	v10 =	vld [tilespmem:$0x1230]  }
0x2a4: {  	v11 =	vld [tilespmem:$0x5B0];
	_ =	sdelay $0x3  }
0x2a5: {  	v10 =	vshll.u32 v10, $0x7  }
0x2a6: {  	v10 =	vadd.s32 v10, v11;
	_ =	sdelay $0x4  }
0x2a7: {  	[tilespmem:v10+s15+$0x0] =	vst.idx.add.s32.msk $0xffff, v2  }
0x2a8: {  	v10 =	vld [tilespmem:$0x1240]  }
0x2a9: {  	v11 =	vld [tilespmem:$0x5C0];
	_ =	sdelay $0x3  }
0x2aa: {  	v10 =	vshll.u32 v10, $0x7  }
0x2ab: {  	v10 =	vadd.s32 v10, v11;
	_ =	sdelay $0x4  }
0x2ac: {  	[tilespmem:v10+s15+$0x0] =	vst.idx.add.s32.msk $0xffff, v2  }
0x2ad: {  	v10 =	vld [tilespmem:$0x1250]  }
0x2ae: {  	v11 =	vld [tilespmem:$0x5D0];
	_ =	sdelay $0x3  }
0x2af: {  	v10 =	vshll.u32 v10, $0x7  }
0x2b0: {  	v10 =	vadd.s32 v10, v11;
	_ =	sdelay $0x4  }
0x2b1: {  	[tilespmem:v10+s15+$0x0] =	vst.idx.add.s32.msk $0xffff, v2  }
0x2b2: {  	v10 =	vld [tilespmem:$0x1260]  }
0x2b3: {  	v11 =	vld [tilespmem:$0x5E0];
	_ =	sdelay $0x3  }
0x2b4: {  	v10 =	vshll.u32 v10, $0x7  }
0x2b5: {  	v10 =	vadd.s32 v10, v11;
	_ =	sdelay $0x4  }
0x2b6: {  	[tilespmem:v10+s15+$0x0] =	vst.idx.add.s32.msk $0xffff, v2  }
0x2b7: {  	v10 =	vld [tilespmem:$0x1270]  }
0x2b8: {  	v11 =	vld [tilespmem:$0x5F0];
	_ =	sdelay $0x3  }
0x2b9: {  	v10 =	vshll.u32 v10, $0x7  }
0x2ba: {  	v10 =	vadd.s32 v10, v11;
	_ =	sdelay $0x4  }
0x2bb: {  	[tilespmem:v10+s15+$0x0] =	vst.idx.add.s32.msk $0xffff, v2  }
0x2bc: {  	v10 =	vld [tilespmem:$0x1280]  }
0x2bd: {  	v11 =	vld [tilespmem:$0x600];
	_ =	sdelay $0x3  }
0x2be: {  	v10 =	vshll.u32 v10, $0x7  }
0x2bf: {  	v10 =	vadd.s32 v10, v11;
	_ =	sdelay $0x4  }
0x2c0: {  	[tilespmem:v10+s15+$0x0] =	vst.idx.add.s32.msk $0xffff, v2  }
0x2c1: {  	v10 =	vld [tilespmem:$0x1290]  }
0x2c2: {  	v11 =	vld [tilespmem:$0x610];
	_ =	sdelay $0x3  }
0x2c3: {  	v10 =	vshll.u32 v10, $0x7  }
0x2c4: {  	v10 =	vadd.s32 v10, v11;
	_ =	sdelay $0x4  }
0x2c5: {  	[tilespmem:v10+s15+$0x0] =	vst.idx.add.s32.msk $0xffff, v2  }
0x2c6: {  	v10 =	vld [tilespmem:$0x12A0]  }
0x2c7: {  	v11 =	vld [tilespmem:$0x620];
	_ =	sdelay $0x3  }
0x2c8: {  	v10 =	vshll.u32 v10, $0x7  }
0x2c9: {  	v10 =	vadd.s32 v10, v11;
	_ =	sdelay $0x4  }
0x2ca: {  	[tilespmem:v10+s15+$0x0] =	vst.idx.add.s32.msk $0xffff, v2  }
0x2cb: {  	v10 =	vld [tilespmem:$0x12B0]  }
0x2cc: {  	v11 =	vld [tilespmem:$0x630];
	_ =	sdelay $0x3  }
0x2cd: {  	v10 =	vshll.u32 v10, $0x7  }
0x2ce: {  	v10 =	vadd.s32 v10, v11;
	_ =	sdelay $0x4  }
0x2cf: {  	[tilespmem:v10+s15+$0x0] =	vst.idx.add.s32.msk $0xffff, v2  }
0x2d0: {  	v10 =	vld [tilespmem:$0x12C0]  }
0x2d1: {  	v11 =	vld [tilespmem:$0x640];
	_ =	sdelay $0x3  }
0x2d2: {  	v10 =	vshll.u32 v10, $0x7  }
0x2d3: {  	v10 =	vadd.s32 v10, v11;
	_ =	sdelay $0x4  }
0x2d4: {  	[tilespmem:v10+s15+$0x0] =	vst.idx.add.s32.msk $0xffff, v2  }
0x2d5: {  	v10 =	vld [tilespmem:$0x12D0]  }
0x2d6: {  	v11 =	vld [tilespmem:$0x650];
	_ =	sdelay $0x3  }
0x2d7: {  	v10 =	vshll.u32 v10, $0x7  }
0x2d8: {  	v10 =	vadd.s32 v10, v11;
	_ =	sdelay $0x4  }
0x2d9: {  	[tilespmem:v10+s15+$0x0] =	vst.idx.add.s32.msk $0xffff, v2  }
0x2da: {  	v10 =	vld [tilespmem:$0x12E0]  }
0x2db: {  	v11 =	vld [tilespmem:$0x660];
	_ =	sdelay $0x3  }
0x2dc: {  	v10 =	vshll.u32 v10, $0x7  }
0x2dd: {  	v10 =	vadd.s32 v10, v11;
	_ =	sdelay $0x4  }
0x2de: {  	[tilespmem:v10+s15+$0x0] =	vst.idx.add.s32.msk $0xffff, v2  }
0x2df: {  	v10 =	vld [tilespmem:$0x12F0]  }
0x2e0: {  	v11 =	vld [tilespmem:$0x670];
	_ =	sdelay $0x3  }
0x2e1: {  	v10 =	vshll.u32 v10, $0x7  }
0x2e2: {  	v10 =	vadd.s32 v10, v11;
	_ =	sdelay $0x4  }
0x2e3: {  	[tilespmem:v10+s15+$0x0] =	vst.idx.add.s32.msk $0xffff, v2  }
0x2e4: {  	v10 =	vld [tilespmem:$0x1300]  }
0x2e5: {  	v11 =	vld [tilespmem:$0x680];
	_ =	sdelay $0x3  }
0x2e6: {  	v10 =	vshll.u32 v10, $0x7  }
0x2e7: {  	v10 =	vadd.s32 v10, v11;
	_ =	sdelay $0x4  }
0x2e8: {  	[tilespmem:v10+s15+$0x0] =	vst.idx.add.s32.msk $0xffff, v2  }
0x2e9: {  	v10 =	vld [tilespmem:$0x1310]  }
0x2ea: {  	v11 =	vld [tilespmem:$0x690];
	_ =	sdelay $0x3  }
0x2eb: {  	v10 =	vshll.u32 v10, $0x7  }
0x2ec: {  	v10 =	vadd.s32 v10, v11;
	_ =	sdelay $0x4  }
0x2ed: {  	[tilespmem:v10+s15+$0x0] =	vst.idx.add.s32.msk $0xffff, v2  }
0x2ee: {  	v10 =	vld [tilespmem:$0x1320]  }
0x2ef: {  	v11 =	vld [tilespmem:$0x6A0];
	_ =	sdelay $0x3  }
0x2f0: {  	v10 =	vshll.u32 v10, $0x7  }
0x2f1: {  	v10 =	vadd.s32 v10, v11;
	_ =	sdelay $0x4  }
0x2f2: {  	[tilespmem:v10+s15+$0x0] =	vst.idx.add.s32.msk $0xffff, v2  }
0x2f3: {  	v10 =	vld [tilespmem:$0x1330]  }
0x2f4: {  	v11 =	vld [tilespmem:$0x6B0];
	_ =	sdelay $0x3  }
0x2f5: {  	v10 =	vshll.u32 v10, $0x7  }
0x2f6: {  	v10 =	vadd.s32 v10, v11;
	_ =	sdelay $0x4  }
0x2f7: {  	[tilespmem:v10+s15+$0x0] =	vst.idx.add.s32.msk $0xffff, v2  }
0x2f8: {  	v10 =	vld [tilespmem:$0x1340]  }
0x2f9: {  	v11 =	vld [tilespmem:$0x6C0];
	_ =	sdelay $0x3  }
0x2fa: {  	v10 =	vshll.u32 v10, $0x7  }
0x2fb: {  	v10 =	vadd.s32 v10, v11;
	_ =	sdelay $0x4  }
0x2fc: {  	[tilespmem:v10+s15+$0x0] =	vst.idx.add.s32.msk $0xffff, v2  }
0x2fd: {  	v10 =	vld [tilespmem:$0x1350]  }
0x2fe: {  	v11 =	vld [tilespmem:$0x6D0];
	_ =	sdelay $0x3  }
0x2ff: {  	v10 =	vshll.u32 v10, $0x7  }
0x300: {  	v10 =	vadd.s32 v10, v11;
	_ =	sdelay $0x4  }
0x301: {  	[tilespmem:v10+s15+$0x0] =	vst.idx.add.s32.msk $0xffff, v2  }
0x302: {  	v10 =	vld [tilespmem:$0x1360]  }
0x303: {  	v11 =	vld [tilespmem:$0x6E0];
	_ =	sdelay $0x3  }
0x304: {  	v10 =	vshll.u32 v10, $0x7  }
0x305: {  	v10 =	vadd.s32 v10, v11;
	_ =	sdelay $0x4  }
0x306: {  	[tilespmem:v10+s15+$0x0] =	vst.idx.add.s32.msk $0xffff, v2  }
0x307: {  	v10 =	vld [tilespmem:$0x1370]  }
0x308: {  	v11 =	vld [tilespmem:$0x6F0];
	_ =	sdelay $0x3  }
0x309: {  	v10 =	vshll.u32 v10, $0x7  }
0x30a: {  	v10 =	vadd.s32 v10, v11;
	_ =	sdelay $0x4  }
0x30b: {  	[tilespmem:v10+s15+$0x0] =	vst.idx.add.s32.msk $0xffff, v2  }
0x30c: {  	v10 =	vld [tilespmem:$0x1380]  }
0x30d: {  	v11 =	vld [tilespmem:$0x700];
	_ =	sdelay $0x3  }
0x30e: {  	v10 =	vshll.u32 v10, $0x7  }
0x30f: {  	v10 =	vadd.s32 v10, v11;
	_ =	sdelay $0x4  }
0x310: {  	[tilespmem:v10+s15+$0x0] =	vst.idx.add.s32.msk $0xffff, v2  }
0x311: {  	v10 =	vld [tilespmem:$0x1390]  }
0x312: {  	v11 =	vld [tilespmem:$0x710];
	_ =	sdelay $0x3  }
0x313: {  	v10 =	vshll.u32 v10, $0x7  }
0x314: {  	v10 =	vadd.s32 v10, v11;
	_ =	sdelay $0x4  }
0x315: {  	[tilespmem:v10+s15+$0x0] =	vst.idx.add.s32.msk $0xffff, v2  }
0x316: {  	v10 =	vld [tilespmem:$0x13A0]  }
0x317: {  	v11 =	vld [tilespmem:$0x720];
	_ =	sdelay $0x3  }
0x318: {  	v10 =	vshll.u32 v10, $0x7  }
0x319: {  	v10 =	vadd.s32 v10, v11;
	_ =	sdelay $0x4  }
0x31a: {  	[tilespmem:v10+s15+$0x0] =	vst.idx.add.s32.msk $0xffff, v2  }
0x31b: {  	v10 =	vld [tilespmem:$0x13B0]  }
0x31c: {  	v11 =	vld [tilespmem:$0x730];
	_ =	sdelay $0x3  }
0x31d: {  	v10 =	vshll.u32 v10, $0x7  }
0x31e: {  	v10 =	vadd.s32 v10, v11;
	_ =	sdelay $0x4  }
0x31f: {  	[tilespmem:v10+s15+$0x0] =	vst.idx.add.s32.msk $0xffff, v2  }
0x320: {  	v10 =	vld [tilespmem:$0x13C0]  }
0x321: {  	v11 =	vld [tilespmem:$0x740];
	_ =	sdelay $0x3  }
0x322: {  	v10 =	vshll.u32 v10, $0x7  }
0x323: {  	v10 =	vadd.s32 v10, v11;
	_ =	sdelay $0x4  }
0x324: {  	[tilespmem:v10+s15+$0x0] =	vst.idx.add.s32.msk $0xffff, v2  }
0x325: {  	v10 =	vld [tilespmem:$0x13D0]  }
0x326: {  	v11 =	vld [tilespmem:$0x750];
	_ =	sdelay $0x3  }
0x327: {  	v10 =	vshll.u32 v10, $0x7  }
0x328: {  	v10 =	vadd.s32 v10, v11;
	_ =	sdelay $0x4  }
0x329: {  	[tilespmem:v10+s15+$0x0] =	vst.idx.add.s32.msk $0xffff, v2  }
0x32a: {  	v10 =	vld [tilespmem:$0x13E0]  }
0x32b: {  	v11 =	vld [tilespmem:$0x760];
	_ =	sdelay $0x3  }
0x32c: {  	v10 =	vshll.u32 v10, $0x7  }
0x32d: {  	v10 =	vadd.s32 v10, v11;
	_ =	sdelay $0x4  }
0x32e: {  	[tilespmem:v10+s15+$0x0] =	vst.idx.add.s32.msk $0xffff, v2  }
0x32f: {  	v10 =	vld [tilespmem:$0x13F0]  }
0x330: {  	v11 =	vld [tilespmem:$0x770];
	_ =	sdelay $0x3  }
0x331: {  	v10 =	vshll.u32 v10, $0x7  }
0x332: {  	v10 =	vadd.s32 v10, v11;
	_ =	sdelay $0x4  }
0x333: {  	[tilespmem:v10+s15+$0x0] =	vst.idx.add.s32.msk $0xffff, v2  }
0x334: {  	v10 =	vld [tilespmem:$0x1400]  }
0x335: {  	v11 =	vld [tilespmem:$0x780];
	_ =	sdelay $0x3  }
0x336: {  	v10 =	vshll.u32 v10, $0x7  }
0x337: {  	v10 =	vadd.s32 v10, v11;
	_ =	sdelay $0x4  }
0x338: {  	[tilespmem:v10+s15+$0x0] =	vst.idx.add.s32.msk $0xffff, v2  }
0x339: {  	v10 =	vld [tilespmem:$0x1410]  }
0x33a: {  	v11 =	vld [tilespmem:$0x790];
	_ =	sdelay $0x3  }
0x33b: {  	v10 =	vshll.u32 v10, $0x7  }
0x33c: {  	v10 =	vadd.s32 v10, v11;
	_ =	sdelay $0x4  }
0x33d: {  	[tilespmem:v10+s15+$0x0] =	vst.idx.add.s32.msk $0xffff, v2  }
0x33e: {  	v10 =	vld [tilespmem:$0x1420]  }
0x33f: {  	v11 =	vld [tilespmem:$0x7A0];
	_ =	sdelay $0x3  }
0x340: {  	v10 =	vshll.u32 v10, $0x7  }
0x341: {  	v10 =	vadd.s32 v10, v11;
	_ =	sdelay $0x4  }
0x342: {  	[tilespmem:v10+s15+$0x0] =	vst.idx.add.s32.msk $0xffff, v2  }
0x343: {  	v10 =	vld [tilespmem:$0x1430]  }
0x344: {  	v11 =	vld [tilespmem:$0x7B0];
	_ =	sdelay $0x3  }
0x345: {  	v10 =	vshll.u32 v10, $0x7  }
0x346: {  	v10 =	vadd.s32 v10, v11;
	_ =	sdelay $0x4  }
0x347: {  	[tilespmem:v10+s15+$0x0] =	vst.idx.add.s32.msk $0xffff, v2  }
0x348: {  	v10 =	vld [tilespmem:$0x1440]  }
0x349: {  	v11 =	vld [tilespmem:$0x7C0];
	_ =	sdelay $0x3  }
0x34a: {  	v10 =	vshll.u32 v10, $0x7  }
0x34b: {  	v10 =	vadd.s32 v10, v11;
	_ =	sdelay $0x4  }
0x34c: {  	[tilespmem:v10+s15+$0x0] =	vst.idx.add.s32.msk $0xffff, v2  }
0x34d: {  	v10 =	vld [tilespmem:$0x1450]  }
0x34e: {  	v11 =	vld [tilespmem:$0x7D0];
	_ =	sdelay $0x3  }
0x34f: {  	v10 =	vshll.u32 v10, $0x7  }
0x350: {  	v10 =	vadd.s32 v10, v11;
	_ =	sdelay $0x4  }
0x351: {  	[tilespmem:v10+s15+$0x0] =	vst.idx.add.s32.msk $0xffff, v2  }
0x352: {  	v10 =	vld [tilespmem:$0x1460]  }
0x353: {  	v11 =	vld [tilespmem:$0x7E0];
	_ =	sdelay $0x3  }
0x354: {  	v10 =	vshll.u32 v10, $0x7  }
0x355: {  	v10 =	vadd.s32 v10, v11;
	_ =	sdelay $0x4  }
0x356: {  	[tilespmem:v10+s15+$0x0] =	vst.idx.add.s32.msk $0xffff, v2  }
0x357: {  	v10 =	vld [tilespmem:$0x1470]  }
0x358: {  	v11 =	vld [tilespmem:$0x7F0];
	_ =	sdelay $0x3  }
0x359: {  	v10 =	vshll.u32 v10, $0x7  }
0x35a: {  	v10 =	vadd.s32 v10, v11;
	_ =	sdelay $0x4  }
0x35b: {  	[tilespmem:v10+s15+$0x0] =	vst.idx.add.s32.msk $0xffff, v2  }
0x35c: {  	v10 =	vld [tilespmem:$0x1480]  }
0x35d: {  	v11 =	vld [tilespmem:$0x800];
	_ =	sdelay $0x3  }
0x35e: {  	v10 =	vshll.u32 v10, $0x7  }
0x35f: {  	v10 =	vadd.s32 v10, v11;
	_ =	sdelay $0x4  }
0x360: {  	[tilespmem:v10+s15+$0x0] =	vst.idx.add.s32.msk $0xffff, v2  }
0x361: {  	v10 =	vld [tilespmem:$0x1490]  }
0x362: {  	v11 =	vld [tilespmem:$0x810];
	_ =	sdelay $0x3  }
0x363: {  	v10 =	vshll.u32 v10, $0x7  }
0x364: {  	v10 =	vadd.s32 v10, v11;
	_ =	sdelay $0x4  }
0x365: {  	[tilespmem:v10+s15+$0x0] =	vst.idx.add.s32.msk $0xffff, v2  }
0x366: {  	v10 =	vld [tilespmem:$0x14A0]  }
0x367: {  	v11 =	vld [tilespmem:$0x820];
	_ =	sdelay $0x3  }
0x368: {  	v10 =	vshll.u32 v10, $0x7  }
0x369: {  	v10 =	vadd.s32 v10, v11;
	_ =	sdelay $0x4  }
0x36a: {  	[tilespmem:v10+s15+$0x0] =	vst.idx.add.s32.msk $0xffff, v2  }
0x36b: {  	v10 =	vld [tilespmem:$0x14B0]  }
0x36c: {  	v11 =	vld [tilespmem:$0x830];
	_ =	sdelay $0x3  }
0x36d: {  	v10 =	vshll.u32 v10, $0x7  }
0x36e: {  	v10 =	vadd.s32 v10, v11;
	_ =	sdelay $0x4  }
0x36f: {  	[tilespmem:v10+s15+$0x0] =	vst.idx.add.s32.msk $0xffff, v2  }
0x370: {  	v10 =	vld [tilespmem:$0x14C0]  }
0x371: {  	v11 =	vld [tilespmem:$0x840];
	_ =	sdelay $0x3  }
0x372: {  	v10 =	vshll.u32 v10, $0x7  }
0x373: {  	v10 =	vadd.s32 v10, v11;
	_ =	sdelay $0x4  }
0x374: {  	[tilespmem:v10+s15+$0x0] =	vst.idx.add.s32.msk $0xffff, v2  }
0x375: {  	v10 =	vld [tilespmem:$0x14D0]  }
0x376: {  	v11 =	vld [tilespmem:$0x850];
	_ =	sdelay $0x3  }
0x377: {  	v10 =	vshll.u32 v10, $0x7  }
0x378: {  	v10 =	vadd.s32 v10, v11;
	_ =	sdelay $0x4  }
0x379: {  	[tilespmem:v10+s15+$0x0] =	vst.idx.add.s32.msk $0xffff, v2  }
0x37a: {  	v10 =	vld [tilespmem:$0x14E0]  }
0x37b: {  	v11 =	vld [tilespmem:$0x860];
	_ =	sdelay $0x3  }
0x37c: {  	v10 =	vshll.u32 v10, $0x7  }
0x37d: {  	v10 =	vadd.s32 v10, v11;
	_ =	sdelay $0x4  }
0x37e: {  	[tilespmem:v10+s15+$0x0] =	vst.idx.add.s32.msk $0xffff, v2  }
0x37f: {  	v10 =	vld [tilespmem:$0x14F0]  }
0x380: {  	v11 =	vld [tilespmem:$0x870];
	_ =	sdelay $0x3  }
0x381: {  	v10 =	vshll.u32 v10, $0x7  }
0x382: {  	v10 =	vadd.s32 v10, v11;
	_ =	sdelay $0x4  }
0x383: {  	[tilespmem:v10+s15+$0x0] =	vst.idx.add.s32.msk $0xffff, v2  }
0x384: {  	v10 =	vld [tilespmem:$0x1500]  }
0x385: {  	v11 =	vld [tilespmem:$0x880];
	_ =	sdelay $0x3  }
0x386: {  	v10 =	vshll.u32 v10, $0x7  }
0x387: {  	v10 =	vadd.s32 v10, v11;
	_ =	sdelay $0x4  }
0x388: {  	[tilespmem:v10+s15+$0x0] =	vst.idx.add.s32.msk $0xffff, v2  }
0x389: {  	v10 =	vld [tilespmem:$0x1510]  }
0x38a: {  	v11 =	vld [tilespmem:$0x890];
	_ =	sdelay $0x3  }
0x38b: {  	v10 =	vshll.u32 v10, $0x7  }
0x38c: {  	v10 =	vadd.s32 v10, v11;
	_ =	sdelay $0x4  }
0x38d: {  	[tilespmem:v10+s15+$0x0] =	vst.idx.add.s32.msk $0xffff, v2  }
0x38e: {  	v10 =	vld [tilespmem:$0x1520]  }
0x38f: {  	v11 =	vld [tilespmem:$0x8A0];
	_ =	sdelay $0x3  }
0x390: {  	v10 =	vshll.u32 v10, $0x7  }
0x391: {  	v10 =	vadd.s32 v10, v11;
	_ =	sdelay $0x4  }
0x392: {  	[tilespmem:v10+s15+$0x0] =	vst.idx.add.s32.msk $0xffff, v2  }
0x393: {  	v10 =	vld [tilespmem:$0x1530]  }
0x394: {  	v11 =	vld [tilespmem:$0x8B0];
	_ =	sdelay $0x3  }
0x395: {  	v10 =	vshll.u32 v10, $0x7  }
0x396: {  	v10 =	vadd.s32 v10, v11;
	_ =	sdelay $0x4  }
0x397: {  	[tilespmem:v10+s15+$0x0] =	vst.idx.add.s32.msk $0xffff, v2  }
0x398: {  	v10 =	vld [tilespmem:$0x1540]  }
0x399: {  	v11 =	vld [tilespmem:$0x8C0];
	_ =	sdelay $0x3  }
0x39a: {  	v10 =	vshll.u32 v10, $0x7  }
0x39b: {  	v10 =	vadd.s32 v10, v11;
	_ =	sdelay $0x4  }
0x39c: {  	[tilespmem:v10+s15+$0x0] =	vst.idx.add.s32.msk $0xffff, v2  }
0x39d: {  	v10 =	vld [tilespmem:$0x1550]  }
0x39e: {  	v11 =	vld [tilespmem:$0x8D0];
	_ =	sdelay $0x3  }
0x39f: {  	v10 =	vshll.u32 v10, $0x7  }
0x3a0: {  	v10 =	vadd.s32 v10, v11;
	_ =	sdelay $0x4  }
0x3a1: {  	[tilespmem:v10+s15+$0x0] =	vst.idx.add.s32.msk $0xffff, v2  }
0x3a2: {  	v10 =	vld [tilespmem:$0x1560]  }
0x3a3: {  	v11 =	vld [tilespmem:$0x8E0];
	_ =	sdelay $0x3  }
0x3a4: {  	v10 =	vshll.u32 v10, $0x7  }
0x3a5: {  	v10 =	vadd.s32 v10, v11;
	_ =	sdelay $0x4  }
0x3a6: {  	[tilespmem:v10+s15+$0x0] =	vst.idx.add.s32.msk $0xffff, v2  }
0x3a7: {  	v10 =	vld [tilespmem:$0x1570]  }
0x3a8: {  	v11 =	vld [tilespmem:$0x8F0];
	_ =	sdelay $0x3  }
0x3a9: {  	v10 =	vshll.u32 v10, $0x7  }
0x3aa: {  	v10 =	vadd.s32 v10, v11;
	_ =	sdelay $0x4  }
0x3ab: {  	[tilespmem:v10+s15+$0x0] =	vst.idx.add.s32.msk $0xffff, v2  }
0x3ac: {  	v10 =	vld [tilespmem:$0x1580]  }
0x3ad: {  	v11 =	vld [tilespmem:$0x900];
	_ =	sdelay $0x3  }
0x3ae: {  	v10 =	vshll.u32 v10, $0x7  }
0x3af: {  	v10 =	vadd.s32 v10, v11;
	_ =	sdelay $0x4  }
0x3b0: {  	[tilespmem:v10+s15+$0x0] =	vst.idx.add.s32.msk $0xffff, v2  }
0x3b1: {  	v10 =	vld [tilespmem:$0x1590]  }
0x3b2: {  	v11 =	vld [tilespmem:$0x910];
	_ =	sdelay $0x3  }
0x3b3: {  	v10 =	vshll.u32 v10, $0x7  }
0x3b4: {  	v10 =	vadd.s32 v10, v11;
	_ =	sdelay $0x4  }
0x3b5: {  	[tilespmem:v10+s15+$0x0] =	vst.idx.add.s32.msk $0xffff, v2  }
0x3b6: {  	v10 =	vld [tilespmem:$0x15A0]  }
0x3b7: {  	v11 =	vld [tilespmem:$0x920];
	_ =	sdelay $0x3  }
0x3b8: {  	v10 =	vshll.u32 v10, $0x7  }
0x3b9: {  	v10 =	vadd.s32 v10, v11;
	_ =	sdelay $0x4  }
0x3ba: {  	[tilespmem:v10+s15+$0x0] =	vst.idx.add.s32.msk $0xffff, v2  }
0x3bb: {  	v10 =	vld [tilespmem:$0x15B0]  }
0x3bc: {  	v11 =	vld [tilespmem:$0x930];
	_ =	sdelay $0x3  }
0x3bd: {  	v10 =	vshll.u32 v10, $0x7  }
0x3be: {  	v10 =	vadd.s32 v10, v11;
	_ =	sdelay $0x4  }
0x3bf: {  	[tilespmem:v10+s15+$0x0] =	vst.idx.add.s32.msk $0xffff, v2  }
0x3c0: {  	v10 =	vld [tilespmem:$0x15C0]  }
0x3c1: {  	v11 =	vld [tilespmem:$0x940];
	_ =	sdelay $0x3  }
0x3c2: {  	v10 =	vshll.u32 v10, $0x7  }
0x3c3: {  	v10 =	vadd.s32 v10, v11;
	_ =	sdelay $0x4  }
0x3c4: {  	[tilespmem:v10+s15+$0x0] =	vst.idx.add.s32.msk $0xffff, v2  }
0x3c5: {  	v10 =	vld [tilespmem:$0x15D0]  }
0x3c6: {  	v11 =	vld [tilespmem:$0x950];
	_ =	sdelay $0x3  }
0x3c7: {  	v10 =	vshll.u32 v10, $0x7  }
0x3c8: {  	v10 =	vadd.s32 v10, v11;
	_ =	sdelay $0x4  }
0x3c9: {  	[tilespmem:v10+s15+$0x0] =	vst.idx.add.s32.msk $0xffff, v2  }
0x3ca: {  	v10 =	vld [tilespmem:$0x15E0]  }
0x3cb: {  	v11 =	vld [tilespmem:$0x960];
	_ =	sdelay $0x3  }
0x3cc: {  	v10 =	vshll.u32 v10, $0x7  }
0x3cd: {  	v10 =	vadd.s32 v10, v11;
	_ =	sdelay $0x4  }
0x3ce: {  	[tilespmem:v10+s15+$0x0] =	vst.idx.add.s32.msk $0xffff, v2  }
0x3cf: {  	v10 =	vld [tilespmem:$0x15F0]  }
0x3d0: {  	v11 =	vld [tilespmem:$0x970];
	_ =	sdelay $0x3  }
0x3d1: {  	v10 =	vshll.u32 v10, $0x7  }
0x3d2: {  	v10 =	vadd.s32 v10, v11;
	_ =	sdelay $0x4  }
0x3d3: {  	[tilespmem:v10+s15+$0x0] =	vst.idx.add.s32.msk $0xffff, v2  }
0x3d4: {  	v10 =	vld [tilespmem:$0x1600]  }
0x3d5: {  	v11 =	vld [tilespmem:$0x980];
	_ =	sdelay $0x3  }
0x3d6: {  	v10 =	vshll.u32 v10, $0x7  }
0x3d7: {  	v10 =	vadd.s32 v10, v11;
	_ =	sdelay $0x4  }
0x3d8: {  	[tilespmem:v10+s15+$0x0] =	vst.idx.add.s32.msk $0xffff, v2  }
0x3d9: {  	v10 =	vld [tilespmem:$0x1610]  }
0x3da: {  	v11 =	vld [tilespmem:$0x990];
	_ =	sdelay $0x3  }
0x3db: {  	v10 =	vshll.u32 v10, $0x7  }
0x3dc: {  	v10 =	vadd.s32 v10, v11;
	_ =	sdelay $0x4  }
0x3dd: {  	[tilespmem:v10+s15+$0x0] =	vst.idx.add.s32.msk $0xffff, v2  }
0x3de: {  	v10 =	vld [tilespmem:$0x1620]  }
0x3df: {  	v11 =	vld [tilespmem:$0x9A0];
	_ =	sdelay $0x3  }
0x3e0: {  	v10 =	vshll.u32 v10, $0x7  }
0x3e1: {  	v10 =	vadd.s32 v10, v11;
	_ =	sdelay $0x4  }
0x3e2: {  	[tilespmem:v10+s15+$0x0] =	vst.idx.add.s32.msk $0xffff, v2  }
0x3e3: {  	v10 =	vld [tilespmem:$0x1630]  }
0x3e4: {  	v11 =	vld [tilespmem:$0x9B0];
	_ =	sdelay $0x3  }
0x3e5: {  	v10 =	vshll.u32 v10, $0x7  }
0x3e6: {  	v10 =	vadd.s32 v10, v11;
	_ =	sdelay $0x4  }
0x3e7: {  	[tilespmem:v10+s15+$0x0] =	vst.idx.add.s32.msk $0xffff, v2  }
0x3e8: {  	v10 =	vld [tilespmem:$0x1640]  }
0x3e9: {  	v11 =	vld [tilespmem:$0x9C0];
	_ =	sdelay $0x3  }
0x3ea: {  	v10 =	vshll.u32 v10, $0x7  }
0x3eb: {  	v10 =	vadd.s32 v10, v11;
	_ =	sdelay $0x4  }
0x3ec: {  	[tilespmem:v10+s15+$0x0] =	vst.idx.add.s32.msk $0xffff, v2  }
0x3ed: {  	v10 =	vld [tilespmem:$0x1650]  }
0x3ee: {  	v11 =	vld [tilespmem:$0x9D0];
	_ =	sdelay $0x3  }
0x3ef: {  	v10 =	vshll.u32 v10, $0x7  }
0x3f0: {  	v10 =	vadd.s32 v10, v11;
	_ =	sdelay $0x4  }
0x3f1: {  	[tilespmem:v10+s15+$0x0] =	vst.idx.add.s32.msk $0xffff, v2  }
0x3f2: {  	v10 =	vld [tilespmem:$0x1660]  }
0x3f3: {  	v11 =	vld [tilespmem:$0x9E0];
	_ =	sdelay $0x3  }
0x3f4: {  	v10 =	vshll.u32 v10, $0x7  }
0x3f5: {  	v10 =	vadd.s32 v10, v11;
	_ =	sdelay $0x4  }
0x3f6: {  	[tilespmem:v10+s15+$0x0] =	vst.idx.add.s32.msk $0xffff, v2  }
0x3f7: {  	v10 =	vld [tilespmem:$0x1670]  }
0x3f8: {  	v11 =	vld [tilespmem:$0x9F0];
	_ =	sdelay $0x3  }
0x3f9: {  	v10 =	vshll.u32 v10, $0x7  }
0x3fa: {  	v10 =	vadd.s32 v10, v11;
	_ =	sdelay $0x4  }
0x3fb: {  	[tilespmem:v10+s15+$0x0] =	vst.idx.add.s32.msk $0xffff, v2  }
0x3fc: {  	v10 =	vld [tilespmem:$0x1680]  }
0x3fd: {  	v11 =	vld [tilespmem:$0xA00];
	_ =	sdelay $0x3  }
0x3fe: {  	v10 =	vshll.u32 v10, $0x7  }
0x3ff: {  	v10 =	vadd.s32 v10, v11;
	_ =	sdelay $0x4  }
0x400: {  	[tilespmem:v10+s15+$0x0] =	vst.idx.add.s32.msk $0xffff, v2  }
0x401: {  	v10 =	vld [tilespmem:$0x1690]  }
0x402: {  	v11 =	vld [tilespmem:$0xA10];
	_ =	sdelay $0x3  }
0x403: {  	v10 =	vshll.u32 v10, $0x7  }
0x404: {  	v10 =	vadd.s32 v10, v11;
	_ =	sdelay $0x4  }
0x405: {  	[tilespmem:v10+s15+$0x0] =	vst.idx.add.s32.msk $0xffff, v2  }
0x406: {  	v10 =	vld [tilespmem:$0x16A0]  }
0x407: {  	v11 =	vld [tilespmem:$0xA20];
	_ =	sdelay $0x3  }
0x408: {  	v10 =	vshll.u32 v10, $0x7  }
0x409: {  	v10 =	vadd.s32 v10, v11;
	_ =	sdelay $0x4  }
0x40a: {  	[tilespmem:v10+s15+$0x0] =	vst.idx.add.s32.msk $0xffff, v2  }
0x40b: {  	v10 =	vld [tilespmem:$0x16B0]  }
0x40c: {  	v11 =	vld [tilespmem:$0xA30];
	_ =	sdelay $0x3  }
0x40d: {  	v10 =	vshll.u32 v10, $0x7  }
0x40e: {  	v10 =	vadd.s32 v10, v11;
	_ =	sdelay $0x4  }
0x40f: {  	[tilespmem:v10+s15+$0x0] =	vst.idx.add.s32.msk $0xffff, v2  }
0x410: {  	v10 =	vld [tilespmem:$0x16C0]  }
0x411: {  	v11 =	vld [tilespmem:$0xA40];
	_ =	sdelay $0x3  }
0x412: {  	v10 =	vshll.u32 v10, $0x7  }
0x413: {  	v10 =	vadd.s32 v10, v11;
	_ =	sdelay $0x4  }
0x414: {  	[tilespmem:v10+s15+$0x0] =	vst.idx.add.s32.msk $0xffff, v2  }
0x415: {  	v10 =	vld [tilespmem:$0x16D0]  }
0x416: {  	v11 =	vld [tilespmem:$0xA50];
	_ =	sdelay $0x3  }
0x417: {  	v10 =	vshll.u32 v10, $0x7  }
0x418: {  	v10 =	vadd.s32 v10, v11;
	_ =	sdelay $0x4  }
0x419: {  	[tilespmem:v10+s15+$0x0] =	vst.idx.add.s32.msk $0xffff, v2  }
0x41a: {  	v10 =	vld [tilespmem:$0x16E0]  }
0x41b: {  	v11 =	vld [tilespmem:$0xA60];
	_ =	sdelay $0x3  }
0x41c: {  	v10 =	vshll.u32 v10, $0x7  }
0x41d: {  	v10 =	vadd.s32 v10, v11;
	_ =	sdelay $0x4  }
0x41e: {  	[tilespmem:v10+s15+$0x0] =	vst.idx.add.s32.msk $0xffff, v2  }
0x41f: {  	v10 =	vld [tilespmem:$0x16F0]  }
0x420: {  	v11 =	vld [tilespmem:$0xA70];
	_ =	sdelay $0x3  }
0x421: {  	v10 =	vshll.u32 v10, $0x7  }
0x422: {  	v10 =	vadd.s32 v10, v11;
	_ =	sdelay $0x4  }
0x423: {  	[tilespmem:v10+s15+$0x0] =	vst.idx.add.s32.msk $0xffff, v2  }
0x424: {  	v10 =	vld [tilespmem:$0x1700]  }
0x425: {  	v11 =	vld [tilespmem:$0xA80];
	_ =	sdelay $0x3  }
0x426: {  	v10 =	vshll.u32 v10, $0x7  }
0x427: {  	v10 =	vadd.s32 v10, v11;
	_ =	sdelay $0x4  }
0x428: {  	[tilespmem:v10+s15+$0x0] =	vst.idx.add.s32.msk $0xffff, v2  }
0x429: {  	v10 =	vld [tilespmem:$0x1710]  }
0x42a: {  	v11 =	vld [tilespmem:$0xA90];
	_ =	sdelay $0x3  }
0x42b: {  	v10 =	vshll.u32 v10, $0x7  }
0x42c: {  	v10 =	vadd.s32 v10, v11;
	_ =	sdelay $0x4  }
0x42d: {  	[tilespmem:v10+s15+$0x0] =	vst.idx.add.s32.msk $0xffff, v2  }
0x42e: {  	v10 =	vld [tilespmem:$0x1720]  }
0x42f: {  	v11 =	vld [tilespmem:$0xAA0];
	_ =	sdelay $0x3  }
0x430: {  	v10 =	vshll.u32 v10, $0x7  }
0x431: {  	v10 =	vadd.s32 v10, v11;
	_ =	sdelay $0x4  }
0x432: {  	[tilespmem:v10+s15+$0x0] =	vst.idx.add.s32.msk $0xffff, v2  }
0x433: {  	v10 =	vld [tilespmem:$0x1730]  }
0x434: {  	v11 =	vld [tilespmem:$0xAB0];
	_ =	sdelay $0x3  }
0x435: {  	v10 =	vshll.u32 v10, $0x7  }
0x436: {  	v10 =	vadd.s32 v10, v11;
	_ =	sdelay $0x4  }
0x437: {  	[tilespmem:v10+s15+$0x0] =	vst.idx.add.s32.msk $0xffff, v2  }
0x438: {  	v10 =	vld [tilespmem:$0x1740]  }
0x439: {  	v11 =	vld [tilespmem:$0xAC0];
	_ =	sdelay $0x3  }
0x43a: {  	v10 =	vshll.u32 v10, $0x7  }
0x43b: {  	v10 =	vadd.s32 v10, v11;
	_ =	sdelay $0x4  }
0x43c: {  	[tilespmem:v10+s15+$0x0] =	vst.idx.add.s32.msk $0xffff, v2  }
0x43d: {  	v10 =	vld [tilespmem:$0x1750]  }
0x43e: {  	v11 =	vld [tilespmem:$0xAD0];
	_ =	sdelay $0x3  }
0x43f: {  	v10 =	vshll.u32 v10, $0x7  }
0x440: {  	v10 =	vadd.s32 v10, v11;
	_ =	sdelay $0x4  }
0x441: {  	[tilespmem:v10+s15+$0x0] =	vst.idx.add.s32.msk $0xffff, v2  }
0x442: {  	v10 =	vld [tilespmem:$0x1760]  }
0x443: {  	v11 =	vld [tilespmem:$0xAE0];
	_ =	sdelay $0x3  }
0x444: {  	v10 =	vshll.u32 v10, $0x7  }
0x445: {  	v10 =	vadd.s32 v10, v11;
	_ =	sdelay $0x4  }
0x446: {  	[tilespmem:v10+s15+$0x0] =	vst.idx.add.s32.msk $0xffff, v2  }
0x447: {  	v10 =	vld [tilespmem:$0x1770]  }
0x448: {  	v11 =	vld [tilespmem:$0xAF0];
	_ =	sdelay $0x3  }
0x449: {  	v10 =	vshll.u32 v10, $0x7  }
0x44a: {  	v10 =	vadd.s32 v10, v11;
	_ =	sdelay $0x4  }
0x44b: {  	[tilespmem:v10+s15+$0x0] =	vst.idx.add.s32.msk $0xffff, v2  }
0x44c: {  	v10 =	vld [tilespmem:$0x1780]  }
0x44d: {  	v11 =	vld [tilespmem:$0xB00];
	_ =	sdelay $0x3  }
0x44e: {  	v10 =	vshll.u32 v10, $0x7  }
0x44f: {  	v10 =	vadd.s32 v10, v11;
	_ =	sdelay $0x4  }
0x450: {  	[tilespmem:v10+s15+$0x0] =	vst.idx.add.s32.msk $0xffff, v2  }
0x451: {  	v10 =	vld [tilespmem:$0x1790]  }
0x452: {  	v11 =	vld [tilespmem:$0xB10];
	_ =	sdelay $0x3  }
0x453: {  	v10 =	vshll.u32 v10, $0x7  }
0x454: {  	v10 =	vadd.s32 v10, v11;
	_ =	sdelay $0x4  }
0x455: {  	[tilespmem:v10+s15+$0x0] =	vst.idx.add.s32.msk $0xffff, v2  }
0x456: {  	v10 =	vld [tilespmem:$0x17A0]  }
0x457: {  	v11 =	vld [tilespmem:$0xB20];
	_ =	sdelay $0x3  }
0x458: {  	v10 =	vshll.u32 v10, $0x7  }
0x459: {  	v10 =	vadd.s32 v10, v11;
	_ =	sdelay $0x4  }
0x45a: {  	[tilespmem:v10+s15+$0x0] =	vst.idx.add.s32.msk $0xffff, v2  }
0x45b: {  	v10 =	vld [tilespmem:$0x17B0]  }
0x45c: {  	v11 =	vld [tilespmem:$0xB30];
	_ =	sdelay $0x3  }
0x45d: {  	v10 =	vshll.u32 v10, $0x7  }
0x45e: {  	v10 =	vadd.s32 v10, v11;
	_ =	sdelay $0x4  }
0x45f: {  	[tilespmem:v10+s15+$0x0] =	vst.idx.add.s32.msk $0xffff, v2  }
0x460: {  	v10 =	vld [tilespmem:$0x17C0]  }
0x461: {  	v11 =	vld [tilespmem:$0xB40];
	_ =	sdelay $0x3  }
0x462: {  	v10 =	vshll.u32 v10, $0x7  }
0x463: {  	v10 =	vadd.s32 v10, v11;
	_ =	sdelay $0x4  }
0x464: {  	[tilespmem:v10+s15+$0x0] =	vst.idx.add.s32.msk $0xffff, v2  }
0x465: {  	v10 =	vld [tilespmem:$0x17D0]  }
0x466: {  	v11 =	vld [tilespmem:$0xB50];
	_ =	sdelay $0x3  }
0x467: {  	v10 =	vshll.u32 v10, $0x7  }
0x468: {  	v10 =	vadd.s32 v10, v11;
	_ =	sdelay $0x4  }
0x469: {  	[tilespmem:v10+s15+$0x0] =	vst.idx.add.s32.msk $0xffff, v2  }
0x46a: {  	v10 =	vld [tilespmem:$0x17E0]  }
0x46b: {  	v11 =	vld [tilespmem:$0xB60];
	_ =	sdelay $0x3  }
0x46c: {  	v10 =	vshll.u32 v10, $0x7  }
0x46d: {  	v10 =	vadd.s32 v10, v11;
	_ =	sdelay $0x4  }
0x46e: {  	[tilespmem:v10+s15+$0x0] =	vst.idx.add.s32.msk $0xffff, v2  }
0x46f: {  	v10 =	vld [tilespmem:$0x17F0]  }
0x470: {  	v11 =	vld [tilespmem:$0xB70];
	_ =	sdelay $0x3  }
0x471: {  	v10 =	vshll.u32 v10, $0x7  }
0x472: {  	v10 =	vadd.s32 v10, v11;
	_ =	sdelay $0x4  }
0x473: {  	[tilespmem:v10+s15+$0x0] =	vst.idx.add.s32.msk $0xffff, v2  }
0x474: {  	v10 =	vld [tilespmem:$0x1800]  }
0x475: {  	v11 =	vld [tilespmem:$0xB80];
	_ =	sdelay $0x3  }
0x476: {  	v10 =	vshll.u32 v10, $0x7  }
0x477: {  	v10 =	vadd.s32 v10, v11;
	_ =	sdelay $0x4  }
0x478: {  	[tilespmem:v10+s15+$0x0] =	vst.idx.add.s32.msk $0xffff, v2  }
0x479: {  	v10 =	vld [tilespmem:$0x1810]  }
0x47a: {  	v11 =	vld [tilespmem:$0xB90];
	_ =	sdelay $0x3  }
0x47b: {  	v10 =	vshll.u32 v10, $0x7  }
0x47c: {  	v10 =	vadd.s32 v10, v11;
	_ =	sdelay $0x4  }
0x47d: {  	[tilespmem:v10+s15+$0x0] =	vst.idx.add.s32.msk $0xffff, v2  }
0x47e: {  	v10 =	vld [tilespmem:$0x1820]  }
0x47f: {  	v11 =	vld [tilespmem:$0xBA0];
	_ =	sdelay $0x3  }
0x480: {  	v10 =	vshll.u32 v10, $0x7  }
0x481: {  	v10 =	vadd.s32 v10, v11;
	_ =	sdelay $0x4  }
0x482: {  	[tilespmem:v10+s15+$0x0] =	vst.idx.add.s32.msk $0xffff, v2  }
0x483: {  	v10 =	vld [tilespmem:$0x1830]  }
0x484: {  	v11 =	vld [tilespmem:$0xBB0];
	_ =	sdelay $0x3  }
0x485: {  	v10 =	vshll.u32 v10, $0x7  }
0x486: {  	v10 =	vadd.s32 v10, v11;
	_ =	sdelay $0x4  }
0x487: {  	[tilespmem:v10+s15+$0x0] =	vst.idx.add.s32.msk $0xffff, v2  }
0x488: {  	v10 =	vld [tilespmem:$0x1840]  }
0x489: {  	v11 =	vld [tilespmem:$0xBC0];
	_ =	sdelay $0x3  }
0x48a: {  	v10 =	vshll.u32 v10, $0x7  }
0x48b: {  	v10 =	vadd.s32 v10, v11;
	_ =	sdelay $0x4  }
0x48c: {  	[tilespmem:v10+s15+$0x0] =	vst.idx.add.s32.msk $0xffff, v2  }
0x48d: {  	v10 =	vld [tilespmem:$0x1850]  }
0x48e: {  	v11 =	vld [tilespmem:$0xBD0];
	_ =	sdelay $0x3  }
0x48f: {  	v10 =	vshll.u32 v10, $0x7  }
0x490: {  	v10 =	vadd.s32 v10, v11;
	_ =	sdelay $0x4  }
0x491: {  	[tilespmem:v10+s15+$0x0] =	vst.idx.add.s32.msk $0xffff, v2  }
0x492: {  	v10 =	vld [tilespmem:$0x1860]  }
0x493: {  	v11 =	vld [tilespmem:$0xBE0];
	_ =	sdelay $0x3  }
0x494: {  	v10 =	vshll.u32 v10, $0x7  }
0x495: {  	v10 =	vadd.s32 v10, v11;
	_ =	sdelay $0x4  }
0x496: {  	[tilespmem:v10+s15+$0x0] =	vst.idx.add.s32.msk $0xffff, v2  }
0x497: {  	v10 =	vld [tilespmem:$0x1870]  }
0x498: {  	v11 =	vld [tilespmem:$0xBF0];
	_ =	sdelay $0x3  }
0x499: {  	v10 =	vshll.u32 v10, $0x7  }
0x49a: {  	v10 =	vadd.s32 v10, v11;
	_ =	sdelay $0x4  }
0x49b: {  	[tilespmem:v10+s15+$0x0] =	vst.idx.add.s32.msk $0xffff, v2  }
0x49c: {  	v10 =	vld [tilespmem:$0x1880]  }
0x49d: {  	v11 =	vld [tilespmem:$0xC00];
	_ =	sdelay $0x3  }
0x49e: {  	v10 =	vshll.u32 v10, $0x7  }
0x49f: {  	v10 =	vadd.s32 v10, v11;
	_ =	sdelay $0x4  }
0x4a0: {  	[tilespmem:v10+s15+$0x0] =	vst.idx.add.s32.msk $0xffff, v2  }
0x4a1: {  	v10 =	vld [tilespmem:$0x1890]  }
0x4a2: {  	v11 =	vld [tilespmem:$0xC10];
	_ =	sdelay $0x3  }
0x4a3: {  	v10 =	vshll.u32 v10, $0x7  }
0x4a4: {  	v10 =	vadd.s32 v10, v11;
	_ =	sdelay $0x4  }
0x4a5: {  	[tilespmem:v10+s15+$0x0] =	vst.idx.add.s32.msk $0xffff, v2  }
0x4a6: {  	v10 =	vld [tilespmem:$0x18A0]  }
0x4a7: {  	v11 =	vld [tilespmem:$0xC20];
	_ =	sdelay $0x3  }
0x4a8: {  	v10 =	vshll.u32 v10, $0x7  }
0x4a9: {  	v10 =	vadd.s32 v10, v11;
	_ =	sdelay $0x4  }
0x4aa: {  	[tilespmem:v10+s15+$0x0] =	vst.idx.add.s32.msk $0xffff, v2  }
0x4ab: {  	v10 =	vld [tilespmem:$0x18B0]  }
0x4ac: {  	v11 =	vld [tilespmem:$0xC30];
	_ =	sdelay $0x3  }
0x4ad: {  	v10 =	vshll.u32 v10, $0x7  }
0x4ae: {  	v10 =	vadd.s32 v10, v11;
	_ =	sdelay $0x4  }
0x4af: {  	[tilespmem:v10+s15+$0x0] =	vst.idx.add.s32.msk $0xffff, v2  }
0x4b0: {  	v10 =	vld [tilespmem:$0x18C0]  }
0x4b1: {  	v11 =	vld [tilespmem:$0xC40];
	_ =	sdelay $0x3  }
0x4b2: {  	v10 =	vshll.u32 v10, $0x7  }
0x4b3: {  	v10 =	vadd.s32 v10, v11;
	_ =	sdelay $0x4  }
0x4b4: {  	[tilespmem:v10+s15+$0x0] =	vst.idx.add.s32.msk $0xffff, v2  }
0x4b5: {  	v10 =	vld [tilespmem:$0x18D0]  }
0x4b6: {  	v11 =	vld [tilespmem:$0xC50];
	_ =	sdelay $0x3  }
0x4b7: {  	v10 =	vshll.u32 v10, $0x7  }
0x4b8: {  	v10 =	vadd.s32 v10, v11;
	_ =	sdelay $0x4  }
0x4b9: {  	[tilespmem:v10+s15+$0x0] =	vst.idx.add.s32.msk $0xffff, v2  }
0x4ba: {  	v10 =	vld [tilespmem:$0x18E0]  }
0x4bb: {  	v11 =	vld [tilespmem:$0xC60];
	_ =	sdelay $0x3  }
0x4bc: {  	v10 =	vshll.u32 v10, $0x7  }
0x4bd: {  	v10 =	vadd.s32 v10, v11;
	_ =	sdelay $0x4  }
0x4be: {  	[tilespmem:v10+s15+$0x0] =	vst.idx.add.s32.msk $0xffff, v2  }
0x4bf: {  	v10 =	vld [tilespmem:$0x18F0]  }
0x4c0: {  	v11 =	vld [tilespmem:$0xC70];
	_ =	sdelay $0x3  }
0x4c1: {  	v10 =	vshll.u32 v10, $0x7  }
0x4c2: {  	v10 =	vadd.s32 v10, v11;
	_ =	sdelay $0x4  }
0x4c3: {  	[tilespmem:v10+s15+$0x0] =	vst.idx.add.s32.msk $0xffff, v2  }
.LBB2_10:
.Ltmp8:
0x4c4: {  	(pc) =	sbr.rel @p1 .LBB2_14-.Ltmp8, $2  }
0x4c5: {  	_ =	sdelay $0x1  }
0x4c6: {  	[bflag:$0x0] =	sbarrier.arrive $0xFFFF;
	_ =	sdelay $0x1  }
0x4c7: {  	s21 =	sshll.u32 s21, $0x7  }
0x4c8: {  	v10 =	vor.u32 s21, v0  }
0x4c9: {  	v11 =	vor.u32 s21, v8;
	[tilespmem:$0x5900] =	vst v10  }
0x4ca: {  	v10 =	vor.u32 s21, v9;
	[tilespmem:$0x5960] =	vst v11  }
0x4cb: {  	s22 =	sadd.s32 $0x1, s19;
	v11 =	vor.u32 s21, v6;
	[tilespmem:$0x5970] =	vst v10  }
0x4cc: {  	p1 =	sne.s32 s22, $0x1;
	v10 =	vor.u32 s21, v7;
	[tilespmem:$0x5940] =	vst v11  }
.Ltmp9:
0x4cd: {  	v11 =	vor.u32 s21, v4;
	[tilespmem:$0x5950] =	vst v10;
	(pc) =	sbr.rel @!p1 .LBB2_13-.Ltmp9, $4  }
0x4ce: {  	v10 =	vor.u32 s21, v5;
	[tilespmem:$0x5920] =	vst v11  }
0x4cf: {  	s20 =	sshra.s32 s20, $0x2;
	[tilespmem:$0x5930] =	vst v10;
	v10 =	vor.u32 s21, v3  }
0x4d0: {  	s19 =	sadd.s32 $0x1900, s20;
	s20 =	sadd.s32 $0xFFFFFFFF, s22;
	[tilespmem:$0x5910] =	vst v10  }
0x4d1: {  	[spmem:s2] =	stream.indirect.scatter.add.s32 [tilespmem:s19], [sflag:$0x2], $0x1, s17, s16, $0xb8;
	[tilespmem:$0x6180] =	vst v63  }
.LBB2_12:
0x4d2: {  	p1 =	sne.s32 s20, $0x1;
	_ =	swait.ge [sflag:s13], $0x80  }
0x4d3: {  	s21 =	sadd.s32 $0x80, s21;
	[sflag:s13] =	ssyncset.done $0x0  }
0x4d4: {  	v10 =	vor.u32 s21, v0;
	[sflag:s13] =	ssyncadd.s32 $0xFFFFFF80  }
0x4d5: {  	[tilespmem:$0x5900] =	vst v10;
	v10 =	vor.u32 s21, v9  }
0x4d6: {  	v11 =	vor.u32 s21, v8;
	[tilespmem:$0x5970] =	vst v10  }
0x4d7: {  	v10 =	vor.u32 s21, v7;
	[tilespmem:$0x5960] =	vst v11  }
0x4d8: {  	v11 =	vor.u32 s21, v6;
	[tilespmem:$0x5950] =	vst v10  }
.Ltmp10:
0x4d9: {  	v10 =	vor.u32 s21, v5;
	[tilespmem:$0x5940] =	vst v11;
	(pc) =	sbr.rel @p1 .LBB2_12-.Ltmp10, $4  }
0x4da: {  	v11 =	vor.u32 s21, v4;
	[tilespmem:$0x5930] =	vst v10  }
0x4db: {  	s19 =	sadd.s32 $0x80, s19;
	v10 =	vor.u32 s21, v3;
	[tilespmem:$0x5920] =	vst v11  }
0x4dc: {  	[tilespmem:$0x5910] =	vst v10;
	[spmem:s2] =	stream.indirect.scatter.add.s32 [tilespmem:s19], [sflag:$0x2], $0x1, s17, s16, $0xb8  }
0x4dd: {  	s20 =	sadd.s32 $0xFFFFFFFF, s20  }
.Ltmp11:
0x4de: {  	_ = 	snop;
	(pc) =	sbr.rel .LBB2_13-.Ltmp11, $1  }
0x4df: {  	_ =	sdelay $0x3  }
.LBB2_15:
0x4e0: {  	_ =	sfence.sel $0x180000  }
0x4e1: {  	[bflag:$0x0] =	sbarrier.arrive $0xFFFF  }
0x4e2: {  	p0 =	sne.s32 s1, $0x0;
	_ =	strace $0x90000047  }
0x4e3: {  	s0 =	sadd.s32 @!p0 $0x100000, s0;
	[bflag:$0x2] =	sbarrier.arrive $0xFFFF  }
0x4e4: {  	[sflag:s0] =	ssyncadd.tile.s32 @!p0 $0x1;
	_ =	shalt  }
.Lfunc_end2:
_tile_overlayer_lowered:
.L_overlay_start_2:
0x4e5: {  	(tag) =	ssettag $0x2  }
0x4e6: {  	s0 =	rddreg [dreg:$0x0];
	s2 =	stileid.u32  }
0x4e7: {  	s1 =	rddreg [dreg:$0x1];
	p0 =	sne.s32 s2, $0x0  }
0x4e8: {  	s3 =	rddreg [dreg:$0x2];
	[bflag:$0x3] =	sbarrier.arrive $0xFFFF;
	s2 =	simm.s32 @!p0 $0x1C02  }
0x4e9: {  	[timem:s3], [sflag:s2] =	dma.local @!p0 [hbm:s0], s1  }
0x4ea: {  	s0 =	simm.s32 @!p0 $0x2  }
0x4eb: {  	_ =	swait.ge @!p0 [sflag:s0], s1  }
0x4ec: {  	s1 =	ssub.s32 @!p0 $0x0, s1;
	[sflag:s0] =	ssyncset.done @!p0 $0x0  }
0x4ed: {  	[sflag:s0] =	ssyncadd.s32 @!p0 s1  }
0x4ee: {  	[bflag:$0x3] =	sbarrier.arrive $0xFFFF  }
0x4ef: {  	_ =	shalt  }

</sc_bundles>
